<compile_context>
chip_gen: v7x
topology: tpu7x:2x2x1
jax: 0.10.2.dev20260603
libtpu: 0.0.44.dev20260713+nightly
codegen_flags: <defaults>
</compile_context>

<pallas_src>
import functools

import jax
import jax.numpy as jnp
from jax import lax
from jax.experimental import pallas as pl
from jax.experimental.pallas import tpu as pltpu
from jax.experimental.pallas import tpu_sc as plsc

IOU_THR = 0.5
SCORE_THR = 0.05
MAX_OUT = 100
L = 16
KPAD = 128
OP = 112
DELTA = 0.04
BIG = 1 << 30
NEG = float("-inf")

_GDN = lax.GatherDimensionNumbers(offset_dims=(), collapsed_slice_dims=(0,),
                                  start_index_map=(0,))


def _lanes():
    return lax.iota(jnp.int32, L)


def _bc(x):
    return jnp.broadcast_to(x, (L,))


def _shuf(v, idx):
    return lax.gather(v, idx[:, None], _GDN, slice_sizes=(1,),
                      mode=lax.GatherScatterMode.PROMISE_IN_BOUNDS)


def _splatmax(v, lanes):
    for s in (1, 2, 4, 8):
        v = jnp.maximum(v, _shuf(v, lanes ^ s))
    return v


def _splatmin(v, lanes):
    for s in (1, 2, 4, 8):
        v = jnp.minimum(v, _shuf(v, lanes ^ s))
    return v


def _ffs(mask):
    r = plsc.all_reduce_ffs(mask)
    return _bc(r) if r.ndim == 0 else r


@functools.lru_cache(maxsize=None)
def _make_nms(B, C, N, NP):
    NCH4 = NP // (4 * L)
    N4 = N * 4
    BMW = ((N // 32) // L + 2) * L
    mesh = plsc.VectorSubcoreMesh(core_axis_name="core", subcore_axis_name="sub")
    out_type = (
        jax.ShapeDtypeStruct((4, B, OP), jnp.float32),
        jax.ShapeDtypeStruct((B, OP), jnp.float32),
        jax.ShapeDtypeStruct((B, OP), jnp.int32),
    )
    scratch = [
        pltpu.VMEM((NP,), jnp.float32),
        pltpu.VMEM((N4,), jnp.float32),
        pltpu.VMEM((NP + L,), jnp.float32),
        pltpu.VMEM((NP + L,), jnp.int32),
        pltpu.VMEM((KPAD,), jnp.float32),
        pltpu.VMEM((KPAD,), jnp.int32),
        pltpu.VMEM((KPAD,), jnp.float32),
        pltpu.VMEM((KPAD,), jnp.float32),
        pltpu.VMEM((KPAD,), jnp.float32),
        pltpu.VMEM((KPAD,), jnp.float32),
        pltpu.VMEM((KPAD,), jnp.float32),
        pltpu.VMEM_SHARED((C, KPAD), jnp.float32),
        pltpu.VMEM_SHARED((C, KPAD), jnp.int32),
        pltpu.VMEM_SHARED((C, KPAD), jnp.float32),
        pltpu.VMEM_SHARED((C, KPAD), jnp.float32),
        pltpu.VMEM_SHARED((C, KPAD), jnp.float32),
        pltpu.VMEM_SHARED((C, KPAD), jnp.float32),
        pltpu.VMEM((C, KPAD), jnp.float32),
        pltpu.VMEM((C, KPAD), jnp.int32),
        pltpu.VMEM((C, KPAD), jnp.float32),
        pltpu.VMEM((C, KPAD), jnp.float32),
        pltpu.VMEM((C, KPAD), jnp.float32),
        pltpu.VMEM((C, KPAD), jnp.float32),
        pltpu.VMEM((BMW,), jnp.int32),
        pltpu.VMEM((OP,), jnp.float32),
        pltpu.VMEM((OP,), jnp.float32),
        pltpu.VMEM((OP,), jnp.float32),
        pltpu.VMEM((OP,), jnp.float32),
        pltpu.VMEM((OP,), jnp.float32),
        pltpu.VMEM((OP,), jnp.int32),
        pltpu.SemaphoreType.DMA,
    ]

    @functools.partial(pl.kernel, out_type=out_type, mesh=mesh,
                       scratch_types=scratch,
                       compiler_params=pltpu.CompilerParams(
                           needs_layout_passes=False))
    def nms(scores_hbm, boxes_hbm, obh, osh, och,
            s_ref, bx, ext_s, ext_i, ks, kn, ky1, kx1, ky2, kx2, karea,
            sh_ks, sh_kn, sh_y1, sh_x1, sh_y2, sh_x2,
            ks_v, kn_v, vy1, vx1, vy2, vx2,
            bmap, oy1, ox1, oy2, ox2, osc, ocl, bxsem):
        b = lax.axis_index("core")
        c = lax.axis_index("sub")

        @pl.when(c < C)
        def _stage1():
            pltpu.sync_copy(scores_hbm.at[b, c], s_ref)
            bxcopy = pltpu.async_copy(boxes_hbm.at[b], bx, bxsem)

            lanes = _lanes()
            zf = jnp.zeros((L,), jnp.float32)
            zi = jnp.zeros((L,), jnp.int32)
            onesf = jnp.ones((L,), jnp.float32)
            ninf = jnp.full((L,), NEG, jnp.float32)
            bigv = jnp.full((L,), BIG, jnp.int32)
            l15 = jnp.full((L,), 15, jnp.int32)

            for t in range(KPAD // L):
                ks[pl.ds(t * L, L)] = ninf
                kn[pl.ds(t * L, L)] = zi
                ky1[pl.ds(t * L, L)] = zf
                kx1[pl.ds(t * L, L)] = zf
                ky2[pl.ds(t * L, L)] = zf
                kx2[pl.ds(t * L, L)] = zf
                karea[pl.ds(t * L, L)] = onesf

            def m0_body(j, mv):
                m01 = jnp.maximum(s_ref[pl.ds(j * 4 * L, L)],
                                  s_ref[pl.ds(j * 4 * L + L, L)])
                m23 = jnp.maximum(s_ref[pl.ds(j * 4 * L + 2 * L, L)],
                                  s_ref[pl.ds(j * 4 * L + 3 * L, L)])
                return jnp.maximum(mv, jnp.maximum(m01, m23))
            m0 = jnp.max(lax.fori_loop(0, NCH4, m0_body, ninf))
            bxcopy.wait()

            def _consider(pb, mb, kb_, valid_b, nk):
                nb = plsc.load_gather(ext_i, [pb])
                nb4 = nb * 4
                cy1 = plsc.load_gather(bx, [nb4])
                cx1 = plsc.load_gather(bx, [nb4 + 1])
                cy2 = plsc.load_gather(bx, [nb4 + 2])
                cx2 = plsc.load_gather(bx, [nb4 + 3])
                carea = (cy2 - cy1) * (cx2 - cx1)

                def iou_body(v, acc):
                    for h in range(2):
                        d = pl.ds((2 * v + h) * L, L)
                        t1 = jnp.maximum(ky1[d], cy1)
                        t2 = jnp.maximum(kx1[d], cx1)
                        t3 = jnp.minimum(ky2[d], cy2)
                        t4 = jnp.minimum(kx2[d], cx2)
                        inter = (jnp.maximum(t3 - t1, 0.0)
                                 * jnp.maximum(t4 - t2, 0.0))
                        acc = jnp.maximum(acc, inter / (karea[d] + carea
                                                        - inter))
                    return acc
                supb = _splatmax(lax.fori_loop(0, (nk + 1) // 2, iou_body,
                                               zf), lanes) > IOU_THR

                keep_b = valid_b & (~supb)
                wm = (lanes == 0) & keep_b
                plsc.store_scatter(ks, [kb_], mb, mask=wm)
                plsc.store_scatter(kn, [kb_], nb, mask=wm)
                plsc.store_scatter(ky1, [kb_], cy1, mask=wm)
                plsc.store_scatter(kx1, [kb_], cx1, mask=wm)
                plsc.store_scatter(ky2, [kb_], cy2, mask=wm)
                plsc.store_scatter(kx2, [kb_], cx2, mask=wm)
                plsc.store_scatter(karea, [kb_], carea, mask=wm)
                plsc.store_scatter(ext_s, [pb], ninf, mask=lanes == 0)
                return keep_b

            def batch_cond(st):
                hi, kcnt = st
                return (hi > SCORE_THR) & (kcnt < MAX_OUT)

            def batch_body(st):
                hi, kcnt = st
                lo = hi - jnp.float32(DELTA)
                hib = _bc(hi)
                lob = _bc(lo)

                def ext_body(j, base_v):
                    svs, css, wts = [], [], []
                    for u in range(4):
                        sv = s_ref[pl.ds((j * 4 + u) * L, L)]
                        within = (sv > SCORE_THR) & (sv > lob) & (sv <= hib)
                        svs.append(sv)
                        wts.append(within)
                        css.append(jnp.cumsum(jnp.where(within, 1, 0)))
                    for u in range(4):
                        pos = base_v + css[u] - 1
                        plsc.store_scatter(ext_s, [pos], svs[u], mask=wts[u])
                        plsc.store_scatter(ext_i, [pos],
                                           (j * 4 + u) * L + lanes,
                                           mask=wts[u])
                        base_v = base_v + _shuf(css[u], l15)
                    return base_v
                E = jnp.max(lax.fori_loop(0, NCH4, ext_body, zi))
                plsc.store_scatter(ext_s, [_bc(E) + lanes], ninf)
                nv = (E + L - 1) // L

                def sel_cond(st2):
                    consumed, kcnt2 = st2
                    return (consumed < E) & (kcnt2 < MAX_OUT)

                def fast_sel(kcnt_in):
                    def minit_body(v, M):
                        cm = _splatmax(ext_s[pl.ds(v * L, L)], lanes)
                        return jnp.where(lanes == v, cm, M)
                    M0 = lax.fori_loop(0, nv, minit_body, ninf)

                    def cond3(st2):
                        consumed, kcnt_s, kc_v, M = st2
                        return (consumed < E) & (kcnt_s < MAX_OUT)

                    def blk_body(st2):
                        consumed, kcnt_s, kc_v, M = st2
                        nk = (kcnt_s + 4 + L - 1) // L
                        for _ in range(4):
                            mb = _splatmax(M, lanes)
                            valid_b = mb > ninf
                            vstar = _ffs(M == mb)
                            chunk = plsc.load_gather(ext_s,
                                                     [vstar * L + lanes])
                            lstar = _ffs(chunk == mb)
                            pb = vstar * L + lstar
                            keep_b = _consider(pb, mb, kc_v, valid_b, nk)
                            chunk2 = jnp.where(lanes == lstar, ninf, chunk)
                            M = jnp.where(lanes == vstar,
                                          _splatmax(chunk2, lanes), M)
                            kc_v = kc_v + jnp.where(keep_b, 1, 0)
                        return (consumed + 4, jnp.max(kc_v), kc_v, M)

                    _, kc, _, _ = lax.while_loop(
                        cond3, blk_body,
                        (jnp.int32(0), kcnt_in, _bc(kcnt_in), M0))
                    return kc

                def slow_sel(kcnt_in):
                    def sel_body(st2):
                        consumed, kcnt2 = st2

                        def amax_body(v, st3):
                            mv, pv = st3
                            sv = ext_s[pl.ds(v * L, L)]
                            upd = sv > mv
                            pv = jnp.where(upd, v * L + lanes, pv)
                            return jnp.maximum(mv, sv), pv
                        mv, pv = lax.fori_loop(0, nv, amax_body, (ninf, bigv))
                        mb = _splatmax(mv, lanes)
                        p = _splatmin(jnp.where(mv == mb, pv, bigv), lanes)
                        nk2 = (kcnt2 + L - 1) // L
                        keep_b = _consider(p, mb, _bc(kcnt2),
                                           mb > ninf, nk2)
                        keep_s = jnp.max(jnp.where(keep_b, 1, 0))
                        return consumed + 1, kcnt2 + keep_s
                    _, kc = lax.while_loop(sel_cond, sel_body,
                                           (jnp.int32(0), kcnt_in))
                    return kc

                kcnt = lax.cond(nv <= L, fast_sel, slow_sel, kcnt)
                return lo, kcnt

            lax.while_loop(batch_cond, batch_body, (m0, jnp.int32(0)))

            pltpu.sync_copy(ks, sh_ks.at[c])
            pltpu.sync_copy(kn, sh_kn.at[c])
            pltpu.sync_copy(ky1, sh_y1.at[c])
            pltpu.sync_copy(kx1, sh_x1.at[c])
            pltpu.sync_copy(ky2, sh_y2.at[c])
            pltpu.sync_copy(kx2, sh_x2.at[c])

        @pl.when(c == C)
        def _stage2_init():
            zf = jnp.zeros((L,), jnp.float32)
            zi = jnp.zeros((L,), jnp.int32)
            for t in range(BMW // L):
                bmap[pl.ds(t * L, L)] = zi
            for t in range(OP // L):
                oy1[pl.ds(t * L, L)] = zf
                ox1[pl.ds(t * L, L)] = zf
                oy2[pl.ds(t * L, L)] = zf
                ox2[pl.ds(t * L, L)] = zf
                osc[pl.ds(t * L, L)] = zf
                ocl[pl.ds(t * L, L)] = zi

        plsc.subcore_barrier()

        @pl.when(c == C)
        def _stage2():
            pltpu.sync_copy(sh_ks, ks_v)
            pltpu.sync_copy(sh_kn, kn_v)
            pltpu.sync_copy(sh_y1, vy1)
            pltpu.sync_copy(sh_x1, vx1)
            pltpu.sync_copy(sh_y2, vy2)
            pltpu.sync_copy(sh_x2, vx2)

            lanes = _lanes()
            zf = jnp.zeros((L,), jnp.float32)
            zi = jnp.zeros((L,), jnp.int32)
            ninf = jnp.full((L,), NEG, jnp.float32)
            bigv = jnp.full((L,), BIG, jnp.int32)
            onesi = jnp.ones((L,), jnp.int32)
            cmask = lanes < C
            lanesN = lanes * N

            def _emit(cb, pstar, nb, mb, aliveb, ko_v):
                word = plsc.load_gather(bmap, [nb >> 5])
                bit = onesi << (nb & 31)
                dupb = (word & bit) != 0
                plsc.store_scatter(bmap, [nb >> 5], word | bit,
                                   mask=(lanes == 0) & aliveb)
                keepb = aliveb & (~dupb)
                wm = (lanes == 0) & keepb
                plsc.store_scatter(oy1, [ko_v],
                                   plsc.load_gather(vy1, [cb, pstar]), mask=wm)
                plsc.store_scatter(ox1, [ko_v],
                                   plsc.load_gather(vx1, [cb, pstar]), mask=wm)
                plsc.store_scatter(oy2, [ko_v],
                                   plsc.load_gather(vy2, [cb, pstar]), mask=wm)
                plsc.store_scatter(ox2, [ko_v],
                                   plsc.load_gather(vx2, [cb, pstar]), mask=wm)
                plsc.store_scatter(osc, [ko_v], mb, mask=wm)
                plsc.store_scatter(ocl, [ko_v], cb, mask=wm)
                return ko_v + jnp.where(keepb, 1, 0)

            def merge_body(t, st):
                ptrs, ko_v = st
                heads = plsc.load_gather(ks_v, [lanes, ptrs], mask=cmask)
                heads = jnp.where(cmask, heads, ninf)
                nexts = plsc.load_gather(ks_v, [lanes, ptrs + 1], mask=cmask)
                nexts = jnp.where(cmask, nexts, ninf)
                head_n = plsc.load_gather(kn_v, [lanes, ptrs], mask=cmask)
                next_n = plsc.load_gather(kn_v, [lanes, ptrs + 1], mask=cmask)

                mb1 = _splatmax(heads, lanes)
                alive1 = mb1 > jnp.float32(-3e38)
                keyc1 = jnp.where((heads == mb1) & cmask,
                                  lanesN + head_n, bigv)
                sel1 = keyc1 == _splatmin(keyc1, lanes)
                cb1 = jnp.minimum(_ffs(sel1), C - 1)
                nb1 = _shuf(head_n, cb1)
                p1 = jnp.minimum(_shuf(ptrs, cb1), KPAD - 1)

                adv1 = sel1 & alive1 & cmask
                heads2 = jnp.where(adv1, nexts, heads)
                head_n2 = jnp.where(adv1, next_n, head_n)
                ptrs2 = ptrs + jnp.where(adv1, 1, 0)

                mb2 = _splatmax(heads2, lanes)
                alive2 = mb2 > jnp.float32(-3e38)
                keyc2 = jnp.where((heads2 == mb2) & cmask,
                                  lanesN + head_n2, bigv)
                sel2 = keyc2 == _splatmin(keyc2, lanes)
                cb2 = jnp.minimum(_ffs(sel2), C - 1)
                nb2 = _shuf(head_n2, cb2)
                p2 = jnp.minimum(_shuf(ptrs2, cb2), KPAD - 1)
                ptrs3 = ptrs2 + jnp.where(sel2 & alive2 & cmask, 1, 0)

                ko_v = _emit(cb1, p1, nb1, mb1, alive1, ko_v)
                ko_v = _emit(cb2, p2, nb2, mb2, alive2, ko_v)
                return ptrs3, ko_v

            lax.fori_loop(0, MAX_OUT // 2, merge_body, (zi, zi))

            pltpu.sync_copy(oy1, obh.at[0, b])
            pltpu.sync_copy(ox1, obh.at[1, b])
            pltpu.sync_copy(oy2, obh.at[2, b])
            pltpu.sync_copy(ox2, obh.at[3, b])
            pltpu.sync_copy(osc, osh.at[b])
            pltpu.sync_copy(ocl, och.at[b])

    return nms


def kernel(boxes, scores):
    B, N, C = scores.shape
    NP = ((N + 4 * L - 1) // (4 * L)) * (4 * L)
    st = jnp.transpose(scores.astype(jnp.float32), (0, 2, 1))
    st = jnp.pad(st, ((0, 0), (0, 0), (0, NP - N)))
    bflat = boxes.astype(jnp.float32).reshape(B, N * 4)
    ob, osc, ocl = _make_nms(B, C, N, NP)(st, bflat)
    out_boxes = jnp.transpose(ob, (1, 2, 0))[:, :MAX_OUT, :]
    return out_boxes, osc[:, :MAX_OUT], ocl[:, :MAX_OUT]

# --- scband reference (transcript-rebuilt; emitter-appended) ---
"""Pipeline reference for scband-multi-class-nms-1769526526007 (READ-ONLY COPY).

The authoritative reference and input builder live on the scoring server;
editing this copy changes nothing except your own understanding.
"""

import jax, jax.numpy as jnp
import numpy as np

IOU_THRESHOLD = 0.5
SCORE_THRESHOLD = 0.05
MAX_OUT = 100


def setup_inputs(seed: int = 0) -> dict:
    key = jax.random.key(seed)
    k1, k2, k3 = jax.random.split(key, 3)
    B, N, C = 2, 5000, 10
    tl = jax.random.uniform(k1, (B, N, 2)) * 0.8
    wh = jax.random.uniform(k2, (B, N, 2)) * 0.2 + 0.01
    # boxes in (y1, x1, y2, x2) order, as expected by the module
    boxes = jnp.concatenate([tl, tl + wh], axis=-1)
    scores = jax.random.uniform(k3, (B, N, C))
    return {"boxes": boxes, "scores": scores}


def _nms_image(boxes, scores, iou_thr, score_thr, max_out):
    # boxes: [N,4] (y1,x1,y2,x2); scores: [N,C]
    N, C = scores.shape
    M = N * C
    boxes_m = jnp.tile(boxes, (C, 1))                 # boxes.repeat(C,1)
    box_ind = jnp.tile(jnp.arange(N), C)              # arange(N).repeat(C)
    scores_m = scores.T.reshape(-1)                   # scores.transpose(1,0).flatten()
    classes_m = jnp.repeat(jnp.arange(C), N)          # arange(C).repeat_interleave(N)
    b = jax.lax.stop_gradient(boxes_m)
    s = jax.lax.stop_gradient(scores_m)
    # score threshold filter (filtered boxes can never be selected nor suppress)
    s = jnp.where(s > score_thr, s, -jnp.inf)
    areas = (b[:, 2] - b[:, 0]) * (b[:, 3] - b[:, 1])
    idx_all = jnp.arange(M)
    sel_l, val_l = [], []
    for _ in range(max_out):
        i = jnp.argmax(s)
        v = s[i] > -jnp.inf
        sel_l.append(i)
        val_l.append(v)
        # IoU of box i with all boxes (coordinate permutation y1x1y2x2 vs x1y1x2y2 is IoU-invariant)
        yy1 = jnp.maximum(b[:, 0], b[i, 0])
        xx1 = jnp.maximum(b[:, 1], b[i, 1])
        yy2 = jnp.minimum(b[:, 2], b[i, 2])
        xx2 = jnp.minimum(b[:, 3], b[i, 3])
        inter = jnp.maximum(yy2 - yy1, 0.0) * jnp.maximum(xx2 - xx1, 0.0)
        iou = inter / (areas + areas[i] - inter)
        # batched_nms semantics: suppression only within the same class
        suppress = (iou > iou_thr) & (classes_m == classes_m[i])
        suppress = suppress | (idx_all == i)
        s = jnp.where(suppress & v, -jnp.inf, s)
    sel = jnp.stack(sel_l)
    valid = jnp.stack(val_l)
    # keep only the first occurrence of each original box index (unique box dedup)
    bi = box_ind[sel]
    K = max_out
    eq = bi[:, None] == bi[None, :]
    earlier = jnp.tril(jnp.ones((K, K), dtype=bool), k=-1)
    dup = jnp.any(eq & earlier & valid[None, :], axis=1)
    keep = valid & ~dup
    # compact kept entries to the front (put_ with arange => contiguous prefix, zero-padded)
    order = jnp.argsort(jnp.where(keep, 0, 1))
    keep_s = keep[order]
    sel_s = sel[order]
    out_b = jnp.where(keep_s[:, None], boxes_m[sel_s], 0.0)
    out_s = jnp.where(keep_s, scores_m[sel_s], 0.0)
    out_c = jnp.where(keep_s, classes_m[sel_s], 0)
    return out_b, out_s, out_c


def reference(boxes, scores):
    outs = [_nms_image(boxes[i], scores[i], IOU_THRESHOLD, SCORE_THRESHOLD, MAX_OUT)
            for i in range(boxes.shape[0])]
    out_boxes = jnp.stack([o[0] for o in outs])
    out_scores = jnp.stack([o[1] for o in outs])
    out_classes = jnp.stack([o[2] for o in outs])
    return out_boxes, out_scores, out_classes

if __name__ == "__main__":
    import jax
    _d = setup_inputs()
    print(jax.jit(kernel)(*tuple(_d.values())))

</pallas_src>

<mosaic_0001>
#map = affine_map<(d0, d1) -> (0, 0, 0)>
#map1 = affine_map<(d0, d1) -> (0, 0)>
module attributes {stable_mosaic.version = 14 : i64} {
  func.func @nms(%arg0: i32, %arg1: i32, %arg2: memref<2x10x5056xf32, #tpu.memory_space<hbm>>, %arg3: memref<2x20000xf32, #tpu.memory_space<hbm>>, %arg4: memref<4x2x112xf32, #tpu.memory_space<hbm>>, %arg5: memref<2x112xf32, #tpu.memory_space<hbm>>, %arg6: memref<2x112xi32, #tpu.memory_space<hbm>>, %arg7: memref<5056xf32, #tpu.memory_space<vmem>>, %arg8: memref<20000xf32, #tpu.memory_space<vmem>>, %arg9: memref<5072xf32, #tpu.memory_space<vmem>>, %arg10: memref<5072xi32, #tpu.memory_space<vmem>>, %arg11: memref<128xf32, #tpu.memory_space<vmem>>, %arg12: memref<128xi32, #tpu.memory_space<vmem>>, %arg13: memref<128xf32, #tpu.memory_space<vmem>>, %arg14: memref<128xf32, #tpu.memory_space<vmem>>, %arg15: memref<128xf32, #tpu.memory_space<vmem>>, %arg16: memref<128xf32, #tpu.memory_space<vmem>>, %arg17: memref<128xf32, #tpu.memory_space<vmem>>, %arg18: memref<10x128xf32, #tpu.memory_space<vmem_shared>>, %arg19: memref<10x128xi32, #tpu.memory_space<vmem_shared>>, %arg20: memref<10x128xf32, #tpu.memory_space<vmem_shared>>, %arg21: memref<10x128xf32, #tpu.memory_space<vmem_shared>>, %arg22: memref<10x128xf32, #tpu.memory_space<vmem_shared>>, %arg23: memref<10x128xf32, #tpu.memory_space<vmem_shared>>, %arg24: memref<10x128xf32, #tpu.memory_space<vmem>>, %arg25: memref<10x128xi32, #tpu.memory_space<vmem>>, %arg26: memref<10x128xf32, #tpu.memory_space<vmem>>, %arg27: memref<10x128xf32, #tpu.memory_space<vmem>>, %arg28: memref<10x128xf32, #tpu.memory_space<vmem>>, %arg29: memref<10x128xf32, #tpu.memory_space<vmem>>, %arg30: memref<176xi32, #tpu.memory_space<vmem>>, %arg31: memref<112xf32, #tpu.memory_space<vmem>>, %arg32: memref<112xf32, #tpu.memory_space<vmem>>, %arg33: memref<112xf32, #tpu.memory_space<vmem>>, %arg34: memref<112xf32, #tpu.memory_space<vmem>>, %arg35: memref<112xf32, #tpu.memory_space<vmem>>, %arg36: memref<112xi32, #tpu.memory_space<vmem>>, %arg37: memref<!tpu.dma_semaphore, #tpu.memory_space<semaphore_mem>>) attributes {dimension_semantics = [#tpu.dimension_semantics<core_parallel>, #tpu.dimension_semantics<subcore_parallel>], iteration_bounds = array<i64: 2, 16>, scalar_prefetch = 0 : i64, scratch_operands = 31 : i64, tpu.core_type = #tpu.core_type<sc_vector_subcore>, window_params = [{transform_indices = #map}, {transform_indices = #map1}, {transform_indices = #map}, {transform_indices = #map1}, {transform_indices = #map1}]} {
    %lt3A = arith.constant 10 : i32
    %lt3A_0 = arith.cmpi slt, %arg1, %lt3A : i32
    %convert_element_type3A = arith.extui %lt3A_0 : i1 to i32
    %cond3A = arith.constant 0 : i32
    %cond3A_1 = arith.cmpi ne, %convert_element_type3A, %cond3A : i32
    scf.if %cond3A_1 {
      "tpu.region"() ({
        %run_scoped3A = tpu.sem_alloc : memref<!tpu.dma_semaphore, #tpu.memory_space<semaphore_mem>>
        %dma_start3A_152 = arith.constant 0 : i32
        %dma_start3A_153 = tpu.memref_slice %arg2[%arg0, %arg1, %dma_start3A_152] : memref<2x10x5056xf32, #tpu.memory_space<hbm>> -> memref<1x1x5056xf32, #tpu.memory_space<hbm>>
        %dma_start3A_154 = tpu.memref_squeeze %dma_start3A_153 : memref<1x1x5056xf32, #tpu.memory_space<hbm>> -> memref<5056xf32, #tpu.memory_space<hbm>>
        %dma_start3A_155 = arith.constant 0 : i32
        %dma_start3A_156 = tpu.memref_slice %arg2[%arg0, %arg1, %dma_start3A_155] : memref<2x10x5056xf32, #tpu.memory_space<hbm>> -> memref<1x1x5056xf32, #tpu.memory_space<hbm>>
        %dma_start3A_157 = tpu.memref_squeeze %dma_start3A_156 : memref<1x1x5056xf32, #tpu.memory_space<hbm>> -> memref<5056xf32, #tpu.memory_space<hbm>>
        tpu.enqueue_dma source(%dma_start3A_157 : memref<5056xf32, #tpu.memory_space<hbm>>) target(%arg7 : memref<5056xf32, #tpu.memory_space<vmem>>) target_semaphore(%run_scoped3A : memref<!tpu.dma_semaphore, #tpu.memory_space<semaphore_mem>>)
        %dma_wait3A_158 = arith.constant 0 : i32
        %dma_wait3A_159 = tpu.memref_slice %arg2[%arg0, %arg1, %dma_wait3A_158] : memref<2x10x5056xf32, #tpu.memory_space<hbm>> -> memref<1x1x5056xf32, #tpu.memory_space<hbm>>
        %dma_wait3A_160 = tpu.memref_squeeze %dma_wait3A_159 : memref<1x1x5056xf32, #tpu.memory_space<hbm>> -> memref<5056xf32, #tpu.memory_space<hbm>>
        %dma_wait3A_161 = arith.constant 0 : i32
        %dma_wait3A_162 = tpu.memref_slice %arg2[%arg0, %arg1, %dma_wait3A_161] : memref<2x10x5056xf32, #tpu.memory_space<hbm>> -> memref<1x1x5056xf32, #tpu.memory_space<hbm>>
        %dma_wait3A_163 = tpu.memref_squeeze %dma_wait3A_162 : memref<1x1x5056xf32, #tpu.memory_space<hbm>> -> memref<5056xf32, #tpu.memory_space<hbm>>
        tpu.wait_dma2 semaphore(%run_scoped3A : memref<!tpu.dma_semaphore, #tpu.memory_space<semaphore_mem>>) src(%dma_wait3A_163 : memref<5056xf32, #tpu.memory_space<hbm>>) dst(%arg7 : memref<5056xf32, #tpu.memory_space<vmem>>)
        tpu.yield
      }) : () -> ()
      %dma_start3A = arith.constant 0 : i32
      %dma_start3A_11 = tpu.memref_slice %arg3[%arg0, %dma_start3A] : memref<2x20000xf32, #tpu.memory_space<hbm>> -> memref<1x20000xf32, #tpu.memory_space<hbm>>
      %dma_start3A_12 = tpu.memref_squeeze %dma_start3A_11 : memref<1x20000xf32, #tpu.memory_space<hbm>> -> memref<20000xf32, #tpu.memory_space<hbm>>
      %dma_start3A_13 = arith.constant 0 : i32
      %dma_start3A_14 = tpu.memref_slice %arg3[%arg0, %dma_start3A_13] : memref<2x20000xf32, #tpu.memory_space<hbm>> -> memref<1x20000xf32, #tpu.memory_space<hbm>>
      %dma_start3A_15 = tpu.memref_squeeze %dma_start3A_14 : memref<1x20000xf32, #tpu.memory_space<hbm>> -> memref<20000xf32, #tpu.memory_space<hbm>>
      tpu.enqueue_dma source(%dma_start3A_15 : memref<20000xf32, #tpu.memory_space<hbm>>) target(%arg8 : memref<20000xf32, #tpu.memory_space<vmem>>) target_semaphore(%arg37 : memref<!tpu.dma_semaphore, #tpu.memory_space<semaphore_mem>>)
      %iota3A = tpu.iota {dimensions = array<i32: 0>} : vector<16xi32>
      %broadcast_in_dim3A = arith.constant 0.000000e+00 : f32
      %broadcast_in_dim3A_16 = vector.broadcast %broadcast_in_dim3A : f32 to vector<16xf32>
      %broadcast_in_dim3A_17 = arith.constant 0 : i32
      %broadcast_in_dim3A_18 = vector.broadcast %broadcast_in_dim3A_17 : i32 to vector<16xi32>
      %broadcast_in_dim3A_19 = arith.constant 1.000000e+00 : f32
      %broadcast_in_dim3A_20 = vector.broadcast %broadcast_in_dim3A_19 : f32 to vector<16xf32>
      %broadcast_in_dim3A_21 = arith.constant 0xFF800000 : f32
      %broadcast_in_dim3A_22 = vector.broadcast %broadcast_in_dim3A_21 : f32 to vector<16xf32>
      %broadcast_in_dim3A_23 = arith.constant 1073741824 : i32
      %broadcast_in_dim3A_24 = vector.broadcast %broadcast_in_dim3A_23 : i32 to vector<16xi32>
      %broadcast_in_dim3A_25 = arith.constant 15 : i32
      %broadcast_in_dim3A_26 = vector.broadcast %broadcast_in_dim3A_25 : i32 to vector<16xi32>
      %swap3A = arith.constant 0 : index
      %swap3A_27 = tpu.vector_load %arg11[%swap3A] {strides = array<i32>} : memref<128xf32, #tpu.memory_space<vmem>>, vector<16xf32>,
      tpu.vector_store %arg11[%swap3A], %broadcast_in_dim3A_22 {strides = array<i32>} : memref<128xf32, #tpu.memory_space<vmem>>, vector<16xf32>,
      %swap3A_28 = arith.constant 0 : index
      %swap3A_29 = tpu.vector_load %arg12[%swap3A_28] {strides = array<i32>} : memref<128xi32, #tpu.memory_space<vmem>>, vector<16xi32>,
      tpu.vector_store %arg12[%swap3A_28], %broadcast_in_dim3A_18 {strides = array<i32>} : memref<128xi32, #tpu.memory_space<vmem>>, vector<16xi32>,
      %swap3A_30 = arith.constant 0 : index
      %swap3A_31 = tpu.vector_load %arg13[%swap3A_30] {strides = array<i32>} : memref<128xf32, #tpu.memory_space<vmem>>, vector<16xf32>,
      tpu.vector_store %arg13[%swap3A_30], %broadcast_in_dim3A_16 {strides = array<i32>} : memref<128xf32, #tpu.memory_space<vmem>>, vector<16xf32>,
      %swap3A_32 = arith.constant 0 : index
      %swap3A_33 = tpu.vector_load %arg14[%swap3A_32] {strides = array<i32>} : memref<128xf32, #tpu.memory_space<vmem>>, vector<16xf32>,
      tpu.vector_store %arg14[%swap3A_32], %broadcast_in_dim3A_16 {strides = array<i32>} : memref<128xf32, #tpu.memory_space<vmem>>, vector<16xf32>,
      %swap3A_34 = arith.constant 0 : index
      %swap3A_35 = tpu.vector_load %arg15[%swap3A_34] {strides = array<i32>} : memref<128xf32, #tpu.memory_space<vmem>>, vector<16xf32>,
      tpu.vector_store %arg15[%swap3A_34], %broadcast_in_dim3A_16 {strides = array<i32>} : memref<128xf32, #tpu.memory_space<vmem>>, vector<16xf32>,
      %swap3A_36 = arith.constant 0 : index
      %swap3A_37 = tpu.vector_load %arg16[%swap3A_36] {strides = array<i32>} : memref<128xf32, #tpu.memory_space<vmem>>, vector<16xf32>,
      tpu.vector_store %arg16[%swap3A_36], %broadcast_in_dim3A_16 {strides = array<i32>} : memref<128xf32, #tpu.memory_space<vmem>>, vector<16xf32>,
      %swap3A_38 = arith.constant 0 : index
      %swap3A_39 = tpu.vector_load %arg17[%swap3A_38] {strides = array<i32>} : memref<128xf32, #tpu.memory_space<vmem>>, vector<16xf32>,
      tpu.vector_store %arg17[%swap3A_38], %broadcast_in_dim3A_20 {strides = array<i32>} : memref<128xf32, #tpu.memory_space<vmem>>, vector<16xf32>,
      %swap3A_40 = arith.constant 16 : index
      %swap3A_41 = tpu.vector_load %arg11[%swap3A_40] {strides = array<i32>} : memref<128xf32, #tpu.memory_space<vmem>>, vector<16xf32>,
      tpu.vector_store %arg11[%swap3A_40], %broadcast_in_dim3A_22 {strides = array<i32>} : memref<128xf32, #tpu.memory_space<vmem>>, vector<16xf32>,
      %swap3A_42 = arith.constant 16 : index
      %swap3A_43 = tpu.vector_load %arg12[%swap3A_42] {strides = array<i32>} : memref<128xi32, #tpu.memory_space<vmem>>, vector<16xi32>,
      tpu.vector_store %arg12[%swap3A_42], %broadcast_in_dim3A_18 {strides = array<i32>} : memref<128xi32, #tpu.memory_space<vmem>>, vector<16xi32>,
      %swap3A_44 = arith.constant 16 : index
      %swap3A_45 = tpu.vector_load %arg13[%swap3A_44] {strides = array<i32>} : memref<128xf32, #tpu.memory_space<vmem>>, vector<16xf32>,
      tpu.vector_store %arg13[%swap3A_44], %broadcast_in_dim3A_16 {strides = array<i32>} : memref<128xf32, #tpu.memory_space<vmem>>, vector<16xf32>,
      %swap3A_46 = arith.constant 16 : index
      %swap3A_47 = tpu.vector_load %arg14[%swap3A_46] {strides = array<i32>} : memref<128xf32, #tpu.memory_space<vmem>>, vector<16xf32>,
      tpu.vector_store %arg14[%swap3A_46], %broadcast_in_dim3A_16 {strides = array<i32>} : memref<128xf32, #tpu.memory_space<vmem>>, vector<16xf32>,
      %swap3A_48 = arith.constant 16 : index
      %swap3A_49 = tpu.vector_load %arg15[%swap3A_48] {strides = array<i32>} : memref<128xf32, #tpu.memory_space<vmem>>, vector<16xf32>,
      tpu.vector_store %arg15[%swap3A_48], %broadcast_in_dim3A_16 {strides = array<i32>} : memref<128xf32, #tpu.memory_space<vmem>>, vector<16xf32>,
      %swap3A_50 = arith.constant 16 : index
      %swap3A_51 = tpu.vector_load %arg16[%swap3A_50] {strides = array<i32>} : memref<128xf32, #tpu.memory_space<vmem>>, vector<16xf32>,
      tpu.vector_store %arg16[%swap3A_50], %broadcast_in_dim3A_16 {strides = array<i32>} : memref<128xf32, #tpu.memory_space<vmem>>, vector<16xf32>,
      %swap3A_52 = arith.constant 16 : index
      %swap3A_53 = tpu.vector_load %arg17[%swap3A_52] {strides = array<i32>} : memref<128xf32, #tpu.memory_space<vmem>>, vector<16xf32>,
      tpu.vector_store %arg17[%swap3A_52], %broadcast_in_dim3A_20 {strides = array<i32>} : memref<128xf32, #tpu.memory_space<vmem>>, vector<16xf32>,
      %swap3A_54 = arith.constant 32 : index
      %swap3A_55 = tpu.vector_load %arg11[%swap3A_54] {strides = array<i32>} : memref<128xf32, #tpu.memory_space<vmem>>, vector<16xf32>,
      tpu.vector_store %arg11[%swap3A_54], %broadcast_in_dim3A_22 {strides = array<i32>} : memref<128xf32, #tpu.memory_space<vmem>>, vector<16xf32>,
      %swap3A_56 = arith.constant 32 : index
      %swap3A_57 = tpu.vector_load %arg12[%swap3A_56] {strides = array<i32>} : memref<128xi32, #tpu.memory_space<vmem>>, vector<16xi32>,
      tpu.vector_store %arg12[%swap3A_56], %broadcast_in_dim3A_18 {strides = array<i32>} : memref<128xi32, #tpu.memory_space<vmem>>, vector<16xi32>,
      %swap3A_58 = arith.constant 32 : index
      %swap3A_59 = tpu.vector_load %arg13[%swap3A_58] {strides = array<i32>} : memref<128xf32, #tpu.memory_space<vmem>>, vector<16xf32>,
      tpu.vector_store %arg13[%swap3A_58], %broadcast_in_dim3A_16 {strides = array<i32>} : memref<128xf32, #tpu.memory_space<vmem>>, vector<16xf32>,
      %swap3A_60 = arith.constant 32 : index
      %swap3A_61 = tpu.vector_load %arg14[%swap3A_60] {strides = array<i32>} : memref<128xf32, #tpu.memory_space<vmem>>, vector<16xf32>,
      tpu.vector_store %arg14[%swap3A_60], %broadcast_in_dim3A_16 {strides = array<i32>} : memref<128xf32, #tpu.memory_space<vmem>>, vector<16xf32>,
      %swap3A_62 = arith.constant 32 : index
      %swap3A_63 = tpu.vector_load %arg15[%swap3A_62] {strides = array<i32>} : memref<128xf32, #tpu.memory_space<vmem>>, vector<16xf32>,
      tpu.vector_store %arg15[%swap3A_62], %broadcast_in_dim3A_16 {strides = array<i32>} : memref<128xf32, #tpu.memory_space<vmem>>, vector<16xf32>,
      %swap3A_64 = arith.constant 32 : index
      %swap3A_65 = tpu.vector_load %arg16[%swap3A_64] {strides = array<i32>} : memref<128xf32, #tpu.memory_space<vmem>>, vector<16xf32>,
      tpu.vector_store %arg16[%swap3A_64], %broadcast_in_dim3A_16 {strides = array<i32>} : memref<128xf32, #tpu.memory_space<vmem>>, vector<16xf32>,
      %swap3A_66 = arith.constant 32 : index
      %swap3A_67 = tpu.vector_load %arg17[%swap3A_66] {strides = array<i32>} : memref<128xf32, #tpu.memory_space<vmem>>, vector<16xf32>,
      tpu.vector_store %arg17[%swap3A_66], %broadcast_in_dim3A_20 {strides = array<i32>} : memref<128xf32, #tpu.memory_space<vmem>>, vector<16xf32>,
      %swap3A_68 = arith.constant 48 : index
      %swap3A_69 = tpu.vector_load %arg11[%swap3A_68] {strides = array<i32>} : memref<128xf32, #tpu.memory_space<vmem>>, vector<16xf32>,
      tpu.vector_store %arg11[%swap3A_68], %broadcast_in_dim3A_22 {strides = array<i32>} : memref<128xf32, #tpu.memory_space<vmem>>, vector<16xf32>,
      %swap3A_70 = arith.constant 48 : index
      %swap3A_71 = tpu.vector_load %arg12[%swap3A_70] {strides = array<i32>} : memref<128xi32, #tpu.memory_space<vmem>>, vector<16xi32>,
      tpu.vector_store %arg12[%swap3A_70], %broadcast_in_dim3A_18 {strides = array<i32>} : memref<128xi32, #tpu.memory_space<vmem>>, vector<16xi32>,
      %swap3A_72 = arith.constant 48 : index
      %swap3A_73 = tpu.vector_load %arg13[%swap3A_72] {strides = array<i32>} : memref<128xf32, #tpu.memory_space<vmem>>, vector<16xf32>,
      tpu.vector_store %arg13[%swap3A_72], %broadcast_in_dim3A_16 {strides = array<i32>} : memref<128xf32, #tpu.memory_space<vmem>>, vector<16xf32>,
      %swap3A_74 = arith.constant 48 : index
      %swap3A_75 = tpu.vector_load %arg14[%swap3A_74] {strides = array<i32>} : memref<128xf32, #tpu.memory_space<vmem>>, vector<16xf32>,
      tpu.vector_store %arg14[%swap3A_74], %broadcast_in_dim3A_16 {strides = array<i32>} : memref<128xf32, #tpu.memory_space<vmem>>, vector<16xf32>,
      %swap3A_76 = arith.constant 48 : index
      %swap3A_77 = tpu.vector_load %arg15[%swap3A_76] {strides = array<i32>} : memref<128xf32, #tpu.memory_space<vmem>>, vector<16xf32>,
      tpu.vector_store %arg15[%swap3A_76], %broadcast_in_dim3A_16 {strides = array<i32>} : memref<128xf32, #tpu.memory_space<vmem>>, vector<16xf32>,
      %swap3A_78 = arith.constant 48 : index
      %swap3A_79 = tpu.vector_load %arg16[%swap3A_78] {strides = array<i32>} : memref<128xf32, #tpu.memory_space<vmem>>, vector<16xf32>,
      tpu.vector_store %arg16[%swap3A_78], %broadcast_in_dim3A_16 {strides = array<i32>} : memref<128xf32, #tpu.memory_space<vmem>>, vector<16xf32>,
      %swap3A_80 = arith.constant 48 : index
      %swap3A_81 = tpu.vector_load %arg17[%swap3A_80] {strides = array<i32>} : memref<128xf32, #tpu.memory_space<vmem>>, vector<16xf32>,
      tpu.vector_store %arg17[%swap3A_80], %broadcast_in_dim3A_20 {strides = array<i32>} : memref<128xf32, #tpu.memory_space<vmem>>, vector<16xf32>,
      %swap3A_82 = arith.constant 64 : index
      %swap3A_83 = tpu.vector_load %arg11[%swap3A_82] {strides = array<i32>} : memref<128xf32, #tpu.memory_space<vmem>>, vector<16xf32>,
      tpu.vector_store %arg11[%swap3A_82], %broadcast_in_dim3A_22 {strides = array<i32>} : memref<128xf32, #tpu.memory_space<vmem>>, vector<16xf32>,
      %swap3A_84 = arith.constant 64 : index
      %swap3A_85 = tpu.vector_load %arg12[%swap3A_84] {strides = array<i32>} : memref<128xi32, #tpu.memory_space<vmem>>, vector<16xi32>,
      tpu.vector_store %arg12[%swap3A_84], %broadcast_in_dim3A_18 {strides = array<i32>} : memref<128xi32, #tpu.memory_space<vmem>>, vector<16xi32>,
      %swap3A_86 = arith.constant 64 : index
      %swap3A_87 = tpu.vector_load %arg13[%swap3A_86] {strides = array<i32>} : memref<128xf32, #tpu.memory_space<vmem>>, vector<16xf32>,
      tpu.vector_store %arg13[%swap3A_86], %broadcast_in_dim3A_16 {strides = array<i32>} : memref<128xf32, #tpu.memory_space<vmem>>, vector<16xf32>,
      %swap3A_88 = arith.constant 64 : index
      %swap3A_89 = tpu.vector_load %arg14[%swap3A_88] {strides = array<i32>} : memref<128xf32, #tpu.memory_space<vmem>>, vector<16xf32>,
      tpu.vector_store %arg14[%swap3A_88], %broadcast_in_dim3A_16 {strides = array<i32>} : memref<128xf32, #tpu.memory_space<vmem>>, vector<16xf32>,
      %swap3A_90 = arith.constant 64 : index
      %swap3A_91 = tpu.vector_load %arg15[%swap3A_90] {strides = array<i32>} : memref<128xf32, #tpu.memory_space<vmem>>, vector<16xf32>,
      tpu.vector_store %arg15[%swap3A_90], %broadcast_in_dim3A_16 {strides = array<i32>} : memref<128xf32, #tpu.memory_space<vmem>>, vector<16xf32>,
      %swap3A_92 = arith.constant 64 : index
      %swap3A_93 = tpu.vector_load %arg16[%swap3A_92] {strides = array<i32>} : memref<128xf32, #tpu.memory_space<vmem>>, vector<16xf32>,
      tpu.vector_store %arg16[%swap3A_92], %broadcast_in_dim3A_16 {strides = array<i32>} : memref<128xf32, #tpu.memory_space<vmem>>, vector<16xf32>,
      %swap3A_94 = arith.constant 64 : index
      %swap3A_95 = tpu.vector_load %arg17[%swap3A_94] {strides = array<i32>} : memref<128xf32, #tpu.memory_space<vmem>>, vector<16xf32>,
      tpu.vector_store %arg17[%swap3A_94], %broadcast_in_dim3A_20 {strides = array<i32>} : memref<128xf32, #tpu.memory_space<vmem>>, vector<16xf32>,
      %swap3A_96 = arith.constant 80 : index
      %swap3A_97 = tpu.vector_load %arg11[%swap3A_96] {strides = array<i32>} : memref<128xf32, #tpu.memory_space<vmem>>, vector<16xf32>,
      tpu.vector_store %arg11[%swap3A_96], %broadcast_in_dim3A_22 {strides = array<i32>} : memref<128xf32, #tpu.memory_space<vmem>>, vector<16xf32>,
      %swap3A_98 = arith.constant 80 : index
      %swap3A_99 = tpu.vector_load %arg12[%swap3A_98] {strides = array<i32>} : memref<128xi32, #tpu.memory_space<vmem>>, vector<16xi32>,
      tpu.vector_store %arg12[%swap3A_98], %broadcast_in_dim3A_18 {strides = array<i32>} : memref<128xi32, #tpu.memory_space<vmem>>, vector<16xi32>,
      %swap3A_100 = arith.constant 80 : index
      %swap3A_101 = tpu.vector_load %arg13[%swap3A_100] {strides = array<i32>} : memref<128xf32, #tpu.memory_space<vmem>>, vector<16xf32>,
      tpu.vector_store %arg13[%swap3A_100], %broadcast_in_dim3A_16 {strides = array<i32>} : memref<128xf32, #tpu.memory_space<vmem>>, vector<16xf32>,
      %swap3A_102 = arith.constant 80 : index
      %swap3A_103 = tpu.vector_load %arg14[%swap3A_102] {strides = array<i32>} : memref<128xf32, #tpu.memory_space<vmem>>, vector<16xf32>,
      tpu.vector_store %arg14[%swap3A_102], %broadcast_in_dim3A_16 {strides = array<i32>} : memref<128xf32, #tpu.memory_space<vmem>>, vector<16xf32>,
      %swap3A_104 = arith.constant 80 : index
      %swap3A_105 = tpu.vector_load %arg15[%swap3A_104] {strides = array<i32>} : memref<128xf32, #tpu.memory_space<vmem>>, vector<16xf32>,
      tpu.vector_store %arg15[%swap3A_104], %broadcast_in_dim3A_16 {strides = array<i32>} : memref<128xf32, #tpu.memory_space<vmem>>, vector<16xf32>,
      %swap3A_106 = arith.constant 80 : index
      %swap3A_107 = tpu.vector_load %arg16[%swap3A_106] {strides = array<i32>} : memref<128xf32, #tpu.memory_space<vmem>>, vector<16xf32>,
      tpu.vector_store %arg16[%swap3A_106], %broadcast_in_dim3A_16 {strides = array<i32>} : memref<128xf32, #tpu.memory_space<vmem>>, vector<16xf32>,
      %swap3A_108 = arith.constant 80 : index
      %swap3A_109 = tpu.vector_load %arg17[%swap3A_108] {strides = array<i32>} : memref<128xf32, #tpu.memory_space<vmem>>, vector<16xf32>,
      tpu.vector_store %arg17[%swap3A_108], %broadcast_in_dim3A_20 {strides = array<i32>} : memref<128xf32, #tpu.memory_space<vmem>>, vector<16xf32>,
      %swap3A_110 = arith.constant 96 : index
      %swap3A_111 = tpu.vector_load %arg11[%swap3A_110] {strides = array<i32>} : memref<128xf32, #tpu.memory_space<vmem>>, vector<16xf32>,
      tpu.vector_store %arg11[%swap3A_110], %broadcast_in_dim3A_22 {strides = array<i32>} : memref<128xf32, #tpu.memory_space<vmem>>, vector<16xf32>,
      %swap3A_112 = arith.constant 96 : index
      %swap3A_113 = tpu.vector_load %arg12[%swap3A_112] {strides = array<i32>} : memref<128xi32, #tpu.memory_space<vmem>>, vector<16xi32>,
      tpu.vector_store %arg12[%swap3A_112], %broadcast_in_dim3A_18 {strides = array<i32>} : memref<128xi32, #tpu.memory_space<vmem>>, vector<16xi32>,
      %swap3A_114 = arith.constant 96 : index
      %swap3A_115 = tpu.vector_load %arg13[%swap3A_114] {strides = array<i32>} : memref<128xf32, #tpu.memory_space<vmem>>, vector<16xf32>,
      tpu.vector_store %arg13[%swap3A_114], %broadcast_in_dim3A_16 {strides = array<i32>} : memref<128xf32, #tpu.memory_space<vmem>>, vector<16xf32>,
      %swap3A_116 = arith.constant 96 : index
      %swap3A_117 = tpu.vector_load %arg14[%swap3A_116] {strides = array<i32>} : memref<128xf32, #tpu.memory_space<vmem>>, vector<16xf32>,
      tpu.vector_store %arg14[%swap3A_116], %broadcast_in_dim3A_16 {strides = array<i32>} : memref<128xf32, #tpu.memory_space<vmem>>, vector<16xf32>,
      %swap3A_118 = arith.constant 96 : index
      %swap3A_119 = tpu.vector_load %arg15[%swap3A_118] {strides = array<i32>} : memref<128xf32, #tpu.memory_space<vmem>>, vector<16xf32>,
      tpu.vector_store %arg15[%swap3A_118], %broadcast_in_dim3A_16 {strides = array<i32>} : memref<128xf32, #tpu.memory_space<vmem>>, vector<16xf32>,
      %swap3A_120 = arith.constant 96 : index
      %swap3A_121 = tpu.vector_load %arg16[%swap3A_120] {strides = array<i32>} : memref<128xf32, #tpu.memory_space<vmem>>, vector<16xf32>,
      tpu.vector_store %arg16[%swap3A_120], %broadcast_in_dim3A_16 {strides = array<i32>} : memref<128xf32, #tpu.memory_space<vmem>>, vector<16xf32>,
      %swap3A_122 = arith.constant 96 : index
      %swap3A_123 = tpu.vector_load %arg17[%swap3A_122] {strides = array<i32>} : memref<128xf32, #tpu.memory_space<vmem>>, vector<16xf32>,
      tpu.vector_store %arg17[%swap3A_122], %broadcast_in_dim3A_20 {strides = array<i32>} : memref<128xf32, #tpu.memory_space<vmem>>, vector<16xf32>,
      %swap3A_124 = arith.constant 112 : index
      %swap3A_125 = tpu.vector_load %arg11[%swap3A_124] {strides = array<i32>} : memref<128xf32, #tpu.memory_space<vmem>>, vector<16xf32>,
      tpu.vector_store %arg11[%swap3A_124], %broadcast_in_dim3A_22 {strides = array<i32>} : memref<128xf32, #tpu.memory_space<vmem>>, vector<16xf32>,
      %swap3A_126 = arith.constant 112 : index
      %swap3A_127 = tpu.vector_load %arg12[%swap3A_126] {strides = array<i32>} : memref<128xi32, #tpu.memory_space<vmem>>, vector<16xi32>,
      tpu.vector_store %arg12[%swap3A_126], %broadcast_in_dim3A_18 {strides = array<i32>} : memref<128xi32, #tpu.memory_space<vmem>>, vector<16xi32>,
      %swap3A_128 = arith.constant 112 : index
      %swap3A_129 = tpu.vector_load %arg13[%swap3A_128] {strides = array<i32>} : memref<128xf32, #tpu.memory_space<vmem>>, vector<16xf32>,
      tpu.vector_store %arg13[%swap3A_128], %broadcast_in_dim3A_16 {strides = array<i32>} : memref<128xf32, #tpu.memory_space<vmem>>, vector<16xf32>,
      %swap3A_130 = arith.constant 112 : index
      %swap3A_131 = tpu.vector_load %arg14[%swap3A_130] {strides = array<i32>} : memref<128xf32, #tpu.memory_space<vmem>>, vector<16xf32>,
      tpu.vector_store %arg14[%swap3A_130], %broadcast_in_dim3A_16 {strides = array<i32>} : memref<128xf32, #tpu.memory_space<vmem>>, vector<16xf32>,
      %swap3A_132 = arith.constant 112 : index
      %swap3A_133 = tpu.vector_load %arg15[%swap3A_132] {strides = array<i32>} : memref<128xf32, #tpu.memory_space<vmem>>, vector<16xf32>,
      tpu.vector_store %arg15[%swap3A_132], %broadcast_in_dim3A_16 {strides = array<i32>} : memref<128xf32, #tpu.memory_space<vmem>>, vector<16xf32>,
      %swap3A_134 = arith.constant 112 : index
      %swap3A_135 = tpu.vector_load %arg16[%swap3A_134] {strides = array<i32>} : memref<128xf32, #tpu.memory_space<vmem>>, vector<16xf32>,
      tpu.vector_store %arg16[%swap3A_134], %broadcast_in_dim3A_16 {strides = array<i32>} : memref<128xf32, #tpu.memory_space<vmem>>, vector<16xf32>,
      %swap3A_136 = arith.constant 112 : index
      %swap3A_137 = tpu.vector_load %arg17[%swap3A_136] {strides = array<i32>} : memref<128xf32, #tpu.memory_space<vmem>>, vector<16xf32>,
      tpu.vector_store %arg17[%swap3A_136], %broadcast_in_dim3A_20 {strides = array<i32>} : memref<128xf32, #tpu.memory_space<vmem>>, vector<16xf32>,
      %scan3A = arith.constant 0 : i32
      %scan3A_138 = arith.constant 79 : i32
      %scan3A_139 = arith.addi %scan3A, %scan3A_138 : i32
      %scan3A_140 = arith.constant 1 : i32
      %scan3A_141 = scf.for %scan3A_152 = %scan3A to %scan3A_139 step %scan3A_140 iter_args(%scan3A_153 = %broadcast_in_dim3A_22) -> (vector<16xf32>)  : i32 {
        %mul3A = arith.constant 4 : i32
        %mul3A_154 = arith.muli %scan3A_152, %mul3A : i32
        %mul3A_155 = arith.constant 16 : i32
        %mul3A_156 = arith.muli %mul3A_154, %mul3A_155 : i32
        %get3A = arith.index_cast %mul3A_156 : i32 to index
        %get3A_157 = tpu.vector_load %arg7[%get3A] {strides = array<i32>} : memref<5056xf32, #tpu.memory_space<vmem>>, vector<16xf32>,
        %mul3A_158 = arith.constant 4 : i32
        %mul3A_159 = arith.muli %scan3A_152, %mul3A_158 : i32
        %mul3A_160 = arith.constant 16 : i32
        %mul3A_161 = arith.muli %mul3A_159, %mul3A_160 : i32
        %add3A = arith.constant 16 : i32
        %add3A_162 = arith.addi %mul3A_161, %add3A : i32
        %get3A_163 = arith.index_cast %add3A_162 : i32 to index
        %get3A_164 = tpu.vector_load %arg7[%get3A_163] {strides = array<i32>} : memref<5056xf32, #tpu.memory_space<vmem>>, vector<16xf32>,
        %max3A = arith.maximumf %get3A_157, %get3A_164 : vector<16xf32>
        %mul3A_165 = arith.constant 4 : i32
        %mul3A_166 = arith.muli %scan3A_152, %mul3A_165 : i32
        %mul3A_167 = arith.constant 16 : i32
        %mul3A_168 = arith.muli %mul3A_166, %mul3A_167 : i32
        %add3A_169 = arith.constant 32 : i32
        %add3A_170 = arith.addi %mul3A_168, %add3A_169 : i32
        %get3A_171 = arith.index_cast %add3A_170 : i32 to index
        %get3A_172 = tpu.vector_load %arg7[%get3A_171] {strides = array<i32>} : memref<5056xf32, #tpu.memory_space<vmem>>, vector<16xf32>,
        %mul3A_173 = arith.constant 4 : i32
        %mul3A_174 = arith.muli %scan3A_152, %mul3A_173 : i32
        %mul3A_175 = arith.constant 16 : i32
        %mul3A_176 = arith.muli %mul3A_174, %mul3A_175 : i32
        %add3A_177 = arith.constant 48 : i32
        %add3A_178 = arith.addi %mul3A_176, %add3A_177 : i32
        %get3A_179 = arith.index_cast %add3A_178 : i32 to index
        %get3A_180 = tpu.vector_load %arg7[%get3A_179] {strides = array<i32>} : memref<5056xf32, #tpu.memory_space<vmem>>, vector<16xf32>,
        %max3A_181 = arith.maximumf %get3A_172, %get3A_180 : vector<16xf32>
        %max3A_182 = arith.maximumf %max3A, %max3A_181 : vector<16xf32>
        %max3A_183 = arith.maximumf %scan3A_153, %max3A_182 : vector<16xf32>
        scf.yield %max3A_183 : vector<16xf32>
      }
      %scan3A_142 = arith.constant 79 : i32
      %reduce_max3A = arith.constant true
      %reduce_max3A_143 = vector.broadcast %reduce_max3A : i1 to vector<16xi1>
      %reduce_max3A_144 = tpu.scan <max>, %scan3A_141 masked %reduce_max3A_143 : vector<16xf32>, vector<16xi1> -> vector<16xf32>
      %reduce_max3A_145 = vector.extract %reduce_max3A_144[15] : f32 from vector<16xf32>
      %dma_wait3A = arith.constant 0 : i32
      %dma_wait3A_146 = tpu.memref_slice %arg3[%arg0, %dma_wait3A] : memref<2x20000xf32, #tpu.memory_space<hbm>> -> memref<1x20000xf32, #tpu.memory_space<hbm>>
      %dma_wait3A_147 = tpu.memref_squeeze %dma_wait3A_146 : memref<1x20000xf32, #tpu.memory_space<hbm>> -> memref<20000xf32, #tpu.memory_space<hbm>>
      %dma_wait3A_148 = arith.constant 0 : i32
      %dma_wait3A_149 = tpu.memref_slice %arg3[%arg0, %dma_wait3A_148] : memref<2x20000xf32, #tpu.memory_space<hbm>> -> memref<1x20000xf32, #tpu.memory_space<hbm>>
      %dma_wait3A_150 = tpu.memref_squeeze %dma_wait3A_149 : memref<1x20000xf32, #tpu.memory_space<hbm>> -> memref<20000xf32, #tpu.memory_space<hbm>>
      tpu.wait_dma2 semaphore(%arg37 : memref<!tpu.dma_semaphore, #tpu.memory_space<semaphore_mem>>) src(%dma_wait3A_150 : memref<20000xf32, #tpu.memory_space<hbm>>) dst(%arg8 : memref<20000xf32, #tpu.memory_space<vmem>>)
      %while3A = arith.constant 0 : i32
      %while3A_151:2 = scf.while (%while3A_152 = %reduce_max3A_145, %while3A_153 = %while3A) : (f32, i32) -> (f32, i32) {
        %gt3A = arith.constant 5.000000e-02 : f32
        %gt3A_154 = arith.cmpf ogt, %while3A_152, %gt3A : f32
        %lt3A_155 = arith.constant 100 : i32
        %lt3A_156 = arith.cmpi slt, %while3A_153, %lt3A_155 : i32
        %and3A = arith.andi %gt3A_154, %lt3A_156 : i1
        scf.condition(%and3A) %while3A_152, %while3A_153 : f32, i32
      } do {
      ^bb0(%while3A_152: f32, %while3A_153: i32):
        %sub3A = arith.constant 4.000000e-02 : f32
        %sub3A_154 = arith.subf %while3A_152, %sub3A : f32
        %broadcast_in_dim3A_155 = vector.broadcast %while3A_152 : f32 to vector<16xf32>
        %broadcast_in_dim3A_156 = vector.broadcast %sub3A_154 : f32 to vector<16xf32>
        %scan3A_157 = arith.constant 0 : i32
        %scan3A_158 = arith.constant 79 : i32
        %scan3A_159 = arith.addi %scan3A_157, %scan3A_158 : i32
        %scan3A_160 = arith.constant 1 : i32
        %scan3A_161 = scf.for %scan3A_198 = %scan3A_157 to %scan3A_159 step %scan3A_160 iter_args(%scan3A_199 = %broadcast_in_dim3A_18) -> (vector<16xi32>)  : i32 {
          %mul3A = arith.constant 4 : i32
          %mul3A_200 = arith.muli %scan3A_198, %mul3A : i32
          %add3A_201 = arith.constant 0 : i32
          %add3A_202 = arith.addi %mul3A_200, %add3A_201 : i32
          %mul3A_203 = arith.constant 16 : i32
          %mul3A_204 = arith.muli %add3A_202, %mul3A_203 : i32
          %get3A = arith.index_cast %mul3A_204 : i32 to index
          %get3A_205 = tpu.vector_load %arg7[%get3A] {strides = array<i32>} : memref<5056xf32, #tpu.memory_space<vmem>>, vector<16xf32>,
          %gt3A = arith.constant 5.000000e-02 : f32
          %gt3A_206 = vector.broadcast %gt3A : f32 to vector<16xf32>
          %gt3A_207 = arith.cmpf ogt, %get3A_205, %gt3A_206 : vector<16xf32>
          %gt3A_208 = arith.cmpf ogt, %get3A_205, %broadcast_in_dim3A_156 : vector<16xf32>
          %and3A_209 = arith.andi %gt3A_207, %gt3A_208 : vector<16xi1>
          %le3A_210 = arith.cmpf ole, %get3A_205, %broadcast_in_dim3A_155 : vector<16xf32>
          %and3A_211 = arith.andi %and3A_209, %le3A_210 : vector<16xi1>
          %jit3A_212 = arith.constant 1 : i32
          %jit3A_213 = arith.constant 0 : i32
          %broadcast_in_dim3A_214 = vector.broadcast %jit3A_212 : i32 to vector<16xi32>
          %broadcast_in_dim3A_215 = vector.broadcast %jit3A_213 : i32 to vector<16xi32>
          %select_n3A_216 = arith.select %and3A_211, %broadcast_in_dim3A_214, %broadcast_in_dim3A_215 : vector<16xi1>, vector<16xi32>
          %cumsum3A = arith.constant true
          %cumsum3A_217 = vector.broadcast %cumsum3A : i1 to vector<16xi1>
          %cumsum3A_218 = tpu.scan <sum>, %select_n3A_216 masked %cumsum3A_217 : vector<16xi32>, vector<16xi1> -> vector<16xi32>
          %mul3A_219 = arith.constant 4 : i32
          %mul3A_220 = arith.muli %scan3A_198, %mul3A_219 : i32
          %add3A_221 = arith.constant 1 : i32
          %add3A_222 = arith.addi %mul3A_220, %add3A_221 : i32
          %mul3A_223 = arith.constant 16 : i32
          %mul3A_224 = arith.muli %add3A_222, %mul3A_223 : i32
          %get3A_225 = arith.index_cast %mul3A_224 : i32 to index
          %get3A_226 = tpu.vector_load %arg7[%get3A_225] {strides = array<i32>} : memref<5056xf32, #tpu.memory_space<vmem>>, vector<16xf32>,
          %gt3A_227 = arith.constant 5.000000e-02 : f32
          %gt3A_228 = vector.broadcast %gt3A_227 : f32 to vector<16xf32>
          %gt3A_229 = arith.cmpf ogt, %get3A_226, %gt3A_228 : vector<16xf32>
          %gt3A_230 = arith.cmpf ogt, %get3A_226, %broadcast_in_dim3A_156 : vector<16xf32>
          %and3A_231 = arith.andi %gt3A_229, %gt3A_230 : vector<16xi1>
          %le3A_232 = arith.cmpf ole, %get3A_226, %broadcast_in_dim3A_155 : vector<16xf32>
          %and3A_233 = arith.andi %and3A_231, %le3A_232 : vector<16xi1>
          %jit3A_234 = arith.constant 1 : i32
          %jit3A_235 = arith.constant 0 : i32
          %broadcast_in_dim3A_236 = vector.broadcast %jit3A_234 : i32 to vector<16xi32>
          %broadcast_in_dim3A_237 = vector.broadcast %jit3A_235 : i32 to vector<16xi32>
          %select_n3A_238 = arith.select %and3A_233, %broadcast_in_dim3A_236, %broadcast_in_dim3A_237 : vector<16xi1>, vector<16xi32>
          %cumsum3A_239 = arith.constant true
          %cumsum3A_240 = vector.broadcast %cumsum3A_239 : i1 to vector<16xi1>
          %cumsum3A_241 = tpu.scan <sum>, %select_n3A_238 masked %cumsum3A_240 : vector<16xi32>, vector<16xi1> -> vector<16xi32>
          %mul3A_242 = arith.constant 4 : i32
          %mul3A_243 = arith.muli %scan3A_198, %mul3A_242 : i32
          %add3A_244 = arith.constant 2 : i32
          %add3A_245 = arith.addi %mul3A_243, %add3A_244 : i32
          %mul3A_246 = arith.constant 16 : i32
          %mul3A_247 = arith.muli %add3A_245, %mul3A_246 : i32
          %get3A_248 = arith.index_cast %mul3A_247 : i32 to index
          %get3A_249 = tpu.vector_load %arg7[%get3A_248] {strides = array<i32>} : memref<5056xf32, #tpu.memory_space<vmem>>, vector<16xf32>,
          %gt3A_250 = arith.constant 5.000000e-02 : f32
          %gt3A_251 = vector.broadcast %gt3A_250 : f32 to vector<16xf32>
          %gt3A_252 = arith.cmpf ogt, %get3A_249, %gt3A_251 : vector<16xf32>
          %gt3A_253 = arith.cmpf ogt, %get3A_249, %broadcast_in_dim3A_156 : vector<16xf32>
          %and3A_254 = arith.andi %gt3A_252, %gt3A_253 : vector<16xi1>
          %le3A_255 = arith.cmpf ole, %get3A_249, %broadcast_in_dim3A_155 : vector<16xf32>
          %and3A_256 = arith.andi %and3A_254, %le3A_255 : vector<16xi1>
          %jit3A_257 = arith.constant 1 : i32
          %jit3A_258 = arith.constant 0 : i32
          %broadcast_in_dim3A_259 = vector.broadcast %jit3A_257 : i32 to vector<16xi32>
          %broadcast_in_dim3A_260 = vector.broadcast %jit3A_258 : i32 to vector<16xi32>
          %select_n3A_261 = arith.select %and3A_256, %broadcast_in_dim3A_259, %broadcast_in_dim3A_260 : vector<16xi1>, vector<16xi32>
          %cumsum3A_262 = arith.constant true
          %cumsum3A_263 = vector.broadcast %cumsum3A_262 : i1 to vector<16xi1>
          %cumsum3A_264 = tpu.scan <sum>, %select_n3A_261 masked %cumsum3A_263 : vector<16xi32>, vector<16xi1> -> vector<16xi32>
          %mul3A_265 = arith.constant 4 : i32
          %mul3A_266 = arith.muli %scan3A_198, %mul3A_265 : i32
          %add3A_267 = arith.constant 3 : i32
          %add3A_268 = arith.addi %mul3A_266, %add3A_267 : i32
          %mul3A_269 = arith.constant 16 : i32
          %mul3A_270 = arith.muli %add3A_268, %mul3A_269 : i32
          %get3A_271 = arith.index_cast %mul3A_270 : i32 to index
          %get3A_272 = tpu.vector_load %arg7[%get3A_271] {strides = array<i32>} : memref<5056xf32, #tpu.memory_space<vmem>>, vector<16xf32>,
          %gt3A_273 = arith.constant 5.000000e-02 : f32
          %gt3A_274 = vector.broadcast %gt3A_273 : f32 to vector<16xf32>
          %gt3A_275 = arith.cmpf ogt, %get3A_272, %gt3A_274 : vector<16xf32>
          %gt3A_276 = arith.cmpf ogt, %get3A_272, %broadcast_in_dim3A_156 : vector<16xf32>
          %and3A_277 = arith.andi %gt3A_275, %gt3A_276 : vector<16xi1>
          %le3A_278 = arith.cmpf ole, %get3A_272, %broadcast_in_dim3A_155 : vector<16xf32>
          %and3A_279 = arith.andi %and3A_277, %le3A_278 : vector<16xi1>
          %jit3A_280 = arith.constant 1 : i32
          %jit3A_281 = arith.constant 0 : i32
          %broadcast_in_dim3A_282 = vector.broadcast %jit3A_280 : i32 to vector<16xi32>
          %broadcast_in_dim3A_283 = vector.broadcast %jit3A_281 : i32 to vector<16xi32>
          %select_n3A_284 = arith.select %and3A_279, %broadcast_in_dim3A_282, %broadcast_in_dim3A_283 : vector<16xi1>, vector<16xi32>
          %cumsum3A_285 = arith.constant true
          %cumsum3A_286 = vector.broadcast %cumsum3A_285 : i1 to vector<16xi1>
          %cumsum3A_287 = tpu.scan <sum>, %select_n3A_284 masked %cumsum3A_286 : vector<16xi32>, vector<16xi1> -> vector<16xi32>
          %add3A_288 = arith.addi %scan3A_199, %cumsum3A_218 : vector<16xi32>
          %sub3A_289 = arith.constant 1 : i32
          %sub3A_290 = vector.broadcast %sub3A_289 : i32 to vector<16xi32>
          %sub3A_291 = arith.subi %add3A_288, %sub3A_290 : vector<16xi32>
          tpu.vector_store_idx %arg9[%sub3A_291], %get3A_205 masked %and3A_211 : memref<5072xf32, #tpu.memory_space<vmem>>[vector<16xi32>], vector<16xf32>, vector<16xi1>
          %mul3A_292 = arith.constant 4 : i32
          %mul3A_293 = arith.muli %scan3A_198, %mul3A_292 : i32
          %add3A_294 = arith.constant 0 : i32
          %add3A_295 = arith.addi %mul3A_293, %add3A_294 : i32
          %mul3A_296 = arith.constant 16 : i32
          %mul3A_297 = arith.muli %add3A_295, %mul3A_296 : i32
          %add3A_298 = vector.broadcast %mul3A_297 : i32 to vector<16xi32>
          %add3A_299 = arith.addi %add3A_298, %iota3A : vector<16xi32>
          tpu.vector_store_idx %arg10[%sub3A_291], %add3A_299 masked %and3A_211 : memref<5072xi32, #tpu.memory_space<vmem>>[vector<16xi32>], vector<16xi32>, vector<16xi1>
          %broadcast_in_dim3A_300 = vector.shape_cast %broadcast_in_dim3A_26 : vector<16xi32> to vector<16x1xi32>
          %gather3A = vector.shape_cast %broadcast_in_dim3A_300 : vector<16x1xi32> to vector<16xi32>
          %gather3A_301 = tpu.dynamic_gather %cumsum3A_218[%gather3A] in [0] : vector<16xi32>, vector<16xi32> -> vector<16xi32>
          %add3A_302 = arith.addi %scan3A_199, %gather3A_301 : vector<16xi32>
          %add3A_303 = arith.addi %add3A_302, %cumsum3A_241 : vector<16xi32>
          %sub3A_304 = arith.constant 1 : i32
          %sub3A_305 = vector.broadcast %sub3A_304 : i32 to vector<16xi32>
          %sub3A_306 = arith.subi %add3A_303, %sub3A_305 : vector<16xi32>
          tpu.vector_store_idx %arg9[%sub3A_306], %get3A_226 masked %and3A_233 : memref<5072xf32, #tpu.memory_space<vmem>>[vector<16xi32>], vector<16xf32>, vector<16xi1>
          %mul3A_307 = arith.constant 4 : i32
          %mul3A_308 = arith.muli %scan3A_198, %mul3A_307 : i32
          %add3A_309 = arith.constant 1 : i32
          %add3A_310 = arith.addi %mul3A_308, %add3A_309 : i32
          %mul3A_311 = arith.constant 16 : i32
          %mul3A_312 = arith.muli %add3A_310, %mul3A_311 : i32
          %add3A_313 = vector.broadcast %mul3A_312 : i32 to vector<16xi32>
          %add3A_314 = arith.addi %add3A_313, %iota3A : vector<16xi32>
          tpu.vector_store_idx %arg10[%sub3A_306], %add3A_314 masked %and3A_233 : memref<5072xi32, #tpu.memory_space<vmem>>[vector<16xi32>], vector<16xi32>, vector<16xi1>
          %broadcast_in_dim3A_315 = vector.shape_cast %broadcast_in_dim3A_26 : vector<16xi32> to vector<16x1xi32>
          %gather3A_316 = vector.shape_cast %broadcast_in_dim3A_315 : vector<16x1xi32> to vector<16xi32>
          %gather3A_317 = tpu.dynamic_gather %cumsum3A_241[%gather3A_316] in [0] : vector<16xi32>, vector<16xi32> -> vector<16xi32>
          %add3A_318 = arith.addi %add3A_302, %gather3A_317 : vector<16xi32>
          %add3A_319 = arith.addi %add3A_318, %cumsum3A_264 : vector<16xi32>
          %sub3A_320 = arith.constant 1 : i32
          %sub3A_321 = vector.broadcast %sub3A_320 : i32 to vector<16xi32>
          %sub3A_322 = arith.subi %add3A_319, %sub3A_321 : vector<16xi32>
          tpu.vector_store_idx %arg9[%sub3A_322], %get3A_249 masked %and3A_256 : memref<5072xf32, #tpu.memory_space<vmem>>[vector<16xi32>], vector<16xf32>, vector<16xi1>
          %mul3A_323 = arith.constant 4 : i32
          %mul3A_324 = arith.muli %scan3A_198, %mul3A_323 : i32
          %add3A_325 = arith.constant 2 : i32
          %add3A_326 = arith.addi %mul3A_324, %add3A_325 : i32
          %mul3A_327 = arith.constant 16 : i32
          %mul3A_328 = arith.muli %add3A_326, %mul3A_327 : i32
          %add3A_329 = vector.broadcast %mul3A_328 : i32 to vector<16xi32>
          %add3A_330 = arith.addi %add3A_329, %iota3A : vector<16xi32>
          tpu.vector_store_idx %arg10[%sub3A_322], %add3A_330 masked %and3A_256 : memref<5072xi32, #tpu.memory_space<vmem>>[vector<16xi32>], vector<16xi32>, vector<16xi1>
          %broadcast_in_dim3A_331 = vector.shape_cast %broadcast_in_dim3A_26 : vector<16xi32> to vector<16x1xi32>
          %gather3A_332 = vector.shape_cast %broadcast_in_dim3A_331 : vector<16x1xi32> to vector<16xi32>
          %gather3A_333 = tpu.dynamic_gather %cumsum3A_264[%gather3A_332] in [0] : vector<16xi32>, vector<16xi32> -> vector<16xi32>
          %add3A_334 = arith.addi %add3A_318, %gather3A_333 : vector<16xi32>
          %add3A_335 = arith.addi %add3A_334, %cumsum3A_287 : vector<16xi32>
          %sub3A_336 = arith.constant 1 : i32
          %sub3A_337 = vector.broadcast %sub3A_336 : i32 to vector<16xi32>
          %sub3A_338 = arith.subi %add3A_335, %sub3A_337 : vector<16xi32>
          tpu.vector_store_idx %arg9[%sub3A_338], %get3A_272 masked %and3A_279 : memref<5072xf32, #tpu.memory_space<vmem>>[vector<16xi32>], vector<16xf32>, vector<16xi1>
          %mul3A_339 = arith.constant 4 : i32
          %mul3A_340 = arith.muli %scan3A_198, %mul3A_339 : i32
          %add3A_341 = arith.constant 3 : i32
          %add3A_342 = arith.addi %mul3A_340, %add3A_341 : i32
          %mul3A_343 = arith.constant 16 : i32
          %mul3A_344 = arith.muli %add3A_342, %mul3A_343 : i32
          %add3A_345 = vector.broadcast %mul3A_344 : i32 to vector<16xi32>
          %add3A_346 = arith.addi %add3A_345, %iota3A : vector<16xi32>
          tpu.vector_store_idx %arg10[%sub3A_338], %add3A_346 masked %and3A_279 : memref<5072xi32, #tpu.memory_space<vmem>>[vector<16xi32>], vector<16xi32>, vector<16xi1>
          %broadcast_in_dim3A_347 = vector.shape_cast %broadcast_in_dim3A_26 : vector<16xi32> to vector<16x1xi32>
          %gather3A_348 = vector.shape_cast %broadcast_in_dim3A_347 : vector<16x1xi32> to vector<16xi32>
          %gather3A_349 = tpu.dynamic_gather %cumsum3A_287[%gather3A_348] in [0] : vector<16xi32>, vector<16xi32> -> vector<16xi32>
          %add3A_350 = arith.addi %add3A_334, %gather3A_349 : vector<16xi32>
          scf.yield %add3A_350 : vector<16xi32>
        }
        %scan3A_162 = arith.constant 79 : i32
        %reduce_max3A_163 = arith.constant true
        %reduce_max3A_164 = vector.broadcast %reduce_max3A_163 : i1 to vector<16xi1>
        %reduce_max3A_165 = arith.constant -2147483648 : i32
        %reduce_max3A_166 = vector.broadcast %reduce_max3A_165 : i32 to vector<16xi32>
        %reduce_max3A_167 = arith.xori %scan3A_161, %reduce_max3A_166 : vector<16xi32>
        %reduce_max3A_168 = tpu.scan <max>, %reduce_max3A_167 masked %reduce_max3A_164 : vector<16xi32>, vector<16xi1> -> vector<16xi32>
        %reduce_max3A_169 = arith.xori %reduce_max3A_168, %reduce_max3A_166 : vector<16xi32>
        %reduce_max3A_170 = vector.extract %reduce_max3A_169[15] : i32 from vector<16xi32>
        %broadcast_in_dim3A_171 = vector.broadcast %reduce_max3A_170 : i32 to vector<16xi32>
        %add3A = arith.addi %broadcast_in_dim3A_171, %iota3A : vector<16xi32>
        tpu.vector_store_idx %arg9[%add3A], %broadcast_in_dim3A_22 : memref<5072xf32, #tpu.memory_space<vmem>>[vector<16xi32>], vector<16xf32>,
        %add3A_172 = arith.constant 16 : i32
        %add3A_173 = arith.addi %reduce_max3A_170, %add3A_172 : i32
        %sub3A_174 = arith.constant 1 : i32
        %sub3A_175 = arith.subi %add3A_173, %sub3A_174 : i32
        %jit3A = arith.constant 16 : i32
        %div3A = arith.divsi %sub3A_175, %jit3A : i32
        %sign3A = arith.constant 0 : i32
        %sign3A_176 = arith.cmpi sgt, %sub3A_175, %sign3A : i32
        %sign3A_177 = arith.extui %sign3A_176 : i1 to i32
        %sign3A_178 = arith.constant 0 : i32
        %sign3A_179 = arith.cmpi slt, %sub3A_175, %sign3A_178 : i32
        %sign3A_180 = arith.extui %sign3A_179 : i1 to i32
        %sign3A_181 = arith.subi %sign3A_177, %sign3A_180 : i32
        %sign3A_182 = arith.constant 0 : i32
        %sign3A_183 = arith.cmpi sgt, %jit3A, %sign3A_182 : i32
        %sign3A_184 = arith.extui %sign3A_183 : i1 to i32
        %sign3A_185 = arith.constant 0 : i32
        %sign3A_186 = arith.cmpi slt, %jit3A, %sign3A_185 : i32
        %sign3A_187 = arith.extui %sign3A_186 : i1 to i32
        %sign3A_188 = arith.subi %sign3A_184, %sign3A_187 : i32
        %ne3A = arith.cmpi ne, %sign3A_181, %sign3A_188 : i32
        %rem3A = arith.remsi %sub3A_175, %jit3A : i32
        %ne3A_189 = arith.constant 0 : i32
        %ne3A_190 = arith.cmpi ne, %rem3A, %ne3A_189 : i32
        %and3A = arith.andi %ne3A, %ne3A_190 : i1
        %sub3A_191 = arith.constant 1 : i32
        %sub3A_192 = arith.subi %div3A, %sub3A_191 : i32
        %select_n3A = arith.select %and3A, %sub3A_192, %div3A : i32
        %le3A = arith.constant 16 : i32
        %le3A_193 = arith.cmpi sle, %select_n3A, %le3A : i32
        %convert_element_type3A_194 = arith.extui %le3A_193 : i1 to i32
        %cond3A_195 = arith.constant 0 : i32
        %cond3A_196 = arith.cmpi ne, %convert_element_type3A_194, %cond3A_195 : i32
        %cond3A_197 = scf.if %cond3A_196 -> (i32) {
          %while3A_198 = arith.constant 0 : i32
          %while3A_199 = arith.subi %select_n3A, %while3A_198 : i32
          %while3A_200 = arith.addi %while3A_198, %while3A_199 : i32
          %while3A_201 = arith.constant 1 : i32
          %while3A_202 = arith.divsi %while3A_199, %while3A_201 : i32
          %while3A_203 = arith.muli %while3A_202, %while3A_201 : i32
          %while3A_204 = arith.addi %while3A_198, %while3A_203 : i32
          %while3A_205 = arith.constant 1 : i32
          %while3A_206 = scf.for %while3A_212 = %while3A_198 to %while3A_204 step %while3A_205 iter_args(%while3A_213 = %broadcast_in_dim3A_22) -> (vector<16xf32>)  : i32 {
            %mul3A = arith.constant 16 : i32
            %mul3A_214 = arith.muli %while3A_212, %mul3A : i32
            %get3A = arith.index_cast %mul3A_214 : i32 to index
            %get3A_215 = tpu.vector_load %arg9[%get3A] {strides = array<i32>} : memref<5072xf32, #tpu.memory_space<vmem>>, vector<16xf32>,
            %xor3A = arith.constant 1 : i32
            %xor3A_216 = vector.broadcast %xor3A : i32 to vector<16xi32>
            %xor3A_217 = arith.xori %iota3A, %xor3A_216 : vector<16xi32>
            %broadcast_in_dim3A_218 = vector.shape_cast %xor3A_217 : vector<16xi32> to vector<16x1xi32>
            %gather3A = vector.shape_cast %broadcast_in_dim3A_218 : vector<16x1xi32> to vector<16xi32>
            %gather3A_219 = tpu.dynamic_gather %get3A_215[%gather3A] in [0] : vector<16xf32>, vector<16xi32> -> vector<16xf32>
            %max3A = arith.maximumf %get3A_215, %gather3A_219 : vector<16xf32>
            %xor3A_220 = arith.constant 2 : i32
            %xor3A_221 = vector.broadcast %xor3A_220 : i32 to vector<16xi32>
            %xor3A_222 = arith.xori %iota3A, %xor3A_221 : vector<16xi32>
            %broadcast_in_dim3A_223 = vector.shape_cast %xor3A_222 : vector<16xi32> to vector<16x1xi32>
            %gather3A_224 = vector.shape_cast %broadcast_in_dim3A_223 : vector<16x1xi32> to vector<16xi32>
            %gather3A_225 = tpu.dynamic_gather %max3A[%gather3A_224] in [0] : vector<16xf32>, vector<16xi32> -> vector<16xf32>
            %max3A_226 = arith.maximumf %max3A, %gather3A_225 : vector<16xf32>
            %xor3A_227 = arith.constant 4 : i32
            %xor3A_228 = vector.broadcast %xor3A_227 : i32 to vector<16xi32>
            %xor3A_229 = arith.xori %iota3A, %xor3A_228 : vector<16xi32>
            %broadcast_in_dim3A_230 = vector.shape_cast %xor3A_229 : vector<16xi32> to vector<16x1xi32>
            %gather3A_231 = vector.shape_cast %broadcast_in_dim3A_230 : vector<16x1xi32> to vector<16xi32>
            %gather3A_232 = tpu.dynamic_gather %max3A_226[%gather3A_231] in [0] : vector<16xf32>, vector<16xi32> -> vector<16xf32>
            %max3A_233 = arith.maximumf %max3A_226, %gather3A_232 : vector<16xf32>
            %xor3A_234 = arith.constant 8 : i32
            %xor3A_235 = vector.broadcast %xor3A_234 : i32 to vector<16xi32>
            %xor3A_236 = arith.xori %iota3A, %xor3A_235 : vector<16xi32>
            %broadcast_in_dim3A_237 = vector.shape_cast %xor3A_236 : vector<16xi32> to vector<16x1xi32>
            %gather3A_238 = vector.shape_cast %broadcast_in_dim3A_237 : vector<16x1xi32> to vector<16xi32>
            %gather3A_239 = tpu.dynamic_gather %max3A_233[%gather3A_238] in [0] : vector<16xf32>, vector<16xi32> -> vector<16xf32>
            %max3A_240 = arith.maximumf %max3A_233, %gather3A_239 : vector<16xf32>
            %eq3A_241 = vector.broadcast %while3A_212 : i32 to vector<16xi32>
            %eq3A_242 = arith.cmpi eq, %iota3A, %eq3A_241 : vector<16xi32>
            %select_n3A_243 = arith.select %eq3A_242, %max3A_240, %while3A_213 : vector<16xi1>, vector<16xf32>
            scf.yield %select_n3A_243 : vector<16xf32>
          }
          %while3A_207 = arith.constant 1 : i32
          %while3A_208 = scf.for %while3A_212 = %while3A_204 to %while3A_200 step %while3A_207 iter_args(%while3A_213 = %while3A_206) -> (vector<16xf32>)  : i32 {
            %mul3A = arith.constant 16 : i32
            %mul3A_214 = arith.muli %while3A_212, %mul3A : i32
            %get3A = arith.index_cast %mul3A_214 : i32 to index
            %get3A_215 = tpu.vector_load %arg9[%get3A] {strides = array<i32>} : memref<5072xf32, #tpu.memory_space<vmem>>, vector<16xf32>,
            %xor3A = arith.constant 1 : i32
            %xor3A_216 = vector.broadcast %xor3A : i32 to vector<16xi32>
            %xor3A_217 = arith.xori %iota3A, %xor3A_216 : vector<16xi32>
            %broadcast_in_dim3A_218 = vector.shape_cast %xor3A_217 : vector<16xi32> to vector<16x1xi32>
            %gather3A = vector.shape_cast %broadcast_in_dim3A_218 : vector<16x1xi32> to vector<16xi32>
            %gather3A_219 = tpu.dynamic_gather %get3A_215[%gather3A] in [0] : vector<16xf32>, vector<16xi32> -> vector<16xf32>
            %max3A = arith.maximumf %get3A_215, %gather3A_219 : vector<16xf32>
            %xor3A_220 = arith.constant 2 : i32
            %xor3A_221 = vector.broadcast %xor3A_220 : i32 to vector<16xi32>
            %xor3A_222 = arith.xori %iota3A, %xor3A_221 : vector<16xi32>
            %broadcast_in_dim3A_223 = vector.shape_cast %xor3A_222 : vector<16xi32> to vector<16x1xi32>
            %gather3A_224 = vector.shape_cast %broadcast_in_dim3A_223 : vector<16x1xi32> to vector<16xi32>
            %gather3A_225 = tpu.dynamic_gather %max3A[%gather3A_224] in [0] : vector<16xf32>, vector<16xi32> -> vector<16xf32>
            %max3A_226 = arith.maximumf %max3A, %gather3A_225 : vector<16xf32>
            %xor3A_227 = arith.constant 4 : i32
            %xor3A_228 = vector.broadcast %xor3A_227 : i32 to vector<16xi32>
            %xor3A_229 = arith.xori %iota3A, %xor3A_228 : vector<16xi32>
            %broadcast_in_dim3A_230 = vector.shape_cast %xor3A_229 : vector<16xi32> to vector<16x1xi32>
            %gather3A_231 = vector.shape_cast %broadcast_in_dim3A_230 : vector<16x1xi32> to vector<16xi32>
            %gather3A_232 = tpu.dynamic_gather %max3A_226[%gather3A_231] in [0] : vector<16xf32>, vector<16xi32> -> vector<16xf32>
            %max3A_233 = arith.maximumf %max3A_226, %gather3A_232 : vector<16xf32>
            %xor3A_234 = arith.constant 8 : i32
            %xor3A_235 = vector.broadcast %xor3A_234 : i32 to vector<16xi32>
            %xor3A_236 = arith.xori %iota3A, %xor3A_235 : vector<16xi32>
            %broadcast_in_dim3A_237 = vector.shape_cast %xor3A_236 : vector<16xi32> to vector<16x1xi32>
            %gather3A_238 = vector.shape_cast %broadcast_in_dim3A_237 : vector<16x1xi32> to vector<16xi32>
            %gather3A_239 = tpu.dynamic_gather %max3A_233[%gather3A_238] in [0] : vector<16xf32>, vector<16xi32> -> vector<16xf32>
            %max3A_240 = arith.maximumf %max3A_233, %gather3A_239 : vector<16xf32>
            %eq3A_241 = vector.broadcast %while3A_212 : i32 to vector<16xi32>
            %eq3A_242 = arith.cmpi eq, %iota3A, %eq3A_241 : vector<16xi32>
            %select_n3A_243 = arith.select %eq3A_242, %max3A_240, %while3A_213 : vector<16xi1>, vector<16xf32>
            scf.yield %select_n3A_243 : vector<16xf32>
          }
          %broadcast_in_dim3A_209 = vector.broadcast %while3A_153 : i32 to vector<16xi32>
          %while3A_210 = arith.constant 0 : i32
          %while3A_211:4 = scf.while (%while3A_212 = %while3A_210, %while3A_213 = %while3A_153, %while3A_214 = %broadcast_in_dim3A_209, %while3A_215 = %while3A_208) : (i32, i32, vector<16xi32>, vector<16xf32>) -> (i32, i32, vector<16xi32>, vector<16xf32>) {
            %lt3A_216 = arith.cmpi slt, %while3A_212, %reduce_max3A_170 : i32
            %lt3A_217 = arith.constant 100 : i32
            %lt3A_218 = arith.cmpi slt, %while3A_213, %lt3A_217 : i32
            %and3A_219 = arith.andi %lt3A_216, %lt3A_218 : i1
            scf.condition(%and3A_219) %while3A_212, %while3A_213, %while3A_214, %while3A_215 : i32, i32, vector<16xi32>, vector<16xf32>
          } do {
          ^bb0(%while3A_212: i32, %while3A_213: i32, %while3A_214: vector<16xi32>, %while3A_215: vector<16xf32>):
            %add3A_216 = arith.constant 4 : i32
            %add3A_217 = arith.addi %while3A_213, %add3A_216 : i32
            %add3A_218 = arith.constant 16 : i32
            %add3A_219 = arith.addi %add3A_217, %add3A_218 : i32
            %sub3A_220 = arith.constant 1 : i32
            %sub3A_221 = arith.subi %add3A_219, %sub3A_220 : i32
            %jit3A_222 = arith.constant 16 : i32
            %div3A_223 = arith.divsi %sub3A_221, %jit3A_222 : i32
            %sign3A_224 = arith.constant 0 : i32
            %sign3A_225 = arith.cmpi sgt, %sub3A_221, %sign3A_224 : i32
            %sign3A_226 = arith.extui %sign3A_225 : i1 to i32
            %sign3A_227 = arith.constant 0 : i32
            %sign3A_228 = arith.cmpi slt, %sub3A_221, %sign3A_227 : i32
            %sign3A_229 = arith.extui %sign3A_228 : i1 to i32
            %sign3A_230 = arith.subi %sign3A_226, %sign3A_229 : i32
            %sign3A_231 = arith.constant 0 : i32
            %sign3A_232 = arith.cmpi sgt, %jit3A_222, %sign3A_231 : i32
            %sign3A_233 = arith.extui %sign3A_232 : i1 to i32
            %sign3A_234 = arith.constant 0 : i32
            %sign3A_235 = arith.cmpi slt, %jit3A_222, %sign3A_234 : i32
            %sign3A_236 = arith.extui %sign3A_235 : i1 to i32
            %sign3A_237 = arith.subi %sign3A_233, %sign3A_236 : i32
            %ne3A_238 = arith.cmpi ne, %sign3A_230, %sign3A_237 : i32
            %rem3A_239 = arith.remsi %sub3A_221, %jit3A_222 : i32
            %ne3A_240 = arith.constant 0 : i32
            %ne3A_241 = arith.cmpi ne, %rem3A_239, %ne3A_240 : i32
            %and3A_242 = arith.andi %ne3A_238, %ne3A_241 : i1
            %sub3A_243 = arith.constant 1 : i32
            %sub3A_244 = arith.subi %div3A_223, %sub3A_243 : i32
            %select_n3A_245 = arith.select %and3A_242, %sub3A_244, %div3A_223 : i32
            %xor3A = arith.constant 1 : i32
            %xor3A_246 = vector.broadcast %xor3A : i32 to vector<16xi32>
            %xor3A_247 = arith.xori %iota3A, %xor3A_246 : vector<16xi32>
            %broadcast_in_dim3A_248 = vector.shape_cast %xor3A_247 : vector<16xi32> to vector<16x1xi32>
            %gather3A = vector.shape_cast %broadcast_in_dim3A_248 : vector<16x1xi32> to vector<16xi32>
            %gather3A_249 = tpu.dynamic_gather %while3A_215[%gather3A] in [0] : vector<16xf32>, vector<16xi32> -> vector<16xf32>
            %max3A = arith.maximumf %while3A_215, %gather3A_249 : vector<16xf32>
            %xor3A_250 = arith.constant 2 : i32
            %xor3A_251 = vector.broadcast %xor3A_250 : i32 to vector<16xi32>
            %xor3A_252 = arith.xori %iota3A, %xor3A_251 : vector<16xi32>
            %broadcast_in_dim3A_253 = vector.shape_cast %xor3A_252 : vector<16xi32> to vector<16x1xi32>
            %gather3A_254 = vector.shape_cast %broadcast_in_dim3A_253 : vector<16x1xi32> to vector<16xi32>
            %gather3A_255 = tpu.dynamic_gather %max3A[%gather3A_254] in [0] : vector<16xf32>, vector<16xi32> -> vector<16xf32>
            %max3A_256 = arith.maximumf %max3A, %gather3A_255 : vector<16xf32>
            %xor3A_257 = arith.constant 4 : i32
            %xor3A_258 = vector.broadcast %xor3A_257 : i32 to vector<16xi32>
            %xor3A_259 = arith.xori %iota3A, %xor3A_258 : vector<16xi32>
            %broadcast_in_dim3A_260 = vector.shape_cast %xor3A_259 : vector<16xi32> to vector<16x1xi32>
            %gather3A_261 = vector.shape_cast %broadcast_in_dim3A_260 : vector<16x1xi32> to vector<16xi32>
            %gather3A_262 = tpu.dynamic_gather %max3A_256[%gather3A_261] in [0] : vector<16xf32>, vector<16xi32> -> vector<16xf32>
            %max3A_263 = arith.maximumf %max3A_256, %gather3A_262 : vector<16xf32>
            %xor3A_264 = arith.constant 8 : i32
            %xor3A_265 = vector.broadcast %xor3A_264 : i32 to vector<16xi32>
            %xor3A_266 = arith.xori %iota3A, %xor3A_265 : vector<16xi32>
            %broadcast_in_dim3A_267 = vector.shape_cast %xor3A_266 : vector<16xi32> to vector<16x1xi32>
            %gather3A_268 = vector.shape_cast %broadcast_in_dim3A_267 : vector<16x1xi32> to vector<16xi32>
            %gather3A_269 = tpu.dynamic_gather %max3A_263[%gather3A_268] in [0] : vector<16xf32>, vector<16xi32> -> vector<16xf32>
            %max3A_270 = arith.maximumf %max3A_263, %gather3A_269 : vector<16xf32>
            %gt3A = arith.cmpf ogt, %max3A_270, %broadcast_in_dim3A_22 : vector<16xf32>
            %eq3A_271 = arith.cmpf oeq, %while3A_215, %max3A_270 : vector<16xf32>
            %all_reduce_ffs3A = tpu.all_reduce %eq3A_271 {dim = 0 : i64, kind = #tpu.reduction_kind<find_first_set>} : vector<16xi1> -> vector<16xi32>
            %mul3A = arith.constant 16 : i32
            %mul3A_272 = vector.broadcast %mul3A : i32 to vector<16xi32>
            %mul3A_273 = arith.muli %all_reduce_ffs3A, %mul3A_272 : vector<16xi32>
            %add3A_274 = arith.addi %mul3A_273, %iota3A : vector<16xi32>
            %gather3A_275 = tpu.vector_load_idx %arg9[%add3A_274] : memref<5072xf32, #tpu.memory_space<vmem>>[vector<16xi32>], vector<16xf32>,
            %eq3A_276 = arith.cmpf oeq, %gather3A_275, %max3A_270 : vector<16xf32>
            %all_reduce_ffs3A_277 = tpu.all_reduce %eq3A_276 {dim = 0 : i64, kind = #tpu.reduction_kind<find_first_set>} : vector<16xi1> -> vector<16xi32>
            %mul3A_278 = arith.constant 16 : i32
            %mul3A_279 = vector.broadcast %mul3A_278 : i32 to vector<16xi32>
            %mul3A_280 = arith.muli %all_reduce_ffs3A, %mul3A_279 : vector<16xi32>
            %add3A_281 = arith.addi %mul3A_280, %all_reduce_ffs3A_277 : vector<16xi32>
            %gather3A_282 = tpu.vector_load_idx %arg10[%add3A_281] : memref<5072xi32, #tpu.memory_space<vmem>>[vector<16xi32>], vector<16xi32>,
            %mul3A_283 = arith.constant 4 : i32
            %mul3A_284 = vector.broadcast %mul3A_283 : i32 to vector<16xi32>
            %mul3A_285 = arith.muli %gather3A_282, %mul3A_284 : vector<16xi32>
            %gather3A_286 = tpu.vector_load_idx %arg8[%mul3A_285] : memref<20000xf32, #tpu.memory_space<vmem>>[vector<16xi32>], vector<16xf32>,
            %add3A_287 = arith.constant 1 : i32
            %add3A_288 = vector.broadcast %add3A_287 : i32 to vector<16xi32>
            %add3A_289 = arith.addi %mul3A_285, %add3A_288 : vector<16xi32>
            %gather3A_290 = tpu.vector_load_idx %arg8[%add3A_289] : memref<20000xf32, #tpu.memory_space<vmem>>[vector<16xi32>], vector<16xf32>,
            %add3A_291 = arith.constant 2 : i32
            %add3A_292 = vector.broadcast %add3A_291 : i32 to vector<16xi32>
            %add3A_293 = arith.addi %mul3A_285, %add3A_292 : vector<16xi32>
            %gather3A_294 = tpu.vector_load_idx %arg8[%add3A_293] : memref<20000xf32, #tpu.memory_space<vmem>>[vector<16xi32>], vector<16xf32>,
            %add3A_295 = arith.constant 3 : i32
            %add3A_296 = vector.broadcast %add3A_295 : i32 to vector<16xi32>
            %add3A_297 = arith.addi %mul3A_285, %add3A_296 : vector<16xi32>
            %gather3A_298 = tpu.vector_load_idx %arg8[%add3A_297] : memref<20000xf32, #tpu.memory_space<vmem>>[vector<16xi32>], vector<16xf32>,
            %sub3A_299 = arith.subf %gather3A_294, %gather3A_286 : vector<16xf32>
            %sub3A_300 = arith.subf %gather3A_298, %gather3A_290 : vector<16xf32>
            %mul3A_301 = arith.mulf %sub3A_299, %sub3A_300 : vector<16xf32>
            %add3A_302 = arith.constant 1 : i32
            %add3A_303 = arith.addi %select_n3A_245, %add3A_302 : i32
            %jit3A_304 = arith.constant 2 : i32
            %div3A_305 = arith.divsi %add3A_303, %jit3A_304 : i32
            %sign3A_306 = arith.constant 0 : i32
            %sign3A_307 = arith.cmpi sgt, %add3A_303, %sign3A_306 : i32
            %sign3A_308 = arith.extui %sign3A_307 : i1 to i32
            %sign3A_309 = arith.constant 0 : i32
            %sign3A_310 = arith.cmpi slt, %add3A_303, %sign3A_309 : i32
            %sign3A_311 = arith.extui %sign3A_310 : i1 to i32
            %sign3A_312 = arith.subi %sign3A_308, %sign3A_311 : i32
            %sign3A_313 = arith.constant 0 : i32
            %sign3A_314 = arith.cmpi sgt, %jit3A_304, %sign3A_313 : i32
            %sign3A_315 = arith.extui %sign3A_314 : i1 to i32
            %sign3A_316 = arith.constant 0 : i32
            %sign3A_317 = arith.cmpi slt, %jit3A_304, %sign3A_316 : i32
            %sign3A_318 = arith.extui %sign3A_317 : i1 to i32
            %sign3A_319 = arith.subi %sign3A_315, %sign3A_318 : i32
            %ne3A_320 = arith.cmpi ne, %sign3A_312, %sign3A_319 : i32
            %rem3A_321 = arith.remsi %add3A_303, %jit3A_304 : i32
            %ne3A_322 = arith.constant 0 : i32
            %ne3A_323 = arith.cmpi ne, %rem3A_321, %ne3A_322 : i32
            %and3A_324 = arith.andi %ne3A_320, %ne3A_323 : i1
            %sub3A_325 = arith.constant 1 : i32
            %sub3A_326 = arith.subi %div3A_305, %sub3A_325 : i32
            %select_n3A_327 = arith.select %and3A_324, %sub3A_326, %div3A_305 : i32
            %while3A_328 = arith.constant 0 : i32
            %while3A_329 = arith.subi %select_n3A_327, %while3A_328 : i32
            %while3A_330 = arith.addi %while3A_328, %while3A_329 : i32
            %while3A_331 = arith.constant 1 : i32
            %while3A_332 = arith.divsi %while3A_329, %while3A_331 : i32
            %while3A_333 = arith.muli %while3A_332, %while3A_331 : i32
            %while3A_334 = arith.addi %while3A_328, %while3A_333 : i32
            %while3A_335 = arith.constant 1 : i32
            %while3A_336 = scf.for %while3A_961 = %while3A_328 to %while3A_334 step %while3A_335 iter_args(%while3A_962 = %broadcast_in_dim3A_16) -> (vector<16xf32>)  : i32 {
              %mul3A_963 = arith.constant 2 : i32
              %mul3A_964 = arith.muli %mul3A_963, %while3A_961 : i32
              %add3A_965 = arith.constant 0 : i32
              %add3A_966 = arith.addi %mul3A_964, %add3A_965 : i32
              %mul3A_967 = arith.constant 16 : i32
              %mul3A_968 = arith.muli %add3A_966, %mul3A_967 : i32
              %get3A = arith.index_cast %mul3A_968 : i32 to index
              %get3A_969 = tpu.vector_load %arg13[%get3A] {strides = array<i32>} : memref<128xf32, #tpu.memory_space<vmem>>, vector<16xf32>,
              %max3A_970 = arith.maximumf %get3A_969, %gather3A_286 : vector<16xf32>
              %get3A_971 = arith.index_cast %mul3A_968 : i32 to index
              %get3A_972 = tpu.vector_load %arg14[%get3A_971] {strides = array<i32>} : memref<128xf32, #tpu.memory_space<vmem>>, vector<16xf32>,
              %max3A_973 = arith.maximumf %get3A_972, %gather3A_290 : vector<16xf32>
              %get3A_974 = arith.index_cast %mul3A_968 : i32 to index
              %get3A_975 = tpu.vector_load %arg15[%get3A_974] {strides = array<i32>} : memref<128xf32, #tpu.memory_space<vmem>>, vector<16xf32>,
              %min3A = arith.minimumf %get3A_975, %gather3A_294 : vector<16xf32>
              %get3A_976 = arith.index_cast %mul3A_968 : i32 to index
              %get3A_977 = tpu.vector_load %arg16[%get3A_976] {strides = array<i32>} : memref<128xf32, #tpu.memory_space<vmem>>, vector<16xf32>,
              %min3A_978 = arith.minimumf %get3A_977, %gather3A_298 : vector<16xf32>
              %sub3A_979 = arith.subf %min3A, %max3A_970 : vector<16xf32>
              %max3A_980 = arith.constant 0.000000e+00 : f32
              %max3A_981 = vector.broadcast %max3A_980 : f32 to vector<16xf32>
              %max3A_982 = arith.maximumf %sub3A_979, %max3A_981 : vector<16xf32>
              %sub3A_983 = arith.subf %min3A_978, %max3A_973 : vector<16xf32>
              %max3A_984 = arith.constant 0.000000e+00 : f32
              %max3A_985 = vector.broadcast %max3A_984 : f32 to vector<16xf32>
              %max3A_986 = arith.maximumf %sub3A_983, %max3A_985 : vector<16xf32>
              %mul3A_987 = arith.mulf %max3A_982, %max3A_986 : vector<16xf32>
              %get3A_988 = arith.index_cast %mul3A_968 : i32 to index
              %get3A_989 = tpu.vector_load %arg17[%get3A_988] {strides = array<i32>} : memref<128xf32, #tpu.memory_space<vmem>>, vector<16xf32>,
              %add3A_990 = arith.addf %get3A_989, %mul3A_301 : vector<16xf32>
              %sub3A_991 = arith.subf %add3A_990, %mul3A_987 : vector<16xf32>
              %div3A_992 = arith.divf %mul3A_987, %sub3A_991 : vector<16xf32>
              %max3A_993 = arith.maximumf %while3A_962, %div3A_992 : vector<16xf32>
              %mul3A_994 = arith.constant 2 : i32
              %mul3A_995 = arith.muli %mul3A_994, %while3A_961 : i32
              %add3A_996 = arith.constant 1 : i32
              %add3A_997 = arith.addi %mul3A_995, %add3A_996 : i32
              %mul3A_998 = arith.constant 16 : i32
              %mul3A_999 = arith.muli %add3A_997, %mul3A_998 : i32
              %get3A_1000 = arith.index_cast %mul3A_999 : i32 to index
              %get3A_1001 = tpu.vector_load %arg13[%get3A_1000] {strides = array<i32>} : memref<128xf32, #tpu.memory_space<vmem>>, vector<16xf32>,
              %max3A_1002 = arith.maximumf %get3A_1001, %gather3A_286 : vector<16xf32>
              %get3A_1003 = arith.index_cast %mul3A_999 : i32 to index
              %get3A_1004 = tpu.vector_load %arg14[%get3A_1003] {strides = array<i32>} : memref<128xf32, #tpu.memory_space<vmem>>, vector<16xf32>,
              %max3A_1005 = arith.maximumf %get3A_1004, %gather3A_290 : vector<16xf32>
              %get3A_1006 = arith.index_cast %mul3A_999 : i32 to index
              %get3A_1007 = tpu.vector_load %arg15[%get3A_1006] {strides = array<i32>} : memref<128xf32, #tpu.memory_space<vmem>>, vector<16xf32>,
              %min3A_1008 = arith.minimumf %get3A_1007, %gather3A_294 : vector<16xf32>
              %get3A_1009 = arith.index_cast %mul3A_999 : i32 to index
              %get3A_1010 = tpu.vector_load %arg16[%get3A_1009] {strides = array<i32>} : memref<128xf32, #tpu.memory_space<vmem>>, vector<16xf32>,
              %min3A_1011 = arith.minimumf %get3A_1010, %gather3A_298 : vector<16xf32>
              %sub3A_1012 = arith.subf %min3A_1008, %max3A_1002 : vector<16xf32>
              %max3A_1013 = arith.constant 0.000000e+00 : f32
              %max3A_1014 = vector.broadcast %max3A_1013 : f32 to vector<16xf32>
              %max3A_1015 = arith.maximumf %sub3A_1012, %max3A_1014 : vector<16xf32>
              %sub3A_1016 = arith.subf %min3A_1011, %max3A_1005 : vector<16xf32>
              %max3A_1017 = arith.constant 0.000000e+00 : f32
              %max3A_1018 = vector.broadcast %max3A_1017 : f32 to vector<16xf32>
              %max3A_1019 = arith.maximumf %sub3A_1016, %max3A_1018 : vector<16xf32>
              %mul3A_1020 = arith.mulf %max3A_1015, %max3A_1019 : vector<16xf32>
              %get3A_1021 = arith.index_cast %mul3A_999 : i32 to index
              %get3A_1022 = tpu.vector_load %arg17[%get3A_1021] {strides = array<i32>} : memref<128xf32, #tpu.memory_space<vmem>>, vector<16xf32>,
              %add3A_1023 = arith.addf %get3A_1022, %mul3A_301 : vector<16xf32>
              %sub3A_1024 = arith.subf %add3A_1023, %mul3A_1020 : vector<16xf32>
              %div3A_1025 = arith.divf %mul3A_1020, %sub3A_1024 : vector<16xf32>
              %max3A_1026 = arith.maximumf %max3A_993, %div3A_1025 : vector<16xf32>
              scf.yield %max3A_1026 : vector<16xf32>
            }
            %while3A_337 = arith.constant 1 : i32
            %while3A_338 = scf.for %while3A_961 = %while3A_334 to %while3A_330 step %while3A_337 iter_args(%while3A_962 = %while3A_336) -> (vector<16xf32>)  : i32 {
              %mul3A_963 = arith.constant 2 : i32
              %mul3A_964 = arith.muli %mul3A_963, %while3A_961 : i32
              %add3A_965 = arith.constant 0 : i32
              %add3A_966 = arith.addi %mul3A_964, %add3A_965 : i32
              %mul3A_967 = arith.constant 16 : i32
              %mul3A_968 = arith.muli %add3A_966, %mul3A_967 : i32
              %get3A = arith.index_cast %mul3A_968 : i32 to index
              %get3A_969 = tpu.vector_load %arg13[%get3A] {strides = array<i32>} : memref<128xf32, #tpu.memory_space<vmem>>, vector<16xf32>,
              %max3A_970 = arith.maximumf %get3A_969, %gather3A_286 : vector<16xf32>
              %get3A_971 = arith.index_cast %mul3A_968 : i32 to index
              %get3A_972 = tpu.vector_load %arg14[%get3A_971] {strides = array<i32>} : memref<128xf32, #tpu.memory_space<vmem>>, vector<16xf32>,
              %max3A_973 = arith.maximumf %get3A_972, %gather3A_290 : vector<16xf32>
              %get3A_974 = arith.index_cast %mul3A_968 : i32 to index
              %get3A_975 = tpu.vector_load %arg15[%get3A_974] {strides = array<i32>} : memref<128xf32, #tpu.memory_space<vmem>>, vector<16xf32>,
              %min3A = arith.minimumf %get3A_975, %gather3A_294 : vector<16xf32>
              %get3A_976 = arith.index_cast %mul3A_968 : i32 to index
              %get3A_977 = tpu.vector_load %arg16[%get3A_976] {strides = array<i32>} : memref<128xf32, #tpu.memory_space<vmem>>, vector<16xf32>,
              %min3A_978 = arith.minimumf %get3A_977, %gather3A_298 : vector<16xf32>
              %sub3A_979 = arith.subf %min3A, %max3A_970 : vector<16xf32>
              %max3A_980 = arith.constant 0.000000e+00 : f32
              %max3A_981 = vector.broadcast %max3A_980 : f32 to vector<16xf32>
              %max3A_982 = arith.maximumf %sub3A_979, %max3A_981 : vector<16xf32>
              %sub3A_983 = arith.subf %min3A_978, %max3A_973 : vector<16xf32>
              %max3A_984 = arith.constant 0.000000e+00 : f32
              %max3A_985 = vector.broadcast %max3A_984 : f32 to vector<16xf32>
              %max3A_986 = arith.maximumf %sub3A_983, %max3A_985 : vector<16xf32>
              %mul3A_987 = arith.mulf %max3A_982, %max3A_986 : vector<16xf32>
              %get3A_988 = arith.index_cast %mul3A_968 : i32 to index
              %get3A_989 = tpu.vector_load %arg17[%get3A_988] {strides = array<i32>} : memref<128xf32, #tpu.memory_space<vmem>>, vector<16xf32>,
              %add3A_990 = arith.addf %get3A_989, %mul3A_301 : vector<16xf32>
              %sub3A_991 = arith.subf %add3A_990, %mul3A_987 : vector<16xf32>
              %div3A_992 = arith.divf %mul3A_987, %sub3A_991 : vector<16xf32>
              %max3A_993 = arith.maximumf %while3A_962, %div3A_992 : vector<16xf32>
              %mul3A_994 = arith.constant 2 : i32
              %mul3A_995 = arith.muli %mul3A_994, %while3A_961 : i32
              %add3A_996 = arith.constant 1 : i32
              %add3A_997 = arith.addi %mul3A_995, %add3A_996 : i32
              %mul3A_998 = arith.constant 16 : i32
              %mul3A_999 = arith.muli %add3A_997, %mul3A_998 : i32
              %get3A_1000 = arith.index_cast %mul3A_999 : i32 to index
              %get3A_1001 = tpu.vector_load %arg13[%get3A_1000] {strides = array<i32>} : memref<128xf32, #tpu.memory_space<vmem>>, vector<16xf32>,
              %max3A_1002 = arith.maximumf %get3A_1001, %gather3A_286 : vector<16xf32>
              %get3A_1003 = arith.index_cast %mul3A_999 : i32 to index
              %get3A_1004 = tpu.vector_load %arg14[%get3A_1003] {strides = array<i32>} : memref<128xf32, #tpu.memory_space<vmem>>, vector<16xf32>,
              %max3A_1005 = arith.maximumf %get3A_1004, %gather3A_290 : vector<16xf32>
              %get3A_1006 = arith.index_cast %mul3A_999 : i32 to index
              %get3A_1007 = tpu.vector_load %arg15[%get3A_1006] {strides = array<i32>} : memref<128xf32, #tpu.memory_space<vmem>>, vector<16xf32>,
              %min3A_1008 = arith.minimumf %get3A_1007, %gather3A_294 : vector<16xf32>
              %get3A_1009 = arith.index_cast %mul3A_999 : i32 to index
              %get3A_1010 = tpu.vector_load %arg16[%get3A_1009] {strides = array<i32>} : memref<128xf32, #tpu.memory_space<vmem>>, vector<16xf32>,
              %min3A_1011 = arith.minimumf %get3A_1010, %gather3A_298 : vector<16xf32>
              %sub3A_1012 = arith.subf %min3A_1008, %max3A_1002 : vector<16xf32>
              %max3A_1013 = arith.constant 0.000000e+00 : f32
              %max3A_1014 = vector.broadcast %max3A_1013 : f32 to vector<16xf32>
              %max3A_1015 = arith.maximumf %sub3A_1012, %max3A_1014 : vector<16xf32>
              %sub3A_1016 = arith.subf %min3A_1011, %max3A_1005 : vector<16xf32>
              %max3A_1017 = arith.constant 0.000000e+00 : f32
              %max3A_1018 = vector.broadcast %max3A_1017 : f32 to vector<16xf32>
              %max3A_1019 = arith.maximumf %sub3A_1016, %max3A_1018 : vector<16xf32>
              %mul3A_1020 = arith.mulf %max3A_1015, %max3A_1019 : vector<16xf32>
              %get3A_1021 = arith.index_cast %mul3A_999 : i32 to index
              %get3A_1022 = tpu.vector_load %arg17[%get3A_1021] {strides = array<i32>} : memref<128xf32, #tpu.memory_space<vmem>>, vector<16xf32>,
              %add3A_1023 = arith.addf %get3A_1022, %mul3A_301 : vector<16xf32>
              %sub3A_1024 = arith.subf %add3A_1023, %mul3A_1020 : vector<16xf32>
              %div3A_1025 = arith.divf %mul3A_1020, %sub3A_1024 : vector<16xf32>
              %max3A_1026 = arith.maximumf %max3A_993, %div3A_1025 : vector<16xf32>
              scf.yield %max3A_1026 : vector<16xf32>
            }
            %xor3A_339 = arith.constant 1 : i32
            %xor3A_340 = vector.broadcast %xor3A_339 : i32 to vector<16xi32>
            %xor3A_341 = arith.xori %iota3A, %xor3A_340 : vector<16xi32>
            %broadcast_in_dim3A_342 = vector.shape_cast %xor3A_341 : vector<16xi32> to vector<16x1xi32>
            %gather3A_343 = vector.shape_cast %broadcast_in_dim3A_342 : vector<16x1xi32> to vector<16xi32>
            %gather3A_344 = tpu.dynamic_gather %while3A_338[%gather3A_343] in [0] : vector<16xf32>, vector<16xi32> -> vector<16xf32>
            %max3A_345 = arith.maximumf %while3A_338, %gather3A_344 : vector<16xf32>
            %xor3A_346 = arith.constant 2 : i32
            %xor3A_347 = vector.broadcast %xor3A_346 : i32 to vector<16xi32>
            %xor3A_348 = arith.xori %iota3A, %xor3A_347 : vector<16xi32>
            %broadcast_in_dim3A_349 = vector.shape_cast %xor3A_348 : vector<16xi32> to vector<16x1xi32>
            %gather3A_350 = vector.shape_cast %broadcast_in_dim3A_349 : vector<16x1xi32> to vector<16xi32>
            %gather3A_351 = tpu.dynamic_gather %max3A_345[%gather3A_350] in [0] : vector<16xf32>, vector<16xi32> -> vector<16xf32>
            %max3A_352 = arith.maximumf %max3A_345, %gather3A_351 : vector<16xf32>
            %xor3A_353 = arith.constant 4 : i32
            %xor3A_354 = vector.broadcast %xor3A_353 : i32 to vector<16xi32>
            %xor3A_355 = arith.xori %iota3A, %xor3A_354 : vector<16xi32>
            %broadcast_in_dim3A_356 = vector.shape_cast %xor3A_355 : vector<16xi32> to vector<16x1xi32>
            %gather3A_357 = vector.shape_cast %broadcast_in_dim3A_356 : vector<16x1xi32> to vector<16xi32>
            %gather3A_358 = tpu.dynamic_gather %max3A_352[%gather3A_357] in [0] : vector<16xf32>, vector<16xi32> -> vector<16xf32>
            %max3A_359 = arith.maximumf %max3A_352, %gather3A_358 : vector<16xf32>
            %xor3A_360 = arith.constant 8 : i32
            %xor3A_361 = vector.broadcast %xor3A_360 : i32 to vector<16xi32>
            %xor3A_362 = arith.xori %iota3A, %xor3A_361 : vector<16xi32>
            %broadcast_in_dim3A_363 = vector.shape_cast %xor3A_362 : vector<16xi32> to vector<16x1xi32>
            %gather3A_364 = vector.shape_cast %broadcast_in_dim3A_363 : vector<16x1xi32> to vector<16xi32>
            %gather3A_365 = tpu.dynamic_gather %max3A_359[%gather3A_364] in [0] : vector<16xf32>, vector<16xi32> -> vector<16xf32>
            %max3A_366 = arith.maximumf %max3A_359, %gather3A_365 : vector<16xf32>
            %gt3A_367 = arith.constant 5.000000e-01 : f32
            %gt3A_368 = vector.broadcast %gt3A_367 : f32 to vector<16xf32>
            %gt3A_369 = arith.cmpf ogt, %max3A_366, %gt3A_368 : vector<16xf32>
            %not3A = arith.constant dense<true> : vector<16xi1>
            %not3A_370 = arith.xori %gt3A_369, %not3A : vector<16xi1>
            %and3A_371 = arith.andi %gt3A, %not3A_370 : vector<16xi1>
            %eq3A_372 = arith.constant 0 : i32
            %eq3A_373 = vector.broadcast %eq3A_372 : i32 to vector<16xi32>
            %eq3A_374 = arith.cmpi eq, %iota3A, %eq3A_373 : vector<16xi32>
            %and3A_375 = arith.andi %eq3A_374, %and3A_371 : vector<16xi1>
            tpu.vector_store_idx %arg11[%while3A_214], %max3A_270 masked %and3A_375 : memref<128xf32, #tpu.memory_space<vmem>>[vector<16xi32>], vector<16xf32>, vector<16xi1>
            tpu.vector_store_idx %arg12[%while3A_214], %gather3A_282 masked %and3A_375 : memref<128xi32, #tpu.memory_space<vmem>>[vector<16xi32>], vector<16xi32>, vector<16xi1>
            tpu.vector_store_idx %arg13[%while3A_214], %gather3A_286 masked %and3A_375 : memref<128xf32, #tpu.memory_space<vmem>>[vector<16xi32>], vector<16xf32>, vector<16xi1>
            tpu.vector_store_idx %arg14[%while3A_214], %gather3A_290 masked %and3A_375 : memref<128xf32, #tpu.memory_space<vmem>>[vector<16xi32>], vector<16xf32>, vector<16xi1>
            tpu.vector_store_idx %arg15[%while3A_214], %gather3A_294 masked %and3A_375 : memref<128xf32, #tpu.memory_space<vmem>>[vector<16xi32>], vector<16xf32>, vector<16xi1>
            tpu.vector_store_idx %arg16[%while3A_214], %gather3A_298 masked %and3A_375 : memref<128xf32, #tpu.memory_space<vmem>>[vector<16xi32>], vector<16xf32>, vector<16xi1>
            tpu.vector_store_idx %arg17[%while3A_214], %mul3A_301 masked %and3A_375 : memref<128xf32, #tpu.memory_space<vmem>>[vector<16xi32>], vector<16xf32>, vector<16xi1>
            %eq3A_376 = arith.constant 0 : i32
            %eq3A_377 = vector.broadcast %eq3A_376 : i32 to vector<16xi32>
            %eq3A_378 = arith.cmpi eq, %iota3A, %eq3A_377 : vector<16xi32>
            tpu.vector_store_idx %arg9[%add3A_281], %broadcast_in_dim3A_22 masked %eq3A_378 : memref<5072xf32, #tpu.memory_space<vmem>>[vector<16xi32>], vector<16xf32>, vector<16xi1>
            %eq3A_379 = arith.cmpi eq, %iota3A, %all_reduce_ffs3A_277 : vector<16xi32>
            %select_n3A_380 = arith.select %eq3A_379, %broadcast_in_dim3A_22, %gather3A_275 : vector<16xi1>, vector<16xf32>
            %eq3A_381 = arith.cmpi eq, %iota3A, %all_reduce_ffs3A : vector<16xi32>
            %xor3A_382 = arith.constant 1 : i32
            %xor3A_383 = vector.broadcast %xor3A_382 : i32 to vector<16xi32>
            %xor3A_384 = arith.xori %iota3A, %xor3A_383 : vector<16xi32>
            %broadcast_in_dim3A_385 = vector.shape_cast %xor3A_384 : vector<16xi32> to vector<16x1xi32>
            %gather3A_386 = vector.shape_cast %broadcast_in_dim3A_385 : vector<16x1xi32> to vector<16xi32>
            %gather3A_387 = tpu.dynamic_gather %select_n3A_380[%gather3A_386] in [0] : vector<16xf32>, vector<16xi32> -> vector<16xf32>
            %max3A_388 = arith.maximumf %select_n3A_380, %gather3A_387 : vector<16xf32>
            %xor3A_389 = arith.constant 2 : i32
            %xor3A_390 = vector.broadcast %xor3A_389 : i32 to vector<16xi32>
            %xor3A_391 = arith.xori %iota3A, %xor3A_390 : vector<16xi32>
            %broadcast_in_dim3A_392 = vector.shape_cast %xor3A_391 : vector<16xi32> to vector<16x1xi32>
            %gather3A_393 = vector.shape_cast %broadcast_in_dim3A_392 : vector<16x1xi32> to vector<16xi32>
            %gather3A_394 = tpu.dynamic_gather %max3A_388[%gather3A_393] in [0] : vector<16xf32>, vector<16xi32> -> vector<16xf32>
            %max3A_395 = arith.maximumf %max3A_388, %gather3A_394 : vector<16xf32>
            %xor3A_396 = arith.constant 4 : i32
            %xor3A_397 = vector.broadcast %xor3A_396 : i32 to vector<16xi32>
            %xor3A_398 = arith.xori %iota3A, %xor3A_397 : vector<16xi32>
            %broadcast_in_dim3A_399 = vector.shape_cast %xor3A_398 : vector<16xi32> to vector<16x1xi32>
            %gather3A_400 = vector.shape_cast %broadcast_in_dim3A_399 : vector<16x1xi32> to vector<16xi32>
            %gather3A_401 = tpu.dynamic_gather %max3A_395[%gather3A_400] in [0] : vector<16xf32>, vector<16xi32> -> vector<16xf32>
            %max3A_402 = arith.maximumf %max3A_395, %gather3A_401 : vector<16xf32>
            %xor3A_403 = arith.constant 8 : i32
            %xor3A_404 = vector.broadcast %xor3A_403 : i32 to vector<16xi32>
            %xor3A_405 = arith.xori %iota3A, %xor3A_404 : vector<16xi32>
            %broadcast_in_dim3A_406 = vector.shape_cast %xor3A_405 : vector<16xi32> to vector<16x1xi32>
            %gather3A_407 = vector.shape_cast %broadcast_in_dim3A_406 : vector<16x1xi32> to vector<16xi32>
            %gather3A_408 = tpu.dynamic_gather %max3A_402[%gather3A_407] in [0] : vector<16xf32>, vector<16xi32> -> vector<16xf32>
            %max3A_409 = arith.maximumf %max3A_402, %gather3A_408 : vector<16xf32>
            %select_n3A_410 = arith.select %eq3A_381, %max3A_409, %while3A_215 : vector<16xi1>, vector<16xf32>
            %jit3A_411 = arith.constant 1 : i32
            %jit3A_412 = arith.constant 0 : i32
            %broadcast_in_dim3A_413 = vector.broadcast %jit3A_411 : i32 to vector<16xi32>
            %broadcast_in_dim3A_414 = vector.broadcast %jit3A_412 : i32 to vector<16xi32>
            %select_n3A_415 = arith.select %and3A_371, %broadcast_in_dim3A_413, %broadcast_in_dim3A_414 : vector<16xi1>, vector<16xi32>
            %add3A_416 = arith.addi %while3A_214, %select_n3A_415 : vector<16xi32>
            %xor3A_417 = arith.constant 1 : i32
            %xor3A_418 = vector.broadcast %xor3A_417 : i32 to vector<16xi32>
            %xor3A_419 = arith.xori %iota3A, %xor3A_418 : vector<16xi32>
            %broadcast_in_dim3A_420 = vector.shape_cast %xor3A_419 : vector<16xi32> to vector<16x1xi32>
            %gather3A_421 = vector.shape_cast %broadcast_in_dim3A_420 : vector<16x1xi32> to vector<16xi32>
            %gather3A_422 = tpu.dynamic_gather %select_n3A_410[%gather3A_421] in [0] : vector<16xf32>, vector<16xi32> -> vector<16xf32>
            %max3A_423 = arith.maximumf %select_n3A_410, %gather3A_422 : vector<16xf32>
            %xor3A_424 = arith.constant 2 : i32
            %xor3A_425 = vector.broadcast %xor3A_424 : i32 to vector<16xi32>
            %xor3A_426 = arith.xori %iota3A, %xor3A_425 : vector<16xi32>
            %broadcast_in_dim3A_427 = vector.shape_cast %xor3A_426 : vector<16xi32> to vector<16x1xi32>
            %gather3A_428 = vector.shape_cast %broadcast_in_dim3A_427 : vector<16x1xi32> to vector<16xi32>
            %gather3A_429 = tpu.dynamic_gather %max3A_423[%gather3A_428] in [0] : vector<16xf32>, vector<16xi32> -> vector<16xf32>
            %max3A_430 = arith.maximumf %max3A_423, %gather3A_429 : vector<16xf32>
            %xor3A_431 = arith.constant 4 : i32
            %xor3A_432 = vector.broadcast %xor3A_431 : i32 to vector<16xi32>
            %xor3A_433 = arith.xori %iota3A, %xor3A_432 : vector<16xi32>
            %broadcast_in_dim3A_434 = vector.shape_cast %xor3A_433 : vector<16xi32> to vector<16x1xi32>
            %gather3A_435 = vector.shape_cast %broadcast_in_dim3A_434 : vector<16x1xi32> to vector<16xi32>
            %gather3A_436 = tpu.dynamic_gather %max3A_430[%gather3A_435] in [0] : vector<16xf32>, vector<16xi32> -> vector<16xf32>
            %max3A_437 = arith.maximumf %max3A_430, %gather3A_436 : vector<16xf32>
            %xor3A_438 = arith.constant 8 : i32
            %xor3A_439 = vector.broadcast %xor3A_438 : i32 to vector<16xi32>
            %xor3A_440 = arith.xori %iota3A, %xor3A_439 : vector<16xi32>
            %broadcast_in_dim3A_441 = vector.shape_cast %xor3A_440 : vector<16xi32> to vector<16x1xi32>
            %gather3A_442 = vector.shape_cast %broadcast_in_dim3A_441 : vector<16x1xi32> to vector<16xi32>
            %gather3A_443 = tpu.dynamic_gather %max3A_437[%gather3A_442] in [0] : vector<16xf32>, vector<16xi32> -> vector<16xf32>
            %max3A_444 = arith.maximumf %max3A_437, %gather3A_443 : vector<16xf32>
            %gt3A_445 = arith.cmpf ogt, %max3A_444, %broadcast_in_dim3A_22 : vector<16xf32>
            %eq3A_446 = arith.cmpf oeq, %select_n3A_410, %max3A_444 : vector<16xf32>
            %all_reduce_ffs3A_447 = tpu.all_reduce %eq3A_446 {dim = 0 : i64, kind = #tpu.reduction_kind<find_first_set>} : vector<16xi1> -> vector<16xi32>
            %mul3A_448 = arith.constant 16 : i32
            %mul3A_449 = vector.broadcast %mul3A_448 : i32 to vector<16xi32>
            %mul3A_450 = arith.muli %all_reduce_ffs3A_447, %mul3A_449 : vector<16xi32>
            %add3A_451 = arith.addi %mul3A_450, %iota3A : vector<16xi32>
            %gather3A_452 = tpu.vector_load_idx %arg9[%add3A_451] : memref<5072xf32, #tpu.memory_space<vmem>>[vector<16xi32>], vector<16xf32>,
            %eq3A_453 = arith.cmpf oeq, %gather3A_452, %max3A_444 : vector<16xf32>
            %all_reduce_ffs3A_454 = tpu.all_reduce %eq3A_453 {dim = 0 : i64, kind = #tpu.reduction_kind<find_first_set>} : vector<16xi1> -> vector<16xi32>
            %mul3A_455 = arith.constant 16 : i32
            %mul3A_456 = vector.broadcast %mul3A_455 : i32 to vector<16xi32>
            %mul3A_457 = arith.muli %all_reduce_ffs3A_447, %mul3A_456 : vector<16xi32>
            %add3A_458 = arith.addi %mul3A_457, %all_reduce_ffs3A_454 : vector<16xi32>
            %gather3A_459 = tpu.vector_load_idx %arg10[%add3A_458] : memref<5072xi32, #tpu.memory_space<vmem>>[vector<16xi32>], vector<16xi32>,
            %mul3A_460 = arith.constant 4 : i32
            %mul3A_461 = vector.broadcast %mul3A_460 : i32 to vector<16xi32>
            %mul3A_462 = arith.muli %gather3A_459, %mul3A_461 : vector<16xi32>
            %gather3A_463 = tpu.vector_load_idx %arg8[%mul3A_462] : memref<20000xf32, #tpu.memory_space<vmem>>[vector<16xi32>], vector<16xf32>,
            %add3A_464 = arith.constant 1 : i32
            %add3A_465 = vector.broadcast %add3A_464 : i32 to vector<16xi32>
            %add3A_466 = arith.addi %mul3A_462, %add3A_465 : vector<16xi32>
            %gather3A_467 = tpu.vector_load_idx %arg8[%add3A_466] : memref<20000xf32, #tpu.memory_space<vmem>>[vector<16xi32>], vector<16xf32>,
            %add3A_468 = arith.constant 2 : i32
            %add3A_469 = vector.broadcast %add3A_468 : i32 to vector<16xi32>
            %add3A_470 = arith.addi %mul3A_462, %add3A_469 : vector<16xi32>
            %gather3A_471 = tpu.vector_load_idx %arg8[%add3A_470] : memref<20000xf32, #tpu.memory_space<vmem>>[vector<16xi32>], vector<16xf32>,
            %add3A_472 = arith.constant 3 : i32
            %add3A_473 = vector.broadcast %add3A_472 : i32 to vector<16xi32>
            %add3A_474 = arith.addi %mul3A_462, %add3A_473 : vector<16xi32>
            %gather3A_475 = tpu.vector_load_idx %arg8[%add3A_474] : memref<20000xf32, #tpu.memory_space<vmem>>[vector<16xi32>], vector<16xf32>,
            %sub3A_476 = arith.subf %gather3A_471, %gather3A_463 : vector<16xf32>
            %sub3A_477 = arith.subf %gather3A_475, %gather3A_467 : vector<16xf32>
            %mul3A_478 = arith.mulf %sub3A_476, %sub3A_477 : vector<16xf32>
            %add3A_479 = arith.constant 1 : i32
            %add3A_480 = arith.addi %select_n3A_245, %add3A_479 : i32
            %jit3A_481 = arith.constant 2 : i32
            %div3A_482 = arith.divsi %add3A_480, %jit3A_481 : i32
            %sign3A_483 = arith.constant 0 : i32
            %sign3A_484 = arith.cmpi sgt, %add3A_480, %sign3A_483 : i32
            %sign3A_485 = arith.extui %sign3A_484 : i1 to i32
            %sign3A_486 = arith.constant 0 : i32
            %sign3A_487 = arith.cmpi slt, %add3A_480, %sign3A_486 : i32
            %sign3A_488 = arith.extui %sign3A_487 : i1 to i32
            %sign3A_489 = arith.subi %sign3A_485, %sign3A_488 : i32
            %sign3A_490 = arith.constant 0 : i32
            %sign3A_491 = arith.cmpi sgt, %jit3A_481, %sign3A_490 : i32
            %sign3A_492 = arith.extui %sign3A_491 : i1 to i32
            %sign3A_493 = arith.constant 0 : i32
            %sign3A_494 = arith.cmpi slt, %jit3A_481, %sign3A_493 : i32
            %sign3A_495 = arith.extui %sign3A_494 : i1 to i32
            %sign3A_496 = arith.subi %sign3A_492, %sign3A_495 : i32
            %ne3A_497 = arith.cmpi ne, %sign3A_489, %sign3A_496 : i32
            %rem3A_498 = arith.remsi %add3A_480, %jit3A_481 : i32
            %ne3A_499 = arith.constant 0 : i32
            %ne3A_500 = arith.cmpi ne, %rem3A_498, %ne3A_499 : i32
            %and3A_501 = arith.andi %ne3A_497, %ne3A_500 : i1
            %sub3A_502 = arith.constant 1 : i32
            %sub3A_503 = arith.subi %div3A_482, %sub3A_502 : i32
            %select_n3A_504 = arith.select %and3A_501, %sub3A_503, %div3A_482 : i32
            %while3A_505 = arith.constant 0 : i32
            %while3A_506 = arith.subi %select_n3A_504, %while3A_505 : i32
            %while3A_507 = arith.addi %while3A_505, %while3A_506 : i32
            %while3A_508 = arith.constant 1 : i32
            %while3A_509 = arith.divsi %while3A_506, %while3A_508 : i32
            %while3A_510 = arith.muli %while3A_509, %while3A_508 : i32
            %while3A_511 = arith.addi %while3A_505, %while3A_510 : i32
            %while3A_512 = arith.constant 1 : i32
            %while3A_513 = scf.for %while3A_961 = %while3A_505 to %while3A_511 step %while3A_512 iter_args(%while3A_962 = %broadcast_in_dim3A_16) -> (vector<16xf32>)  : i32 {
              %mul3A_963 = arith.constant 2 : i32
              %mul3A_964 = arith.muli %mul3A_963, %while3A_961 : i32
              %add3A_965 = arith.constant 0 : i32
              %add3A_966 = arith.addi %mul3A_964, %add3A_965 : i32
              %mul3A_967 = arith.constant 16 : i32
              %mul3A_968 = arith.muli %add3A_966, %mul3A_967 : i32
              %get3A = arith.index_cast %mul3A_968 : i32 to index
              %get3A_969 = tpu.vector_load %arg13[%get3A] {strides = array<i32>} : memref<128xf32, #tpu.memory_space<vmem>>, vector<16xf32>,
              %max3A_970 = arith.maximumf %get3A_969, %gather3A_463 : vector<16xf32>
              %get3A_971 = arith.index_cast %mul3A_968 : i32 to index
              %get3A_972 = tpu.vector_load %arg14[%get3A_971] {strides = array<i32>} : memref<128xf32, #tpu.memory_space<vmem>>, vector<16xf32>,
              %max3A_973 = arith.maximumf %get3A_972, %gather3A_467 : vector<16xf32>
              %get3A_974 = arith.index_cast %mul3A_968 : i32 to index
              %get3A_975 = tpu.vector_load %arg15[%get3A_974] {strides = array<i32>} : memref<128xf32, #tpu.memory_space<vmem>>, vector<16xf32>,
              %min3A = arith.minimumf %get3A_975, %gather3A_471 : vector<16xf32>
              %get3A_976 = arith.index_cast %mul3A_968 : i32 to index
              %get3A_977 = tpu.vector_load %arg16[%get3A_976] {strides = array<i32>} : memref<128xf32, #tpu.memory_space<vmem>>, vector<16xf32>,
              %min3A_978 = arith.minimumf %get3A_977, %gather3A_475 : vector<16xf32>
              %sub3A_979 = arith.subf %min3A, %max3A_970 : vector<16xf32>
              %max3A_980 = arith.constant 0.000000e+00 : f32
              %max3A_981 = vector.broadcast %max3A_980 : f32 to vector<16xf32>
              %max3A_982 = arith.maximumf %sub3A_979, %max3A_981 : vector<16xf32>
              %sub3A_983 = arith.subf %min3A_978, %max3A_973 : vector<16xf32>
              %max3A_984 = arith.constant 0.000000e+00 : f32
              %max3A_985 = vector.broadcast %max3A_984 : f32 to vector<16xf32>
              %max3A_986 = arith.maximumf %sub3A_983, %max3A_985 : vector<16xf32>
              %mul3A_987 = arith.mulf %max3A_982, %max3A_986 : vector<16xf32>
              %get3A_988 = arith.index_cast %mul3A_968 : i32 to index
              %get3A_989 = tpu.vector_load %arg17[%get3A_988] {strides = array<i32>} : memref<128xf32, #tpu.memory_space<vmem>>, vector<16xf32>,
              %add3A_990 = arith.addf %get3A_989, %mul3A_478 : vector<16xf32>
              %sub3A_991 = arith.subf %add3A_990, %mul3A_987 : vector<16xf32>
              %div3A_992 = arith.divf %mul3A_987, %sub3A_991 : vector<16xf32>
              %max3A_993 = arith.maximumf %while3A_962, %div3A_992 : vector<16xf32>
              %mul3A_994 = arith.constant 2 : i32
              %mul3A_995 = arith.muli %mul3A_994, %while3A_961 : i32
              %add3A_996 = arith.constant 1 : i32
              %add3A_997 = arith.addi %mul3A_995, %add3A_996 : i32
              %mul3A_998 = arith.constant 16 : i32
              %mul3A_999 = arith.muli %add3A_997, %mul3A_998 : i32
              %get3A_1000 = arith.index_cast %mul3A_999 : i32 to index
              %get3A_1001 = tpu.vector_load %arg13[%get3A_1000] {strides = array<i32>} : memref<128xf32, #tpu.memory_space<vmem>>, vector<16xf32>,
              %max3A_1002 = arith.maximumf %get3A_1001, %gather3A_463 : vector<16xf32>
              %get3A_1003 = arith.index_cast %mul3A_999 : i32 to index
              %get3A_1004 = tpu.vector_load %arg14[%get3A_1003] {strides = array<i32>} : memref<128xf32, #tpu.memory_space<vmem>>, vector<16xf32>,
              %max3A_1005 = arith.maximumf %get3A_1004, %gather3A_467 : vector<16xf32>
              %get3A_1006 = arith.index_cast %mul3A_999 : i32 to index
              %get3A_1007 = tpu.vector_load %arg15[%get3A_1006] {strides = array<i32>} : memref<128xf32, #tpu.memory_space<vmem>>, vector<16xf32>,
              %min3A_1008 = arith.minimumf %get3A_1007, %gather3A_471 : vector<16xf32>
              %get3A_1009 = arith.index_cast %mul3A_999 : i32 to index
              %get3A_1010 = tpu.vector_load %arg16[%get3A_1009] {strides = array<i32>} : memref<128xf32, #tpu.memory_space<vmem>>, vector<16xf32>,
              %min3A_1011 = arith.minimumf %get3A_1010, %gather3A_475 : vector<16xf32>
              %sub3A_1012 = arith.subf %min3A_1008, %max3A_1002 : vector<16xf32>
              %max3A_1013 = arith.constant 0.000000e+00 : f32
              %max3A_1014 = vector.broadcast %max3A_1013 : f32 to vector<16xf32>
              %max3A_1015 = arith.maximumf %sub3A_1012, %max3A_1014 : vector<16xf32>
              %sub3A_1016 = arith.subf %min3A_1011, %max3A_1005 : vector<16xf32>
              %max3A_1017 = arith.constant 0.000000e+00 : f32
              %max3A_1018 = vector.broadcast %max3A_1017 : f32 to vector<16xf32>
              %max3A_1019 = arith.maximumf %sub3A_1016, %max3A_1018 : vector<16xf32>
              %mul3A_1020 = arith.mulf %max3A_1015, %max3A_1019 : vector<16xf32>
              %get3A_1021 = arith.index_cast %mul3A_999 : i32 to index
              %get3A_1022 = tpu.vector_load %arg17[%get3A_1021] {strides = array<i32>} : memref<128xf32, #tpu.memory_space<vmem>>, vector<16xf32>,
              %add3A_1023 = arith.addf %get3A_1022, %mul3A_478 : vector<16xf32>
              %sub3A_1024 = arith.subf %add3A_1023, %mul3A_1020 : vector<16xf32>
              %div3A_1025 = arith.divf %mul3A_1020, %sub3A_1024 : vector<16xf32>
              %max3A_1026 = arith.maximumf %max3A_993, %div3A_1025 : vector<16xf32>
              scf.yield %max3A_1026 : vector<16xf32>
            }
            %while3A_514 = arith.constant 1 : i32
            %while3A_515 = scf.for %while3A_961 = %while3A_511 to %while3A_507 step %while3A_514 iter_args(%while3A_962 = %while3A_513) -> (vector<16xf32>)  : i32 {
              %mul3A_963 = arith.constant 2 : i32
              %mul3A_964 = arith.muli %mul3A_963, %while3A_961 : i32
              %add3A_965 = arith.constant 0 : i32
              %add3A_966 = arith.addi %mul3A_964, %add3A_965 : i32
              %mul3A_967 = arith.constant 16 : i32
              %mul3A_968 = arith.muli %add3A_966, %mul3A_967 : i32
              %get3A = arith.index_cast %mul3A_968 : i32 to index
              %get3A_969 = tpu.vector_load %arg13[%get3A] {strides = array<i32>} : memref<128xf32, #tpu.memory_space<vmem>>, vector<16xf32>,
              %max3A_970 = arith.maximumf %get3A_969, %gather3A_463 : vector<16xf32>
              %get3A_971 = arith.index_cast %mul3A_968 : i32 to index
              %get3A_972 = tpu.vector_load %arg14[%get3A_971] {strides = array<i32>} : memref<128xf32, #tpu.memory_space<vmem>>, vector<16xf32>,
              %max3A_973 = arith.maximumf %get3A_972, %gather3A_467 : vector<16xf32>
              %get3A_974 = arith.index_cast %mul3A_968 : i32 to index
              %get3A_975 = tpu.vector_load %arg15[%get3A_974] {strides = array<i32>} : memref<128xf32, #tpu.memory_space<vmem>>, vector<16xf32>,
              %min3A = arith.minimumf %get3A_975, %gather3A_471 : vector<16xf32>
              %get3A_976 = arith.index_cast %mul3A_968 : i32 to index
              %get3A_977 = tpu.vector_load %arg16[%get3A_976] {strides = array<i32>} : memref<128xf32, #tpu.memory_space<vmem>>, vector<16xf32>,
              %min3A_978 = arith.minimumf %get3A_977, %gather3A_475 : vector<16xf32>
              %sub3A_979 = arith.subf %min3A, %max3A_970 : vector<16xf32>
              %max3A_980 = arith.constant 0.000000e+00 : f32
              %max3A_981 = vector.broadcast %max3A_980 : f32 to vector<16xf32>
              %max3A_982 = arith.maximumf %sub3A_979, %max3A_981 : vector<16xf32>
              %sub3A_983 = arith.subf %min3A_978, %max3A_973 : vector<16xf32>
              %max3A_984 = arith.constant 0.000000e+00 : f32
              %max3A_985 = vector.broadcast %max3A_984 : f32 to vector<16xf32>
              %max3A_986 = arith.maximumf %sub3A_983, %max3A_985 : vector<16xf32>
              %mul3A_987 = arith.mulf %max3A_982, %max3A_986 : vector<16xf32>
              %get3A_988 = arith.index_cast %mul3A_968 : i32 to index
              %get3A_989 = tpu.vector_load %arg17[%get3A_988] {strides = array<i32>} : memref<128xf32, #tpu.memory_space<vmem>>, vector<16xf32>,
              %add3A_990 = arith.addf %get3A_989, %mul3A_478 : vector<16xf32>
              %sub3A_991 = arith.subf %add3A_990, %mul3A_987 : vector<16xf32>
              %div3A_992 = arith.divf %mul3A_987, %sub3A_991 : vector<16xf32>
              %max3A_993 = arith.maximumf %while3A_962, %div3A_992 : vector<16xf32>
              %mul3A_994 = arith.constant 2 : i32
              %mul3A_995 = arith.muli %mul3A_994, %while3A_961 : i32
              %add3A_996 = arith.constant 1 : i32
              %add3A_997 = arith.addi %mul3A_995, %add3A_996 : i32
              %mul3A_998 = arith.constant 16 : i32
              %mul3A_999 = arith.muli %add3A_997, %mul3A_998 : i32
              %get3A_1000 = arith.index_cast %mul3A_999 : i32 to index
              %get3A_1001 = tpu.vector_load %arg13[%get3A_1000] {strides = array<i32>} : memref<128xf32, #tpu.memory_space<vmem>>, vector<16xf32>,
              %max3A_1002 = arith.maximumf %get3A_1001, %gather3A_463 : vector<16xf32>
              %get3A_1003 = arith.index_cast %mul3A_999 : i32 to index
              %get3A_1004 = tpu.vector_load %arg14[%get3A_1003] {strides = array<i32>} : memref<128xf32, #tpu.memory_space<vmem>>, vector<16xf32>,
              %max3A_1005 = arith.maximumf %get3A_1004, %gather3A_467 : vector<16xf32>
              %get3A_1006 = arith.index_cast %mul3A_999 : i32 to index
              %get3A_1007 = tpu.vector_load %arg15[%get3A_1006] {strides = array<i32>} : memref<128xf32, #tpu.memory_space<vmem>>, vector<16xf32>,
              %min3A_1008 = arith.minimumf %get3A_1007, %gather3A_471 : vector<16xf32>
              %get3A_1009 = arith.index_cast %mul3A_999 : i32 to index
              %get3A_1010 = tpu.vector_load %arg16[%get3A_1009] {strides = array<i32>} : memref<128xf32, #tpu.memory_space<vmem>>, vector<16xf32>,
              %min3A_1011 = arith.minimumf %get3A_1010, %gather3A_475 : vector<16xf32>
              %sub3A_1012 = arith.subf %min3A_1008, %max3A_1002 : vector<16xf32>
              %max3A_1013 = arith.constant 0.000000e+00 : f32
              %max3A_1014 = vector.broadcast %max3A_1013 : f32 to vector<16xf32>
              %max3A_1015 = arith.maximumf %sub3A_1012, %max3A_1014 : vector<16xf32>
              %sub3A_1016 = arith.subf %min3A_1011, %max3A_1005 : vector<16xf32>
              %max3A_1017 = arith.constant 0.000000e+00 : f32
              %max3A_1018 = vector.broadcast %max3A_1017 : f32 to vector<16xf32>
              %max3A_1019 = arith.maximumf %sub3A_1016, %max3A_1018 : vector<16xf32>
              %mul3A_1020 = arith.mulf %max3A_1015, %max3A_1019 : vector<16xf32>
              %get3A_1021 = arith.index_cast %mul3A_999 : i32 to index
              %get3A_1022 = tpu.vector_load %arg17[%get3A_1021] {strides = array<i32>} : memref<128xf32, #tpu.memory_space<vmem>>, vector<16xf32>,
              %add3A_1023 = arith.addf %get3A_1022, %mul3A_478 : vector<16xf32>
              %sub3A_1024 = arith.subf %add3A_1023, %mul3A_1020 : vector<16xf32>
              %div3A_1025 = arith.divf %mul3A_1020, %sub3A_1024 : vector<16xf32>
              %max3A_1026 = arith.maximumf %max3A_993, %div3A_1025 : vector<16xf32>
              scf.yield %max3A_1026 : vector<16xf32>
            }
            %xor3A_516 = arith.constant 1 : i32
            %xor3A_517 = vector.broadcast %xor3A_516 : i32 to vector<16xi32>
            %xor3A_518 = arith.xori %iota3A, %xor3A_517 : vector<16xi32>
            %broadcast_in_dim3A_519 = vector.shape_cast %xor3A_518 : vector<16xi32> to vector<16x1xi32>
            %gather3A_520 = vector.shape_cast %broadcast_in_dim3A_519 : vector<16x1xi32> to vector<16xi32>
            %gather3A_521 = tpu.dynamic_gather %while3A_515[%gather3A_520] in [0] : vector<16xf32>, vector<16xi32> -> vector<16xf32>
            %max3A_522 = arith.maximumf %while3A_515, %gather3A_521 : vector<16xf32>
            %xor3A_523 = arith.constant 2 : i32
            %xor3A_524 = vector.broadcast %xor3A_523 : i32 to vector<16xi32>
            %xor3A_525 = arith.xori %iota3A, %xor3A_524 : vector<16xi32>
            %broadcast_in_dim3A_526 = vector.shape_cast %xor3A_525 : vector<16xi32> to vector<16x1xi32>
            %gather3A_527 = vector.shape_cast %broadcast_in_dim3A_526 : vector<16x1xi32> to vector<16xi32>
            %gather3A_528 = tpu.dynamic_gather %max3A_522[%gather3A_527] in [0] : vector<16xf32>, vector<16xi32> -> vector<16xf32>
            %max3A_529 = arith.maximumf %max3A_522, %gather3A_528 : vector<16xf32>
            %xor3A_530 = arith.constant 4 : i32
            %xor3A_531 = vector.broadcast %xor3A_530 : i32 to vector<16xi32>
            %xor3A_532 = arith.xori %iota3A, %xor3A_531 : vector<16xi32>
            %broadcast_in_dim3A_533 = vector.shape_cast %xor3A_532 : vector<16xi32> to vector<16x1xi32>
            %gather3A_534 = vector.shape_cast %broadcast_in_dim3A_533 : vector<16x1xi32> to vector<16xi32>
            %gather3A_535 = tpu.dynamic_gather %max3A_529[%gather3A_534] in [0] : vector<16xf32>, vector<16xi32> -> vector<16xf32>
            %max3A_536 = arith.maximumf %max3A_529, %gather3A_535 : vector<16xf32>
            %xor3A_537 = arith.constant 8 : i32
            %xor3A_538 = vector.broadcast %xor3A_537 : i32 to vector<16xi32>
            %xor3A_539 = arith.xori %iota3A, %xor3A_538 : vector<16xi32>
            %broadcast_in_dim3A_540 = vector.shape_cast %xor3A_539 : vector<16xi32> to vector<16x1xi32>
            %gather3A_541 = vector.shape_cast %broadcast_in_dim3A_540 : vector<16x1xi32> to vector<16xi32>
            %gather3A_542 = tpu.dynamic_gather %max3A_536[%gather3A_541] in [0] : vector<16xf32>, vector<16xi32> -> vector<16xf32>
            %max3A_543 = arith.maximumf %max3A_536, %gather3A_542 : vector<16xf32>
            %gt3A_544 = arith.constant 5.000000e-01 : f32
            %gt3A_545 = vector.broadcast %gt3A_544 : f32 to vector<16xf32>
            %gt3A_546 = arith.cmpf ogt, %max3A_543, %gt3A_545 : vector<16xf32>
            %not3A_547 = arith.constant dense<true> : vector<16xi1>
            %not3A_548 = arith.xori %gt3A_546, %not3A_547 : vector<16xi1>
            %and3A_549 = arith.andi %gt3A_445, %not3A_548 : vector<16xi1>
            %eq3A_550 = arith.constant 0 : i32
            %eq3A_551 = vector.broadcast %eq3A_550 : i32 to vector<16xi32>
            %eq3A_552 = arith.cmpi eq, %iota3A, %eq3A_551 : vector<16xi32>
            %and3A_553 = arith.andi %eq3A_552, %and3A_549 : vector<16xi1>
            tpu.vector_store_idx %arg11[%add3A_416], %max3A_444 masked %and3A_553 : memref<128xf32, #tpu.memory_space<vmem>>[vector<16xi32>], vector<16xf32>, vector<16xi1>
            tpu.vector_store_idx %arg12[%add3A_416], %gather3A_459 masked %and3A_553 : memref<128xi32, #tpu.memory_space<vmem>>[vector<16xi32>], vector<16xi32>, vector<16xi1>
            tpu.vector_store_idx %arg13[%add3A_416], %gather3A_463 masked %and3A_553 : memref<128xf32, #tpu.memory_space<vmem>>[vector<16xi32>], vector<16xf32>, vector<16xi1>
            tpu.vector_store_idx %arg14[%add3A_416], %gather3A_467 masked %and3A_553 : memref<128xf32, #tpu.memory_space<vmem>>[vector<16xi32>], vector<16xf32>, vector<16xi1>
            tpu.vector_store_idx %arg15[%add3A_416], %gather3A_471 masked %and3A_553 : memref<128xf32, #tpu.memory_space<vmem>>[vector<16xi32>], vector<16xf32>, vector<16xi1>
            tpu.vector_store_idx %arg16[%add3A_416], %gather3A_475 masked %and3A_553 : memref<128xf32, #tpu.memory_space<vmem>>[vector<16xi32>], vector<16xf32>, vector<16xi1>
            tpu.vector_store_idx %arg17[%add3A_416], %mul3A_478 masked %and3A_553 : memref<128xf32, #tpu.memory_space<vmem>>[vector<16xi32>], vector<16xf32>, vector<16xi1>
            %eq3A_554 = arith.constant 0 : i32
            %eq3A_555 = vector.broadcast %eq3A_554 : i32 to vector<16xi32>
            %eq3A_556 = arith.cmpi eq, %iota3A, %eq3A_555 : vector<16xi32>
            tpu.vector_store_idx %arg9[%add3A_458], %broadcast_in_dim3A_22 masked %eq3A_556 : memref<5072xf32, #tpu.memory_space<vmem>>[vector<16xi32>], vector<16xf32>, vector<16xi1>
            %eq3A_557 = arith.cmpi eq, %iota3A, %all_reduce_ffs3A_454 : vector<16xi32>
            %select_n3A_558 = arith.select %eq3A_557, %broadcast_in_dim3A_22, %gather3A_452 : vector<16xi1>, vector<16xf32>
            %eq3A_559 = arith.cmpi eq, %iota3A, %all_reduce_ffs3A_447 : vector<16xi32>
            %xor3A_560 = arith.constant 1 : i32
            %xor3A_561 = vector.broadcast %xor3A_560 : i32 to vector<16xi32>
            %xor3A_562 = arith.xori %iota3A, %xor3A_561 : vector<16xi32>
            %broadcast_in_dim3A_563 = vector.shape_cast %xor3A_562 : vector<16xi32> to vector<16x1xi32>
            %gather3A_564 = vector.shape_cast %broadcast_in_dim3A_563 : vector<16x1xi32> to vector<16xi32>
            %gather3A_565 = tpu.dynamic_gather %select_n3A_558[%gather3A_564] in [0] : vector<16xf32>, vector<16xi32> -> vector<16xf32>
            %max3A_566 = arith.maximumf %select_n3A_558, %gather3A_565 : vector<16xf32>
            %xor3A_567 = arith.constant 2 : i32
            %xor3A_568 = vector.broadcast %xor3A_567 : i32 to vector<16xi32>
            %xor3A_569 = arith.xori %iota3A, %xor3A_568 : vector<16xi32>
            %broadcast_in_dim3A_570 = vector.shape_cast %xor3A_569 : vector<16xi32> to vector<16x1xi32>
            %gather3A_571 = vector.shape_cast %broadcast_in_dim3A_570 : vector<16x1xi32> to vector<16xi32>
            %gather3A_572 = tpu.dynamic_gather %max3A_566[%gather3A_571] in [0] : vector<16xf32>, vector<16xi32> -> vector<16xf32>
            %max3A_573 = arith.maximumf %max3A_566, %gather3A_572 : vector<16xf32>
            %xor3A_574 = arith.constant 4 : i32
            %xor3A_575 = vector.broadcast %xor3A_574 : i32 to vector<16xi32>
            %xor3A_576 = arith.xori %iota3A, %xor3A_575 : vector<16xi32>
            %broadcast_in_dim3A_577 = vector.shape_cast %xor3A_576 : vector<16xi32> to vector<16x1xi32>
            %gather3A_578 = vector.shape_cast %broadcast_in_dim3A_577 : vector<16x1xi32> to vector<16xi32>
            %gather3A_579 = tpu.dynamic_gather %max3A_573[%gather3A_578] in [0] : vector<16xf32>, vector<16xi32> -> vector<16xf32>
            %max3A_580 = arith.maximumf %max3A_573, %gather3A_579 : vector<16xf32>
            %xor3A_581 = arith.constant 8 : i32
            %xor3A_582 = vector.broadcast %xor3A_581 : i32 to vector<16xi32>
            %xor3A_583 = arith.xori %iota3A, %xor3A_582 : vector<16xi32>
            %broadcast_in_dim3A_584 = vector.shape_cast %xor3A_583 : vector<16xi32> to vector<16x1xi32>
            %gather3A_585 = vector.shape_cast %broadcast_in_dim3A_584 : vector<16x1xi32> to vector<16xi32>
            %gather3A_586 = tpu.dynamic_gather %max3A_580[%gather3A_585] in [0] : vector<16xf32>, vector<16xi32> -> vector<16xf32>
            %max3A_587 = arith.maximumf %max3A_580, %gather3A_586 : vector<16xf32>
            %select_n3A_588 = arith.select %eq3A_559, %max3A_587, %select_n3A_410 : vector<16xi1>, vector<16xf32>
            %jit3A_589 = arith.constant 1 : i32
            %jit3A_590 = arith.constant 0 : i32
            %broadcast_in_dim3A_591 = vector.broadcast %jit3A_589 : i32 to vector<16xi32>
            %broadcast_in_dim3A_592 = vector.broadcast %jit3A_590 : i32 to vector<16xi32>
            %select_n3A_593 = arith.select %and3A_549, %broadcast_in_dim3A_591, %broadcast_in_dim3A_592 : vector<16xi1>, vector<16xi32>
            %add3A_594 = arith.addi %add3A_416, %select_n3A_593 : vector<16xi32>
            %xor3A_595 = arith.constant 1 : i32
            %xor3A_596 = vector.broadcast %xor3A_595 : i32 to vector<16xi32>
            %xor3A_597 = arith.xori %iota3A, %xor3A_596 : vector<16xi32>
            %broadcast_in_dim3A_598 = vector.shape_cast %xor3A_597 : vector<16xi32> to vector<16x1xi32>
            %gather3A_599 = vector.shape_cast %broadcast_in_dim3A_598 : vector<16x1xi32> to vector<16xi32>
            %gather3A_600 = tpu.dynamic_gather %select_n3A_588[%gather3A_599] in [0] : vector<16xf32>, vector<16xi32> -> vector<16xf32>
            %max3A_601 = arith.maximumf %select_n3A_588, %gather3A_600 : vector<16xf32>
            %xor3A_602 = arith.constant 2 : i32
            %xor3A_603 = vector.broadcast %xor3A_602 : i32 to vector<16xi32>
            %xor3A_604 = arith.xori %iota3A, %xor3A_603 : vector<16xi32>
            %broadcast_in_dim3A_605 = vector.shape_cast %xor3A_604 : vector<16xi32> to vector<16x1xi32>
            %gather3A_606 = vector.shape_cast %broadcast_in_dim3A_605 : vector<16x1xi32> to vector<16xi32>
            %gather3A_607 = tpu.dynamic_gather %max3A_601[%gather3A_606] in [0] : vector<16xf32>, vector<16xi32> -> vector<16xf32>
            %max3A_608 = arith.maximumf %max3A_601, %gather3A_607 : vector<16xf32>
            %xor3A_609 = arith.constant 4 : i32
            %xor3A_610 = vector.broadcast %xor3A_609 : i32 to vector<16xi32>
            %xor3A_611 = arith.xori %iota3A, %xor3A_610 : vector<16xi32>
            %broadcast_in_dim3A_612 = vector.shape_cast %xor3A_611 : vector<16xi32> to vector<16x1xi32>
            %gather3A_613 = vector.shape_cast %broadcast_in_dim3A_612 : vector<16x1xi32> to vector<16xi32>
            %gather3A_614 = tpu.dynamic_gather %max3A_608[%gather3A_613] in [0] : vector<16xf32>, vector<16xi32> -> vector<16xf32>
            %max3A_615 = arith.maximumf %max3A_608, %gather3A_614 : vector<16xf32>
            %xor3A_616 = arith.constant 8 : i32
            %xor3A_617 = vector.broadcast %xor3A_616 : i32 to vector<16xi32>
            %xor3A_618 = arith.xori %iota3A, %xor3A_617 : vector<16xi32>
            %broadcast_in_dim3A_619 = vector.shape_cast %xor3A_618 : vector<16xi32> to vector<16x1xi32>
            %gather3A_620 = vector.shape_cast %broadcast_in_dim3A_619 : vector<16x1xi32> to vector<16xi32>
            %gather3A_621 = tpu.dynamic_gather %max3A_615[%gather3A_620] in [0] : vector<16xf32>, vector<16xi32> -> vector<16xf32>
            %max3A_622 = arith.maximumf %max3A_615, %gather3A_621 : vector<16xf32>
            %gt3A_623 = arith.cmpf ogt, %max3A_622, %broadcast_in_dim3A_22 : vector<16xf32>
            %eq3A_624 = arith.cmpf oeq, %select_n3A_588, %max3A_622 : vector<16xf32>
            %all_reduce_ffs3A_625 = tpu.all_reduce %eq3A_624 {dim = 0 : i64, kind = #tpu.reduction_kind<find_first_set>} : vector<16xi1> -> vector<16xi32>
            %mul3A_626 = arith.constant 16 : i32
            %mul3A_627 = vector.broadcast %mul3A_626 : i32 to vector<16xi32>
            %mul3A_628 = arith.muli %all_reduce_ffs3A_625, %mul3A_627 : vector<16xi32>
            %add3A_629 = arith.addi %mul3A_628, %iota3A : vector<16xi32>
            %gather3A_630 = tpu.vector_load_idx %arg9[%add3A_629] : memref<5072xf32, #tpu.memory_space<vmem>>[vector<16xi32>], vector<16xf32>,
            %eq3A_631 = arith.cmpf oeq, %gather3A_630, %max3A_622 : vector<16xf32>
            %all_reduce_ffs3A_632 = tpu.all_reduce %eq3A_631 {dim = 0 : i64, kind = #tpu.reduction_kind<find_first_set>} : vector<16xi1> -> vector<16xi32>
            %mul3A_633 = arith.constant 16 : i32
            %mul3A_634 = vector.broadcast %mul3A_633 : i32 to vector<16xi32>
            %mul3A_635 = arith.muli %all_reduce_ffs3A_625, %mul3A_634 : vector<16xi32>
            %add3A_636 = arith.addi %mul3A_635, %all_reduce_ffs3A_632 : vector<16xi32>
            %gather3A_637 = tpu.vector_load_idx %arg10[%add3A_636] : memref<5072xi32, #tpu.memory_space<vmem>>[vector<16xi32>], vector<16xi32>,
            %mul3A_638 = arith.constant 4 : i32
            %mul3A_639 = vector.broadcast %mul3A_638 : i32 to vector<16xi32>
            %mul3A_640 = arith.muli %gather3A_637, %mul3A_639 : vector<16xi32>
            %gather3A_641 = tpu.vector_load_idx %arg8[%mul3A_640] : memref<20000xf32, #tpu.memory_space<vmem>>[vector<16xi32>], vector<16xf32>,
            %add3A_642 = arith.constant 1 : i32
            %add3A_643 = vector.broadcast %add3A_642 : i32 to vector<16xi32>
            %add3A_644 = arith.addi %mul3A_640, %add3A_643 : vector<16xi32>
            %gather3A_645 = tpu.vector_load_idx %arg8[%add3A_644] : memref<20000xf32, #tpu.memory_space<vmem>>[vector<16xi32>], vector<16xf32>,
            %add3A_646 = arith.constant 2 : i32
            %add3A_647 = vector.broadcast %add3A_646 : i32 to vector<16xi32>
            %add3A_648 = arith.addi %mul3A_640, %add3A_647 : vector<16xi32>
            %gather3A_649 = tpu.vector_load_idx %arg8[%add3A_648] : memref<20000xf32, #tpu.memory_space<vmem>>[vector<16xi32>], vector<16xf32>,
            %add3A_650 = arith.constant 3 : i32
            %add3A_651 = vector.broadcast %add3A_650 : i32 to vector<16xi32>
            %add3A_652 = arith.addi %mul3A_640, %add3A_651 : vector<16xi32>
            %gather3A_653 = tpu.vector_load_idx %arg8[%add3A_652] : memref<20000xf32, #tpu.memory_space<vmem>>[vector<16xi32>], vector<16xf32>,
            %sub3A_654 = arith.subf %gather3A_649, %gather3A_641 : vector<16xf32>
            %sub3A_655 = arith.subf %gather3A_653, %gather3A_645 : vector<16xf32>
            %mul3A_656 = arith.mulf %sub3A_654, %sub3A_655 : vector<16xf32>
            %add3A_657 = arith.constant 1 : i32
            %add3A_658 = arith.addi %select_n3A_245, %add3A_657 : i32
            %jit3A_659 = arith.constant 2 : i32
            %div3A_660 = arith.divsi %add3A_658, %jit3A_659 : i32
            %sign3A_661 = arith.constant 0 : i32
            %sign3A_662 = arith.cmpi sgt, %add3A_658, %sign3A_661 : i32
            %sign3A_663 = arith.extui %sign3A_662 : i1 to i32
            %sign3A_664 = arith.constant 0 : i32
            %sign3A_665 = arith.cmpi slt, %add3A_658, %sign3A_664 : i32
            %sign3A_666 = arith.extui %sign3A_665 : i1 to i32
            %sign3A_667 = arith.subi %sign3A_663, %sign3A_666 : i32
            %sign3A_668 = arith.constant 0 : i32
            %sign3A_669 = arith.cmpi sgt, %jit3A_659, %sign3A_668 : i32
            %sign3A_670 = arith.extui %sign3A_669 : i1 to i32
            %sign3A_671 = arith.constant 0 : i32
            %sign3A_672 = arith.cmpi slt, %jit3A_659, %sign3A_671 : i32
            %sign3A_673 = arith.extui %sign3A_672 : i1 to i32
            %sign3A_674 = arith.subi %sign3A_670, %sign3A_673 : i32
            %ne3A_675 = arith.cmpi ne, %sign3A_667, %sign3A_674 : i32
            %rem3A_676 = arith.remsi %add3A_658, %jit3A_659 : i32
            %ne3A_677 = arith.constant 0 : i32
            %ne3A_678 = arith.cmpi ne, %rem3A_676, %ne3A_677 : i32
            %and3A_679 = arith.andi %ne3A_675, %ne3A_678 : i1
            %sub3A_680 = arith.constant 1 : i32
            %sub3A_681 = arith.subi %div3A_660, %sub3A_680 : i32
            %select_n3A_682 = arith.select %and3A_679, %sub3A_681, %div3A_660 : i32
            %while3A_683 = arith.constant 0 : i32
            %while3A_684 = arith.subi %select_n3A_682, %while3A_683 : i32
            %while3A_685 = arith.addi %while3A_683, %while3A_684 : i32
            %while3A_686 = arith.constant 1 : i32
            %while3A_687 = arith.divsi %while3A_684, %while3A_686 : i32
            %while3A_688 = arith.muli %while3A_687, %while3A_686 : i32
            %while3A_689 = arith.addi %while3A_683, %while3A_688 : i32
            %while3A_690 = arith.constant 1 : i32
            %while3A_691 = scf.for %while3A_961 = %while3A_683 to %while3A_689 step %while3A_690 iter_args(%while3A_962 = %broadcast_in_dim3A_16) -> (vector<16xf32>)  : i32 {
              %mul3A_963 = arith.constant 2 : i32
              %mul3A_964 = arith.muli %mul3A_963, %while3A_961 : i32
              %add3A_965 = arith.constant 0 : i32
              %add3A_966 = arith.addi %mul3A_964, %add3A_965 : i32
              %mul3A_967 = arith.constant 16 : i32
              %mul3A_968 = arith.muli %add3A_966, %mul3A_967 : i32
              %get3A = arith.index_cast %mul3A_968 : i32 to index
              %get3A_969 = tpu.vector_load %arg13[%get3A] {strides = array<i32>} : memref<128xf32, #tpu.memory_space<vmem>>, vector<16xf32>,
              %max3A_970 = arith.maximumf %get3A_969, %gather3A_641 : vector<16xf32>
              %get3A_971 = arith.index_cast %mul3A_968 : i32 to index
              %get3A_972 = tpu.vector_load %arg14[%get3A_971] {strides = array<i32>} : memref<128xf32, #tpu.memory_space<vmem>>, vector<16xf32>,
              %max3A_973 = arith.maximumf %get3A_972, %gather3A_645 : vector<16xf32>
              %get3A_974 = arith.index_cast %mul3A_968 : i32 to index
              %get3A_975 = tpu.vector_load %arg15[%get3A_974] {strides = array<i32>} : memref<128xf32, #tpu.memory_space<vmem>>, vector<16xf32>,
              %min3A = arith.minimumf %get3A_975, %gather3A_649 : vector<16xf32>
              %get3A_976 = arith.index_cast %mul3A_968 : i32 to index
              %get3A_977 = tpu.vector_load %arg16[%get3A_976] {strides = array<i32>} : memref<128xf32, #tpu.memory_space<vmem>>, vector<16xf32>,
              %min3A_978 = arith.minimumf %get3A_977, %gather3A_653 : vector<16xf32>
              %sub3A_979 = arith.subf %min3A, %max3A_970 : vector<16xf32>
              %max3A_980 = arith.constant 0.000000e+00 : f32
              %max3A_981 = vector.broadcast %max3A_980 : f32 to vector<16xf32>
              %max3A_982 = arith.maximumf %sub3A_979, %max3A_981 : vector<16xf32>
              %sub3A_983 = arith.subf %min3A_978, %max3A_973 : vector<16xf32>
              %max3A_984 = arith.constant 0.000000e+00 : f32
              %max3A_985 = vector.broadcast %max3A_984 : f32 to vector<16xf32>
              %max3A_986 = arith.maximumf %sub3A_983, %max3A_985 : vector<16xf32>
              %mul3A_987 = arith.mulf %max3A_982, %max3A_986 : vector<16xf32>
              %get3A_988 = arith.index_cast %mul3A_968 : i32 to index
              %get3A_989 = tpu.vector_load %arg17[%get3A_988] {strides = array<i32>} : memref<128xf32, #tpu.memory_space<vmem>>, vector<16xf32>,
              %add3A_990 = arith.addf %get3A_989, %mul3A_656 : vector<16xf32>
              %sub3A_991 = arith.subf %add3A_990, %mul3A_987 : vector<16xf32>
              %div3A_992 = arith.divf %mul3A_987, %sub3A_991 : vector<16xf32>
              %max3A_993 = arith.maximumf %while3A_962, %div3A_992 : vector<16xf32>
              %mul3A_994 = arith.constant 2 : i32
              %mul3A_995 = arith.muli %mul3A_994, %while3A_961 : i32
              %add3A_996 = arith.constant 1 : i32
              %add3A_997 = arith.addi %mul3A_995, %add3A_996 : i32
              %mul3A_998 = arith.constant 16 : i32
              %mul3A_999 = arith.muli %add3A_997, %mul3A_998 : i32
              %get3A_1000 = arith.index_cast %mul3A_999 : i32 to index
              %get3A_1001 = tpu.vector_load %arg13[%get3A_1000] {strides = array<i32>} : memref<128xf32, #tpu.memory_space<vmem>>, vector<16xf32>,
              %max3A_1002 = arith.maximumf %get3A_1001, %gather3A_641 : vector<16xf32>
              %get3A_1003 = arith.index_cast %mul3A_999 : i32 to index
              %get3A_1004 = tpu.vector_load %arg14[%get3A_1003] {strides = array<i32>} : memref<128xf32, #tpu.memory_space<vmem>>, vector<16xf32>,
              %max3A_1005 = arith.maximumf %get3A_1004, %gather3A_645 : vector<16xf32>
              %get3A_1006 = arith.index_cast %mul3A_999 : i32 to index
              %get3A_1007 = tpu.vector_load %arg15[%get3A_1006] {strides = array<i32>} : memref<128xf32, #tpu.memory_space<vmem>>, vector<16xf32>,
              %min3A_1008 = arith.minimumf %get3A_1007, %gather3A_649 : vector<16xf32>
              %get3A_1009 = arith.index_cast %mul3A_999 : i32 to index
              %get3A_1010 = tpu.vector_load %arg16[%get3A_1009] {strides = array<i32>} : memref<128xf32, #tpu.memory_space<vmem>>, vector<16xf32>,
              %min3A_1011 = arith.minimumf %get3A_1010, %gather3A_653 : vector<16xf32>
              %sub3A_1012 = arith.subf %min3A_1008, %max3A_1002 : vector<16xf32>
              %max3A_1013 = arith.constant 0.000000e+00 : f32
              %max3A_1014 = vector.broadcast %max3A_1013 : f32 to vector<16xf32>
              %max3A_1015 = arith.maximumf %sub3A_1012, %max3A_1014 : vector<16xf32>
              %sub3A_1016 = arith.subf %min3A_1011, %max3A_1005 : vector<16xf32>
              %max3A_1017 = arith.constant 0.000000e+00 : f32
              %max3A_1018 = vector.broadcast %max3A_1017 : f32 to vector<16xf32>
              %max3A_1019 = arith.maximumf %sub3A_1016, %max3A_1018 : vector<16xf32>
              %mul3A_1020 = arith.mulf %max3A_1015, %max3A_1019 : vector<16xf32>
              %get3A_1021 = arith.index_cast %mul3A_999 : i32 to index
              %get3A_1022 = tpu.vector_load %arg17[%get3A_1021] {strides = array<i32>} : memref<128xf32, #tpu.memory_space<vmem>>, vector<16xf32>,
              %add3A_1023 = arith.addf %get3A_1022, %mul3A_656 : vector<16xf32>
              %sub3A_1024 = arith.subf %add3A_1023, %mul3A_1020 : vector<16xf32>
              %div3A_1025 = arith.divf %mul3A_1020, %sub3A_1024 : vector<16xf32>
              %max3A_1026 = arith.maximumf %max3A_993, %div3A_1025 : vector<16xf32>
              scf.yield %max3A_1026 : vector<16xf32>
            }
            %while3A_692 = arith.constant 1 : i32
            %while3A_693 = scf.for %while3A_961 = %while3A_689 to %while3A_685 step %while3A_692 iter_args(%while3A_962 = %while3A_691) -> (vector<16xf32>)  : i32 {
              %mul3A_963 = arith.constant 2 : i32
              %mul3A_964 = arith.muli %mul3A_963, %while3A_961 : i32
              %add3A_965 = arith.constant 0 : i32
              %add3A_966 = arith.addi %mul3A_964, %add3A_965 : i32
              %mul3A_967 = arith.constant 16 : i32
              %mul3A_968 = arith.muli %add3A_966, %mul3A_967 : i32
              %get3A = arith.index_cast %mul3A_968 : i32 to index
              %get3A_969 = tpu.vector_load %arg13[%get3A] {strides = array<i32>} : memref<128xf32, #tpu.memory_space<vmem>>, vector<16xf32>,
              %max3A_970 = arith.maximumf %get3A_969, %gather3A_641 : vector<16xf32>
              %get3A_971 = arith.index_cast %mul3A_968 : i32 to index
              %get3A_972 = tpu.vector_load %arg14[%get3A_971] {strides = array<i32>} : memref<128xf32, #tpu.memory_space<vmem>>, vector<16xf32>,
              %max3A_973 = arith.maximumf %get3A_972, %gather3A_645 : vector<16xf32>
              %get3A_974 = arith.index_cast %mul3A_968 : i32 to index
              %get3A_975 = tpu.vector_load %arg15[%get3A_974] {strides = array<i32>} : memref<128xf32, #tpu.memory_space<vmem>>, vector<16xf32>,
              %min3A = arith.minimumf %get3A_975, %gather3A_649 : vector<16xf32>
              %get3A_976 = arith.index_cast %mul3A_968 : i32 to index
              %get3A_977 = tpu.vector_load %arg16[%get3A_976] {strides = array<i32>} : memref<128xf32, #tpu.memory_space<vmem>>, vector<16xf32>,
              %min3A_978 = arith.minimumf %get3A_977, %gather3A_653 : vector<16xf32>
              %sub3A_979 = arith.subf %min3A, %max3A_970 : vector<16xf32>
              %max3A_980 = arith.constant 0.000000e+00 : f32
              %max3A_981 = vector.broadcast %max3A_980 : f32 to vector<16xf32>
              %max3A_982 = arith.maximumf %sub3A_979, %max3A_981 : vector<16xf32>
              %sub3A_983 = arith.subf %min3A_978, %max3A_973 : vector<16xf32>
              %max3A_984 = arith.constant 0.000000e+00 : f32
              %max3A_985 = vector.broadcast %max3A_984 : f32 to vector<16xf32>
              %max3A_986 = arith.maximumf %sub3A_983, %max3A_985 : vector<16xf32>
              %mul3A_987 = arith.mulf %max3A_982, %max3A_986 : vector<16xf32>
              %get3A_988 = arith.index_cast %mul3A_968 : i32 to index
              %get3A_989 = tpu.vector_load %arg17[%get3A_988] {strides = array<i32>} : memref<128xf32, #tpu.memory_space<vmem>>, vector<16xf32>,
              %add3A_990 = arith.addf %get3A_989, %mul3A_656 : vector<16xf32>
              %sub3A_991 = arith.subf %add3A_990, %mul3A_987 : vector<16xf32>
              %div3A_992 = arith.divf %mul3A_987, %sub3A_991 : vector<16xf32>
              %max3A_993 = arith.maximumf %while3A_962, %div3A_992 : vector<16xf32>
              %mul3A_994 = arith.constant 2 : i32
              %mul3A_995 = arith.muli %mul3A_994, %while3A_961 : i32
              %add3A_996 = arith.constant 1 : i32
              %add3A_997 = arith.addi %mul3A_995, %add3A_996 : i32
              %mul3A_998 = arith.constant 16 : i32
              %mul3A_999 = arith.muli %add3A_997, %mul3A_998 : i32
              %get3A_1000 = arith.index_cast %mul3A_999 : i32 to index
              %get3A_1001 = tpu.vector_load %arg13[%get3A_1000] {strides = array<i32>} : memref<128xf32, #tpu.memory_space<vmem>>, vector<16xf32>,
              %max3A_1002 = arith.maximumf %get3A_1001, %gather3A_641 : vector<16xf32>
              %get3A_1003 = arith.index_cast %mul3A_999 : i32 to index
              %get3A_1004 = tpu.vector_load %arg14[%get3A_1003] {strides = array<i32>} : memref<128xf32, #tpu.memory_space<vmem>>, vector<16xf32>,
              %max3A_1005 = arith.maximumf %get3A_1004, %gather3A_645 : vector<16xf32>
              %get3A_1006 = arith.index_cast %mul3A_999 : i32 to index
              %get3A_1007 = tpu.vector_load %arg15[%get3A_1006] {strides = array<i32>} : memref<128xf32, #tpu.memory_space<vmem>>, vector<16xf32>,
              %min3A_1008 = arith.minimumf %get3A_1007, %gather3A_649 : vector<16xf32>
              %get3A_1009 = arith.index_cast %mul3A_999 : i32 to index
              %get3A_1010 = tpu.vector_load %arg16[%get3A_1009] {strides = array<i32>} : memref<128xf32, #tpu.memory_space<vmem>>, vector<16xf32>,
              %min3A_1011 = arith.minimumf %get3A_1010, %gather3A_653 : vector<16xf32>
              %sub3A_1012 = arith.subf %min3A_1008, %max3A_1002 : vector<16xf32>
              %max3A_1013 = arith.constant 0.000000e+00 : f32
              %max3A_1014 = vector.broadcast %max3A_1013 : f32 to vector<16xf32>
              %max3A_1015 = arith.maximumf %sub3A_1012, %max3A_1014 : vector<16xf32>
              %sub3A_1016 = arith.subf %min3A_1011, %max3A_1005 : vector<16xf32>
              %max3A_1017 = arith.constant 0.000000e+00 : f32
              %max3A_1018 = vector.broadcast %max3A_1017 : f32 to vector<16xf32>
              %max3A_1019 = arith.maximumf %sub3A_1016, %max3A_1018 : vector<16xf32>
              %mul3A_1020 = arith.mulf %max3A_1015, %max3A_1019 : vector<16xf32>
              %get3A_1021 = arith.index_cast %mul3A_999 : i32 to index
              %get3A_1022 = tpu.vector_load %arg17[%get3A_1021] {strides = array<i32>} : memref<128xf32, #tpu.memory_space<vmem>>, vector<16xf32>,
              %add3A_1023 = arith.addf %get3A_1022, %mul3A_656 : vector<16xf32>
              %sub3A_1024 = arith.subf %add3A_1023, %mul3A_1020 : vector<16xf32>
              %div3A_1025 = arith.divf %mul3A_1020, %sub3A_1024 : vector<16xf32>
              %max3A_1026 = arith.maximumf %max3A_993, %div3A_1025 : vector<16xf32>
              scf.yield %max3A_1026 : vector<16xf32>
            }
            %xor3A_694 = arith.constant 1 : i32
            %xor3A_695 = vector.broadcast %xor3A_694 : i32 to vector<16xi32>
            %xor3A_696 = arith.xori %iota3A, %xor3A_695 : vector<16xi32>
            %broadcast_in_dim3A_697 = vector.shape_cast %xor3A_696 : vector<16xi32> to vector<16x1xi32>
            %gather3A_698 = vector.shape_cast %broadcast_in_dim3A_697 : vector<16x1xi32> to vector<16xi32>
            %gather3A_699 = tpu.dynamic_gather %while3A_693[%gather3A_698] in [0] : vector<16xf32>, vector<16xi32> -> vector<16xf32>
            %max3A_700 = arith.maximumf %while3A_693, %gather3A_699 : vector<16xf32>
            %xor3A_701 = arith.constant 2 : i32
            %xor3A_702 = vector.broadcast %xor3A_701 : i32 to vector<16xi32>
            %xor3A_703 = arith.xori %iota3A, %xor3A_702 : vector<16xi32>
            %broadcast_in_dim3A_704 = vector.shape_cast %xor3A_703 : vector<16xi32> to vector<16x1xi32>
            %gather3A_705 = vector.shape_cast %broadcast_in_dim3A_704 : vector<16x1xi32> to vector<16xi32>
            %gather3A_706 = tpu.dynamic_gather %max3A_700[%gather3A_705] in [0] : vector<16xf32>, vector<16xi32> -> vector<16xf32>
            %max3A_707 = arith.maximumf %max3A_700, %gather3A_706 : vector<16xf32>
            %xor3A_708 = arith.constant 4 : i32
            %xor3A_709 = vector.broadcast %xor3A_708 : i32 to vector<16xi32>
            %xor3A_710 = arith.xori %iota3A, %xor3A_709 : vector<16xi32>
            %broadcast_in_dim3A_711 = vector.shape_cast %xor3A_710 : vector<16xi32> to vector<16x1xi32>
            %gather3A_712 = vector.shape_cast %broadcast_in_dim3A_711 : vector<16x1xi32> to vector<16xi32>
            %gather3A_713 = tpu.dynamic_gather %max3A_707[%gather3A_712] in [0] : vector<16xf32>, vector<16xi32> -> vector<16xf32>
            %max3A_714 = arith.maximumf %max3A_707, %gather3A_713 : vector<16xf32>
            %xor3A_715 = arith.constant 8 : i32
            %xor3A_716 = vector.broadcast %xor3A_715 : i32 to vector<16xi32>
            %xor3A_717 = arith.xori %iota3A, %xor3A_716 : vector<16xi32>
            %broadcast_in_dim3A_718 = vector.shape_cast %xor3A_717 : vector<16xi32> to vector<16x1xi32>
            %gather3A_719 = vector.shape_cast %broadcast_in_dim3A_718 : vector<16x1xi32> to vector<16xi32>
            %gather3A_720 = tpu.dynamic_gather %max3A_714[%gather3A_719] in [0] : vector<16xf32>, vector<16xi32> -> vector<16xf32>
            %max3A_721 = arith.maximumf %max3A_714, %gather3A_720 : vector<16xf32>
            %gt3A_722 = arith.constant 5.000000e-01 : f32
            %gt3A_723 = vector.broadcast %gt3A_722 : f32 to vector<16xf32>
            %gt3A_724 = arith.cmpf ogt, %max3A_721, %gt3A_723 : vector<16xf32>
            %not3A_725 = arith.constant dense<true> : vector<16xi1>
            %not3A_726 = arith.xori %gt3A_724, %not3A_725 : vector<16xi1>
            %and3A_727 = arith.andi %gt3A_623, %not3A_726 : vector<16xi1>
            %eq3A_728 = arith.constant 0 : i32
            %eq3A_729 = vector.broadcast %eq3A_728 : i32 to vector<16xi32>
            %eq3A_730 = arith.cmpi eq, %iota3A, %eq3A_729 : vector<16xi32>
            %and3A_731 = arith.andi %eq3A_730, %and3A_727 : vector<16xi1>
            tpu.vector_store_idx %arg11[%add3A_594], %max3A_622 masked %and3A_731 : memref<128xf32, #tpu.memory_space<vmem>>[vector<16xi32>], vector<16xf32>, vector<16xi1>
            tpu.vector_store_idx %arg12[%add3A_594], %gather3A_637 masked %and3A_731 : memref<128xi32, #tpu.memory_space<vmem>>[vector<16xi32>], vector<16xi32>, vector<16xi1>
            tpu.vector_store_idx %arg13[%add3A_594], %gather3A_641 masked %and3A_731 : memref<128xf32, #tpu.memory_space<vmem>>[vector<16xi32>], vector<16xf32>, vector<16xi1>
            tpu.vector_store_idx %arg14[%add3A_594], %gather3A_645 masked %and3A_731 : memref<128xf32, #tpu.memory_space<vmem>>[vector<16xi32>], vector<16xf32>, vector<16xi1>
            tpu.vector_store_idx %arg15[%add3A_594], %gather3A_649 masked %and3A_731 : memref<128xf32, #tpu.memory_space<vmem>>[vector<16xi32>], vector<16xf32>, vector<16xi1>
            tpu.vector_store_idx %arg16[%add3A_594], %gather3A_653 masked %and3A_731 : memref<128xf32, #tpu.memory_space<vmem>>[vector<16xi32>], vector<16xf32>, vector<16xi1>
            tpu.vector_store_idx %arg17[%add3A_594], %mul3A_656 masked %and3A_731 : memref<128xf32, #tpu.memory_space<vmem>>[vector<16xi32>], vector<16xf32>, vector<16xi1>
            %eq3A_732 = arith.constant 0 : i32
            %eq3A_733 = vector.broadcast %eq3A_732 : i32 to vector<16xi32>
            %eq3A_734 = arith.cmpi eq, %iota3A, %eq3A_733 : vector<16xi32>
            tpu.vector_store_idx %arg9[%add3A_636], %broadcast_in_dim3A_22 masked %eq3A_734 : memref<5072xf32, #tpu.memory_space<vmem>>[vector<16xi32>], vector<16xf32>, vector<16xi1>
            %eq3A_735 = arith.cmpi eq, %iota3A, %all_reduce_ffs3A_632 : vector<16xi32>
            %select_n3A_736 = arith.select %eq3A_735, %broadcast_in_dim3A_22, %gather3A_630 : vector<16xi1>, vector<16xf32>
            %eq3A_737 = arith.cmpi eq, %iota3A, %all_reduce_ffs3A_625 : vector<16xi32>
            %xor3A_738 = arith.constant 1 : i32
            %xor3A_739 = vector.broadcast %xor3A_738 : i32 to vector<16xi32>
            %xor3A_740 = arith.xori %iota3A, %xor3A_739 : vector<16xi32>
            %broadcast_in_dim3A_741 = vector.shape_cast %xor3A_740 : vector<16xi32> to vector<16x1xi32>
            %gather3A_742 = vector.shape_cast %broadcast_in_dim3A_741 : vector<16x1xi32> to vector<16xi32>
            %gather3A_743 = tpu.dynamic_gather %select_n3A_736[%gather3A_742] in [0] : vector<16xf32>, vector<16xi32> -> vector<16xf32>
            %max3A_744 = arith.maximumf %select_n3A_736, %gather3A_743 : vector<16xf32>
            %xor3A_745 = arith.constant 2 : i32
            %xor3A_746 = vector.broadcast %xor3A_745 : i32 to vector<16xi32>
            %xor3A_747 = arith.xori %iota3A, %xor3A_746 : vector<16xi32>
            %broadcast_in_dim3A_748 = vector.shape_cast %xor3A_747 : vector<16xi32> to vector<16x1xi32>
            %gather3A_749 = vector.shape_cast %broadcast_in_dim3A_748 : vector<16x1xi32> to vector<16xi32>
            %gather3A_750 = tpu.dynamic_gather %max3A_744[%gather3A_749] in [0] : vector<16xf32>, vector<16xi32> -> vector<16xf32>
            %max3A_751 = arith.maximumf %max3A_744, %gather3A_750 : vector<16xf32>
            %xor3A_752 = arith.constant 4 : i32
            %xor3A_753 = vector.broadcast %xor3A_752 : i32 to vector<16xi32>
            %xor3A_754 = arith.xori %iota3A, %xor3A_753 : vector<16xi32>
            %broadcast_in_dim3A_755 = vector.shape_cast %xor3A_754 : vector<16xi32> to vector<16x1xi32>
            %gather3A_756 = vector.shape_cast %broadcast_in_dim3A_755 : vector<16x1xi32> to vector<16xi32>
            %gather3A_757 = tpu.dynamic_gather %max3A_751[%gather3A_756] in [0] : vector<16xf32>, vector<16xi32> -> vector<16xf32>
            %max3A_758 = arith.maximumf %max3A_751, %gather3A_757 : vector<16xf32>
            %xor3A_759 = arith.constant 8 : i32
            %xor3A_760 = vector.broadcast %xor3A_759 : i32 to vector<16xi32>
            %xor3A_761 = arith.xori %iota3A, %xor3A_760 : vector<16xi32>
            %broadcast_in_dim3A_762 = vector.shape_cast %xor3A_761 : vector<16xi32> to vector<16x1xi32>
            %gather3A_763 = vector.shape_cast %broadcast_in_dim3A_762 : vector<16x1xi32> to vector<16xi32>
            %gather3A_764 = tpu.dynamic_gather %max3A_758[%gather3A_763] in [0] : vector<16xf32>, vector<16xi32> -> vector<16xf32>
            %max3A_765 = arith.maximumf %max3A_758, %gather3A_764 : vector<16xf32>
            %select_n3A_766 = arith.select %eq3A_737, %max3A_765, %select_n3A_588 : vector<16xi1>, vector<16xf32>
            %jit3A_767 = arith.constant 1 : i32
            %jit3A_768 = arith.constant 0 : i32
            %broadcast_in_dim3A_769 = vector.broadcast %jit3A_767 : i32 to vector<16xi32>
            %broadcast_in_dim3A_770 = vector.broadcast %jit3A_768 : i32 to vector<16xi32>
            %select_n3A_771 = arith.select %and3A_727, %broadcast_in_dim3A_769, %broadcast_in_dim3A_770 : vector<16xi1>, vector<16xi32>
            %add3A_772 = arith.addi %add3A_594, %select_n3A_771 : vector<16xi32>
            %xor3A_773 = arith.constant 1 : i32
            %xor3A_774 = vector.broadcast %xor3A_773 : i32 to vector<16xi32>
            %xor3A_775 = arith.xori %iota3A, %xor3A_774 : vector<16xi32>
            %broadcast_in_dim3A_776 = vector.shape_cast %xor3A_775 : vector<16xi32> to vector<16x1xi32>
            %gather3A_777 = vector.shape_cast %broadcast_in_dim3A_776 : vector<16x1xi32> to vector<16xi32>
            %gather3A_778 = tpu.dynamic_gather %select_n3A_766[%gather3A_777] in [0] : vector<16xf32>, vector<16xi32> -> vector<16xf32>
            %max3A_779 = arith.maximumf %select_n3A_766, %gather3A_778 : vector<16xf32>
            %xor3A_780 = arith.constant 2 : i32
            %xor3A_781 = vector.broadcast %xor3A_780 : i32 to vector<16xi32>
            %xor3A_782 = arith.xori %iota3A, %xor3A_781 : vector<16xi32>
            %broadcast_in_dim3A_783 = vector.shape_cast %xor3A_782 : vector<16xi32> to vector<16x1xi32>
            %gather3A_784 = vector.shape_cast %broadcast_in_dim3A_783 : vector<16x1xi32> to vector<16xi32>
            %gather3A_785 = tpu.dynamic_gather %max3A_779[%gather3A_784] in [0] : vector<16xf32>, vector<16xi32> -> vector<16xf32>
            %max3A_786 = arith.maximumf %max3A_779, %gather3A_785 : vector<16xf32>
            %xor3A_787 = arith.constant 4 : i32
            %xor3A_788 = vector.broadcast %xor3A_787 : i32 to vector<16xi32>
            %xor3A_789 = arith.xori %iota3A, %xor3A_788 : vector<16xi32>
            %broadcast_in_dim3A_790 = vector.shape_cast %xor3A_789 : vector<16xi32> to vector<16x1xi32>
            %gather3A_791 = vector.shape_cast %broadcast_in_dim3A_790 : vector<16x1xi32> to vector<16xi32>
            %gather3A_792 = tpu.dynamic_gather %max3A_786[%gather3A_791] in [0] : vector<16xf32>, vector<16xi32> -> vector<16xf32>
            %max3A_793 = arith.maximumf %max3A_786, %gather3A_792 : vector<16xf32>
            %xor3A_794 = arith.constant 8 : i32
            %xor3A_795 = vector.broadcast %xor3A_794 : i32 to vector<16xi32>
            %xor3A_796 = arith.xori %iota3A, %xor3A_795 : vector<16xi32>
            %broadcast_in_dim3A_797 = vector.shape_cast %xor3A_796 : vector<16xi32> to vector<16x1xi32>
            %gather3A_798 = vector.shape_cast %broadcast_in_dim3A_797 : vector<16x1xi32> to vector<16xi32>
            %gather3A_799 = tpu.dynamic_gather %max3A_793[%gather3A_798] in [0] : vector<16xf32>, vector<16xi32> -> vector<16xf32>
            %max3A_800 = arith.maximumf %max3A_793, %gather3A_799 : vector<16xf32>
            %gt3A_801 = arith.cmpf ogt, %max3A_800, %broadcast_in_dim3A_22 : vector<16xf32>
            %eq3A_802 = arith.cmpf oeq, %select_n3A_766, %max3A_800 : vector<16xf32>
            %all_reduce_ffs3A_803 = tpu.all_reduce %eq3A_802 {dim = 0 : i64, kind = #tpu.reduction_kind<find_first_set>} : vector<16xi1> -> vector<16xi32>
            %mul3A_804 = arith.constant 16 : i32
            %mul3A_805 = vector.broadcast %mul3A_804 : i32 to vector<16xi32>
            %mul3A_806 = arith.muli %all_reduce_ffs3A_803, %mul3A_805 : vector<16xi32>
            %add3A_807 = arith.addi %mul3A_806, %iota3A : vector<16xi32>
            %gather3A_808 = tpu.vector_load_idx %arg9[%add3A_807] : memref<5072xf32, #tpu.memory_space<vmem>>[vector<16xi32>], vector<16xf32>,
            %eq3A_809 = arith.cmpf oeq, %gather3A_808, %max3A_800 : vector<16xf32>
            %all_reduce_ffs3A_810 = tpu.all_reduce %eq3A_809 {dim = 0 : i64, kind = #tpu.reduction_kind<find_first_set>} : vector<16xi1> -> vector<16xi32>
            %mul3A_811 = arith.constant 16 : i32
            %mul3A_812 = vector.broadcast %mul3A_811 : i32 to vector<16xi32>
            %mul3A_813 = arith.muli %all_reduce_ffs3A_803, %mul3A_812 : vector<16xi32>
            %add3A_814 = arith.addi %mul3A_813, %all_reduce_ffs3A_810 : vector<16xi32>
            %gather3A_815 = tpu.vector_load_idx %arg10[%add3A_814] : memref<5072xi32, #tpu.memory_space<vmem>>[vector<16xi32>], vector<16xi32>,
            %mul3A_816 = arith.constant 4 : i32
            %mul3A_817 = vector.broadcast %mul3A_816 : i32 to vector<16xi32>
            %mul3A_818 = arith.muli %gather3A_815, %mul3A_817 : vector<16xi32>
            %gather3A_819 = tpu.vector_load_idx %arg8[%mul3A_818] : memref<20000xf32, #tpu.memory_space<vmem>>[vector<16xi32>], vector<16xf32>,
            %add3A_820 = arith.constant 1 : i32
            %add3A_821 = vector.broadcast %add3A_820 : i32 to vector<16xi32>
            %add3A_822 = arith.addi %mul3A_818, %add3A_821 : vector<16xi32>
            %gather3A_823 = tpu.vector_load_idx %arg8[%add3A_822] : memref<20000xf32, #tpu.memory_space<vmem>>[vector<16xi32>], vector<16xf32>,
            %add3A_824 = arith.constant 2 : i32
            %add3A_825 = vector.broadcast %add3A_824 : i32 to vector<16xi32>
            %add3A_826 = arith.addi %mul3A_818, %add3A_825 : vector<16xi32>
            %gather3A_827 = tpu.vector_load_idx %arg8[%add3A_826] : memref<20000xf32, #tpu.memory_space<vmem>>[vector<16xi32>], vector<16xf32>,
            %add3A_828 = arith.constant 3 : i32
            %add3A_829 = vector.broadcast %add3A_828 : i32 to vector<16xi32>
            %add3A_830 = arith.addi %mul3A_818, %add3A_829 : vector<16xi32>
            %gather3A_831 = tpu.vector_load_idx %arg8[%add3A_830] : memref<20000xf32, #tpu.memory_space<vmem>>[vector<16xi32>], vector<16xf32>,
            %sub3A_832 = arith.subf %gather3A_827, %gather3A_819 : vector<16xf32>
            %sub3A_833 = arith.subf %gather3A_831, %gather3A_823 : vector<16xf32>
            %mul3A_834 = arith.mulf %sub3A_832, %sub3A_833 : vector<16xf32>
            %add3A_835 = arith.constant 1 : i32
            %add3A_836 = arith.addi %select_n3A_245, %add3A_835 : i32
            %jit3A_837 = arith.constant 2 : i32
            %div3A_838 = arith.divsi %add3A_836, %jit3A_837 : i32
            %sign3A_839 = arith.constant 0 : i32
            %sign3A_840 = arith.cmpi sgt, %add3A_836, %sign3A_839 : i32
            %sign3A_841 = arith.extui %sign3A_840 : i1 to i32
            %sign3A_842 = arith.constant 0 : i32
            %sign3A_843 = arith.cmpi slt, %add3A_836, %sign3A_842 : i32
            %sign3A_844 = arith.extui %sign3A_843 : i1 to i32
            %sign3A_845 = arith.subi %sign3A_841, %sign3A_844 : i32
            %sign3A_846 = arith.constant 0 : i32
            %sign3A_847 = arith.cmpi sgt, %jit3A_837, %sign3A_846 : i32
            %sign3A_848 = arith.extui %sign3A_847 : i1 to i32
            %sign3A_849 = arith.constant 0 : i32
            %sign3A_850 = arith.cmpi slt, %jit3A_837, %sign3A_849 : i32
            %sign3A_851 = arith.extui %sign3A_850 : i1 to i32
            %sign3A_852 = arith.subi %sign3A_848, %sign3A_851 : i32
            %ne3A_853 = arith.cmpi ne, %sign3A_845, %sign3A_852 : i32
            %rem3A_854 = arith.remsi %add3A_836, %jit3A_837 : i32
            %ne3A_855 = arith.constant 0 : i32
            %ne3A_856 = arith.cmpi ne, %rem3A_854, %ne3A_855 : i32
            %and3A_857 = arith.andi %ne3A_853, %ne3A_856 : i1
            %sub3A_858 = arith.constant 1 : i32
            %sub3A_859 = arith.subi %div3A_838, %sub3A_858 : i32
            %select_n3A_860 = arith.select %and3A_857, %sub3A_859, %div3A_838 : i32
            %while3A_861 = arith.constant 0 : i32
            %while3A_862 = arith.subi %select_n3A_860, %while3A_861 : i32
            %while3A_863 = arith.addi %while3A_861, %while3A_862 : i32
            %while3A_864 = arith.constant 1 : i32
            %while3A_865 = arith.divsi %while3A_862, %while3A_864 : i32
            %while3A_866 = arith.muli %while3A_865, %while3A_864 : i32
            %while3A_867 = arith.addi %while3A_861, %while3A_866 : i32
            %while3A_868 = arith.constant 1 : i32
            %while3A_869 = scf.for %while3A_961 = %while3A_861 to %while3A_867 step %while3A_868 iter_args(%while3A_962 = %broadcast_in_dim3A_16) -> (vector<16xf32>)  : i32 {
              %mul3A_963 = arith.constant 2 : i32
              %mul3A_964 = arith.muli %mul3A_963, %while3A_961 : i32
              %add3A_965 = arith.constant 0 : i32
              %add3A_966 = arith.addi %mul3A_964, %add3A_965 : i32
              %mul3A_967 = arith.constant 16 : i32
              %mul3A_968 = arith.muli %add3A_966, %mul3A_967 : i32
              %get3A = arith.index_cast %mul3A_968 : i32 to index
              %get3A_969 = tpu.vector_load %arg13[%get3A] {strides = array<i32>} : memref<128xf32, #tpu.memory_space<vmem>>, vector<16xf32>,
              %max3A_970 = arith.maximumf %get3A_969, %gather3A_819 : vector<16xf32>
              %get3A_971 = arith.index_cast %mul3A_968 : i32 to index
              %get3A_972 = tpu.vector_load %arg14[%get3A_971] {strides = array<i32>} : memref<128xf32, #tpu.memory_space<vmem>>, vector<16xf32>,
              %max3A_973 = arith.maximumf %get3A_972, %gather3A_823 : vector<16xf32>
              %get3A_974 = arith.index_cast %mul3A_968 : i32 to index
              %get3A_975 = tpu.vector_load %arg15[%get3A_974] {strides = array<i32>} : memref<128xf32, #tpu.memory_space<vmem>>, vector<16xf32>,
              %min3A = arith.minimumf %get3A_975, %gather3A_827 : vector<16xf32>
              %get3A_976 = arith.index_cast %mul3A_968 : i32 to index
              %get3A_977 = tpu.vector_load %arg16[%get3A_976] {strides = array<i32>} : memref<128xf32, #tpu.memory_space<vmem>>, vector<16xf32>,
              %min3A_978 = arith.minimumf %get3A_977, %gather3A_831 : vector<16xf32>
              %sub3A_979 = arith.subf %min3A, %max3A_970 : vector<16xf32>
              %max3A_980 = arith.constant 0.000000e+00 : f32
              %max3A_981 = vector.broadcast %max3A_980 : f32 to vector<16xf32>
              %max3A_982 = arith.maximumf %sub3A_979, %max3A_981 : vector<16xf32>
              %sub3A_983 = arith.subf %min3A_978, %max3A_973 : vector<16xf32>
              %max3A_984 = arith.constant 0.000000e+00 : f32
              %max3A_985 = vector.broadcast %max3A_984 : f32 to vector<16xf32>
              %max3A_986 = arith.maximumf %sub3A_983, %max3A_985 : vector<16xf32>
              %mul3A_987 = arith.mulf %max3A_982, %max3A_986 : vector<16xf32>
              %get3A_988 = arith.index_cast %mul3A_968 : i32 to index
              %get3A_989 = tpu.vector_load %arg17[%get3A_988] {strides = array<i32>} : memref<128xf32, #tpu.memory_space<vmem>>, vector<16xf32>,
              %add3A_990 = arith.addf %get3A_989, %mul3A_834 : vector<16xf32>
              %sub3A_991 = arith.subf %add3A_990, %mul3A_987 : vector<16xf32>
              %div3A_992 = arith.divf %mul3A_987, %sub3A_991 : vector<16xf32>
              %max3A_993 = arith.maximumf %while3A_962, %div3A_992 : vector<16xf32>
              %mul3A_994 = arith.constant 2 : i32
              %mul3A_995 = arith.muli %mul3A_994, %while3A_961 : i32
              %add3A_996 = arith.constant 1 : i32
              %add3A_997 = arith.addi %mul3A_995, %add3A_996 : i32
              %mul3A_998 = arith.constant 16 : i32
              %mul3A_999 = arith.muli %add3A_997, %mul3A_998 : i32
              %get3A_1000 = arith.index_cast %mul3A_999 : i32 to index
              %get3A_1001 = tpu.vector_load %arg13[%get3A_1000] {strides = array<i32>} : memref<128xf32, #tpu.memory_space<vmem>>, vector<16xf32>,
              %max3A_1002 = arith.maximumf %get3A_1001, %gather3A_819 : vector<16xf32>
              %get3A_1003 = arith.index_cast %mul3A_999 : i32 to index
              %get3A_1004 = tpu.vector_load %arg14[%get3A_1003] {strides = array<i32>} : memref<128xf32, #tpu.memory_space<vmem>>, vector<16xf32>,
              %max3A_1005 = arith.maximumf %get3A_1004, %gather3A_823 : vector<16xf32>
              %get3A_1006 = arith.index_cast %mul3A_999 : i32 to index
              %get3A_1007 = tpu.vector_load %arg15[%get3A_1006] {strides = array<i32>} : memref<128xf32, #tpu.memory_space<vmem>>, vector<16xf32>,
              %min3A_1008 = arith.minimumf %get3A_1007, %gather3A_827 : vector<16xf32>
              %get3A_1009 = arith.index_cast %mul3A_999 : i32 to index
              %get3A_1010 = tpu.vector_load %arg16[%get3A_1009] {strides = array<i32>} : memref<128xf32, #tpu.memory_space<vmem>>, vector<16xf32>,
              %min3A_1011 = arith.minimumf %get3A_1010, %gather3A_831 : vector<16xf32>
              %sub3A_1012 = arith.subf %min3A_1008, %max3A_1002 : vector<16xf32>
              %max3A_1013 = arith.constant 0.000000e+00 : f32
              %max3A_1014 = vector.broadcast %max3A_1013 : f32 to vector<16xf32>
              %max3A_1015 = arith.maximumf %sub3A_1012, %max3A_1014 : vector<16xf32>
              %sub3A_1016 = arith.subf %min3A_1011, %max3A_1005 : vector<16xf32>
              %max3A_1017 = arith.constant 0.000000e+00 : f32
              %max3A_1018 = vector.broadcast %max3A_1017 : f32 to vector<16xf32>
              %max3A_1019 = arith.maximumf %sub3A_1016, %max3A_1018 : vector<16xf32>
              %mul3A_1020 = arith.mulf %max3A_1015, %max3A_1019 : vector<16xf32>
              %get3A_1021 = arith.index_cast %mul3A_999 : i32 to index
              %get3A_1022 = tpu.vector_load %arg17[%get3A_1021] {strides = array<i32>} : memref<128xf32, #tpu.memory_space<vmem>>, vector<16xf32>,
              %add3A_1023 = arith.addf %get3A_1022, %mul3A_834 : vector<16xf32>
              %sub3A_1024 = arith.subf %add3A_1023, %mul3A_1020 : vector<16xf32>
              %div3A_1025 = arith.divf %mul3A_1020, %sub3A_1024 : vector<16xf32>
              %max3A_1026 = arith.maximumf %max3A_993, %div3A_1025 : vector<16xf32>
              scf.yield %max3A_1026 : vector<16xf32>
            }
            %while3A_870 = arith.constant 1 : i32
            %while3A_871 = scf.for %while3A_961 = %while3A_867 to %while3A_863 step %while3A_870 iter_args(%while3A_962 = %while3A_869) -> (vector<16xf32>)  : i32 {
              %mul3A_963 = arith.constant 2 : i32
              %mul3A_964 = arith.muli %mul3A_963, %while3A_961 : i32
              %add3A_965 = arith.constant 0 : i32
              %add3A_966 = arith.addi %mul3A_964, %add3A_965 : i32
              %mul3A_967 = arith.constant 16 : i32
              %mul3A_968 = arith.muli %add3A_966, %mul3A_967 : i32
              %get3A = arith.index_cast %mul3A_968 : i32 to index
              %get3A_969 = tpu.vector_load %arg13[%get3A] {strides = array<i32>} : memref<128xf32, #tpu.memory_space<vmem>>, vector<16xf32>,
              %max3A_970 = arith.maximumf %get3A_969, %gather3A_819 : vector<16xf32>
              %get3A_971 = arith.index_cast %mul3A_968 : i32 to index
              %get3A_972 = tpu.vector_load %arg14[%get3A_971] {strides = array<i32>} : memref<128xf32, #tpu.memory_space<vmem>>, vector<16xf32>,
              %max3A_973 = arith.maximumf %get3A_972, %gather3A_823 : vector<16xf32>
              %get3A_974 = arith.index_cast %mul3A_968 : i32 to index
              %get3A_975 = tpu.vector_load %arg15[%get3A_974] {strides = array<i32>} : memref<128xf32, #tpu.memory_space<vmem>>, vector<16xf32>,
              %min3A = arith.minimumf %get3A_975, %gather3A_827 : vector<16xf32>
              %get3A_976 = arith.index_cast %mul3A_968 : i32 to index
              %get3A_977 = tpu.vector_load %arg16[%get3A_976] {strides = array<i32>} : memref<128xf32, #tpu.memory_space<vmem>>, vector<16xf32>,
              %min3A_978 = arith.minimumf %get3A_977, %gather3A_831 : vector<16xf32>
              %sub3A_979 = arith.subf %min3A, %max3A_970 : vector<16xf32>
              %max3A_980 = arith.constant 0.000000e+00 : f32
              %max3A_981 = vector.broadcast %max3A_980 : f32 to vector<16xf32>
              %max3A_982 = arith.maximumf %sub3A_979, %max3A_981 : vector<16xf32>
              %sub3A_983 = arith.subf %min3A_978, %max3A_973 : vector<16xf32>
              %max3A_984 = arith.constant 0.000000e+00 : f32
              %max3A_985 = vector.broadcast %max3A_984 : f32 to vector<16xf32>
              %max3A_986 = arith.maximumf %sub3A_983, %max3A_985 : vector<16xf32>
              %mul3A_987 = arith.mulf %max3A_982, %max3A_986 : vector<16xf32>
              %get3A_988 = arith.index_cast %mul3A_968 : i32 to index
              %get3A_989 = tpu.vector_load %arg17[%get3A_988] {strides = array<i32>} : memref<128xf32, #tpu.memory_space<vmem>>, vector<16xf32>,
              %add3A_990 = arith.addf %get3A_989, %mul3A_834 : vector<16xf32>
              %sub3A_991 = arith.subf %add3A_990, %mul3A_987 : vector<16xf32>
              %div3A_992 = arith.divf %mul3A_987, %sub3A_991 : vector<16xf32>
              %max3A_993 = arith.maximumf %while3A_962, %div3A_992 : vector<16xf32>
              %mul3A_994 = arith.constant 2 : i32
              %mul3A_995 = arith.muli %mul3A_994, %while3A_961 : i32
              %add3A_996 = arith.constant 1 : i32
              %add3A_997 = arith.addi %mul3A_995, %add3A_996 : i32
              %mul3A_998 = arith.constant 16 : i32
              %mul3A_999 = arith.muli %add3A_997, %mul3A_998 : i32
              %get3A_1000 = arith.index_cast %mul3A_999 : i32 to index
              %get3A_1001 = tpu.vector_load %arg13[%get3A_1000] {strides = array<i32>} : memref<128xf32, #tpu.memory_space<vmem>>, vector<16xf32>,
              %max3A_1002 = arith.maximumf %get3A_1001, %gather3A_819 : vector<16xf32>
              %get3A_1003 = arith.index_cast %mul3A_999 : i32 to index
              %get3A_1004 = tpu.vector_load %arg14[%get3A_1003] {strides = array<i32>} : memref<128xf32, #tpu.memory_space<vmem>>, vector<16xf32>,
              %max3A_1005 = arith.maximumf %get3A_1004, %gather3A_823 : vector<16xf32>
              %get3A_1006 = arith.index_cast %mul3A_999 : i32 to index
              %get3A_1007 = tpu.vector_load %arg15[%get3A_1006] {strides = array<i32>} : memref<128xf32, #tpu.memory_space<vmem>>, vector<16xf32>,
              %min3A_1008 = arith.minimumf %get3A_1007, %gather3A_827 : vector<16xf32>
              %get3A_1009 = arith.index_cast %mul3A_999 : i32 to index
              %get3A_1010 = tpu.vector_load %arg16[%get3A_1009] {strides = array<i32>} : memref<128xf32, #tpu.memory_space<vmem>>, vector<16xf32>,
              %min3A_1011 = arith.minimumf %get3A_1010, %gather3A_831 : vector<16xf32>
              %sub3A_1012 = arith.subf %min3A_1008, %max3A_1002 : vector<16xf32>
              %max3A_1013 = arith.constant 0.000000e+00 : f32
              %max3A_1014 = vector.broadcast %max3A_1013 : f32 to vector<16xf32>
              %max3A_1015 = arith.maximumf %sub3A_1012, %max3A_1014 : vector<16xf32>
              %sub3A_1016 = arith.subf %min3A_1011, %max3A_1005 : vector<16xf32>
              %max3A_1017 = arith.constant 0.000000e+00 : f32
              %max3A_1018 = vector.broadcast %max3A_1017 : f32 to vector<16xf32>
              %max3A_1019 = arith.maximumf %sub3A_1016, %max3A_1018 : vector<16xf32>
              %mul3A_1020 = arith.mulf %max3A_1015, %max3A_1019 : vector<16xf32>
              %get3A_1021 = arith.index_cast %mul3A_999 : i32 to index
              %get3A_1022 = tpu.vector_load %arg17[%get3A_1021] {strides = array<i32>} : memref<128xf32, #tpu.memory_space<vmem>>, vector<16xf32>,
              %add3A_1023 = arith.addf %get3A_1022, %mul3A_834 : vector<16xf32>
              %sub3A_1024 = arith.subf %add3A_1023, %mul3A_1020 : vector<16xf32>
              %div3A_1025 = arith.divf %mul3A_1020, %sub3A_1024 : vector<16xf32>
              %max3A_1026 = arith.maximumf %max3A_993, %div3A_1025 : vector<16xf32>
              scf.yield %max3A_1026 : vector<16xf32>
            }
            %xor3A_872 = arith.constant 1 : i32
            %xor3A_873 = vector.broadcast %xor3A_872 : i32 to vector<16xi32>
            %xor3A_874 = arith.xori %iota3A, %xor3A_873 : vector<16xi32>
            %broadcast_in_dim3A_875 = vector.shape_cast %xor3A_874 : vector<16xi32> to vector<16x1xi32>
            %gather3A_876 = vector.shape_cast %broadcast_in_dim3A_875 : vector<16x1xi32> to vector<16xi32>
            %gather3A_877 = tpu.dynamic_gather %while3A_871[%gather3A_876] in [0] : vector<16xf32>, vector<16xi32> -> vector<16xf32>
            %max3A_878 = arith.maximumf %while3A_871, %gather3A_877 : vector<16xf32>
            %xor3A_879 = arith.constant 2 : i32
            %xor3A_880 = vector.broadcast %xor3A_879 : i32 to vector<16xi32>
            %xor3A_881 = arith.xori %iota3A, %xor3A_880 : vector<16xi32>
            %broadcast_in_dim3A_882 = vector.shape_cast %xor3A_881 : vector<16xi32> to vector<16x1xi32>
            %gather3A_883 = vector.shape_cast %broadcast_in_dim3A_882 : vector<16x1xi32> to vector<16xi32>
            %gather3A_884 = tpu.dynamic_gather %max3A_878[%gather3A_883] in [0] : vector<16xf32>, vector<16xi32> -> vector<16xf32>
            %max3A_885 = arith.maximumf %max3A_878, %gather3A_884 : vector<16xf32>
            %xor3A_886 = arith.constant 4 : i32
            %xor3A_887 = vector.broadcast %xor3A_886 : i32 to vector<16xi32>
            %xor3A_888 = arith.xori %iota3A, %xor3A_887 : vector<16xi32>
            %broadcast_in_dim3A_889 = vector.shape_cast %xor3A_888 : vector<16xi32> to vector<16x1xi32>
            %gather3A_890 = vector.shape_cast %broadcast_in_dim3A_889 : vector<16x1xi32> to vector<16xi32>
            %gather3A_891 = tpu.dynamic_gather %max3A_885[%gather3A_890] in [0] : vector<16xf32>, vector<16xi32> -> vector<16xf32>
            %max3A_892 = arith.maximumf %max3A_885, %gather3A_891 : vector<16xf32>
            %xor3A_893 = arith.constant 8 : i32
            %xor3A_894 = vector.broadcast %xor3A_893 : i32 to vector<16xi32>
            %xor3A_895 = arith.xori %iota3A, %xor3A_894 : vector<16xi32>
            %broadcast_in_dim3A_896 = vector.shape_cast %xor3A_895 : vector<16xi32> to vector<16x1xi32>
            %gather3A_897 = vector.shape_cast %broadcast_in_dim3A_896 : vector<16x1xi32> to vector<16xi32>
            %gather3A_898 = tpu.dynamic_gather %max3A_892[%gather3A_897] in [0] : vector<16xf32>, vector<16xi32> -> vector<16xf32>
            %max3A_899 = arith.maximumf %max3A_892, %gather3A_898 : vector<16xf32>
            %gt3A_900 = arith.constant 5.000000e-01 : f32
            %gt3A_901 = vector.broadcast %gt3A_900 : f32 to vector<16xf32>
            %gt3A_902 = arith.cmpf ogt, %max3A_899, %gt3A_901 : vector<16xf32>
            %not3A_903 = arith.constant dense<true> : vector<16xi1>
            %not3A_904 = arith.xori %gt3A_902, %not3A_903 : vector<16xi1>
            %and3A_905 = arith.andi %gt3A_801, %not3A_904 : vector<16xi1>
            %eq3A_906 = arith.constant 0 : i32
            %eq3A_907 = vector.broadcast %eq3A_906 : i32 to vector<16xi32>
            %eq3A_908 = arith.cmpi eq, %iota3A, %eq3A_907 : vector<16xi32>
            %and3A_909 = arith.andi %eq3A_908, %and3A_905 : vector<16xi1>
            tpu.vector_store_idx %arg11[%add3A_772], %max3A_800 masked %and3A_909 : memref<128xf32, #tpu.memory_space<vmem>>[vector<16xi32>], vector<16xf32>, vector<16xi1>
            tpu.vector_store_idx %arg12[%add3A_772], %gather3A_815 masked %and3A_909 : memref<128xi32, #tpu.memory_space<vmem>>[vector<16xi32>], vector<16xi32>, vector<16xi1>
            tpu.vector_store_idx %arg13[%add3A_772], %gather3A_819 masked %and3A_909 : memref<128xf32, #tpu.memory_space<vmem>>[vector<16xi32>], vector<16xf32>, vector<16xi1>
            tpu.vector_store_idx %arg14[%add3A_772], %gather3A_823 masked %and3A_909 : memref<128xf32, #tpu.memory_space<vmem>>[vector<16xi32>], vector<16xf32>, vector<16xi1>
            tpu.vector_store_idx %arg15[%add3A_772], %gather3A_827 masked %and3A_909 : memref<128xf32, #tpu.memory_space<vmem>>[vector<16xi32>], vector<16xf32>, vector<16xi1>
            tpu.vector_store_idx %arg16[%add3A_772], %gather3A_831 masked %and3A_909 : memref<128xf32, #tpu.memory_space<vmem>>[vector<16xi32>], vector<16xf32>, vector<16xi1>
            tpu.vector_store_idx %arg17[%add3A_772], %mul3A_834 masked %and3A_909 : memref<128xf32, #tpu.memory_space<vmem>>[vector<16xi32>], vector<16xf32>, vector<16xi1>
            %eq3A_910 = arith.constant 0 : i32
            %eq3A_911 = vector.broadcast %eq3A_910 : i32 to vector<16xi32>
            %eq3A_912 = arith.cmpi eq, %iota3A, %eq3A_911 : vector<16xi32>
            tpu.vector_store_idx %arg9[%add3A_814], %broadcast_in_dim3A_22 masked %eq3A_912 : memref<5072xf32, #tpu.memory_space<vmem>>[vector<16xi32>], vector<16xf32>, vector<16xi1>
            %eq3A_913 = arith.cmpi eq, %iota3A, %all_reduce_ffs3A_810 : vector<16xi32>
            %select_n3A_914 = arith.select %eq3A_913, %broadcast_in_dim3A_22, %gather3A_808 : vector<16xi1>, vector<16xf32>
            %eq3A_915 = arith.cmpi eq, %iota3A, %all_reduce_ffs3A_803 : vector<16xi32>
            %xor3A_916 = arith.constant 1 : i32
            %xor3A_917 = vector.broadcast %xor3A_916 : i32 to vector<16xi32>
            %xor3A_918 = arith.xori %iota3A, %xor3A_917 : vector<16xi32>
            %broadcast_in_dim3A_919 = vector.shape_cast %xor3A_918 : vector<16xi32> to vector<16x1xi32>
            %gather3A_920 = vector.shape_cast %broadcast_in_dim3A_919 : vector<16x1xi32> to vector<16xi32>
            %gather3A_921 = tpu.dynamic_gather %select_n3A_914[%gather3A_920] in [0] : vector<16xf32>, vector<16xi32> -> vector<16xf32>
            %max3A_922 = arith.maximumf %select_n3A_914, %gather3A_921 : vector<16xf32>
            %xor3A_923 = arith.constant 2 : i32
            %xor3A_924 = vector.broadcast %xor3A_923 : i32 to vector<16xi32>
            %xor3A_925 = arith.xori %iota3A, %xor3A_924 : vector<16xi32>
            %broadcast_in_dim3A_926 = vector.shape_cast %xor3A_925 : vector<16xi32> to vector<16x1xi32>
            %gather3A_927 = vector.shape_cast %broadcast_in_dim3A_926 : vector<16x1xi32> to vector<16xi32>
            %gather3A_928 = tpu.dynamic_gather %max3A_922[%gather3A_927] in [0] : vector<16xf32>, vector<16xi32> -> vector<16xf32>
            %max3A_929 = arith.maximumf %max3A_922, %gather3A_928 : vector<16xf32>
            %xor3A_930 = arith.constant 4 : i32
            %xor3A_931 = vector.broadcast %xor3A_930 : i32 to vector<16xi32>
            %xor3A_932 = arith.xori %iota3A, %xor3A_931 : vector<16xi32>
            %broadcast_in_dim3A_933 = vector.shape_cast %xor3A_932 : vector<16xi32> to vector<16x1xi32>
            %gather3A_934 = vector.shape_cast %broadcast_in_dim3A_933 : vector<16x1xi32> to vector<16xi32>
            %gather3A_935 = tpu.dynamic_gather %max3A_929[%gather3A_934] in [0] : vector<16xf32>, vector<16xi32> -> vector<16xf32>
            %max3A_936 = arith.maximumf %max3A_929, %gather3A_935 : vector<16xf32>
            %xor3A_937 = arith.constant 8 : i32
            %xor3A_938 = vector.broadcast %xor3A_937 : i32 to vector<16xi32>
            %xor3A_939 = arith.xori %iota3A, %xor3A_938 : vector<16xi32>
            %broadcast_in_dim3A_940 = vector.shape_cast %xor3A_939 : vector<16xi32> to vector<16x1xi32>
            %gather3A_941 = vector.shape_cast %broadcast_in_dim3A_940 : vector<16x1xi32> to vector<16xi32>
            %gather3A_942 = tpu.dynamic_gather %max3A_936[%gather3A_941] in [0] : vector<16xf32>, vector<16xi32> -> vector<16xf32>
            %max3A_943 = arith.maximumf %max3A_936, %gather3A_942 : vector<16xf32>
            %select_n3A_944 = arith.select %eq3A_915, %max3A_943, %select_n3A_766 : vector<16xi1>, vector<16xf32>
            %jit3A_945 = arith.constant 1 : i32
            %jit3A_946 = arith.constant 0 : i32
            %broadcast_in_dim3A_947 = vector.broadcast %jit3A_945 : i32 to vector<16xi32>
            %broadcast_in_dim3A_948 = vector.broadcast %jit3A_946 : i32 to vector<16xi32>
            %select_n3A_949 = arith.select %and3A_905, %broadcast_in_dim3A_947, %broadcast_in_dim3A_948 : vector<16xi1>, vector<16xi32>
            %add3A_950 = arith.addi %add3A_772, %select_n3A_949 : vector<16xi32>
            %add3A_951 = arith.constant 4 : i32
            %add3A_952 = arith.addi %while3A_212, %add3A_951 : i32
            %reduce_max3A_953 = arith.constant true
            %reduce_max3A_954 = vector.broadcast %reduce_max3A_953 : i1 to vector<16xi1>
            %reduce_max3A_955 = arith.constant -2147483648 : i32
            %reduce_max3A_956 = vector.broadcast %reduce_max3A_955 : i32 to vector<16xi32>
            %reduce_max3A_957 = arith.xori %add3A_950, %reduce_max3A_956 : vector<16xi32>
            %reduce_max3A_958 = tpu.scan <max>, %reduce_max3A_957 masked %reduce_max3A_954 : vector<16xi32>, vector<16xi1> -> vector<16xi32>
            %reduce_max3A_959 = arith.xori %reduce_max3A_958, %reduce_max3A_956 : vector<16xi32>
            %reduce_max3A_960 = vector.extract %reduce_max3A_959[15] : i32 from vector<16xi32>
            scf.yield %add3A_952, %reduce_max3A_960, %add3A_950, %select_n3A_944 : i32, i32, vector<16xi32>, vector<16xf32>
          }
          scf.yield %while3A_211#1 : i32
        } else {
          %while3A_198 = arith.constant 0 : i32
          %while3A_199:2 = scf.while (%while3A_200 = %while3A_198, %while3A_201 = %while3A_153) : (i32, i32) -> (i32, i32) {
            %lt3A_202 = arith.cmpi slt, %while3A_200, %reduce_max3A_170 : i32
            %lt3A_203 = arith.constant 100 : i32
            %lt3A_204 = arith.cmpi slt, %while3A_201, %lt3A_203 : i32
            %and3A_205 = arith.andi %lt3A_202, %lt3A_204 : i1
            scf.condition(%and3A_205) %while3A_200, %while3A_201 : i32, i32
          } do {
          ^bb0(%while3A_200: i32, %while3A_201: i32):
            %while3A_202 = arith.constant 0 : i32
            %while3A_203 = arith.subi %select_n3A, %while3A_202 : i32
            %while3A_204 = arith.addi %while3A_202, %while3A_203 : i32
            %while3A_205 = arith.constant 1 : i32
            %while3A_206 = arith.divsi %while3A_203, %while3A_205 : i32
            %while3A_207 = arith.muli %while3A_206, %while3A_205 : i32
            %while3A_208 = arith.addi %while3A_202, %while3A_207 : i32
            %while3A_209 = arith.constant 1 : i32
            %while3A_210:2 = scf.for %while3A_408 = %while3A_202 to %while3A_208 step %while3A_209 iter_args(%while3A_409 = %broadcast_in_dim3A_22, %while3A_410 = %broadcast_in_dim3A_24) -> (vector<16xf32>, vector<16xi32>)  : i32 {
              %mul3A_411 = arith.constant 16 : i32
              %mul3A_412 = arith.muli %while3A_408, %mul3A_411 : i32
              %get3A = arith.index_cast %mul3A_412 : i32 to index
              %get3A_413 = tpu.vector_load %arg9[%get3A] {strides = array<i32>} : memref<5072xf32, #tpu.memory_space<vmem>>, vector<16xf32>,
              %gt3A_414 = arith.cmpf ogt, %get3A_413, %while3A_409 : vector<16xf32>
              %mul3A_415 = arith.constant 16 : i32
              %mul3A_416 = arith.muli %while3A_408, %mul3A_415 : i32
              %add3A_417 = vector.broadcast %mul3A_416 : i32 to vector<16xi32>
              %add3A_418 = arith.addi %add3A_417, %iota3A : vector<16xi32>
              %select_n3A_419 = arith.select %gt3A_414, %add3A_418, %while3A_410 : vector<16xi1>, vector<16xi32>
              %max3A_420 = arith.maximumf %while3A_409, %get3A_413 : vector<16xf32>
              scf.yield %max3A_420, %select_n3A_419 : vector<16xf32>, vector<16xi32>
            }
            %while3A_211 = arith.constant 1 : i32
            %while3A_212:2 = scf.for %while3A_408 = %while3A_208 to %while3A_204 step %while3A_211 iter_args(%while3A_409 = %while3A_210#0, %while3A_410 = %while3A_210#1) -> (vector<16xf32>, vector<16xi32>)  : i32 {
              %mul3A_411 = arith.constant 16 : i32
              %mul3A_412 = arith.muli %while3A_408, %mul3A_411 : i32
              %get3A = arith.index_cast %mul3A_412 : i32 to index
              %get3A_413 = tpu.vector_load %arg9[%get3A] {strides = array<i32>} : memref<5072xf32, #tpu.memory_space<vmem>>, vector<16xf32>,
              %gt3A_414 = arith.cmpf ogt, %get3A_413, %while3A_409 : vector<16xf32>
              %mul3A_415 = arith.constant 16 : i32
              %mul3A_416 = arith.muli %while3A_408, %mul3A_415 : i32
              %add3A_417 = vector.broadcast %mul3A_416 : i32 to vector<16xi32>
              %add3A_418 = arith.addi %add3A_417, %iota3A : vector<16xi32>
              %select_n3A_419 = arith.select %gt3A_414, %add3A_418, %while3A_410 : vector<16xi1>, vector<16xi32>
              %max3A_420 = arith.maximumf %while3A_409, %get3A_413 : vector<16xf32>
              scf.yield %max3A_420, %select_n3A_419 : vector<16xf32>, vector<16xi32>
            }
            %xor3A = arith.constant 1 : i32
            %xor3A_213 = vector.broadcast %xor3A : i32 to vector<16xi32>
            %xor3A_214 = arith.xori %iota3A, %xor3A_213 : vector<16xi32>
            %broadcast_in_dim3A_215 = vector.shape_cast %xor3A_214 : vector<16xi32> to vector<16x1xi32>
            %gather3A = vector.shape_cast %broadcast_in_dim3A_215 : vector<16x1xi32> to vector<16xi32>
            %gather3A_216 = tpu.dynamic_gather %while3A_212#0[%gather3A] in [0] : vector<16xf32>, vector<16xi32> -> vector<16xf32>
            %max3A = arith.maximumf %while3A_212#0, %gather3A_216 : vector<16xf32>
            %xor3A_217 = arith.constant 2 : i32
            %xor3A_218 = vector.broadcast %xor3A_217 : i32 to vector<16xi32>
            %xor3A_219 = arith.xori %iota3A, %xor3A_218 : vector<16xi32>
            %broadcast_in_dim3A_220 = vector.shape_cast %xor3A_219 : vector<16xi32> to vector<16x1xi32>
            %gather3A_221 = vector.shape_cast %broadcast_in_dim3A_220 : vector<16x1xi32> to vector<16xi32>
            %gather3A_222 = tpu.dynamic_gather %max3A[%gather3A_221] in [0] : vector<16xf32>, vector<16xi32> -> vector<16xf32>
            %max3A_223 = arith.maximumf %max3A, %gather3A_222 : vector<16xf32>
            %xor3A_224 = arith.constant 4 : i32
            %xor3A_225 = vector.broadcast %xor3A_224 : i32 to vector<16xi32>
            %xor3A_226 = arith.xori %iota3A, %xor3A_225 : vector<16xi32>
            %broadcast_in_dim3A_227 = vector.shape_cast %xor3A_226 : vector<16xi32> to vector<16x1xi32>
            %gather3A_228 = vector.shape_cast %broadcast_in_dim3A_227 : vector<16x1xi32> to vector<16xi32>
            %gather3A_229 = tpu.dynamic_gather %max3A_223[%gather3A_228] in [0] : vector<16xf32>, vector<16xi32> -> vector<16xf32>
            %max3A_230 = arith.maximumf %max3A_223, %gather3A_229 : vector<16xf32>
            %xor3A_231 = arith.constant 8 : i32
            %xor3A_232 = vector.broadcast %xor3A_231 : i32 to vector<16xi32>
            %xor3A_233 = arith.xori %iota3A, %xor3A_232 : vector<16xi32>
            %broadcast_in_dim3A_234 = vector.shape_cast %xor3A_233 : vector<16xi32> to vector<16x1xi32>
            %gather3A_235 = vector.shape_cast %broadcast_in_dim3A_234 : vector<16x1xi32> to vector<16xi32>
            %gather3A_236 = tpu.dynamic_gather %max3A_230[%gather3A_235] in [0] : vector<16xf32>, vector<16xi32> -> vector<16xf32>
            %max3A_237 = arith.maximumf %max3A_230, %gather3A_236 : vector<16xf32>
            %eq3A_238 = arith.cmpf oeq, %while3A_212#0, %max3A_237 : vector<16xf32>
            %select_n3A_239 = arith.select %eq3A_238, %while3A_212#1, %broadcast_in_dim3A_24 : vector<16xi1>, vector<16xi32>
            %xor3A_240 = arith.constant 1 : i32
            %xor3A_241 = vector.broadcast %xor3A_240 : i32 to vector<16xi32>
            %xor3A_242 = arith.xori %iota3A, %xor3A_241 : vector<16xi32>
            %broadcast_in_dim3A_243 = vector.shape_cast %xor3A_242 : vector<16xi32> to vector<16x1xi32>
            %gather3A_244 = vector.shape_cast %broadcast_in_dim3A_243 : vector<16x1xi32> to vector<16xi32>
            %gather3A_245 = tpu.dynamic_gather %select_n3A_239[%gather3A_244] in [0] : vector<16xi32>, vector<16xi32> -> vector<16xi32>
            %min3A = arith.minsi %select_n3A_239, %gather3A_245 : vector<16xi32>
            %xor3A_246 = arith.constant 2 : i32
            %xor3A_247 = vector.broadcast %xor3A_246 : i32 to vector<16xi32>
            %xor3A_248 = arith.xori %iota3A, %xor3A_247 : vector<16xi32>
            %broadcast_in_dim3A_249 = vector.shape_cast %xor3A_248 : vector<16xi32> to vector<16x1xi32>
            %gather3A_250 = vector.shape_cast %broadcast_in_dim3A_249 : vector<16x1xi32> to vector<16xi32>
            %gather3A_251 = tpu.dynamic_gather %min3A[%gather3A_250] in [0] : vector<16xi32>, vector<16xi32> -> vector<16xi32>
            %min3A_252 = arith.minsi %min3A, %gather3A_251 : vector<16xi32>
            %xor3A_253 = arith.constant 4 : i32
            %xor3A_254 = vector.broadcast %xor3A_253 : i32 to vector<16xi32>
            %xor3A_255 = arith.xori %iota3A, %xor3A_254 : vector<16xi32>
            %broadcast_in_dim3A_256 = vector.shape_cast %xor3A_255 : vector<16xi32> to vector<16x1xi32>
            %gather3A_257 = vector.shape_cast %broadcast_in_dim3A_256 : vector<16x1xi32> to vector<16xi32>
            %gather3A_258 = tpu.dynamic_gather %min3A_252[%gather3A_257] in [0] : vector<16xi32>, vector<16xi32> -> vector<16xi32>
            %min3A_259 = arith.minsi %min3A_252, %gather3A_258 : vector<16xi32>
            %xor3A_260 = arith.constant 8 : i32
            %xor3A_261 = vector.broadcast %xor3A_260 : i32 to vector<16xi32>
            %xor3A_262 = arith.xori %iota3A, %xor3A_261 : vector<16xi32>
            %broadcast_in_dim3A_263 = vector.shape_cast %xor3A_262 : vector<16xi32> to vector<16x1xi32>
            %gather3A_264 = vector.shape_cast %broadcast_in_dim3A_263 : vector<16x1xi32> to vector<16xi32>
            %gather3A_265 = tpu.dynamic_gather %min3A_259[%gather3A_264] in [0] : vector<16xi32>, vector<16xi32> -> vector<16xi32>
            %min3A_266 = arith.minsi %min3A_259, %gather3A_265 : vector<16xi32>
            %add3A_267 = arith.constant 16 : i32
            %add3A_268 = arith.addi %while3A_201, %add3A_267 : i32
            %sub3A_269 = arith.constant 1 : i32
            %sub3A_270 = arith.subi %add3A_268, %sub3A_269 : i32
            %jit3A_271 = arith.constant 16 : i32
            %div3A_272 = arith.divsi %sub3A_270, %jit3A_271 : i32
            %sign3A_273 = arith.constant 0 : i32
            %sign3A_274 = arith.cmpi sgt, %sub3A_270, %sign3A_273 : i32
            %sign3A_275 = arith.extui %sign3A_274 : i1 to i32
            %sign3A_276 = arith.constant 0 : i32
            %sign3A_277 = arith.cmpi slt, %sub3A_270, %sign3A_276 : i32
            %sign3A_278 = arith.extui %sign3A_277 : i1 to i32
            %sign3A_279 = arith.subi %sign3A_275, %sign3A_278 : i32
            %sign3A_280 = arith.constant 0 : i32
            %sign3A_281 = arith.cmpi sgt, %jit3A_271, %sign3A_280 : i32
            %sign3A_282 = arith.extui %sign3A_281 : i1 to i32
            %sign3A_283 = arith.constant 0 : i32
            %sign3A_284 = arith.cmpi slt, %jit3A_271, %sign3A_283 : i32
            %sign3A_285 = arith.extui %sign3A_284 : i1 to i32
            %sign3A_286 = arith.subi %sign3A_282, %sign3A_285 : i32
            %ne3A_287 = arith.cmpi ne, %sign3A_279, %sign3A_286 : i32
            %rem3A_288 = arith.remsi %sub3A_270, %jit3A_271 : i32
            %ne3A_289 = arith.constant 0 : i32
            %ne3A_290 = arith.cmpi ne, %rem3A_288, %ne3A_289 : i32
            %and3A_291 = arith.andi %ne3A_287, %ne3A_290 : i1
            %sub3A_292 = arith.constant 1 : i32
            %sub3A_293 = arith.subi %div3A_272, %sub3A_292 : i32
            %select_n3A_294 = arith.select %and3A_291, %sub3A_293, %div3A_272 : i32
            %broadcast_in_dim3A_295 = vector.broadcast %while3A_201 : i32 to vector<16xi32>
            %gt3A = arith.cmpf ogt, %max3A_237, %broadcast_in_dim3A_22 : vector<16xf32>
            %gather3A_296 = tpu.vector_load_idx %arg10[%min3A_266] : memref<5072xi32, #tpu.memory_space<vmem>>[vector<16xi32>], vector<16xi32>,
            %mul3A = arith.constant 4 : i32
            %mul3A_297 = vector.broadcast %mul3A : i32 to vector<16xi32>
            %mul3A_298 = arith.muli %gather3A_296, %mul3A_297 : vector<16xi32>
            %gather3A_299 = tpu.vector_load_idx %arg8[%mul3A_298] : memref<20000xf32, #tpu.memory_space<vmem>>[vector<16xi32>], vector<16xf32>,
            %add3A_300 = arith.constant 1 : i32
            %add3A_301 = vector.broadcast %add3A_300 : i32 to vector<16xi32>
            %add3A_302 = arith.addi %mul3A_298, %add3A_301 : vector<16xi32>
            %gather3A_303 = tpu.vector_load_idx %arg8[%add3A_302] : memref<20000xf32, #tpu.memory_space<vmem>>[vector<16xi32>], vector<16xf32>,
            %add3A_304 = arith.constant 2 : i32
            %add3A_305 = vector.broadcast %add3A_304 : i32 to vector<16xi32>
            %add3A_306 = arith.addi %mul3A_298, %add3A_305 : vector<16xi32>
            %gather3A_307 = tpu.vector_load_idx %arg8[%add3A_306] : memref<20000xf32, #tpu.memory_space<vmem>>[vector<16xi32>], vector<16xf32>,
            %add3A_308 = arith.constant 3 : i32
            %add3A_309 = vector.broadcast %add3A_308 : i32 to vector<16xi32>
            %add3A_310 = arith.addi %mul3A_298, %add3A_309 : vector<16xi32>
            %gather3A_311 = tpu.vector_load_idx %arg8[%add3A_310] : memref<20000xf32, #tpu.memory_space<vmem>>[vector<16xi32>], vector<16xf32>,
            %sub3A_312 = arith.subf %gather3A_307, %gather3A_299 : vector<16xf32>
            %sub3A_313 = arith.subf %gather3A_311, %gather3A_303 : vector<16xf32>
            %mul3A_314 = arith.mulf %sub3A_312, %sub3A_313 : vector<16xf32>
            %add3A_315 = arith.constant 1 : i32
            %add3A_316 = arith.addi %select_n3A_294, %add3A_315 : i32
            %jit3A_317 = arith.constant 2 : i32
            %div3A_318 = arith.divsi %add3A_316, %jit3A_317 : i32
            %sign3A_319 = arith.constant 0 : i32
            %sign3A_320 = arith.cmpi sgt, %add3A_316, %sign3A_319 : i32
            %sign3A_321 = arith.extui %sign3A_320 : i1 to i32
            %sign3A_322 = arith.constant 0 : i32
            %sign3A_323 = arith.cmpi slt, %add3A_316, %sign3A_322 : i32
            %sign3A_324 = arith.extui %sign3A_323 : i1 to i32
            %sign3A_325 = arith.subi %sign3A_321, %sign3A_324 : i32
            %sign3A_326 = arith.constant 0 : i32
            %sign3A_327 = arith.cmpi sgt, %jit3A_317, %sign3A_326 : i32
            %sign3A_328 = arith.extui %sign3A_327 : i1 to i32
            %sign3A_329 = arith.constant 0 : i32
            %sign3A_330 = arith.cmpi slt, %jit3A_317, %sign3A_329 : i32
            %sign3A_331 = arith.extui %sign3A_330 : i1 to i32
            %sign3A_332 = arith.subi %sign3A_328, %sign3A_331 : i32
            %ne3A_333 = arith.cmpi ne, %sign3A_325, %sign3A_332 : i32
            %rem3A_334 = arith.remsi %add3A_316, %jit3A_317 : i32
            %ne3A_335 = arith.constant 0 : i32
            %ne3A_336 = arith.cmpi ne, %rem3A_334, %ne3A_335 : i32
            %and3A_337 = arith.andi %ne3A_333, %ne3A_336 : i1
            %sub3A_338 = arith.constant 1 : i32
            %sub3A_339 = arith.subi %div3A_318, %sub3A_338 : i32
            %select_n3A_340 = arith.select %and3A_337, %sub3A_339, %div3A_318 : i32
            %while3A_341 = arith.constant 0 : i32
            %while3A_342 = arith.subi %select_n3A_340, %while3A_341 : i32
            %while3A_343 = arith.addi %while3A_341, %while3A_342 : i32
            %while3A_344 = arith.constant 1 : i32
            %while3A_345 = arith.divsi %while3A_342, %while3A_344 : i32
            %while3A_346 = arith.muli %while3A_345, %while3A_344 : i32
            %while3A_347 = arith.addi %while3A_341, %while3A_346 : i32
            %while3A_348 = arith.constant 1 : i32
            %while3A_349 = scf.for %while3A_408 = %while3A_341 to %while3A_347 step %while3A_348 iter_args(%while3A_409 = %broadcast_in_dim3A_16) -> (vector<16xf32>)  : i32 {
              %mul3A_410 = arith.constant 2 : i32
              %mul3A_411 = arith.muli %mul3A_410, %while3A_408 : i32
              %add3A_412 = arith.constant 0 : i32
              %add3A_413 = arith.addi %mul3A_411, %add3A_412 : i32
              %mul3A_414 = arith.constant 16 : i32
              %mul3A_415 = arith.muli %add3A_413, %mul3A_414 : i32
              %get3A = arith.index_cast %mul3A_415 : i32 to index
              %get3A_416 = tpu.vector_load %arg13[%get3A] {strides = array<i32>} : memref<128xf32, #tpu.memory_space<vmem>>, vector<16xf32>,
              %max3A_417 = arith.maximumf %get3A_416, %gather3A_299 : vector<16xf32>
              %get3A_418 = arith.index_cast %mul3A_415 : i32 to index
              %get3A_419 = tpu.vector_load %arg14[%get3A_418] {strides = array<i32>} : memref<128xf32, #tpu.memory_space<vmem>>, vector<16xf32>,
              %max3A_420 = arith.maximumf %get3A_419, %gather3A_303 : vector<16xf32>
              %get3A_421 = arith.index_cast %mul3A_415 : i32 to index
              %get3A_422 = tpu.vector_load %arg15[%get3A_421] {strides = array<i32>} : memref<128xf32, #tpu.memory_space<vmem>>, vector<16xf32>,
              %min3A_423 = arith.minimumf %get3A_422, %gather3A_307 : vector<16xf32>
              %get3A_424 = arith.index_cast %mul3A_415 : i32 to index
              %get3A_425 = tpu.vector_load %arg16[%get3A_424] {strides = array<i32>} : memref<128xf32, #tpu.memory_space<vmem>>, vector<16xf32>,
              %min3A_426 = arith.minimumf %get3A_425, %gather3A_311 : vector<16xf32>
              %sub3A_427 = arith.subf %min3A_423, %max3A_417 : vector<16xf32>
              %max3A_428 = arith.constant 0.000000e+00 : f32
              %max3A_429 = vector.broadcast %max3A_428 : f32 to vector<16xf32>
              %max3A_430 = arith.maximumf %sub3A_427, %max3A_429 : vector<16xf32>
              %sub3A_431 = arith.subf %min3A_426, %max3A_420 : vector<16xf32>
              %max3A_432 = arith.constant 0.000000e+00 : f32
              %max3A_433 = vector.broadcast %max3A_432 : f32 to vector<16xf32>
              %max3A_434 = arith.maximumf %sub3A_431, %max3A_433 : vector<16xf32>
              %mul3A_435 = arith.mulf %max3A_430, %max3A_434 : vector<16xf32>
              %get3A_436 = arith.index_cast %mul3A_415 : i32 to index
              %get3A_437 = tpu.vector_load %arg17[%get3A_436] {strides = array<i32>} : memref<128xf32, #tpu.memory_space<vmem>>, vector<16xf32>,
              %add3A_438 = arith.addf %get3A_437, %mul3A_314 : vector<16xf32>
              %sub3A_439 = arith.subf %add3A_438, %mul3A_435 : vector<16xf32>
              %div3A_440 = arith.divf %mul3A_435, %sub3A_439 : vector<16xf32>
              %max3A_441 = arith.maximumf %while3A_409, %div3A_440 : vector<16xf32>
              %mul3A_442 = arith.constant 2 : i32
              %mul3A_443 = arith.muli %mul3A_442, %while3A_408 : i32
              %add3A_444 = arith.constant 1 : i32
              %add3A_445 = arith.addi %mul3A_443, %add3A_444 : i32
              %mul3A_446 = arith.constant 16 : i32
              %mul3A_447 = arith.muli %add3A_445, %mul3A_446 : i32
              %get3A_448 = arith.index_cast %mul3A_447 : i32 to index
              %get3A_449 = tpu.vector_load %arg13[%get3A_448] {strides = array<i32>} : memref<128xf32, #tpu.memory_space<vmem>>, vector<16xf32>,
              %max3A_450 = arith.maximumf %get3A_449, %gather3A_299 : vector<16xf32>
              %get3A_451 = arith.index_cast %mul3A_447 : i32 to index
              %get3A_452 = tpu.vector_load %arg14[%get3A_451] {strides = array<i32>} : memref<128xf32, #tpu.memory_space<vmem>>, vector<16xf32>,
              %max3A_453 = arith.maximumf %get3A_452, %gather3A_303 : vector<16xf32>
              %get3A_454 = arith.index_cast %mul3A_447 : i32 to index
              %get3A_455 = tpu.vector_load %arg15[%get3A_454] {strides = array<i32>} : memref<128xf32, #tpu.memory_space<vmem>>, vector<16xf32>,
              %min3A_456 = arith.minimumf %get3A_455, %gather3A_307 : vector<16xf32>
              %get3A_457 = arith.index_cast %mul3A_447 : i32 to index
              %get3A_458 = tpu.vector_load %arg16[%get3A_457] {strides = array<i32>} : memref<128xf32, #tpu.memory_space<vmem>>, vector<16xf32>,
              %min3A_459 = arith.minimumf %get3A_458, %gather3A_311 : vector<16xf32>
              %sub3A_460 = arith.subf %min3A_456, %max3A_450 : vector<16xf32>
              %max3A_461 = arith.constant 0.000000e+00 : f32
              %max3A_462 = vector.broadcast %max3A_461 : f32 to vector<16xf32>
              %max3A_463 = arith.maximumf %sub3A_460, %max3A_462 : vector<16xf32>
              %sub3A_464 = arith.subf %min3A_459, %max3A_453 : vector<16xf32>
              %max3A_465 = arith.constant 0.000000e+00 : f32
              %max3A_466 = vector.broadcast %max3A_465 : f32 to vector<16xf32>
              %max3A_467 = arith.maximumf %sub3A_464, %max3A_466 : vector<16xf32>
              %mul3A_468 = arith.mulf %max3A_463, %max3A_467 : vector<16xf32>
              %get3A_469 = arith.index_cast %mul3A_447 : i32 to index
              %get3A_470 = tpu.vector_load %arg17[%get3A_469] {strides = array<i32>} : memref<128xf32, #tpu.memory_space<vmem>>, vector<16xf32>,
              %add3A_471 = arith.addf %get3A_470, %mul3A_314 : vector<16xf32>
              %sub3A_472 = arith.subf %add3A_471, %mul3A_468 : vector<16xf32>
              %div3A_473 = arith.divf %mul3A_468, %sub3A_472 : vector<16xf32>
              %max3A_474 = arith.maximumf %max3A_441, %div3A_473 : vector<16xf32>
              scf.yield %max3A_474 : vector<16xf32>
            }
            %while3A_350 = arith.constant 1 : i32
            %while3A_351 = scf.for %while3A_408 = %while3A_347 to %while3A_343 step %while3A_350 iter_args(%while3A_409 = %while3A_349) -> (vector<16xf32>)  : i32 {
              %mul3A_410 = arith.constant 2 : i32
              %mul3A_411 = arith.muli %mul3A_410, %while3A_408 : i32
              %add3A_412 = arith.constant 0 : i32
              %add3A_413 = arith.addi %mul3A_411, %add3A_412 : i32
              %mul3A_414 = arith.constant 16 : i32
              %mul3A_415 = arith.muli %add3A_413, %mul3A_414 : i32
              %get3A = arith.index_cast %mul3A_415 : i32 to index
              %get3A_416 = tpu.vector_load %arg13[%get3A] {strides = array<i32>} : memref<128xf32, #tpu.memory_space<vmem>>, vector<16xf32>,
              %max3A_417 = arith.maximumf %get3A_416, %gather3A_299 : vector<16xf32>
              %get3A_418 = arith.index_cast %mul3A_415 : i32 to index
              %get3A_419 = tpu.vector_load %arg14[%get3A_418] {strides = array<i32>} : memref<128xf32, #tpu.memory_space<vmem>>, vector<16xf32>,
              %max3A_420 = arith.maximumf %get3A_419, %gather3A_303 : vector<16xf32>
              %get3A_421 = arith.index_cast %mul3A_415 : i32 to index
              %get3A_422 = tpu.vector_load %arg15[%get3A_421] {strides = array<i32>} : memref<128xf32, #tpu.memory_space<vmem>>, vector<16xf32>,
              %min3A_423 = arith.minimumf %get3A_422, %gather3A_307 : vector<16xf32>
              %get3A_424 = arith.index_cast %mul3A_415 : i32 to index
              %get3A_425 = tpu.vector_load %arg16[%get3A_424] {strides = array<i32>} : memref<128xf32, #tpu.memory_space<vmem>>, vector<16xf32>,
              %min3A_426 = arith.minimumf %get3A_425, %gather3A_311 : vector<16xf32>
              %sub3A_427 = arith.subf %min3A_423, %max3A_417 : vector<16xf32>
              %max3A_428 = arith.constant 0.000000e+00 : f32
              %max3A_429 = vector.broadcast %max3A_428 : f32 to vector<16xf32>
              %max3A_430 = arith.maximumf %sub3A_427, %max3A_429 : vector<16xf32>
              %sub3A_431 = arith.subf %min3A_426, %max3A_420 : vector<16xf32>
              %max3A_432 = arith.constant 0.000000e+00 : f32
              %max3A_433 = vector.broadcast %max3A_432 : f32 to vector<16xf32>
              %max3A_434 = arith.maximumf %sub3A_431, %max3A_433 : vector<16xf32>
              %mul3A_435 = arith.mulf %max3A_430, %max3A_434 : vector<16xf32>
              %get3A_436 = arith.index_cast %mul3A_415 : i32 to index
              %get3A_437 = tpu.vector_load %arg17[%get3A_436] {strides = array<i32>} : memref<128xf32, #tpu.memory_space<vmem>>, vector<16xf32>,
              %add3A_438 = arith.addf %get3A_437, %mul3A_314 : vector<16xf32>
              %sub3A_439 = arith.subf %add3A_438, %mul3A_435 : vector<16xf32>
              %div3A_440 = arith.divf %mul3A_435, %sub3A_439 : vector<16xf32>
              %max3A_441 = arith.maximumf %while3A_409, %div3A_440 : vector<16xf32>
              %mul3A_442 = arith.constant 2 : i32
              %mul3A_443 = arith.muli %mul3A_442, %while3A_408 : i32
              %add3A_444 = arith.constant 1 : i32
              %add3A_445 = arith.addi %mul3A_443, %add3A_444 : i32
              %mul3A_446 = arith.constant 16 : i32
              %mul3A_447 = arith.muli %add3A_445, %mul3A_446 : i32
              %get3A_448 = arith.index_cast %mul3A_447 : i32 to index
              %get3A_449 = tpu.vector_load %arg13[%get3A_448] {strides = array<i32>} : memref<128xf32, #tpu.memory_space<vmem>>, vector<16xf32>,
              %max3A_450 = arith.maximumf %get3A_449, %gather3A_299 : vector<16xf32>
              %get3A_451 = arith.index_cast %mul3A_447 : i32 to index
              %get3A_452 = tpu.vector_load %arg14[%get3A_451] {strides = array<i32>} : memref<128xf32, #tpu.memory_space<vmem>>, vector<16xf32>,
              %max3A_453 = arith.maximumf %get3A_452, %gather3A_303 : vector<16xf32>
              %get3A_454 = arith.index_cast %mul3A_447 : i32 to index
              %get3A_455 = tpu.vector_load %arg15[%get3A_454] {strides = array<i32>} : memref<128xf32, #tpu.memory_space<vmem>>, vector<16xf32>,
              %min3A_456 = arith.minimumf %get3A_455, %gather3A_307 : vector<16xf32>
              %get3A_457 = arith.index_cast %mul3A_447 : i32 to index
              %get3A_458 = tpu.vector_load %arg16[%get3A_457] {strides = array<i32>} : memref<128xf32, #tpu.memory_space<vmem>>, vector<16xf32>,
              %min3A_459 = arith.minimumf %get3A_458, %gather3A_311 : vector<16xf32>
              %sub3A_460 = arith.subf %min3A_456, %max3A_450 : vector<16xf32>
              %max3A_461 = arith.constant 0.000000e+00 : f32
              %max3A_462 = vector.broadcast %max3A_461 : f32 to vector<16xf32>
              %max3A_463 = arith.maximumf %sub3A_460, %max3A_462 : vector<16xf32>
              %sub3A_464 = arith.subf %min3A_459, %max3A_453 : vector<16xf32>
              %max3A_465 = arith.constant 0.000000e+00 : f32
              %max3A_466 = vector.broadcast %max3A_465 : f32 to vector<16xf32>
              %max3A_467 = arith.maximumf %sub3A_464, %max3A_466 : vector<16xf32>
              %mul3A_468 = arith.mulf %max3A_463, %max3A_467 : vector<16xf32>
              %get3A_469 = arith.index_cast %mul3A_447 : i32 to index
              %get3A_470 = tpu.vector_load %arg17[%get3A_469] {strides = array<i32>} : memref<128xf32, #tpu.memory_space<vmem>>, vector<16xf32>,
              %add3A_471 = arith.addf %get3A_470, %mul3A_314 : vector<16xf32>
              %sub3A_472 = arith.subf %add3A_471, %mul3A_468 : vector<16xf32>
              %div3A_473 = arith.divf %mul3A_468, %sub3A_472 : vector<16xf32>
              %max3A_474 = arith.maximumf %max3A_441, %div3A_473 : vector<16xf32>
              scf.yield %max3A_474 : vector<16xf32>
            }
            %xor3A_352 = arith.constant 1 : i32
            %xor3A_353 = vector.broadcast %xor3A_352 : i32 to vector<16xi32>
            %xor3A_354 = arith.xori %iota3A, %xor3A_353 : vector<16xi32>
            %broadcast_in_dim3A_355 = vector.shape_cast %xor3A_354 : vector<16xi32> to vector<16x1xi32>
            %gather3A_356 = vector.shape_cast %broadcast_in_dim3A_355 : vector<16x1xi32> to vector<16xi32>
            %gather3A_357 = tpu.dynamic_gather %while3A_351[%gather3A_356] in [0] : vector<16xf32>, vector<16xi32> -> vector<16xf32>
            %max3A_358 = arith.maximumf %while3A_351, %gather3A_357 : vector<16xf32>
            %xor3A_359 = arith.constant 2 : i32
            %xor3A_360 = vector.broadcast %xor3A_359 : i32 to vector<16xi32>
            %xor3A_361 = arith.xori %iota3A, %xor3A_360 : vector<16xi32>
            %broadcast_in_dim3A_362 = vector.shape_cast %xor3A_361 : vector<16xi32> to vector<16x1xi32>
            %gather3A_363 = vector.shape_cast %broadcast_in_dim3A_362 : vector<16x1xi32> to vector<16xi32>
            %gather3A_364 = tpu.dynamic_gather %max3A_358[%gather3A_363] in [0] : vector<16xf32>, vector<16xi32> -> vector<16xf32>
            %max3A_365 = arith.maximumf %max3A_358, %gather3A_364 : vector<16xf32>
            %xor3A_366 = arith.constant 4 : i32
            %xor3A_367 = vector.broadcast %xor3A_366 : i32 to vector<16xi32>
            %xor3A_368 = arith.xori %iota3A, %xor3A_367 : vector<16xi32>
            %broadcast_in_dim3A_369 = vector.shape_cast %xor3A_368 : vector<16xi32> to vector<16x1xi32>
            %gather3A_370 = vector.shape_cast %broadcast_in_dim3A_369 : vector<16x1xi32> to vector<16xi32>
            %gather3A_371 = tpu.dynamic_gather %max3A_365[%gather3A_370] in [0] : vector<16xf32>, vector<16xi32> -> vector<16xf32>
            %max3A_372 = arith.maximumf %max3A_365, %gather3A_371 : vector<16xf32>
            %xor3A_373 = arith.constant 8 : i32
            %xor3A_374 = vector.broadcast %xor3A_373 : i32 to vector<16xi32>
            %xor3A_375 = arith.xori %iota3A, %xor3A_374 : vector<16xi32>
            %broadcast_in_dim3A_376 = vector.shape_cast %xor3A_375 : vector<16xi32> to vector<16x1xi32>
            %gather3A_377 = vector.shape_cast %broadcast_in_dim3A_376 : vector<16x1xi32> to vector<16xi32>
            %gather3A_378 = tpu.dynamic_gather %max3A_372[%gather3A_377] in [0] : vector<16xf32>, vector<16xi32> -> vector<16xf32>
            %max3A_379 = arith.maximumf %max3A_372, %gather3A_378 : vector<16xf32>
            %gt3A_380 = arith.constant 5.000000e-01 : f32
            %gt3A_381 = vector.broadcast %gt3A_380 : f32 to vector<16xf32>
            %gt3A_382 = arith.cmpf ogt, %max3A_379, %gt3A_381 : vector<16xf32>
            %not3A = arith.constant dense<true> : vector<16xi1>
            %not3A_383 = arith.xori %gt3A_382, %not3A : vector<16xi1>
            %and3A_384 = arith.andi %gt3A, %not3A_383 : vector<16xi1>
            %eq3A_385 = arith.constant 0 : i32
            %eq3A_386 = vector.broadcast %eq3A_385 : i32 to vector<16xi32>
            %eq3A_387 = arith.cmpi eq, %iota3A, %eq3A_386 : vector<16xi32>
            %and3A_388 = arith.andi %eq3A_387, %and3A_384 : vector<16xi1>
            tpu.vector_store_idx %arg11[%broadcast_in_dim3A_295], %max3A_237 masked %and3A_388 : memref<128xf32, #tpu.memory_space<vmem>>[vector<16xi32>], vector<16xf32>, vector<16xi1>
            tpu.vector_store_idx %arg12[%broadcast_in_dim3A_295], %gather3A_296 masked %and3A_388 : memref<128xi32, #tpu.memory_space<vmem>>[vector<16xi32>], vector<16xi32>, vector<16xi1>
            tpu.vector_store_idx %arg13[%broadcast_in_dim3A_295], %gather3A_299 masked %and3A_388 : memref<128xf32, #tpu.memory_space<vmem>>[vector<16xi32>], vector<16xf32>, vector<16xi1>
            tpu.vector_store_idx %arg14[%broadcast_in_dim3A_295], %gather3A_303 masked %and3A_388 : memref<128xf32, #tpu.memory_space<vmem>>[vector<16xi32>], vector<16xf32>, vector<16xi1>
            tpu.vector_store_idx %arg15[%broadcast_in_dim3A_295], %gather3A_307 masked %and3A_388 : memref<128xf32, #tpu.memory_space<vmem>>[vector<16xi32>], vector<16xf32>, vector<16xi1>
            tpu.vector_store_idx %arg16[%broadcast_in_dim3A_295], %gather3A_311 masked %and3A_388 : memref<128xf32, #tpu.memory_space<vmem>>[vector<16xi32>], vector<16xf32>, vector<16xi1>
            tpu.vector_store_idx %arg17[%broadcast_in_dim3A_295], %mul3A_314 masked %and3A_388 : memref<128xf32, #tpu.memory_space<vmem>>[vector<16xi32>], vector<16xf32>, vector<16xi1>
            %eq3A_389 = arith.constant 0 : i32
            %eq3A_390 = vector.broadcast %eq3A_389 : i32 to vector<16xi32>
            %eq3A_391 = arith.cmpi eq, %iota3A, %eq3A_390 : vector<16xi32>
            tpu.vector_store_idx %arg9[%min3A_266], %broadcast_in_dim3A_22 masked %eq3A_391 : memref<5072xf32, #tpu.memory_space<vmem>>[vector<16xi32>], vector<16xf32>, vector<16xi1>
            %jit3A_392 = arith.constant 1 : i32
            %jit3A_393 = arith.constant 0 : i32
            %broadcast_in_dim3A_394 = vector.broadcast %jit3A_392 : i32 to vector<16xi32>
            %broadcast_in_dim3A_395 = vector.broadcast %jit3A_393 : i32 to vector<16xi32>
            %select_n3A_396 = arith.select %and3A_384, %broadcast_in_dim3A_394, %broadcast_in_dim3A_395 : vector<16xi1>, vector<16xi32>
            %reduce_max3A_397 = arith.constant true
            %reduce_max3A_398 = vector.broadcast %reduce_max3A_397 : i1 to vector<16xi1>
            %reduce_max3A_399 = arith.constant -2147483648 : i32
            %reduce_max3A_400 = vector.broadcast %reduce_max3A_399 : i32 to vector<16xi32>
            %reduce_max3A_401 = arith.xori %select_n3A_396, %reduce_max3A_400 : vector<16xi32>
            %reduce_max3A_402 = tpu.scan <max>, %reduce_max3A_401 masked %reduce_max3A_398 : vector<16xi32>, vector<16xi1> -> vector<16xi32>
            %reduce_max3A_403 = arith.xori %reduce_max3A_402, %reduce_max3A_400 : vector<16xi32>
            %reduce_max3A_404 = vector.extract %reduce_max3A_403[15] : i32 from vector<16xi32>
            %add3A_405 = arith.constant 1 : i32
            %add3A_406 = arith.addi %while3A_200, %add3A_405 : i32
            %add3A_407 = arith.addi %while3A_201, %reduce_max3A_404 : i32
            scf.yield %add3A_406, %add3A_407 : i32, i32
          }
          scf.yield %while3A_199#1 : i32
        }
        scf.yield %sub3A_154, %cond3A_197 : f32, i32
      }
      "tpu.region"() ({
        %run_scoped3A = tpu.sem_alloc : memref<!tpu.dma_semaphore, #tpu.memory_space<semaphore_mem>>
        %dma_start3A_152 = arith.constant 0 : i32
        %dma_start3A_153 = tpu.memref_slice %arg18[%arg1, %dma_start3A_152] : memref<10x128xf32, #tpu.memory_space<vmem_shared>> -> memref<1x128xf32, #tpu.memory_space<vmem_shared>>
        %dma_start3A_154 = tpu.memref_squeeze %dma_start3A_153 : memref<1x128xf32, #tpu.memory_space<vmem_shared>> -> memref<128xf32, #tpu.memory_space<vmem_shared>>
        %dma_start3A_155 = arith.constant 0 : i32
        %dma_start3A_156 = tpu.memref_slice %arg18[%arg1, %dma_start3A_155] : memref<10x128xf32, #tpu.memory_space<vmem_shared>> -> memref<1x128xf32, #tpu.memory_space<vmem_shared>>
        %dma_start3A_157 = tpu.memref_squeeze %dma_start3A_156 : memref<1x128xf32, #tpu.memory_space<vmem_shared>> -> memref<128xf32, #tpu.memory_space<vmem_shared>>
        tpu.enqueue_dma source(%arg11 : memref<128xf32, #tpu.memory_space<vmem>>) target(%dma_start3A_157 : memref<128xf32, #tpu.memory_space<vmem_shared>>) target_semaphore(%run_scoped3A : memref<!tpu.dma_semaphore, #tpu.memory_space<semaphore_mem>>)
        %dma_wait3A_158 = arith.constant 0 : i32
        %dma_wait3A_159 = tpu.memref_slice %arg18[%arg1, %dma_wait3A_158] : memref<10x128xf32, #tpu.memory_space<vmem_shared>> -> memref<1x128xf32, #tpu.memory_space<vmem_shared>>
        %dma_wait3A_160 = tpu.memref_squeeze %dma_wait3A_159 : memref<1x128xf32, #tpu.memory_space<vmem_shared>> -> memref<128xf32, #tpu.memory_space<vmem_shared>>
        %dma_wait3A_161 = arith.constant 0 : i32
        %dma_wait3A_162 = tpu.memref_slice %arg18[%arg1, %dma_wait3A_161] : memref<10x128xf32, #tpu.memory_space<vmem_shared>> -> memref<1x128xf32, #tpu.memory_space<vmem_shared>>
        %dma_wait3A_163 = tpu.memref_squeeze %dma_wait3A_162 : memref<1x128xf32, #tpu.memory_space<vmem_shared>> -> memref<128xf32, #tpu.memory_space<vmem_shared>>
        tpu.wait_dma2 semaphore(%run_scoped3A : memref<!tpu.dma_semaphore, #tpu.memory_space<semaphore_mem>>) src(%arg11 : memref<128xf32, #tpu.memory_space<vmem>>) dst(%dma_wait3A_163 : memref<128xf32, #tpu.memory_space<vmem_shared>>)
        tpu.yield
      }) : () -> ()
      "tpu.region"() ({
        %run_scoped3A = tpu.sem_alloc : memref<!tpu.dma_semaphore, #tpu.memory_space<semaphore_mem>>
        %dma_start3A_152 = arith.constant 0 : i32
        %dma_start3A_153 = tpu.memref_slice %arg19[%arg1, %dma_start3A_152] : memref<10x128xi32, #tpu.memory_space<vmem_shared>> -> memref<1x128xi32, #tpu.memory_space<vmem_shared>>
        %dma_start3A_154 = tpu.memref_squeeze %dma_start3A_153 : memref<1x128xi32, #tpu.memory_space<vmem_shared>> -> memref<128xi32, #tpu.memory_space<vmem_shared>>
        %dma_start3A_155 = arith.constant 0 : i32
        %dma_start3A_156 = tpu.memref_slice %arg19[%arg1, %dma_start3A_155] : memref<10x128xi32, #tpu.memory_space<vmem_shared>> -> memref<1x128xi32, #tpu.memory_space<vmem_shared>>
        %dma_start3A_157 = tpu.memref_squeeze %dma_start3A_156 : memref<1x128xi32, #tpu.memory_space<vmem_shared>> -> memref<128xi32, #tpu.memory_space<vmem_shared>>
        tpu.enqueue_dma source(%arg12 : memref<128xi32, #tpu.memory_space<vmem>>) target(%dma_start3A_157 : memref<128xi32, #tpu.memory_space<vmem_shared>>) target_semaphore(%run_scoped3A : memref<!tpu.dma_semaphore, #tpu.memory_space<semaphore_mem>>)
        %dma_wait3A_158 = arith.constant 0 : i32
        %dma_wait3A_159 = tpu.memref_slice %arg19[%arg1, %dma_wait3A_158] : memref<10x128xi32, #tpu.memory_space<vmem_shared>> -> memref<1x128xi32, #tpu.memory_space<vmem_shared>>
        %dma_wait3A_160 = tpu.memref_squeeze %dma_wait3A_159 : memref<1x128xi32, #tpu.memory_space<vmem_shared>> -> memref<128xi32, #tpu.memory_space<vmem_shared>>
        %dma_wait3A_161 = arith.constant 0 : i32
        %dma_wait3A_162 = tpu.memref_slice %arg19[%arg1, %dma_wait3A_161] : memref<10x128xi32, #tpu.memory_space<vmem_shared>> -> memref<1x128xi32, #tpu.memory_space<vmem_shared>>
        %dma_wait3A_163 = tpu.memref_squeeze %dma_wait3A_162 : memref<1x128xi32, #tpu.memory_space<vmem_shared>> -> memref<128xi32, #tpu.memory_space<vmem_shared>>
        tpu.wait_dma2 semaphore(%run_scoped3A : memref<!tpu.dma_semaphore, #tpu.memory_space<semaphore_mem>>) src(%arg12 : memref<128xi32, #tpu.memory_space<vmem>>) dst(%dma_wait3A_163 : memref<128xi32, #tpu.memory_space<vmem_shared>>)
        tpu.yield
      }) : () -> ()
      "tpu.region"() ({
        %run_scoped3A = tpu.sem_alloc : memref<!tpu.dma_semaphore, #tpu.memory_space<semaphore_mem>>
        %dma_start3A_152 = arith.constant 0 : i32
        %dma_start3A_153 = tpu.memref_slice %arg20[%arg1, %dma_start3A_152] : memref<10x128xf32, #tpu.memory_space<vmem_shared>> -> memref<1x128xf32, #tpu.memory_space<vmem_shared>>
        %dma_start3A_154 = tpu.memref_squeeze %dma_start3A_153 : memref<1x128xf32, #tpu.memory_space<vmem_shared>> -> memref<128xf32, #tpu.memory_space<vmem_shared>>
        %dma_start3A_155 = arith.constant 0 : i32
        %dma_start3A_156 = tpu.memref_slice %arg20[%arg1, %dma_start3A_155] : memref<10x128xf32, #tpu.memory_space<vmem_shared>> -> memref<1x128xf32, #tpu.memory_space<vmem_shared>>
        %dma_start3A_157 = tpu.memref_squeeze %dma_start3A_156 : memref<1x128xf32, #tpu.memory_space<vmem_shared>> -> memref<128xf32, #tpu.memory_space<vmem_shared>>
        tpu.enqueue_dma source(%arg13 : memref<128xf32, #tpu.memory_space<vmem>>) target(%dma_start3A_157 : memref<128xf32, #tpu.memory_space<vmem_shared>>) target_semaphore(%run_scoped3A : memref<!tpu.dma_semaphore, #tpu.memory_space<semaphore_mem>>)
        %dma_wait3A_158 = arith.constant 0 : i32
        %dma_wait3A_159 = tpu.memref_slice %arg20[%arg1, %dma_wait3A_158] : memref<10x128xf32, #tpu.memory_space<vmem_shared>> -> memref<1x128xf32, #tpu.memory_space<vmem_shared>>
        %dma_wait3A_160 = tpu.memref_squeeze %dma_wait3A_159 : memref<1x128xf32, #tpu.memory_space<vmem_shared>> -> memref<128xf32, #tpu.memory_space<vmem_shared>>
        %dma_wait3A_161 = arith.constant 0 : i32
        %dma_wait3A_162 = tpu.memref_slice %arg20[%arg1, %dma_wait3A_161] : memref<10x128xf32, #tpu.memory_space<vmem_shared>> -> memref<1x128xf32, #tpu.memory_space<vmem_shared>>
        %dma_wait3A_163 = tpu.memref_squeeze %dma_wait3A_162 : memref<1x128xf32, #tpu.memory_space<vmem_shared>> -> memref<128xf32, #tpu.memory_space<vmem_shared>>
        tpu.wait_dma2 semaphore(%run_scoped3A : memref<!tpu.dma_semaphore, #tpu.memory_space<semaphore_mem>>) src(%arg13 : memref<128xf32, #tpu.memory_space<vmem>>) dst(%dma_wait3A_163 : memref<128xf32, #tpu.memory_space<vmem_shared>>)
        tpu.yield
      }) : () -> ()
      "tpu.region"() ({
        %run_scoped3A = tpu.sem_alloc : memref<!tpu.dma_semaphore, #tpu.memory_space<semaphore_mem>>
        %dma_start3A_152 = arith.constant 0 : i32
        %dma_start3A_153 = tpu.memref_slice %arg21[%arg1, %dma_start3A_152] : memref<10x128xf32, #tpu.memory_space<vmem_shared>> -> memref<1x128xf32, #tpu.memory_space<vmem_shared>>
        %dma_start3A_154 = tpu.memref_squeeze %dma_start3A_153 : memref<1x128xf32, #tpu.memory_space<vmem_shared>> -> memref<128xf32, #tpu.memory_space<vmem_shared>>
        %dma_start3A_155 = arith.constant 0 : i32
        %dma_start3A_156 = tpu.memref_slice %arg21[%arg1, %dma_start3A_155] : memref<10x128xf32, #tpu.memory_space<vmem_shared>> -> memref<1x128xf32, #tpu.memory_space<vmem_shared>>
        %dma_start3A_157 = tpu.memref_squeeze %dma_start3A_156 : memref<1x128xf32, #tpu.memory_space<vmem_shared>> -> memref<128xf32, #tpu.memory_space<vmem_shared>>
        tpu.enqueue_dma source(%arg14 : memref<128xf32, #tpu.memory_space<vmem>>) target(%dma_start3A_157 : memref<128xf32, #tpu.memory_space<vmem_shared>>) target_semaphore(%run_scoped3A : memref<!tpu.dma_semaphore, #tpu.memory_space<semaphore_mem>>)
        %dma_wait3A_158 = arith.constant 0 : i32
        %dma_wait3A_159 = tpu.memref_slice %arg21[%arg1, %dma_wait3A_158] : memref<10x128xf32, #tpu.memory_space<vmem_shared>> -> memref<1x128xf32, #tpu.memory_space<vmem_shared>>
        %dma_wait3A_160 = tpu.memref_squeeze %dma_wait3A_159 : memref<1x128xf32, #tpu.memory_space<vmem_shared>> -> memref<128xf32, #tpu.memory_space<vmem_shared>>
        %dma_wait3A_161 = arith.constant 0 : i32
        %dma_wait3A_162 = tpu.memref_slice %arg21[%arg1, %dma_wait3A_161] : memref<10x128xf32, #tpu.memory_space<vmem_shared>> -> memref<1x128xf32, #tpu.memory_space<vmem_shared>>
        %dma_wait3A_163 = tpu.memref_squeeze %dma_wait3A_162 : memref<1x128xf32, #tpu.memory_space<vmem_shared>> -> memref<128xf32, #tpu.memory_space<vmem_shared>>
        tpu.wait_dma2 semaphore(%run_scoped3A : memref<!tpu.dma_semaphore, #tpu.memory_space<semaphore_mem>>) src(%arg14 : memref<128xf32, #tpu.memory_space<vmem>>) dst(%dma_wait3A_163 : memref<128xf32, #tpu.memory_space<vmem_shared>>)
        tpu.yield
      }) : () -> ()
      "tpu.region"() ({
        %run_scoped3A = tpu.sem_alloc : memref<!tpu.dma_semaphore, #tpu.memory_space<semaphore_mem>>
        %dma_start3A_152 = arith.constant 0 : i32
        %dma_start3A_153 = tpu.memref_slice %arg22[%arg1, %dma_start3A_152] : memref<10x128xf32, #tpu.memory_space<vmem_shared>> -> memref<1x128xf32, #tpu.memory_space<vmem_shared>>
        %dma_start3A_154 = tpu.memref_squeeze %dma_start3A_153 : memref<1x128xf32, #tpu.memory_space<vmem_shared>> -> memref<128xf32, #tpu.memory_space<vmem_shared>>
        %dma_start3A_155 = arith.constant 0 : i32
        %dma_start3A_156 = tpu.memref_slice %arg22[%arg1, %dma_start3A_155] : memref<10x128xf32, #tpu.memory_space<vmem_shared>> -> memref<1x128xf32, #tpu.memory_space<vmem_shared>>
        %dma_start3A_157 = tpu.memref_squeeze %dma_start3A_156 : memref<1x128xf32, #tpu.memory_space<vmem_shared>> -> memref<128xf32, #tpu.memory_space<vmem_shared>>
        tpu.enqueue_dma source(%arg15 : memref<128xf32, #tpu.memory_space<vmem>>) target(%dma_start3A_157 : memref<128xf32, #tpu.memory_space<vmem_shared>>) target_semaphore(%run_scoped3A : memref<!tpu.dma_semaphore, #tpu.memory_space<semaphore_mem>>)
        %dma_wait3A_158 = arith.constant 0 : i32
        %dma_wait3A_159 = tpu.memref_slice %arg22[%arg1, %dma_wait3A_158] : memref<10x128xf32, #tpu.memory_space<vmem_shared>> -> memref<1x128xf32, #tpu.memory_space<vmem_shared>>
        %dma_wait3A_160 = tpu.memref_squeeze %dma_wait3A_159 : memref<1x128xf32, #tpu.memory_space<vmem_shared>> -> memref<128xf32, #tpu.memory_space<vmem_shared>>
        %dma_wait3A_161 = arith.constant 0 : i32
        %dma_wait3A_162 = tpu.memref_slice %arg22[%arg1, %dma_wait3A_161] : memref<10x128xf32, #tpu.memory_space<vmem_shared>> -> memref<1x128xf32, #tpu.memory_space<vmem_shared>>
        %dma_wait3A_163 = tpu.memref_squeeze %dma_wait3A_162 : memref<1x128xf32, #tpu.memory_space<vmem_shared>> -> memref<128xf32, #tpu.memory_space<vmem_shared>>
        tpu.wait_dma2 semaphore(%run_scoped3A : memref<!tpu.dma_semaphore, #tpu.memory_space<semaphore_mem>>) src(%arg15 : memref<128xf32, #tpu.memory_space<vmem>>) dst(%dma_wait3A_163 : memref<128xf32, #tpu.memory_space<vmem_shared>>)
        tpu.yield
      }) : () -> ()
      "tpu.region"() ({
        %run_scoped3A = tpu.sem_alloc : memref<!tpu.dma_semaphore, #tpu.memory_space<semaphore_mem>>
        %dma_start3A_152 = arith.constant 0 : i32
        %dma_start3A_153 = tpu.memref_slice %arg23[%arg1, %dma_start3A_152] : memref<10x128xf32, #tpu.memory_space<vmem_shared>> -> memref<1x128xf32, #tpu.memory_space<vmem_shared>>
        %dma_start3A_154 = tpu.memref_squeeze %dma_start3A_153 : memref<1x128xf32, #tpu.memory_space<vmem_shared>> -> memref<128xf32, #tpu.memory_space<vmem_shared>>
        %dma_start3A_155 = arith.constant 0 : i32
        %dma_start3A_156 = tpu.memref_slice %arg23[%arg1, %dma_start3A_155] : memref<10x128xf32, #tpu.memory_space<vmem_shared>> -> memref<1x128xf32, #tpu.memory_space<vmem_shared>>
        %dma_start3A_157 = tpu.memref_squeeze %dma_start3A_156 : memref<1x128xf32, #tpu.memory_space<vmem_shared>> -> memref<128xf32, #tpu.memory_space<vmem_shared>>
        tpu.enqueue_dma source(%arg16 : memref<128xf32, #tpu.memory_space<vmem>>) target(%dma_start3A_157 : memref<128xf32, #tpu.memory_space<vmem_shared>>) target_semaphore(%run_scoped3A : memref<!tpu.dma_semaphore, #tpu.memory_space<semaphore_mem>>)
        %dma_wait3A_158 = arith.constant 0 : i32
        %dma_wait3A_159 = tpu.memref_slice %arg23[%arg1, %dma_wait3A_158] : memref<10x128xf32, #tpu.memory_space<vmem_shared>> -> memref<1x128xf32, #tpu.memory_space<vmem_shared>>
        %dma_wait3A_160 = tpu.memref_squeeze %dma_wait3A_159 : memref<1x128xf32, #tpu.memory_space<vmem_shared>> -> memref<128xf32, #tpu.memory_space<vmem_shared>>
        %dma_wait3A_161 = arith.constant 0 : i32
        %dma_wait3A_162 = tpu.memref_slice %arg23[%arg1, %dma_wait3A_161] : memref<10x128xf32, #tpu.memory_space<vmem_shared>> -> memref<1x128xf32, #tpu.memory_space<vmem_shared>>
        %dma_wait3A_163 = tpu.memref_squeeze %dma_wait3A_162 : memref<1x128xf32, #tpu.memory_space<vmem_shared>> -> memref<128xf32, #tpu.memory_space<vmem_shared>>
        tpu.wait_dma2 semaphore(%run_scoped3A : memref<!tpu.dma_semaphore, #tpu.memory_space<semaphore_mem>>) src(%arg16 : memref<128xf32, #tpu.memory_space<vmem>>) dst(%dma_wait3A_163 : memref<128xf32, #tpu.memory_space<vmem_shared>>)
        tpu.yield
      }) : () -> ()
    } else {
    }
    %eq3A = arith.constant 10 : i32
    %eq3A_2 = arith.cmpi eq, %arg1, %eq3A : i32
    %convert_element_type3A_3 = arith.extui %eq3A_2 : i1 to i32
    %cond3A_4 = arith.constant 0 : i32
    %cond3A_5 = arith.cmpi ne, %convert_element_type3A_3, %cond3A_4 : i32
    scf.if %cond3A_5 {
      %broadcast_in_dim3A = arith.constant 0.000000e+00 : f32
      %broadcast_in_dim3A_11 = vector.broadcast %broadcast_in_dim3A : f32 to vector<16xf32>
      %broadcast_in_dim3A_12 = arith.constant 0 : i32
      %broadcast_in_dim3A_13 = vector.broadcast %broadcast_in_dim3A_12 : i32 to vector<16xi32>
      %swap3A = arith.constant 0 : index
      %swap3A_14 = tpu.vector_load %arg30[%swap3A] {strides = array<i32>} : memref<176xi32, #tpu.memory_space<vmem>>, vector<16xi32>,
      tpu.vector_store %arg30[%swap3A], %broadcast_in_dim3A_13 {strides = array<i32>} : memref<176xi32, #tpu.memory_space<vmem>>, vector<16xi32>,
      %swap3A_15 = arith.constant 16 : index
      %swap3A_16 = tpu.vector_load %arg30[%swap3A_15] {strides = array<i32>} : memref<176xi32, #tpu.memory_space<vmem>>, vector<16xi32>,
      tpu.vector_store %arg30[%swap3A_15], %broadcast_in_dim3A_13 {strides = array<i32>} : memref<176xi32, #tpu.memory_space<vmem>>, vector<16xi32>,
      %swap3A_17 = arith.constant 32 : index
      %swap3A_18 = tpu.vector_load %arg30[%swap3A_17] {strides = array<i32>} : memref<176xi32, #tpu.memory_space<vmem>>, vector<16xi32>,
      tpu.vector_store %arg30[%swap3A_17], %broadcast_in_dim3A_13 {strides = array<i32>} : memref<176xi32, #tpu.memory_space<vmem>>, vector<16xi32>,
      %swap3A_19 = arith.constant 48 : index
      %swap3A_20 = tpu.vector_load %arg30[%swap3A_19] {strides = array<i32>} : memref<176xi32, #tpu.memory_space<vmem>>, vector<16xi32>,
      tpu.vector_store %arg30[%swap3A_19], %broadcast_in_dim3A_13 {strides = array<i32>} : memref<176xi32, #tpu.memory_space<vmem>>, vector<16xi32>,
      %swap3A_21 = arith.constant 64 : index
      %swap3A_22 = tpu.vector_load %arg30[%swap3A_21] {strides = array<i32>} : memref<176xi32, #tpu.memory_space<vmem>>, vector<16xi32>,
      tpu.vector_store %arg30[%swap3A_21], %broadcast_in_dim3A_13 {strides = array<i32>} : memref<176xi32, #tpu.memory_space<vmem>>, vector<16xi32>,
      %swap3A_23 = arith.constant 80 : index
      %swap3A_24 = tpu.vector_load %arg30[%swap3A_23] {strides = array<i32>} : memref<176xi32, #tpu.memory_space<vmem>>, vector<16xi32>,
      tpu.vector_store %arg30[%swap3A_23], %broadcast_in_dim3A_13 {strides = array<i32>} : memref<176xi32, #tpu.memory_space<vmem>>, vector<16xi32>,
      %swap3A_25 = arith.constant 96 : index
      %swap3A_26 = tpu.vector_load %arg30[%swap3A_25] {strides = array<i32>} : memref<176xi32, #tpu.memory_space<vmem>>, vector<16xi32>,
      tpu.vector_store %arg30[%swap3A_25], %broadcast_in_dim3A_13 {strides = array<i32>} : memref<176xi32, #tpu.memory_space<vmem>>, vector<16xi32>,
      %swap3A_27 = arith.constant 112 : index
      %swap3A_28 = tpu.vector_load %arg30[%swap3A_27] {strides = array<i32>} : memref<176xi32, #tpu.memory_space<vmem>>, vector<16xi32>,
      tpu.vector_store %arg30[%swap3A_27], %broadcast_in_dim3A_13 {strides = array<i32>} : memref<176xi32, #tpu.memory_space<vmem>>, vector<16xi32>,
      %swap3A_29 = arith.constant 128 : index
      %swap3A_30 = tpu.vector_load %arg30[%swap3A_29] {strides = array<i32>} : memref<176xi32, #tpu.memory_space<vmem>>, vector<16xi32>,
      tpu.vector_store %arg30[%swap3A_29], %broadcast_in_dim3A_13 {strides = array<i32>} : memref<176xi32, #tpu.memory_space<vmem>>, vector<16xi32>,
      %swap3A_31 = arith.constant 144 : index
      %swap3A_32 = tpu.vector_load %arg30[%swap3A_31] {strides = array<i32>} : memref<176xi32, #tpu.memory_space<vmem>>, vector<16xi32>,
      tpu.vector_store %arg30[%swap3A_31], %broadcast_in_dim3A_13 {strides = array<i32>} : memref<176xi32, #tpu.memory_space<vmem>>, vector<16xi32>,
      %swap3A_33 = arith.constant 160 : index
      %swap3A_34 = tpu.vector_load %arg30[%swap3A_33] {strides = array<i32>} : memref<176xi32, #tpu.memory_space<vmem>>, vector<16xi32>,
      tpu.vector_store %arg30[%swap3A_33], %broadcast_in_dim3A_13 {strides = array<i32>} : memref<176xi32, #tpu.memory_space<vmem>>, vector<16xi32>,
      %swap3A_35 = arith.constant 0 : index
      %swap3A_36 = tpu.vector_load %arg31[%swap3A_35] {strides = array<i32>} : memref<112xf32, #tpu.memory_space<vmem>>, vector<16xf32>,
      tpu.vector_store %arg31[%swap3A_35], %broadcast_in_dim3A_11 {strides = array<i32>} : memref<112xf32, #tpu.memory_space<vmem>>, vector<16xf32>,
      %swap3A_37 = arith.constant 0 : index
      %swap3A_38 = tpu.vector_load %arg32[%swap3A_37] {strides = array<i32>} : memref<112xf32, #tpu.memory_space<vmem>>, vector<16xf32>,
      tpu.vector_store %arg32[%swap3A_37], %broadcast_in_dim3A_11 {strides = array<i32>} : memref<112xf32, #tpu.memory_space<vmem>>, vector<16xf32>,
      %swap3A_39 = arith.constant 0 : index
      %swap3A_40 = tpu.vector_load %arg33[%swap3A_39] {strides = array<i32>} : memref<112xf32, #tpu.memory_space<vmem>>, vector<16xf32>,
      tpu.vector_store %arg33[%swap3A_39], %broadcast_in_dim3A_11 {strides = array<i32>} : memref<112xf32, #tpu.memory_space<vmem>>, vector<16xf32>,
      %swap3A_41 = arith.constant 0 : index
      %swap3A_42 = tpu.vector_load %arg34[%swap3A_41] {strides = array<i32>} : memref<112xf32, #tpu.memory_space<vmem>>, vector<16xf32>,
      tpu.vector_store %arg34[%swap3A_41], %broadcast_in_dim3A_11 {strides = array<i32>} : memref<112xf32, #tpu.memory_space<vmem>>, vector<16xf32>,
      %swap3A_43 = arith.constant 0 : index
      %swap3A_44 = tpu.vector_load %arg35[%swap3A_43] {strides = array<i32>} : memref<112xf32, #tpu.memory_space<vmem>>, vector<16xf32>,
      tpu.vector_store %arg35[%swap3A_43], %broadcast_in_dim3A_11 {strides = array<i32>} : memref<112xf32, #tpu.memory_space<vmem>>, vector<16xf32>,
      %swap3A_45 = arith.constant 0 : index
      %swap3A_46 = tpu.vector_load %arg36[%swap3A_45] {strides = array<i32>} : memref<112xi32, #tpu.memory_space<vmem>>, vector<16xi32>,
      tpu.vector_store %arg36[%swap3A_45], %broadcast_in_dim3A_13 {strides = array<i32>} : memref<112xi32, #tpu.memory_space<vmem>>, vector<16xi32>,
      %swap3A_47 = arith.constant 16 : index
      %swap3A_48 = tpu.vector_load %arg31[%swap3A_47] {strides = array<i32>} : memref<112xf32, #tpu.memory_space<vmem>>, vector<16xf32>,
      tpu.vector_store %arg31[%swap3A_47], %broadcast_in_dim3A_11 {strides = array<i32>} : memref<112xf32, #tpu.memory_space<vmem>>, vector<16xf32>,
      %swap3A_49 = arith.constant 16 : index
      %swap3A_50 = tpu.vector_load %arg32[%swap3A_49] {strides = array<i32>} : memref<112xf32, #tpu.memory_space<vmem>>, vector<16xf32>,
      tpu.vector_store %arg32[%swap3A_49], %broadcast_in_dim3A_11 {strides = array<i32>} : memref<112xf32, #tpu.memory_space<vmem>>, vector<16xf32>,
      %swap3A_51 = arith.constant 16 : index
      %swap3A_52 = tpu.vector_load %arg33[%swap3A_51] {strides = array<i32>} : memref<112xf32, #tpu.memory_space<vmem>>, vector<16xf32>,
      tpu.vector_store %arg33[%swap3A_51], %broadcast_in_dim3A_11 {strides = array<i32>} : memref<112xf32, #tpu.memory_space<vmem>>, vector<16xf32>,
      %swap3A_53 = arith.constant 16 : index
      %swap3A_54 = tpu.vector_load %arg34[%swap3A_53] {strides = array<i32>} : memref<112xf32, #tpu.memory_space<vmem>>, vector<16xf32>,
      tpu.vector_store %arg34[%swap3A_53], %broadcast_in_dim3A_11 {strides = array<i32>} : memref<112xf32, #tpu.memory_space<vmem>>, vector<16xf32>,
      %swap3A_55 = arith.constant 16 : index
      %swap3A_56 = tpu.vector_load %arg35[%swap3A_55] {strides = array<i32>} : memref<112xf32, #tpu.memory_space<vmem>>, vector<16xf32>,
      tpu.vector_store %arg35[%swap3A_55], %broadcast_in_dim3A_11 {strides = array<i32>} : memref<112xf32, #tpu.memory_space<vmem>>, vector<16xf32>,
      %swap3A_57 = arith.constant 16 : index
      %swap3A_58 = tpu.vector_load %arg36[%swap3A_57] {strides = array<i32>} : memref<112xi32, #tpu.memory_space<vmem>>, vector<16xi32>,
      tpu.vector_store %arg36[%swap3A_57], %broadcast_in_dim3A_13 {strides = array<i32>} : memref<112xi32, #tpu.memory_space<vmem>>, vector<16xi32>,
      %swap3A_59 = arith.constant 32 : index
      %swap3A_60 = tpu.vector_load %arg31[%swap3A_59] {strides = array<i32>} : memref<112xf32, #tpu.memory_space<vmem>>, vector<16xf32>,
      tpu.vector_store %arg31[%swap3A_59], %broadcast_in_dim3A_11 {strides = array<i32>} : memref<112xf32, #tpu.memory_space<vmem>>, vector<16xf32>,
      %swap3A_61 = arith.constant 32 : index
      %swap3A_62 = tpu.vector_load %arg32[%swap3A_61] {strides = array<i32>} : memref<112xf32, #tpu.memory_space<vmem>>, vector<16xf32>,
      tpu.vector_store %arg32[%swap3A_61], %broadcast_in_dim3A_11 {strides = array<i32>} : memref<112xf32, #tpu.memory_space<vmem>>, vector<16xf32>,
      %swap3A_63 = arith.constant 32 : index
      %swap3A_64 = tpu.vector_load %arg33[%swap3A_63] {strides = array<i32>} : memref<112xf32, #tpu.memory_space<vmem>>, vector<16xf32>,
      tpu.vector_store %arg33[%swap3A_63], %broadcast_in_dim3A_11 {strides = array<i32>} : memref<112xf32, #tpu.memory_space<vmem>>, vector<16xf32>,
      %swap3A_65 = arith.constant 32 : index
      %swap3A_66 = tpu.vector_load %arg34[%swap3A_65] {strides = array<i32>} : memref<112xf32, #tpu.memory_space<vmem>>, vector<16xf32>,
      tpu.vector_store %arg34[%swap3A_65], %broadcast_in_dim3A_11 {strides = array<i32>} : memref<112xf32, #tpu.memory_space<vmem>>, vector<16xf32>,
      %swap3A_67 = arith.constant 32 : index
      %swap3A_68 = tpu.vector_load %arg35[%swap3A_67] {strides = array<i32>} : memref<112xf32, #tpu.memory_space<vmem>>, vector<16xf32>,
      tpu.vector_store %arg35[%swap3A_67], %broadcast_in_dim3A_11 {strides = array<i32>} : memref<112xf32, #tpu.memory_space<vmem>>, vector<16xf32>,
      %swap3A_69 = arith.constant 32 : index
      %swap3A_70 = tpu.vector_load %arg36[%swap3A_69] {strides = array<i32>} : memref<112xi32, #tpu.memory_space<vmem>>, vector<16xi32>,
      tpu.vector_store %arg36[%swap3A_69], %broadcast_in_dim3A_13 {strides = array<i32>} : memref<112xi32, #tpu.memory_space<vmem>>, vector<16xi32>,
      %swap3A_71 = arith.constant 48 : index
      %swap3A_72 = tpu.vector_load %arg31[%swap3A_71] {strides = array<i32>} : memref<112xf32, #tpu.memory_space<vmem>>, vector<16xf32>,
      tpu.vector_store %arg31[%swap3A_71], %broadcast_in_dim3A_11 {strides = array<i32>} : memref<112xf32, #tpu.memory_space<vmem>>, vector<16xf32>,
      %swap3A_73 = arith.constant 48 : index
      %swap3A_74 = tpu.vector_load %arg32[%swap3A_73] {strides = array<i32>} : memref<112xf32, #tpu.memory_space<vmem>>, vector<16xf32>,
      tpu.vector_store %arg32[%swap3A_73], %broadcast_in_dim3A_11 {strides = array<i32>} : memref<112xf32, #tpu.memory_space<vmem>>, vector<16xf32>,
      %swap3A_75 = arith.constant 48 : index
      %swap3A_76 = tpu.vector_load %arg33[%swap3A_75] {strides = array<i32>} : memref<112xf32, #tpu.memory_space<vmem>>, vector<16xf32>,
      tpu.vector_store %arg33[%swap3A_75], %broadcast_in_dim3A_11 {strides = array<i32>} : memref<112xf32, #tpu.memory_space<vmem>>, vector<16xf32>,
      %swap3A_77 = arith.constant 48 : index
      %swap3A_78 = tpu.vector_load %arg34[%swap3A_77] {strides = array<i32>} : memref<112xf32, #tpu.memory_space<vmem>>, vector<16xf32>,
      tpu.vector_store %arg34[%swap3A_77], %broadcast_in_dim3A_11 {strides = array<i32>} : memref<112xf32, #tpu.memory_space<vmem>>, vector<16xf32>,
      %swap3A_79 = arith.constant 48 : index
      %swap3A_80 = tpu.vector_load %arg35[%swap3A_79] {strides = array<i32>} : memref<112xf32, #tpu.memory_space<vmem>>, vector<16xf32>,
      tpu.vector_store %arg35[%swap3A_79], %broadcast_in_dim3A_11 {strides = array<i32>} : memref<112xf32, #tpu.memory_space<vmem>>, vector<16xf32>,
      %swap3A_81 = arith.constant 48 : index
      %swap3A_82 = tpu.vector_load %arg36[%swap3A_81] {strides = array<i32>} : memref<112xi32, #tpu.memory_space<vmem>>, vector<16xi32>,
      tpu.vector_store %arg36[%swap3A_81], %broadcast_in_dim3A_13 {strides = array<i32>} : memref<112xi32, #tpu.memory_space<vmem>>, vector<16xi32>,
      %swap3A_83 = arith.constant 64 : index
      %swap3A_84 = tpu.vector_load %arg31[%swap3A_83] {strides = array<i32>} : memref<112xf32, #tpu.memory_space<vmem>>, vector<16xf32>,
      tpu.vector_store %arg31[%swap3A_83], %broadcast_in_dim3A_11 {strides = array<i32>} : memref<112xf32, #tpu.memory_space<vmem>>, vector<16xf32>,
      %swap3A_85 = arith.constant 64 : index
      %swap3A_86 = tpu.vector_load %arg32[%swap3A_85] {strides = array<i32>} : memref<112xf32, #tpu.memory_space<vmem>>, vector<16xf32>,
      tpu.vector_store %arg32[%swap3A_85], %broadcast_in_dim3A_11 {strides = array<i32>} : memref<112xf32, #tpu.memory_space<vmem>>, vector<16xf32>,
      %swap3A_87 = arith.constant 64 : index
      %swap3A_88 = tpu.vector_load %arg33[%swap3A_87] {strides = array<i32>} : memref<112xf32, #tpu.memory_space<vmem>>, vector<16xf32>,
      tpu.vector_store %arg33[%swap3A_87], %broadcast_in_dim3A_11 {strides = array<i32>} : memref<112xf32, #tpu.memory_space<vmem>>, vector<16xf32>,
      %swap3A_89 = arith.constant 64 : index
      %swap3A_90 = tpu.vector_load %arg34[%swap3A_89] {strides = array<i32>} : memref<112xf32, #tpu.memory_space<vmem>>, vector<16xf32>,
      tpu.vector_store %arg34[%swap3A_89], %broadcast_in_dim3A_11 {strides = array<i32>} : memref<112xf32, #tpu.memory_space<vmem>>, vector<16xf32>,
      %swap3A_91 = arith.constant 64 : index
      %swap3A_92 = tpu.vector_load %arg35[%swap3A_91] {strides = array<i32>} : memref<112xf32, #tpu.memory_space<vmem>>, vector<16xf32>,
      tpu.vector_store %arg35[%swap3A_91], %broadcast_in_dim3A_11 {strides = array<i32>} : memref<112xf32, #tpu.memory_space<vmem>>, vector<16xf32>,
      %swap3A_93 = arith.constant 64 : index
      %swap3A_94 = tpu.vector_load %arg36[%swap3A_93] {strides = array<i32>} : memref<112xi32, #tpu.memory_space<vmem>>, vector<16xi32>,
      tpu.vector_store %arg36[%swap3A_93], %broadcast_in_dim3A_13 {strides = array<i32>} : memref<112xi32, #tpu.memory_space<vmem>>, vector<16xi32>,
      %swap3A_95 = arith.constant 80 : index
      %swap3A_96 = tpu.vector_load %arg31[%swap3A_95] {strides = array<i32>} : memref<112xf32, #tpu.memory_space<vmem>>, vector<16xf32>,
      tpu.vector_store %arg31[%swap3A_95], %broadcast_in_dim3A_11 {strides = array<i32>} : memref<112xf32, #tpu.memory_space<vmem>>, vector<16xf32>,
      %swap3A_97 = arith.constant 80 : index
      %swap3A_98 = tpu.vector_load %arg32[%swap3A_97] {strides = array<i32>} : memref<112xf32, #tpu.memory_space<vmem>>, vector<16xf32>,
      tpu.vector_store %arg32[%swap3A_97], %broadcast_in_dim3A_11 {strides = array<i32>} : memref<112xf32, #tpu.memory_space<vmem>>, vector<16xf32>,
      %swap3A_99 = arith.constant 80 : index
      %swap3A_100 = tpu.vector_load %arg33[%swap3A_99] {strides = array<i32>} : memref<112xf32, #tpu.memory_space<vmem>>, vector<16xf32>,
      tpu.vector_store %arg33[%swap3A_99], %broadcast_in_dim3A_11 {strides = array<i32>} : memref<112xf32, #tpu.memory_space<vmem>>, vector<16xf32>,
      %swap3A_101 = arith.constant 80 : index
      %swap3A_102 = tpu.vector_load %arg34[%swap3A_101] {strides = array<i32>} : memref<112xf32, #tpu.memory_space<vmem>>, vector<16xf32>,
      tpu.vector_store %arg34[%swap3A_101], %broadcast_in_dim3A_11 {strides = array<i32>} : memref<112xf32, #tpu.memory_space<vmem>>, vector<16xf32>,
      %swap3A_103 = arith.constant 80 : index
      %swap3A_104 = tpu.vector_load %arg35[%swap3A_103] {strides = array<i32>} : memref<112xf32, #tpu.memory_space<vmem>>, vector<16xf32>,
      tpu.vector_store %arg35[%swap3A_103], %broadcast_in_dim3A_11 {strides = array<i32>} : memref<112xf32, #tpu.memory_space<vmem>>, vector<16xf32>,
      %swap3A_105 = arith.constant 80 : index
      %swap3A_106 = tpu.vector_load %arg36[%swap3A_105] {strides = array<i32>} : memref<112xi32, #tpu.memory_space<vmem>>, vector<16xi32>,
      tpu.vector_store %arg36[%swap3A_105], %broadcast_in_dim3A_13 {strides = array<i32>} : memref<112xi32, #tpu.memory_space<vmem>>, vector<16xi32>,
      %swap3A_107 = arith.constant 96 : index
      %swap3A_108 = tpu.vector_load %arg31[%swap3A_107] {strides = array<i32>} : memref<112xf32, #tpu.memory_space<vmem>>, vector<16xf32>,
      tpu.vector_store %arg31[%swap3A_107], %broadcast_in_dim3A_11 {strides = array<i32>} : memref<112xf32, #tpu.memory_space<vmem>>, vector<16xf32>,
      %swap3A_109 = arith.constant 96 : index
      %swap3A_110 = tpu.vector_load %arg32[%swap3A_109] {strides = array<i32>} : memref<112xf32, #tpu.memory_space<vmem>>, vector<16xf32>,
      tpu.vector_store %arg32[%swap3A_109], %broadcast_in_dim3A_11 {strides = array<i32>} : memref<112xf32, #tpu.memory_space<vmem>>, vector<16xf32>,
      %swap3A_111 = arith.constant 96 : index
      %swap3A_112 = tpu.vector_load %arg33[%swap3A_111] {strides = array<i32>} : memref<112xf32, #tpu.memory_space<vmem>>, vector<16xf32>,
      tpu.vector_store %arg33[%swap3A_111], %broadcast_in_dim3A_11 {strides = array<i32>} : memref<112xf32, #tpu.memory_space<vmem>>, vector<16xf32>,
      %swap3A_113 = arith.constant 96 : index
      %swap3A_114 = tpu.vector_load %arg34[%swap3A_113] {strides = array<i32>} : memref<112xf32, #tpu.memory_space<vmem>>, vector<16xf32>,
      tpu.vector_store %arg34[%swap3A_113], %broadcast_in_dim3A_11 {strides = array<i32>} : memref<112xf32, #tpu.memory_space<vmem>>, vector<16xf32>,
      %swap3A_115 = arith.constant 96 : index
      %swap3A_116 = tpu.vector_load %arg35[%swap3A_115] {strides = array<i32>} : memref<112xf32, #tpu.memory_space<vmem>>, vector<16xf32>,
      tpu.vector_store %arg35[%swap3A_115], %broadcast_in_dim3A_11 {strides = array<i32>} : memref<112xf32, #tpu.memory_space<vmem>>, vector<16xf32>,
      %swap3A_117 = arith.constant 96 : index
      %swap3A_118 = tpu.vector_load %arg36[%swap3A_117] {strides = array<i32>} : memref<112xi32, #tpu.memory_space<vmem>>, vector<16xi32>,
      tpu.vector_store %arg36[%swap3A_117], %broadcast_in_dim3A_13 {strides = array<i32>} : memref<112xi32, #tpu.memory_space<vmem>>, vector<16xi32>,
    } else {
    }
    %barrier3A = arith.constant 0 : index
    tpu.barrier barrier_id(%barrier3A)
    %eq3A_6 = arith.constant 10 : i32
    %eq3A_7 = arith.cmpi eq, %arg1, %eq3A_6 : i32
    %convert_element_type3A_8 = arith.extui %eq3A_7 : i1 to i32
    %cond3A_9 = arith.constant 0 : i32
    %cond3A_10 = arith.cmpi ne, %convert_element_type3A_8, %cond3A_9 : i32
    scf.if %cond3A_10 {
      "tpu.region"() ({
        %run_scoped3A_33 = tpu.sem_alloc : memref<!tpu.dma_semaphore, #tpu.memory_space<semaphore_mem>>
        tpu.enqueue_dma source(%arg18 : memref<10x128xf32, #tpu.memory_space<vmem_shared>>) target(%arg24 : memref<10x128xf32, #tpu.memory_space<vmem>>) target_semaphore(%run_scoped3A_33 : memref<!tpu.dma_semaphore, #tpu.memory_space<semaphore_mem>>)
        tpu.wait_dma2 semaphore(%run_scoped3A_33 : memref<!tpu.dma_semaphore, #tpu.memory_space<semaphore_mem>>) src(%arg18 : memref<10x128xf32, #tpu.memory_space<vmem_shared>>) dst(%arg24 : memref<10x128xf32, #tpu.memory_space<vmem>>)
        tpu.yield
      }) : () -> ()
      "tpu.region"() ({
        %run_scoped3A_33 = tpu.sem_alloc : memref<!tpu.dma_semaphore, #tpu.memory_space<semaphore_mem>>
        tpu.enqueue_dma source(%arg19 : memref<10x128xi32, #tpu.memory_space<vmem_shared>>) target(%arg25 : memref<10x128xi32, #tpu.memory_space<vmem>>) target_semaphore(%run_scoped3A_33 : memref<!tpu.dma_semaphore, #tpu.memory_space<semaphore_mem>>)
        tpu.wait_dma2 semaphore(%run_scoped3A_33 : memref<!tpu.dma_semaphore, #tpu.memory_space<semaphore_mem>>) src(%arg19 : memref<10x128xi32, #tpu.memory_space<vmem_shared>>) dst(%arg25 : memref<10x128xi32, #tpu.memory_space<vmem>>)
        tpu.yield
      }) : () -> ()
      "tpu.region"() ({
        %run_scoped3A_33 = tpu.sem_alloc : memref<!tpu.dma_semaphore, #tpu.memory_space<semaphore_mem>>
        tpu.enqueue_dma source(%arg20 : memref<10x128xf32, #tpu.memory_space<vmem_shared>>) target(%arg26 : memref<10x128xf32, #tpu.memory_space<vmem>>) target_semaphore(%run_scoped3A_33 : memref<!tpu.dma_semaphore, #tpu.memory_space<semaphore_mem>>)
        tpu.wait_dma2 semaphore(%run_scoped3A_33 : memref<!tpu.dma_semaphore, #tpu.memory_space<semaphore_mem>>) src(%arg20 : memref<10x128xf32, #tpu.memory_space<vmem_shared>>) dst(%arg26 : memref<10x128xf32, #tpu.memory_space<vmem>>)
        tpu.yield
      }) : () -> ()
      "tpu.region"() ({
        %run_scoped3A_33 = tpu.sem_alloc : memref<!tpu.dma_semaphore, #tpu.memory_space<semaphore_mem>>
        tpu.enqueue_dma source(%arg21 : memref<10x128xf32, #tpu.memory_space<vmem_shared>>) target(%arg27 : memref<10x128xf32, #tpu.memory_space<vmem>>) target_semaphore(%run_scoped3A_33 : memref<!tpu.dma_semaphore, #tpu.memory_space<semaphore_mem>>)
        tpu.wait_dma2 semaphore(%run_scoped3A_33 : memref<!tpu.dma_semaphore, #tpu.memory_space<semaphore_mem>>) src(%arg21 : memref<10x128xf32, #tpu.memory_space<vmem_shared>>) dst(%arg27 : memref<10x128xf32, #tpu.memory_space<vmem>>)
        tpu.yield
      }) : () -> ()
      "tpu.region"() ({
        %run_scoped3A_33 = tpu.sem_alloc : memref<!tpu.dma_semaphore, #tpu.memory_space<semaphore_mem>>
        tpu.enqueue_dma source(%arg22 : memref<10x128xf32, #tpu.memory_space<vmem_shared>>) target(%arg28 : memref<10x128xf32, #tpu.memory_space<vmem>>) target_semaphore(%run_scoped3A_33 : memref<!tpu.dma_semaphore, #tpu.memory_space<semaphore_mem>>)
        tpu.wait_dma2 semaphore(%run_scoped3A_33 : memref<!tpu.dma_semaphore, #tpu.memory_space<semaphore_mem>>) src(%arg22 : memref<10x128xf32, #tpu.memory_space<vmem_shared>>) dst(%arg28 : memref<10x128xf32, #tpu.memory_space<vmem>>)
        tpu.yield
      }) : () -> ()
      "tpu.region"() ({
        %run_scoped3A_33 = tpu.sem_alloc : memref<!tpu.dma_semaphore, #tpu.memory_space<semaphore_mem>>
        tpu.enqueue_dma source(%arg23 : memref<10x128xf32, #tpu.memory_space<vmem_shared>>) target(%arg29 : memref<10x128xf32, #tpu.memory_space<vmem>>) target_semaphore(%run_scoped3A_33 : memref<!tpu.dma_semaphore, #tpu.memory_space<semaphore_mem>>)
        tpu.wait_dma2 semaphore(%run_scoped3A_33 : memref<!tpu.dma_semaphore, #tpu.memory_space<semaphore_mem>>) src(%arg23 : memref<10x128xf32, #tpu.memory_space<vmem_shared>>) dst(%arg29 : memref<10x128xf32, #tpu.memory_space<vmem>>)
        tpu.yield
      }) : () -> ()
      %iota3A = tpu.iota {dimensions = array<i32: 0>} : vector<16xi32>
      %broadcast_in_dim3A = arith.constant 0.000000e+00 : f32
      %broadcast_in_dim3A_11 = vector.broadcast %broadcast_in_dim3A : f32 to vector<16xf32>
      %broadcast_in_dim3A_12 = arith.constant 0 : i32
      %broadcast_in_dim3A_13 = vector.broadcast %broadcast_in_dim3A_12 : i32 to vector<16xi32>
      %broadcast_in_dim3A_14 = arith.constant 0xFF800000 : f32
      %broadcast_in_dim3A_15 = vector.broadcast %broadcast_in_dim3A_14 : f32 to vector<16xf32>
      %broadcast_in_dim3A_16 = arith.constant 1073741824 : i32
      %broadcast_in_dim3A_17 = vector.broadcast %broadcast_in_dim3A_16 : i32 to vector<16xi32>
      %broadcast_in_dim3A_18 = arith.constant 1 : i32
      %broadcast_in_dim3A_19 = vector.broadcast %broadcast_in_dim3A_18 : i32 to vector<16xi32>
      %lt3A_20 = arith.constant 10 : i32
      %lt3A_21 = vector.broadcast %lt3A_20 : i32 to vector<16xi32>
      %lt3A_22 = arith.cmpi slt, %iota3A, %lt3A_21 : vector<16xi32>
      %mul3A = arith.constant 5000 : i32
      %mul3A_23 = vector.broadcast %mul3A : i32 to vector<16xi32>
      %mul3A_24 = arith.muli %iota3A, %mul3A_23 : vector<16xi32>
      %scan3A = arith.constant 0 : i32
      %scan3A_25 = arith.constant 50 : i32
      %scan3A_26 = arith.addi %scan3A, %scan3A_25 : i32
      %scan3A_27 = arith.constant 1 : i32
      %scan3A_28:2 = scf.for %scan3A_33 = %scan3A to %scan3A_26 step %scan3A_27 iter_args(%scan3A_34 = %broadcast_in_dim3A_13, %scan3A_35 = %broadcast_in_dim3A_13) -> (vector<16xi32>, vector<16xi32>)  : i32 {
        %gather3A = tpu.vector_load_idx %arg24[%iota3A, %scan3A_34] masked %lt3A_22 : memref<10x128xf32, #tpu.memory_space<vmem>>[vector<16xi32>, vector<16xi32>], vector<16xf32>, vector<16xi1>
        %select_n3A = arith.select %lt3A_22, %gather3A, %broadcast_in_dim3A_15 : vector<16xi1>, vector<16xf32>
        %add3A = arith.constant 1 : i32
        %add3A_36 = vector.broadcast %add3A : i32 to vector<16xi32>
        %add3A_37 = arith.addi %scan3A_34, %add3A_36 : vector<16xi32>
        %gather3A_38 = tpu.vector_load_idx %arg24[%iota3A, %add3A_37] masked %lt3A_22 : memref<10x128xf32, #tpu.memory_space<vmem>>[vector<16xi32>, vector<16xi32>], vector<16xf32>, vector<16xi1>
        %select_n3A_39 = arith.select %lt3A_22, %gather3A_38, %broadcast_in_dim3A_15 : vector<16xi1>, vector<16xf32>
        %gather3A_40 = tpu.vector_load_idx %arg25[%iota3A, %scan3A_34] masked %lt3A_22 : memref<10x128xi32, #tpu.memory_space<vmem>>[vector<16xi32>, vector<16xi32>], vector<16xi32>, vector<16xi1>
        %add3A_41 = arith.constant 1 : i32
        %add3A_42 = vector.broadcast %add3A_41 : i32 to vector<16xi32>
        %add3A_43 = arith.addi %scan3A_34, %add3A_42 : vector<16xi32>
        %gather3A_44 = tpu.vector_load_idx %arg25[%iota3A, %add3A_43] masked %lt3A_22 : memref<10x128xi32, #tpu.memory_space<vmem>>[vector<16xi32>, vector<16xi32>], vector<16xi32>, vector<16xi1>
        %xor3A = arith.constant 1 : i32
        %xor3A_45 = vector.broadcast %xor3A : i32 to vector<16xi32>
        %xor3A_46 = arith.xori %iota3A, %xor3A_45 : vector<16xi32>
        %broadcast_in_dim3A_47 = vector.shape_cast %xor3A_46 : vector<16xi32> to vector<16x1xi32>
        %gather3A_48 = vector.shape_cast %broadcast_in_dim3A_47 : vector<16x1xi32> to vector<16xi32>
        %gather3A_49 = tpu.dynamic_gather %select_n3A[%gather3A_48] in [0] : vector<16xf32>, vector<16xi32> -> vector<16xf32>
        %max3A = arith.maximumf %select_n3A, %gather3A_49 : vector<16xf32>
        %xor3A_50 = arith.constant 2 : i32
        %xor3A_51 = vector.broadcast %xor3A_50 : i32 to vector<16xi32>
        %xor3A_52 = arith.xori %iota3A, %xor3A_51 : vector<16xi32>
        %broadcast_in_dim3A_53 = vector.shape_cast %xor3A_52 : vector<16xi32> to vector<16x1xi32>
        %gather3A_54 = vector.shape_cast %broadcast_in_dim3A_53 : vector<16x1xi32> to vector<16xi32>
        %gather3A_55 = tpu.dynamic_gather %max3A[%gather3A_54] in [0] : vector<16xf32>, vector<16xi32> -> vector<16xf32>
        %max3A_56 = arith.maximumf %max3A, %gather3A_55 : vector<16xf32>
        %xor3A_57 = arith.constant 4 : i32
        %xor3A_58 = vector.broadcast %xor3A_57 : i32 to vector<16xi32>
        %xor3A_59 = arith.xori %iota3A, %xor3A_58 : vector<16xi32>
        %broadcast_in_dim3A_60 = vector.shape_cast %xor3A_59 : vector<16xi32> to vector<16x1xi32>
        %gather3A_61 = vector.shape_cast %broadcast_in_dim3A_60 : vector<16x1xi32> to vector<16xi32>
        %gather3A_62 = tpu.dynamic_gather %max3A_56[%gather3A_61] in [0] : vector<16xf32>, vector<16xi32> -> vector<16xf32>
        %max3A_63 = arith.maximumf %max3A_56, %gather3A_62 : vector<16xf32>
        %xor3A_64 = arith.constant 8 : i32
        %xor3A_65 = vector.broadcast %xor3A_64 : i32 to vector<16xi32>
        %xor3A_66 = arith.xori %iota3A, %xor3A_65 : vector<16xi32>
        %broadcast_in_dim3A_67 = vector.shape_cast %xor3A_66 : vector<16xi32> to vector<16x1xi32>
        %gather3A_68 = vector.shape_cast %broadcast_in_dim3A_67 : vector<16x1xi32> to vector<16xi32>
        %gather3A_69 = tpu.dynamic_gather %max3A_63[%gather3A_68] in [0] : vector<16xf32>, vector<16xi32> -> vector<16xf32>
        %max3A_70 = arith.maximumf %max3A_63, %gather3A_69 : vector<16xf32>
        %gt3A = arith.constant -3.000000e+38 : f32
        %gt3A_71 = vector.broadcast %gt3A : f32 to vector<16xf32>
        %gt3A_72 = arith.cmpf ogt, %max3A_70, %gt3A_71 : vector<16xf32>
        %eq3A_73 = arith.cmpf oeq, %select_n3A, %max3A_70 : vector<16xf32>
        %and3A = arith.andi %eq3A_73, %lt3A_22 : vector<16xi1>
        %add3A_74 = arith.addi %mul3A_24, %gather3A_40 : vector<16xi32>
        %select_n3A_75 = arith.select %and3A, %add3A_74, %broadcast_in_dim3A_17 : vector<16xi1>, vector<16xi32>
        %xor3A_76 = arith.constant 1 : i32
        %xor3A_77 = vector.broadcast %xor3A_76 : i32 to vector<16xi32>
        %xor3A_78 = arith.xori %iota3A, %xor3A_77 : vector<16xi32>
        %broadcast_in_dim3A_79 = vector.shape_cast %xor3A_78 : vector<16xi32> to vector<16x1xi32>
        %gather3A_80 = vector.shape_cast %broadcast_in_dim3A_79 : vector<16x1xi32> to vector<16xi32>
        %gather3A_81 = tpu.dynamic_gather %select_n3A_75[%gather3A_80] in [0] : vector<16xi32>, vector<16xi32> -> vector<16xi32>
        %min3A = arith.minsi %select_n3A_75, %gather3A_81 : vector<16xi32>
        %xor3A_82 = arith.constant 2 : i32
        %xor3A_83 = vector.broadcast %xor3A_82 : i32 to vector<16xi32>
        %xor3A_84 = arith.xori %iota3A, %xor3A_83 : vector<16xi32>
        %broadcast_in_dim3A_85 = vector.shape_cast %xor3A_84 : vector<16xi32> to vector<16x1xi32>
        %gather3A_86 = vector.shape_cast %broadcast_in_dim3A_85 : vector<16x1xi32> to vector<16xi32>
        %gather3A_87 = tpu.dynamic_gather %min3A[%gather3A_86] in [0] : vector<16xi32>, vector<16xi32> -> vector<16xi32>
        %min3A_88 = arith.minsi %min3A, %gather3A_87 : vector<16xi32>
        %xor3A_89 = arith.constant 4 : i32
        %xor3A_90 = vector.broadcast %xor3A_89 : i32 to vector<16xi32>
        %xor3A_91 = arith.xori %iota3A, %xor3A_90 : vector<16xi32>
        %broadcast_in_dim3A_92 = vector.shape_cast %xor3A_91 : vector<16xi32> to vector<16x1xi32>
        %gather3A_93 = vector.shape_cast %broadcast_in_dim3A_92 : vector<16x1xi32> to vector<16xi32>
        %gather3A_94 = tpu.dynamic_gather %min3A_88[%gather3A_93] in [0] : vector<16xi32>, vector<16xi32> -> vector<16xi32>
        %min3A_95 = arith.minsi %min3A_88, %gather3A_94 : vector<16xi32>
        %xor3A_96 = arith.constant 8 : i32
        %xor3A_97 = vector.broadcast %xor3A_96 : i32 to vector<16xi32>
        %xor3A_98 = arith.xori %iota3A, %xor3A_97 : vector<16xi32>
        %broadcast_in_dim3A_99 = vector.shape_cast %xor3A_98 : vector<16xi32> to vector<16x1xi32>
        %gather3A_100 = vector.shape_cast %broadcast_in_dim3A_99 : vector<16x1xi32> to vector<16xi32>
        %gather3A_101 = tpu.dynamic_gather %min3A_95[%gather3A_100] in [0] : vector<16xi32>, vector<16xi32> -> vector<16xi32>
        %min3A_102 = arith.minsi %min3A_95, %gather3A_101 : vector<16xi32>
        %eq3A_103 = arith.cmpi eq, %select_n3A_75, %min3A_102 : vector<16xi32>
        %all_reduce_ffs3A = tpu.all_reduce %eq3A_103 {dim = 0 : i64, kind = #tpu.reduction_kind<find_first_set>} : vector<16xi1> -> vector<16xi32>
        %min3A_104 = arith.constant 9 : i32
        %min3A_105 = vector.broadcast %min3A_104 : i32 to vector<16xi32>
        %min3A_106 = arith.minsi %all_reduce_ffs3A, %min3A_105 : vector<16xi32>
        %broadcast_in_dim3A_107 = vector.shape_cast %min3A_106 : vector<16xi32> to vector<16x1xi32>
        %gather3A_108 = vector.shape_cast %broadcast_in_dim3A_107 : vector<16x1xi32> to vector<16xi32>
        %gather3A_109 = tpu.dynamic_gather %gather3A_40[%gather3A_108] in [0] : vector<16xi32>, vector<16xi32> -> vector<16xi32>
        %broadcast_in_dim3A_110 = vector.shape_cast %min3A_106 : vector<16xi32> to vector<16x1xi32>
        %gather3A_111 = vector.shape_cast %broadcast_in_dim3A_110 : vector<16x1xi32> to vector<16xi32>
        %gather3A_112 = tpu.dynamic_gather %scan3A_34[%gather3A_111] in [0] : vector<16xi32>, vector<16xi32> -> vector<16xi32>
        %min3A_113 = arith.constant 127 : i32
        %min3A_114 = vector.broadcast %min3A_113 : i32 to vector<16xi32>
        %min3A_115 = arith.minsi %gather3A_112, %min3A_114 : vector<16xi32>
        %and3A_116 = arith.andi %eq3A_103, %gt3A_72 : vector<16xi1>
        %and3A_117 = arith.andi %and3A_116, %lt3A_22 : vector<16xi1>
        %select_n3A_118 = arith.select %and3A_117, %select_n3A_39, %select_n3A : vector<16xi1>, vector<16xf32>
        %select_n3A_119 = arith.select %and3A_117, %gather3A_44, %gather3A_40 : vector<16xi1>, vector<16xi32>
        %jit3A = arith.constant 1 : i32
        %jit3A_120 = arith.constant 0 : i32
        %broadcast_in_dim3A_121 = vector.broadcast %jit3A : i32 to vector<16xi32>
        %broadcast_in_dim3A_122 = vector.broadcast %jit3A_120 : i32 to vector<16xi32>
        %select_n3A_123 = arith.select %and3A_117, %broadcast_in_dim3A_121, %broadcast_in_dim3A_122 : vector<16xi1>, vector<16xi32>
        %add3A_124 = arith.addi %scan3A_34, %select_n3A_123 : vector<16xi32>
        %xor3A_125 = arith.constant 1 : i32
        %xor3A_126 = vector.broadcast %xor3A_125 : i32 to vector<16xi32>
        %xor3A_127 = arith.xori %iota3A, %xor3A_126 : vector<16xi32>
        %broadcast_in_dim3A_128 = vector.shape_cast %xor3A_127 : vector<16xi32> to vector<16x1xi32>
        %gather3A_129 = vector.shape_cast %broadcast_in_dim3A_128 : vector<16x1xi32> to vector<16xi32>
        %gather3A_130 = tpu.dynamic_gather %select_n3A_118[%gather3A_129] in [0] : vector<16xf32>, vector<16xi32> -> vector<16xf32>
        %max3A_131 = arith.maximumf %select_n3A_118, %gather3A_130 : vector<16xf32>
        %xor3A_132 = arith.constant 2 : i32
        %xor3A_133 = vector.broadcast %xor3A_132 : i32 to vector<16xi32>
        %xor3A_134 = arith.xori %iota3A, %xor3A_133 : vector<16xi32>
        %broadcast_in_dim3A_135 = vector.shape_cast %xor3A_134 : vector<16xi32> to vector<16x1xi32>
        %gather3A_136 = vector.shape_cast %broadcast_in_dim3A_135 : vector<16x1xi32> to vector<16xi32>
        %gather3A_137 = tpu.dynamic_gather %max3A_131[%gather3A_136] in [0] : vector<16xf32>, vector<16xi32> -> vector<16xf32>
        %max3A_138 = arith.maximumf %max3A_131, %gather3A_137 : vector<16xf32>
        %xor3A_139 = arith.constant 4 : i32
        %xor3A_140 = vector.broadcast %xor3A_139 : i32 to vector<16xi32>
        %xor3A_141 = arith.xori %iota3A, %xor3A_140 : vector<16xi32>
        %broadcast_in_dim3A_142 = vector.shape_cast %xor3A_141 : vector<16xi32> to vector<16x1xi32>
        %gather3A_143 = vector.shape_cast %broadcast_in_dim3A_142 : vector<16x1xi32> to vector<16xi32>
        %gather3A_144 = tpu.dynamic_gather %max3A_138[%gather3A_143] in [0] : vector<16xf32>, vector<16xi32> -> vector<16xf32>
        %max3A_145 = arith.maximumf %max3A_138, %gather3A_144 : vector<16xf32>
        %xor3A_146 = arith.constant 8 : i32
        %xor3A_147 = vector.broadcast %xor3A_146 : i32 to vector<16xi32>
        %xor3A_148 = arith.xori %iota3A, %xor3A_147 : vector<16xi32>
        %broadcast_in_dim3A_149 = vector.shape_cast %xor3A_148 : vector<16xi32> to vector<16x1xi32>
        %gather3A_150 = vector.shape_cast %broadcast_in_dim3A_149 : vector<16x1xi32> to vector<16xi32>
        %gather3A_151 = tpu.dynamic_gather %max3A_145[%gather3A_150] in [0] : vector<16xf32>, vector<16xi32> -> vector<16xf32>
        %max3A_152 = arith.maximumf %max3A_145, %gather3A_151 : vector<16xf32>
        %gt3A_153 = arith.constant -3.000000e+38 : f32
        %gt3A_154 = vector.broadcast %gt3A_153 : f32 to vector<16xf32>
        %gt3A_155 = arith.cmpf ogt, %max3A_152, %gt3A_154 : vector<16xf32>
        %eq3A_156 = arith.cmpf oeq, %select_n3A_118, %max3A_152 : vector<16xf32>
        %and3A_157 = arith.andi %eq3A_156, %lt3A_22 : vector<16xi1>
        %add3A_158 = arith.addi %mul3A_24, %select_n3A_119 : vector<16xi32>
        %select_n3A_159 = arith.select %and3A_157, %add3A_158, %broadcast_in_dim3A_17 : vector<16xi1>, vector<16xi32>
        %xor3A_160 = arith.constant 1 : i32
        %xor3A_161 = vector.broadcast %xor3A_160 : i32 to vector<16xi32>
        %xor3A_162 = arith.xori %iota3A, %xor3A_161 : vector<16xi32>
        %broadcast_in_dim3A_163 = vector.shape_cast %xor3A_162 : vector<16xi32> to vector<16x1xi32>
        %gather3A_164 = vector.shape_cast %broadcast_in_dim3A_163 : vector<16x1xi32> to vector<16xi32>
        %gather3A_165 = tpu.dynamic_gather %select_n3A_159[%gather3A_164] in [0] : vector<16xi32>, vector<16xi32> -> vector<16xi32>
        %min3A_166 = arith.minsi %select_n3A_159, %gather3A_165 : vector<16xi32>
        %xor3A_167 = arith.constant 2 : i32
        %xor3A_168 = vector.broadcast %xor3A_167 : i32 to vector<16xi32>
        %xor3A_169 = arith.xori %iota3A, %xor3A_168 : vector<16xi32>
        %broadcast_in_dim3A_170 = vector.shape_cast %xor3A_169 : vector<16xi32> to vector<16x1xi32>
        %gather3A_171 = vector.shape_cast %broadcast_in_dim3A_170 : vector<16x1xi32> to vector<16xi32>
        %gather3A_172 = tpu.dynamic_gather %min3A_166[%gather3A_171] in [0] : vector<16xi32>, vector<16xi32> -> vector<16xi32>
        %min3A_173 = arith.minsi %min3A_166, %gather3A_172 : vector<16xi32>
        %xor3A_174 = arith.constant 4 : i32
        %xor3A_175 = vector.broadcast %xor3A_174 : i32 to vector<16xi32>
        %xor3A_176 = arith.xori %iota3A, %xor3A_175 : vector<16xi32>
        %broadcast_in_dim3A_177 = vector.shape_cast %xor3A_176 : vector<16xi32> to vector<16x1xi32>
        %gather3A_178 = vector.shape_cast %broadcast_in_dim3A_177 : vector<16x1xi32> to vector<16xi32>
        %gather3A_179 = tpu.dynamic_gather %min3A_173[%gather3A_178] in [0] : vector<16xi32>, vector<16xi32> -> vector<16xi32>
        %min3A_180 = arith.minsi %min3A_173, %gather3A_179 : vector<16xi32>
        %xor3A_181 = arith.constant 8 : i32
        %xor3A_182 = vector.broadcast %xor3A_181 : i32 to vector<16xi32>
        %xor3A_183 = arith.xori %iota3A, %xor3A_182 : vector<16xi32>
        %broadcast_in_dim3A_184 = vector.shape_cast %xor3A_183 : vector<16xi32> to vector<16x1xi32>
        %gather3A_185 = vector.shape_cast %broadcast_in_dim3A_184 : vector<16x1xi32> to vector<16xi32>
        %gather3A_186 = tpu.dynamic_gather %min3A_180[%gather3A_185] in [0] : vector<16xi32>, vector<16xi32> -> vector<16xi32>
        %min3A_187 = arith.minsi %min3A_180, %gather3A_186 : vector<16xi32>
        %eq3A_188 = arith.cmpi eq, %select_n3A_159, %min3A_187 : vector<16xi32>
        %all_reduce_ffs3A_189 = tpu.all_reduce %eq3A_188 {dim = 0 : i64, kind = #tpu.reduction_kind<find_first_set>} : vector<16xi1> -> vector<16xi32>
        %min3A_190 = arith.constant 9 : i32
        %min3A_191 = vector.broadcast %min3A_190 : i32 to vector<16xi32>
        %min3A_192 = arith.minsi %all_reduce_ffs3A_189, %min3A_191 : vector<16xi32>
        %broadcast_in_dim3A_193 = vector.shape_cast %min3A_192 : vector<16xi32> to vector<16x1xi32>
        %gather3A_194 = vector.shape_cast %broadcast_in_dim3A_193 : vector<16x1xi32> to vector<16xi32>
        %gather3A_195 = tpu.dynamic_gather %select_n3A_119[%gather3A_194] in [0] : vector<16xi32>, vector<16xi32> -> vector<16xi32>
        %broadcast_in_dim3A_196 = vector.shape_cast %min3A_192 : vector<16xi32> to vector<16x1xi32>
        %gather3A_197 = vector.shape_cast %broadcast_in_dim3A_196 : vector<16x1xi32> to vector<16xi32>
        %gather3A_198 = tpu.dynamic_gather %add3A_124[%gather3A_197] in [0] : vector<16xi32>, vector<16xi32> -> vector<16xi32>
        %min3A_199 = arith.constant 127 : i32
        %min3A_200 = vector.broadcast %min3A_199 : i32 to vector<16xi32>
        %min3A_201 = arith.minsi %gather3A_198, %min3A_200 : vector<16xi32>
        %and3A_202 = arith.andi %eq3A_188, %gt3A_155 : vector<16xi1>
        %and3A_203 = arith.andi %and3A_202, %lt3A_22 : vector<16xi1>
        %jit3A_204 = arith.constant 1 : i32
        %jit3A_205 = arith.constant 0 : i32
        %broadcast_in_dim3A_206 = vector.broadcast %jit3A_204 : i32 to vector<16xi32>
        %broadcast_in_dim3A_207 = vector.broadcast %jit3A_205 : i32 to vector<16xi32>
        %select_n3A_208 = arith.select %and3A_203, %broadcast_in_dim3A_206, %broadcast_in_dim3A_207 : vector<16xi1>, vector<16xi32>
        %add3A_209 = arith.addi %add3A_124, %select_n3A_208 : vector<16xi32>
        %shift_right_arithmetic3A = arith.constant 5 : i32
        %shift_right_arithmetic3A_210 = vector.broadcast %shift_right_arithmetic3A : i32 to vector<16xi32>
        %shift_right_arithmetic3A_211 = arith.shrsi %gather3A_109, %shift_right_arithmetic3A_210 : vector<16xi32>
        %gather3A_212 = tpu.vector_load_idx %arg30[%shift_right_arithmetic3A_211] : memref<176xi32, #tpu.memory_space<vmem>>[vector<16xi32>], vector<16xi32>,
        %and3A_213 = arith.constant 31 : i32
        %and3A_214 = vector.broadcast %and3A_213 : i32 to vector<16xi32>
        %and3A_215 = arith.andi %gather3A_109, %and3A_214 : vector<16xi32>
        %shift_left3A = arith.shli %broadcast_in_dim3A_19, %and3A_215 : vector<16xi32>
        %and3A_216 = arith.andi %gather3A_212, %shift_left3A : vector<16xi32>
        %ne3A = arith.constant 0 : i32
        %ne3A_217 = vector.broadcast %ne3A : i32 to vector<16xi32>
        %ne3A_218 = arith.cmpi ne, %and3A_216, %ne3A_217 : vector<16xi32>
        %shift_right_arithmetic3A_219 = arith.constant 5 : i32
        %shift_right_arithmetic3A_220 = vector.broadcast %shift_right_arithmetic3A_219 : i32 to vector<16xi32>
        %shift_right_arithmetic3A_221 = arith.shrsi %gather3A_109, %shift_right_arithmetic3A_220 : vector<16xi32>
        %or3A = arith.ori %gather3A_212, %shift_left3A : vector<16xi32>
        %eq3A_222 = arith.constant 0 : i32
        %eq3A_223 = vector.broadcast %eq3A_222 : i32 to vector<16xi32>
        %eq3A_224 = arith.cmpi eq, %iota3A, %eq3A_223 : vector<16xi32>
        %and3A_225 = arith.andi %eq3A_224, %gt3A_72 : vector<16xi1>
        tpu.vector_store_idx %arg30[%shift_right_arithmetic3A_221], %or3A masked %and3A_225 : memref<176xi32, #tpu.memory_space<vmem>>[vector<16xi32>], vector<16xi32>, vector<16xi1>
        %not3A = arith.constant dense<true> : vector<16xi1>
        %not3A_226 = arith.xori %ne3A_218, %not3A : vector<16xi1>
        %and3A_227 = arith.andi %gt3A_72, %not3A_226 : vector<16xi1>
        %eq3A_228 = arith.constant 0 : i32
        %eq3A_229 = vector.broadcast %eq3A_228 : i32 to vector<16xi32>
        %eq3A_230 = arith.cmpi eq, %iota3A, %eq3A_229 : vector<16xi32>
        %and3A_231 = arith.andi %eq3A_230, %and3A_227 : vector<16xi1>
        %gather3A_232 = tpu.vector_load_idx %arg26[%min3A_106, %min3A_115] : memref<10x128xf32, #tpu.memory_space<vmem>>[vector<16xi32>, vector<16xi32>], vector<16xf32>,
        tpu.vector_store_idx %arg31[%scan3A_35], %gather3A_232 masked %and3A_231 : memref<112xf32, #tpu.memory_space<vmem>>[vector<16xi32>], vector<16xf32>, vector<16xi1>
        %gather3A_233 = tpu.vector_load_idx %arg27[%min3A_106, %min3A_115] : memref<10x128xf32, #tpu.memory_space<vmem>>[vector<16xi32>, vector<16xi32>], vector<16xf32>,
        tpu.vector_store_idx %arg32[%scan3A_35], %gather3A_233 masked %and3A_231 : memref<112xf32, #tpu.memory_space<vmem>>[vector<16xi32>], vector<16xf32>, vector<16xi1>
        %gather3A_234 = tpu.vector_load_idx %arg28[%min3A_106, %min3A_115] : memref<10x128xf32, #tpu.memory_space<vmem>>[vector<16xi32>, vector<16xi32>], vector<16xf32>,
        tpu.vector_store_idx %arg33[%scan3A_35], %gather3A_234 masked %and3A_231 : memref<112xf32, #tpu.memory_space<vmem>>[vector<16xi32>], vector<16xf32>, vector<16xi1>
        %gather3A_235 = tpu.vector_load_idx %arg29[%min3A_106, %min3A_115] : memref<10x128xf32, #tpu.memory_space<vmem>>[vector<16xi32>, vector<16xi32>], vector<16xf32>,
        tpu.vector_store_idx %arg34[%scan3A_35], %gather3A_235 masked %and3A_231 : memref<112xf32, #tpu.memory_space<vmem>>[vector<16xi32>], vector<16xf32>, vector<16xi1>
        tpu.vector_store_idx %arg35[%scan3A_35], %max3A_70 masked %and3A_231 : memref<112xf32, #tpu.memory_space<vmem>>[vector<16xi32>], vector<16xf32>, vector<16xi1>
        tpu.vector_store_idx %arg36[%scan3A_35], %min3A_106 masked %and3A_231 : memref<112xi32, #tpu.memory_space<vmem>>[vector<16xi32>], vector<16xi32>, vector<16xi1>
        %jit3A_236 = arith.constant 1 : i32
        %jit3A_237 = arith.constant 0 : i32
        %broadcast_in_dim3A_238 = vector.broadcast %jit3A_236 : i32 to vector<16xi32>
        %broadcast_in_dim3A_239 = vector.broadcast %jit3A_237 : i32 to vector<16xi32>
        %select_n3A_240 = arith.select %and3A_227, %broadcast_in_dim3A_238, %broadcast_in_dim3A_239 : vector<16xi1>, vector<16xi32>
        %add3A_241 = arith.addi %scan3A_35, %select_n3A_240 : vector<16xi32>
        %shift_right_arithmetic3A_242 = arith.constant 5 : i32
        %shift_right_arithmetic3A_243 = vector.broadcast %shift_right_arithmetic3A_242 : i32 to vector<16xi32>
        %shift_right_arithmetic3A_244 = arith.shrsi %gather3A_195, %shift_right_arithmetic3A_243 : vector<16xi32>
        %gather3A_245 = tpu.vector_load_idx %arg30[%shift_right_arithmetic3A_244] : memref<176xi32, #tpu.memory_space<vmem>>[vector<16xi32>], vector<16xi32>,
        %and3A_246 = arith.constant 31 : i32
        %and3A_247 = vector.broadcast %and3A_246 : i32 to vector<16xi32>
        %and3A_248 = arith.andi %gather3A_195, %and3A_247 : vector<16xi32>
        %shift_left3A_249 = arith.shli %broadcast_in_dim3A_19, %and3A_248 : vector<16xi32>
        %and3A_250 = arith.andi %gather3A_245, %shift_left3A_249 : vector<16xi32>
        %ne3A_251 = arith.constant 0 : i32
        %ne3A_252 = vector.broadcast %ne3A_251 : i32 to vector<16xi32>
        %ne3A_253 = arith.cmpi ne, %and3A_250, %ne3A_252 : vector<16xi32>
        %shift_right_arithmetic3A_254 = arith.constant 5 : i32
        %shift_right_arithmetic3A_255 = vector.broadcast %shift_right_arithmetic3A_254 : i32 to vector<16xi32>
        %shift_right_arithmetic3A_256 = arith.shrsi %gather3A_195, %shift_right_arithmetic3A_255 : vector<16xi32>
        %or3A_257 = arith.ori %gather3A_245, %shift_left3A_249 : vector<16xi32>
        %eq3A_258 = arith.constant 0 : i32
        %eq3A_259 = vector.broadcast %eq3A_258 : i32 to vector<16xi32>
        %eq3A_260 = arith.cmpi eq, %iota3A, %eq3A_259 : vector<16xi32>
        %and3A_261 = arith.andi %eq3A_260, %gt3A_155 : vector<16xi1>
        tpu.vector_store_idx %arg30[%shift_right_arithmetic3A_256], %or3A_257 masked %and3A_261 : memref<176xi32, #tpu.memory_space<vmem>>[vector<16xi32>], vector<16xi32>, vector<16xi1>
        %not3A_262 = arith.constant dense<true> : vector<16xi1>
        %not3A_263 = arith.xori %ne3A_253, %not3A_262 : vector<16xi1>
        %and3A_264 = arith.andi %gt3A_155, %not3A_263 : vector<16xi1>
        %eq3A_265 = arith.constant 0 : i32
        %eq3A_266 = vector.broadcast %eq3A_265 : i32 to vector<16xi32>
        %eq3A_267 = arith.cmpi eq, %iota3A, %eq3A_266 : vector<16xi32>
        %and3A_268 = arith.andi %eq3A_267, %and3A_264 : vector<16xi1>
        %gather3A_269 = tpu.vector_load_idx %arg26[%min3A_192, %min3A_201] : memref<10x128xf32, #tpu.memory_space<vmem>>[vector<16xi32>, vector<16xi32>], vector<16xf32>,
        tpu.vector_store_idx %arg31[%add3A_241], %gather3A_269 masked %and3A_268 : memref<112xf32, #tpu.memory_space<vmem>>[vector<16xi32>], vector<16xf32>, vector<16xi1>
        %gather3A_270 = tpu.vector_load_idx %arg27[%min3A_192, %min3A_201] : memref<10x128xf32, #tpu.memory_space<vmem>>[vector<16xi32>, vector<16xi32>], vector<16xf32>,
        tpu.vector_store_idx %arg32[%add3A_241], %gather3A_270 masked %and3A_268 : memref<112xf32, #tpu.memory_space<vmem>>[vector<16xi32>], vector<16xf32>, vector<16xi1>
        %gather3A_271 = tpu.vector_load_idx %arg28[%min3A_192, %min3A_201] : memref<10x128xf32, #tpu.memory_space<vmem>>[vector<16xi32>, vector<16xi32>], vector<16xf32>,
        tpu.vector_store_idx %arg33[%add3A_241], %gather3A_271 masked %and3A_268 : memref<112xf32, #tpu.memory_space<vmem>>[vector<16xi32>], vector<16xf32>, vector<16xi1>
        %gather3A_272 = tpu.vector_load_idx %arg29[%min3A_192, %min3A_201] : memref<10x128xf32, #tpu.memory_space<vmem>>[vector<16xi32>, vector<16xi32>], vector<16xf32>,
        tpu.vector_store_idx %arg34[%add3A_241], %gather3A_272 masked %and3A_268 : memref<112xf32, #tpu.memory_space<vmem>>[vector<16xi32>], vector<16xf32>, vector<16xi1>
        tpu.vector_store_idx %arg35[%add3A_241], %max3A_152 masked %and3A_268 : memref<112xf32, #tpu.memory_space<vmem>>[vector<16xi32>], vector<16xf32>, vector<16xi1>
        tpu.vector_store_idx %arg36[%add3A_241], %min3A_192 masked %and3A_268 : memref<112xi32, #tpu.memory_space<vmem>>[vector<16xi32>], vector<16xi32>, vector<16xi1>
        %jit3A_273 = arith.constant 1 : i32
        %jit3A_274 = arith.constant 0 : i32
        %broadcast_in_dim3A_275 = vector.broadcast %jit3A_273 : i32 to vector<16xi32>
        %broadcast_in_dim3A_276 = vector.broadcast %jit3A_274 : i32 to vector<16xi32>
        %select_n3A_277 = arith.select %and3A_264, %broadcast_in_dim3A_275, %broadcast_in_dim3A_276 : vector<16xi1>, vector<16xi32>
        %add3A_278 = arith.addi %add3A_241, %select_n3A_277 : vector<16xi32>
        scf.yield %add3A_209, %add3A_278 : vector<16xi32>, vector<16xi32>
      }
      %scan3A_29 = arith.constant 50 : i32
      %run_scoped3A = arith.constant 0 : i32
      "tpu.region"() ({
        %run_scoped3A_33 = tpu.sem_alloc : memref<!tpu.dma_semaphore, #tpu.memory_space<semaphore_mem>>
        %dma_start3A = arith.constant 0 : i32
        %dma_start3A_34 = tpu.memref_slice %arg4[%run_scoped3A, %arg0, %dma_start3A] : memref<4x2x112xf32, #tpu.memory_space<hbm>> -> memref<1x1x112xf32, #tpu.memory_space<hbm>>
        %dma_start3A_35 = tpu.memref_squeeze %dma_start3A_34 : memref<1x1x112xf32, #tpu.memory_space<hbm>> -> memref<112xf32, #tpu.memory_space<hbm>>
        %dma_start3A_36 = arith.constant 0 : i32
        %dma_start3A_37 = tpu.memref_slice %arg4[%run_scoped3A, %arg0, %dma_start3A_36] : memref<4x2x112xf32, #tpu.memory_space<hbm>> -> memref<1x1x112xf32, #tpu.memory_space<hbm>>
        %dma_start3A_38 = tpu.memref_squeeze %dma_start3A_37 : memref<1x1x112xf32, #tpu.memory_space<hbm>> -> memref<112xf32, #tpu.memory_space<hbm>>
        tpu.enqueue_dma source(%arg31 : memref<112xf32, #tpu.memory_space<vmem>>) target(%dma_start3A_38 : memref<112xf32, #tpu.memory_space<hbm>>) target_semaphore(%run_scoped3A_33 : memref<!tpu.dma_semaphore, #tpu.memory_space<semaphore_mem>>)
        %dma_wait3A = arith.constant 0 : i32
        %dma_wait3A_39 = tpu.memref_slice %arg4[%run_scoped3A, %arg0, %dma_wait3A] : memref<4x2x112xf32, #tpu.memory_space<hbm>> -> memref<1x1x112xf32, #tpu.memory_space<hbm>>
        %dma_wait3A_40 = tpu.memref_squeeze %dma_wait3A_39 : memref<1x1x112xf32, #tpu.memory_space<hbm>> -> memref<112xf32, #tpu.memory_space<hbm>>
        %dma_wait3A_41 = arith.constant 0 : i32
        %dma_wait3A_42 = tpu.memref_slice %arg4[%run_scoped3A, %arg0, %dma_wait3A_41] : memref<4x2x112xf32, #tpu.memory_space<hbm>> -> memref<1x1x112xf32, #tpu.memory_space<hbm>>
        %dma_wait3A_43 = tpu.memref_squeeze %dma_wait3A_42 : memref<1x1x112xf32, #tpu.memory_space<hbm>> -> memref<112xf32, #tpu.memory_space<hbm>>
        tpu.wait_dma2 semaphore(%run_scoped3A_33 : memref<!tpu.dma_semaphore, #tpu.memory_space<semaphore_mem>>) src(%arg31 : memref<112xf32, #tpu.memory_space<vmem>>) dst(%dma_wait3A_43 : memref<112xf32, #tpu.memory_space<hbm>>)
        tpu.yield
      }) : () -> ()
      %run_scoped3A_30 = arith.constant 1 : i32
      "tpu.region"() ({
        %run_scoped3A_33 = tpu.sem_alloc : memref<!tpu.dma_semaphore, #tpu.memory_space<semaphore_mem>>
        %dma_start3A = arith.constant 0 : i32
        %dma_start3A_34 = tpu.memref_slice %arg4[%run_scoped3A_30, %arg0, %dma_start3A] : memref<4x2x112xf32, #tpu.memory_space<hbm>> -> memref<1x1x112xf32, #tpu.memory_space<hbm>>
        %dma_start3A_35 = tpu.memref_squeeze %dma_start3A_34 : memref<1x1x112xf32, #tpu.memory_space<hbm>> -> memref<112xf32, #tpu.memory_space<hbm>>
        %dma_start3A_36 = arith.constant 0 : i32
        %dma_start3A_37 = tpu.memref_slice %arg4[%run_scoped3A_30, %arg0, %dma_start3A_36] : memref<4x2x112xf32, #tpu.memory_space<hbm>> -> memref<1x1x112xf32, #tpu.memory_space<hbm>>
        %dma_start3A_38 = tpu.memref_squeeze %dma_start3A_37 : memref<1x1x112xf32, #tpu.memory_space<hbm>> -> memref<112xf32, #tpu.memory_space<hbm>>
        tpu.enqueue_dma source(%arg32 : memref<112xf32, #tpu.memory_space<vmem>>) target(%dma_start3A_38 : memref<112xf32, #tpu.memory_space<hbm>>) target_semaphore(%run_scoped3A_33 : memref<!tpu.dma_semaphore, #tpu.memory_space<semaphore_mem>>)
        %dma_wait3A = arith.constant 0 : i32
        %dma_wait3A_39 = tpu.memref_slice %arg4[%run_scoped3A_30, %arg0, %dma_wait3A] : memref<4x2x112xf32, #tpu.memory_space<hbm>> -> memref<1x1x112xf32, #tpu.memory_space<hbm>>
        %dma_wait3A_40 = tpu.memref_squeeze %dma_wait3A_39 : memref<1x1x112xf32, #tpu.memory_space<hbm>> -> memref<112xf32, #tpu.memory_space<hbm>>
        %dma_wait3A_41 = arith.constant 0 : i32
        %dma_wait3A_42 = tpu.memref_slice %arg4[%run_scoped3A_30, %arg0, %dma_wait3A_41] : memref<4x2x112xf32, #tpu.memory_space<hbm>> -> memref<1x1x112xf32, #tpu.memory_space<hbm>>
        %dma_wait3A_43 = tpu.memref_squeeze %dma_wait3A_42 : memref<1x1x112xf32, #tpu.memory_space<hbm>> -> memref<112xf32, #tpu.memory_space<hbm>>
        tpu.wait_dma2 semaphore(%run_scoped3A_33 : memref<!tpu.dma_semaphore, #tpu.memory_space<semaphore_mem>>) src(%arg32 : memref<112xf32, #tpu.memory_space<vmem>>) dst(%dma_wait3A_43 : memref<112xf32, #tpu.memory_space<hbm>>)
        tpu.yield
      }) : () -> ()
      %run_scoped3A_31 = arith.constant 2 : i32
      "tpu.region"() ({
        %run_scoped3A_33 = tpu.sem_alloc : memref<!tpu.dma_semaphore, #tpu.memory_space<semaphore_mem>>
        %dma_start3A = arith.constant 0 : i32
        %dma_start3A_34 = tpu.memref_slice %arg4[%run_scoped3A_31, %arg0, %dma_start3A] : memref<4x2x112xf32, #tpu.memory_space<hbm>> -> memref<1x1x112xf32, #tpu.memory_space<hbm>>
        %dma_start3A_35 = tpu.memref_squeeze %dma_start3A_34 : memref<1x1x112xf32, #tpu.memory_space<hbm>> -> memref<112xf32, #tpu.memory_space<hbm>>
        %dma_start3A_36 = arith.constant 0 : i32
        %dma_start3A_37 = tpu.memref_slice %arg4[%run_scoped3A_31, %arg0, %dma_start3A_36] : memref<4x2x112xf32, #tpu.memory_space<hbm>> -> memref<1x1x112xf32, #tpu.memory_space<hbm>>
        %dma_start3A_38 = tpu.memref_squeeze %dma_start3A_37 : memref<1x1x112xf32, #tpu.memory_space<hbm>> -> memref<112xf32, #tpu.memory_space<hbm>>
        tpu.enqueue_dma source(%arg33 : memref<112xf32, #tpu.memory_space<vmem>>) target(%dma_start3A_38 : memref<112xf32, #tpu.memory_space<hbm>>) target_semaphore(%run_scoped3A_33 : memref<!tpu.dma_semaphore, #tpu.memory_space<semaphore_mem>>)
        %dma_wait3A = arith.constant 0 : i32
        %dma_wait3A_39 = tpu.memref_slice %arg4[%run_scoped3A_31, %arg0, %dma_wait3A] : memref<4x2x112xf32, #tpu.memory_space<hbm>> -> memref<1x1x112xf32, #tpu.memory_space<hbm>>
        %dma_wait3A_40 = tpu.memref_squeeze %dma_wait3A_39 : memref<1x1x112xf32, #tpu.memory_space<hbm>> -> memref<112xf32, #tpu.memory_space<hbm>>
        %dma_wait3A_41 = arith.constant 0 : i32
        %dma_wait3A_42 = tpu.memref_slice %arg4[%run_scoped3A_31, %arg0, %dma_wait3A_41] : memref<4x2x112xf32, #tpu.memory_space<hbm>> -> memref<1x1x112xf32, #tpu.memory_space<hbm>>
        %dma_wait3A_43 = tpu.memref_squeeze %dma_wait3A_42 : memref<1x1x112xf32, #tpu.memory_space<hbm>> -> memref<112xf32, #tpu.memory_space<hbm>>
        tpu.wait_dma2 semaphore(%run_scoped3A_33 : memref<!tpu.dma_semaphore, #tpu.memory_space<semaphore_mem>>) src(%arg33 : memref<112xf32, #tpu.memory_space<vmem>>) dst(%dma_wait3A_43 : memref<112xf32, #tpu.memory_space<hbm>>)
        tpu.yield
      }) : () -> ()
      %run_scoped3A_32 = arith.constant 3 : i32
      "tpu.region"() ({
        %run_scoped3A_33 = tpu.sem_alloc : memref<!tpu.dma_semaphore, #tpu.memory_space<semaphore_mem>>
        %dma_start3A = arith.constant 0 : i32
        %dma_start3A_34 = tpu.memref_slice %arg4[%run_scoped3A_32, %arg0, %dma_start3A] : memref<4x2x112xf32, #tpu.memory_space<hbm>> -> memref<1x1x112xf32, #tpu.memory_space<hbm>>
        %dma_start3A_35 = tpu.memref_squeeze %dma_start3A_34 : memref<1x1x112xf32, #tpu.memory_space<hbm>> -> memref<112xf32, #tpu.memory_space<hbm>>
        %dma_start3A_36 = arith.constant 0 : i32
        %dma_start3A_37 = tpu.memref_slice %arg4[%run_scoped3A_32, %arg0, %dma_start3A_36] : memref<4x2x112xf32, #tpu.memory_space<hbm>> -> memref<1x1x112xf32, #tpu.memory_space<hbm>>
        %dma_start3A_38 = tpu.memref_squeeze %dma_start3A_37 : memref<1x1x112xf32, #tpu.memory_space<hbm>> -> memref<112xf32, #tpu.memory_space<hbm>>
        tpu.enqueue_dma source(%arg34 : memref<112xf32, #tpu.memory_space<vmem>>) target(%dma_start3A_38 : memref<112xf32, #tpu.memory_space<hbm>>) target_semaphore(%run_scoped3A_33 : memref<!tpu.dma_semaphore, #tpu.memory_space<semaphore_mem>>)
        %dma_wait3A = arith.constant 0 : i32
        %dma_wait3A_39 = tpu.memref_slice %arg4[%run_scoped3A_32, %arg0, %dma_wait3A] : memref<4x2x112xf32, #tpu.memory_space<hbm>> -> memref<1x1x112xf32, #tpu.memory_space<hbm>>
        %dma_wait3A_40 = tpu.memref_squeeze %dma_wait3A_39 : memref<1x1x112xf32, #tpu.memory_space<hbm>> -> memref<112xf32, #tpu.memory_space<hbm>>
        %dma_wait3A_41 = arith.constant 0 : i32
        %dma_wait3A_42 = tpu.memref_slice %arg4[%run_scoped3A_32, %arg0, %dma_wait3A_41] : memref<4x2x112xf32, #tpu.memory_space<hbm>> -> memref<1x1x112xf32, #tpu.memory_space<hbm>>
        %dma_wait3A_43 = tpu.memref_squeeze %dma_wait3A_42 : memref<1x1x112xf32, #tpu.memory_space<hbm>> -> memref<112xf32, #tpu.memory_space<hbm>>
        tpu.wait_dma2 semaphore(%run_scoped3A_33 : memref<!tpu.dma_semaphore, #tpu.memory_space<semaphore_mem>>) src(%arg34 : memref<112xf32, #tpu.memory_space<vmem>>) dst(%dma_wait3A_43 : memref<112xf32, #tpu.memory_space<hbm>>)
        tpu.yield
      }) : () -> ()
      "tpu.region"() ({
        %run_scoped3A_33 = tpu.sem_alloc : memref<!tpu.dma_semaphore, #tpu.memory_space<semaphore_mem>>
        %dma_start3A = arith.constant 0 : i32
        %dma_start3A_34 = tpu.memref_slice %arg5[%arg0, %dma_start3A] : memref<2x112xf32, #tpu.memory_space<hbm>> -> memref<1x112xf32, #tpu.memory_space<hbm>>
        %dma_start3A_35 = tpu.memref_squeeze %dma_start3A_34 : memref<1x112xf32, #tpu.memory_space<hbm>> -> memref<112xf32, #tpu.memory_space<hbm>>
        %dma_start3A_36 = arith.constant 0 : i32
        %dma_start3A_37 = tpu.memref_slice %arg5[%arg0, %dma_start3A_36] : memref<2x112xf32, #tpu.memory_space<hbm>> -> memref<1x112xf32, #tpu.memory_space<hbm>>
        %dma_start3A_38 = tpu.memref_squeeze %dma_start3A_37 : memref<1x112xf32, #tpu.memory_space<hbm>> -> memref<112xf32, #tpu.memory_space<hbm>>
        tpu.enqueue_dma source(%arg35 : memref<112xf32, #tpu.memory_space<vmem>>) target(%dma_start3A_38 : memref<112xf32, #tpu.memory_space<hbm>>) target_semaphore(%run_scoped3A_33 : memref<!tpu.dma_semaphore, #tpu.memory_space<semaphore_mem>>)
        %dma_wait3A = arith.constant 0 : i32
        %dma_wait3A_39 = tpu.memref_slice %arg5[%arg0, %dma_wait3A] : memref<2x112xf32, #tpu.memory_space<hbm>> -> memref<1x112xf32, #tpu.memory_space<hbm>>
        %dma_wait3A_40 = tpu.memref_squeeze %dma_wait3A_39 : memref<1x112xf32, #tpu.memory_space<hbm>> -> memref<112xf32, #tpu.memory_space<hbm>>
        %dma_wait3A_41 = arith.constant 0 : i32
        %dma_wait3A_42 = tpu.memref_slice %arg5[%arg0, %dma_wait3A_41] : memref<2x112xf32, #tpu.memory_space<hbm>> -> memref<1x112xf32, #tpu.memory_space<hbm>>
        %dma_wait3A_43 = tpu.memref_squeeze %dma_wait3A_42 : memref<1x112xf32, #tpu.memory_space<hbm>> -> memref<112xf32, #tpu.memory_space<hbm>>
        tpu.wait_dma2 semaphore(%run_scoped3A_33 : memref<!tpu.dma_semaphore, #tpu.memory_space<semaphore_mem>>) src(%arg35 : memref<112xf32, #tpu.memory_space<vmem>>) dst(%dma_wait3A_43 : memref<112xf32, #tpu.memory_space<hbm>>)
        tpu.yield
      }) : () -> ()
      "tpu.region"() ({
        %run_scoped3A_33 = tpu.sem_alloc : memref<!tpu.dma_semaphore, #tpu.memory_space<semaphore_mem>>
        %dma_start3A = arith.constant 0 : i32
        %dma_start3A_34 = tpu.memref_slice %arg6[%arg0, %dma_start3A] : memref<2x112xi32, #tpu.memory_space<hbm>> -> memref<1x112xi32, #tpu.memory_space<hbm>>
        %dma_start3A_35 = tpu.memref_squeeze %dma_start3A_34 : memref<1x112xi32, #tpu.memory_space<hbm>> -> memref<112xi32, #tpu.memory_space<hbm>>
        %dma_start3A_36 = arith.constant 0 : i32
        %dma_start3A_37 = tpu.memref_slice %arg6[%arg0, %dma_start3A_36] : memref<2x112xi32, #tpu.memory_space<hbm>> -> memref<1x112xi32, #tpu.memory_space<hbm>>
        %dma_start3A_38 = tpu.memref_squeeze %dma_start3A_37 : memref<1x112xi32, #tpu.memory_space<hbm>> -> memref<112xi32, #tpu.memory_space<hbm>>
        tpu.enqueue_dma source(%arg36 : memref<112xi32, #tpu.memory_space<vmem>>) target(%dma_start3A_38 : memref<112xi32, #tpu.memory_space<hbm>>) target_semaphore(%run_scoped3A_33 : memref<!tpu.dma_semaphore, #tpu.memory_space<semaphore_mem>>)
        %dma_wait3A = arith.constant 0 : i32
        %dma_wait3A_39 = tpu.memref_slice %arg6[%arg0, %dma_wait3A] : memref<2x112xi32, #tpu.memory_space<hbm>> -> memref<1x112xi32, #tpu.memory_space<hbm>>
        %dma_wait3A_40 = tpu.memref_squeeze %dma_wait3A_39 : memref<1x112xi32, #tpu.memory_space<hbm>> -> memref<112xi32, #tpu.memory_space<hbm>>
        %dma_wait3A_41 = arith.constant 0 : i32
        %dma_wait3A_42 = tpu.memref_slice %arg6[%arg0, %dma_wait3A_41] : memref<2x112xi32, #tpu.memory_space<hbm>> -> memref<1x112xi32, #tpu.memory_space<hbm>>
        %dma_wait3A_43 = tpu.memref_squeeze %dma_wait3A_42 : memref<1x112xi32, #tpu.memory_space<hbm>> -> memref<112xi32, #tpu.memory_space<hbm>>
        tpu.wait_dma2 semaphore(%run_scoped3A_33 : memref<!tpu.dma_semaphore, #tpu.memory_space<semaphore_mem>>) src(%arg36 : memref<112xi32, #tpu.memory_space<vmem>>) dst(%dma_wait3A_43 : memref<112xi32, #tpu.memory_space<hbm>>)
        tpu.yield
      }) : () -> ()
    } else {
    }
    return
  }
}

</mosaic_0001>

<sc_bundles>
// kernel: kernel.3.cloned.1.call-start
scs
__scs_entry_jumppad:
0x0: {  	(pc) =	sbr.rel $0x88, $3  }
0x1: {  	(tag) =	ssettag $0x0;
	lr =	simm.s32 $0x1  }
0x2: {  	[smem:$0x3F9F] =	sst lr;
	_ =	strace $0xD0000000  }
0x3: {  	_ = 	snop  }
0x4: {  	_ = 	snop  }
0x5: {  	_ = 	snop  }
0x6: {  	_ = 	snop  }
0x7: {  	_ = 	snop  }
__scs_overlays_trampoline_lowered:
0x8: {  	[smem:$0x3FAE] =	sst s0  }
0x9: {  	[smem:$0x3FAF] =	sst s1  }
0xa: {  	[smem:$0x3FB0] =	sst s2  }
0xb: {  	[smem:$0x3FB1] =	sst s3  }
0xc: {  	[smem:$0x3FB2] =	sst s4  }
0xd: {  	[smem:$0x3FB3] =	sst s5  }
0xe: {  	[smem:$0x3FB4] =	sst s6  }
0xf: {  	[smem:$0x3FB5] =	sst s7  }
0x10: {  	[smem:$0x3FB6] =	sst s8  }
0x11: {  	[smem:$0x3FB7] =	sst s9;
	s0 =	simm.s32 @!p0 $0x0  }
0x12: {  	s1 =	sld [smem:$0x3F9D];
	s0 =	simm.s32 @p0 $0x1  }
0x13: {  	[smem:$0x3FB8] =	sst s0;
	s0 =	simm.s32 @!p1 $0x0  }
0x14: {  	s2 =	sld [smem:$0x3F9C];
	s0 =	simm.s32 @p1 $0x1  }
0x15: {  	[smem:$0x3FB9] =	sst s0;
	s0 =	simm.s32 @!p2 $0x0  }
0x16: {  	s3 =	sld [smem:$0x3FDB];
	s0 =	simm.s32 @p2 $0x1  }
0x17: {  	s4 =	simm.s32 $0x1BF5;
	[smem:$0x3FBB] =	sst s0  }
0x18: {  	s0 =	sld [smem:$0x3F9E];
	_ =	swait.ge [sflag:s4], $0x0  }
0x19: {  	s7 =	sld [smem:$0x3F9F]  }
0x1a: {  	s8 =	sadd.s32 $0xFFFFE003, lr  }
0x1b: {  	s9 =	sadd.s32 $0xFFFFFEF7, lr;
	s5 =	simm.s32 $0xFFFFFFFF;
	p2 =	slt.u32 s8, $0xFFFFF086  }
0x1c: {  	p1 =	slt.u32 s9, $0xF7A;
	s5 =	simm.s32 @!p2 $0x0  }
0x1d: {  	s5 =	simm.s32 @p1 $0x1;
	p0 =	seq.s32 s7, s2  }
0x1e: {  	s7 =	smul.u32 @!p0 $0xF7A, s2;
	p2 =	seq.s32 @!p0 s5, $0x0  }
0x1f: {  	s9 =	smul.u32 $0xF7A, s1;
	s8 =	simm.s32 @!p0 $0x1BF5;
	p2 =	por !p2, p0  }
0x20: {  	[sflag:s8] =	ssyncset.s32 @!p0 $0xFFFFF086;
	s6 =	sadd.s32 @!p0 s3, s7;
	s7 =	simm.s32 @!p0 $0x108  }
0x21: {  	s3 =	sadd.s32 s3, s9;
	s6 =	sadd.s32 @!p0 $0x88, s6;
	s7 =	simm.s32 @p2 $0x1082  }
0x22: {  	[simem:s7], [sflag:s8] =	dma.local @!p0 [hbm:s6], $0xF7A  }
0x23: {  	s9 =	sor.u32 $0xD0000000, s2;
	s6 =	simm.s32 $0x108;
	_ =	swait.ge @!p0 [sflag:s8], $0x0  }
0x24: {  	s3 =	sadd.s32 $0x88, s3;
	s6 =	simm.s32 @!p1 $0x1082;
	[sflag:s4] =	ssyncset.s32 $0xFFFFF086  }
0x25: {  	[simem:s6], [sflag:s4] =	dma.local [hbm:s3], $0xF7A  }
0x26: {  	[smem:$0x3F9F] =	sst s1;
	(tag) =	ssettag s2;
	_ =	strace s9  }
0x27: {  	s1 =	sld [smem:$0x3FAF]  }
0x28: {  	s2 =	sld [smem:$0x3FB0]  }
0x29: {  	s4 =	sld [smem:$0x3FB2]  }
0x2a: {  	p0 =	seq.s32 s5, $0x0;
	s5 =	sld [smem:$0x3FB3]  }
0x2b: {  	s6 =	sld [smem:$0x3FB4]  }
0x2c: {  	s7 =	sld [smem:$0x3FB5]  }
0x2d: {  	s3 =	simm.s32 $0x108;
	s8 =	sld [smem:$0x3FB6]  }
0x2e: {  	s3 =	simm.s32 @!p0 $0x1082;
	s9 =	sld [smem:$0x3FB7]  }
0x2f: {  	lr =	sadd.s32 s0, s3;
	s0 =	sld [smem:$0x3FAE]  }
0x30: {  	s3 =	sld [smem:$0x3FB1]  }
0x31: {  	[smem:$0x3FBA] =	sst s10  }
0x32: {  	s10 =	sld [smem:$0x3FB8];
	_ =	sdelay $0x3  }
0x33: {  	p0 =	seq.s32 s10, $0x1;
	s10 =	sld [smem:$0x3FBA];
	_ =	sdelay $0x3  }
0x34: {  	[smem:$0x3FBA] =	sst s10  }
0x35: {  	s10 =	sld [smem:$0x3FB9];
	_ =	sdelay $0x3  }
0x36: {  	p1 =	seq.s32 s10, $0x1;
	s10 =	sld [smem:$0x3FBA];
	_ =	sdelay $0x3  }
0x37: {  	[smem:$0x3FBA] =	sst s10  }
0x38: {  	s10 =	sld [smem:$0x3FBB]  }
0x39: {  	_ = 	snop;
	(pc) =	sbr.ind lr, $3  }
0x3a: {  	_ = 	snop  }
0x3b: {  	_ = 	snop  }
0x3c: {  	p2 =	seq.s32 s10, $0x1;
	s10 =	sld [smem:$0x3FBA]  }
0x3d: {  	_ =	shalt  }
0x3e: {  	_ =	shalt  }
0x3f: {  	_ =	shalt  }
0x40: {  	_ =	shalt  }
0x41: {  	_ =	shalt  }
0x42: {  	_ =	shalt  }
0x43: {  	_ =	shalt  }
0x44: {  	_ =	shalt  }
0x45: {  	_ =	shalt  }
0x46: {  	_ =	shalt  }
0x47: {  	_ =	shalt  }
0x48: {  	_ =	shalt  }
0x49: {  	_ =	shalt  }
0x4a: {  	_ =	shalt  }
0x4b: {  	_ =	shalt  }
0x4c: {  	_ =	shalt  }
0x4d: {  	_ =	shalt  }
0x4e: {  	_ =	shalt  }
0x4f: {  	_ =	shalt  }
0x50: {  	_ =	shalt  }
0x51: {  	_ =	shalt  }
0x52: {  	_ =	shalt  }
0x53: {  	_ =	shalt  }
0x54: {  	_ =	shalt  }
0x55: {  	_ =	shalt  }
0x56: {  	_ =	shalt  }
0x57: {  	_ =	shalt  }
0x58: {  	_ =	shalt  }
0x59: {  	_ =	shalt  }
0x5a: {  	_ =	shalt  }
0x5b: {  	_ =	shalt  }
0x5c: {  	_ =	shalt  }
0x5d: {  	_ =	shalt  }
0x5e: {  	_ =	shalt  }
0x5f: {  	_ =	shalt  }
0x60: {  	_ =	shalt  }
0x61: {  	_ =	shalt  }
0x62: {  	_ =	shalt  }
0x63: {  	_ =	shalt  }
0x64: {  	_ =	shalt  }
0x65: {  	_ =	shalt  }
0x66: {  	_ =	shalt  }
0x67: {  	_ =	shalt  }
0x68: {  	_ =	shalt  }
0x69: {  	_ =	shalt  }
0x6a: {  	_ =	shalt  }
0x6b: {  	_ =	shalt  }
0x6c: {  	_ =	shalt  }
0x6d: {  	_ =	shalt  }
0x6e: {  	_ =	shalt  }
0x6f: {  	_ =	shalt  }
0x70: {  	_ =	shalt  }
0x71: {  	_ =	shalt  }
0x72: {  	_ =	shalt  }
0x73: {  	_ =	shalt  }
0x74: {  	_ =	shalt  }
0x75: {  	_ =	shalt  }
0x76: {  	_ =	shalt  }
0x77: {  	_ =	shalt  }
0x78: {  	_ =	shalt  }
0x79: {  	_ =	shalt  }
0x7a: {  	_ =	shalt  }
0x7b: {  	_ =	shalt  }
0x7c: {  	_ =	shalt  }
0x7d: {  	_ =	shalt  }
0x7e: {  	_ =	shalt  }
0x7f: {  	_ =	shalt  }
0x80: {  	_ =	shalt  }
0x81: {  	_ =	shalt  }
0x82: {  	_ =	shalt  }
0x83: {  	_ =	shalt  }
0x84: {  	_ =	shalt  }
0x85: {  	_ =	shalt  }
0x86: {  	_ =	shalt  }
0x87: {  	_ =	shalt  }
.Lfunc_end0:
.L_simem_size_0:
called_computation_lowered:
.L_overlay_start_0:
0x88: {  	s2 =	sld [smem:$0x3FD9]  }
0x89: {  	s3 =	sld [smem:$0x3FFE];
	_ =	sdelay $0x1  }
0x8a: {  	s1 =	srdreg.scid  }
0x8b: {  	s0 =	sand.u32 $0x1, s1  }
0x8c: {  	s14 =	sshll.u32 s0, $0xA;
	s2 =	sadd.s32 s3, s2  }
0x8d: {  	s2 =	sadd.s32 s2, s14  }
0x8e: {  	[smem:$0x3FC6] =	sst s2  }
0x8f: {  	_ = 	snop  }
0x90: {  	s2 =	sld [smem:$0x3FD0];
	_ =	sdelay $0x2  }
0x91: {  	s15 =	simm.s32 $0xA;
	s4 =	simm.s32 $0x10  }
0x92: {  	[smem:s4], [sflag:s15] =	dma.local [hbm:s2], $0x1  }
0x93: {  	_ =	swait.eq [sflag:s15], $0x1  }
0x94: {  	[sflag:s15] =	ssyncset.done $0x0  }
0x95: {  	s16 =	sld [smem:$0x11];
	[sflag:s15] =	ssyncadd.s32 $0xFFFFFFFF  }
0x96: {  	s17 =	sld [smem:$0x12];
	(tm) =	ssettm $0x1  }
0x97: {  	s18 =	sld [smem:$0x3FFB];
	_ =	sdelay $0x3  }
0x98: {  	_ =	strace s18  }
0x99: {  	s4 =	sld [smem:$0x3FFC];
	_ =	sdelay $0x3  }
0x9a: {  	_ =	strace s4  }
0x9b: {  	s4 =	sld [smem:$0x3FFD];
	_ =	sdelay $0x3  }
0x9c: {  	_ =	strace s4  }
0x9d: {  	_ =	strace $0x8FFFFFFF  }
0x9e: {  	s19 =	sld [smem:$0x3FDB];
	_ =	sdelay $0x1  }
0x9f: {  	s5 =	simm.s32 $_scs_section_size  }
0xa0: {  	s6 =	simm.s32 $_size__tile_overlayer_lowered;
	s7 =	simm.s32 $_tile_overlayer_lowered  }
0xa1: {  	s22 =	simm.s32 $0x1BFF;
	s21 =	sshll.u32 s7, $0x1;
	s4 =	sadd.s32 s5, s19  }
0xa2: {  	s8 =	simm.s32 $0x0;
	s20 =	sshll.u32 s6, $0x1;
	s6 =	sadd.s32 s21, s4  }
0xa3: {  	[timem:s8], [sflag:s22] =	dma.local [hbm:s6], s20  }
0xa4: {  	_ =	swait.ge [sflag:s22], s20  }
0xa5: {  	s5 =	ssub.s32 $0x0, s20;
	[sflag:s22] =	ssyncset.done $0x0  }
0xa6: {  	[sflag:s22] =	ssyncadd.s32 s5;
	_ =	sdelay $0x1  }
0xa7: {  	s23 =	simm.s32 $0x1B8B  }
0xa8: {  	_ =	swait.ge [sflag:s23], $0x1  }
0xa9: {  	[sflag:s23] =	ssyncset.done $0x0  }
0xaa: {  	s25 =	simm.s32 $0x1B8E;
	s24 =	sld [smem:$0x3FFE];
	[sflag:s23] =	ssyncadd.s32 $0xFFFFFFFF  }
0xab: {  	s26 =	simm.s32 $execute0_lowered;
	[smem:$0x3FD2] =	sst s25  }
0xac: {  	s6 =	sshll.u32 s26, $0x1;
	_ =	strace $0x80000046;
	[dreg:$0x1] =	wrdreg $0xFFFFFFFF  }
0xad: {  	s28 =	simm.s32 $_size_execute0_lowered;
	s4 =	sadd.s32 s4, s6;
	[dreg:$0x0] =	wrdreg $0x0  }
0xae: {  	s6 =	sshll.u32 s28, $0x1;
	[dreg:$0x2] =	wrdreg s4  }
0xaf: {  	[dreg:$0x3] =	wrdreg s6  }
0xb0: {  	[dreg:$0x4] =	wrdreg $0xC0  }
0xb1: {  	_ =	task [dreg:s8], $0x5FFFF  }
0xb2: {  	[dreg:$0x1] =	wrdreg $0xFFFFFFFF  }
0xb3: {  	[dreg:$0x0] =	wrdreg $0x60  }
0xb4: {  	[dreg:$0x2] =	wrdreg s24  }
0xb5: {  	[dreg:$0x3] =	wrdreg s16  }
0xb6: {  	[dreg:$0x4] =	wrdreg s17  }
0xb7: {  	[dreg:$0x5] =	wrdreg $0x8E000  }
0xb8: {  	[dreg:$0x6] =	wrdreg $0x8E500  }
0xb9: {  	[dreg:$0x7] =	wrdreg $0x8EA00  }
0xba: {  	[dreg:$0x8] =	wrdreg $0x8EF00  }
0xbb: {  	[dreg:$0x9] =	wrdreg $0x8F400  }
0xbc: {  	[dreg:$0xa] =	wrdreg $0x8F900  }
0xbd: {  	[dreg:$0xb] =	wrdreg $0x9  }
0xbe: {  	_ =	task.clear_ibuf [dreg:s8], $0xCFFFF;
	_ =	strace $0x90000046  }
0xbf: {  	s29 =	simm.s32 $0x9;
	_ =	strace $0x80000048  }
0xc0: {  	_ =	swait.ge [sflag:s29], $0x1  }
0xc1: {  	[sflag:s29] =	ssyncadd.s32 $0xFFFFFFFF  }
0xc2: {  	_ =	strace $0x90000048  }
0xc3: {  	_ =	sfence  }
0xc4: {  	s30 =	sld [smem:$0x0];
	_ =	sdelay $0x2  }
0xc5: {  	s31 =	sshll.u32 s1, $0xD;
	s1 =	sshrl.u32 s1, $0x2  }
0xc6: {  	s3 =	sand.u32 $0x4000, s31;
	s1 =	sadd.s32 s1, s30  }
0xc7: {  	s0 =	sor.u32 s3, s0;
	s1 =	sshll.u32 s1, $0x11  }
0xc8: {  	s0 =	sor.u32 s1, s0  }
0xc9: {  	s0 =	sadd.s32 $0x8F2B, s0  }
0xca: {  	[sflag:s0] =	ssyncadd.remote.s32 $0x1  }
0xcb: {  	_ =	sfence.sel $0xFFFF  }
0xcc: {  	[dreg:$0x0] =	wrdreg $0xFFFFFFFF;
	(pc) =	sbr.abs _section_cstart, $3  }
0xcd: {  	[dreg:$0x1] =	wrdreg $0xFFFFFFFF  }
0xce: {  	_ =	task.clear_ibuf [dreg:s8], $0x2FFFF;
	_ =	strace $0x9FFFFFFF  }
0xcf: {  	(tm) =	ssettm $0x7FFFFFFF  }
tec
execute0_lowered:
.L_overlay_start_1:
0x0: {  	(tag) =	ssettag $0x1  }
0x1: {  	s0 =	rddreg [dreg:$0x0]  }
0x2: {  	s1 =	rddreg [dreg:$0x1]  }
0x3: {  	s2 =	rddreg [dreg:$0x2]  }
0x4: {  	s8 =	rddreg [dreg:$0x3]  }
0x5: {  	s10 =	rddreg [dreg:$0x4]  }
0x6: {  	s11 =	rddreg [dreg:$0x5]  }
0x7: {  	s12 =	rddreg [dreg:$0x6]  }
0x8: {  	s3 =	srdreg.scid;
	s13 =	rddreg [dreg:$0x7]  }
0x9: {  	s9 =	stileid.u32;
	s14 =	rddreg [dreg:$0x8];
	s7 =	simm.s32 $0x0  }
0xa: {  	s29 =	simm.s32 $0x1400;
	s31 =	simm.s32 $0x6280;
	s28 =	simm.s32 $0x8B80  }
0xb: {  	s3 =	sand.u32 $0x1, s3;
	s5 =	sshrl.u32 s9, $0x3;
	s6 =	sshll.u32 s9, $0x7  }
0xc: {  	[smem:$0x7FF] =	sst s7;
	p0 =	sgt.u32 s9, $0x9;
	s4 =	smul.u32 $0x14000, s3  }
0xd: {  	p1 =	sne.s32 s9, $0xA;
	s9 =	simm.s32 $0xA7E0;
	s5 =	smul.u32 $0xA000, s5  }
0xe: {  	s30 =	sand.u32 $0x380, s6;
	_ =	strace $0x80000047;
	s7 =	ssub.s32 $0x2, s3  }
0xf: {  	s3 =	sshll.u32 s3, $0x4;
	s17 =	sadd.s32 s6, s8;
	s18 =	sadd.s32 s6, s10  }
0x10: {  	s19 =	sadd.s32 s6, s11;
	s20 =	sadd.s32 s6, s12;
	[dreg:$0xc] =	wrdreg s17  }
0x11: {  	s21 =	sadd.s32 s6, s13;
	s22 =	sadd.s32 s6, s14;
	[dreg:$0xd] =	wrdreg s18  }
0x12: {  	s10 =	simm.s32 $0xAFE0;
	s11 =	simm.s32 $0xB7E0;
	[dreg:$0xe] =	wrdreg s19  }
0x13: {  	s12 =	simm.s32 $0xBFE0;
	s13 =	simm.s32 $0xC0E0;
	[dreg:$0xf] =	wrdreg s20  }
0x14: {  	s14 =	simm.s32 $0xC160;
	s15 =	sshrl.u32 s7, $0x1;
	[dreg:$0x10] =	wrdreg s21  }
0x15: {  	v0 =	vimm.s32 $0xEFCDAB89;
	[dreg:$0x11] =	wrdreg s22;
	s26 =	sadd.s32 s1, s3;
	s20 =	simm.s32 $0x2  }
0x16: {  	v1 =	vimm.s32 $0x67452301;
	v6 =	vimm.s32 $0xDCFE98BA;
	s1 =	simm.s32 $0x8A80;
	s21 =	simm.s32 $0x8FE0;
	s4 =	sadd.s32 s4, s5  }
0x17: {  	v7 =	vimm.s32 $0xBA98FEDC;
	v8 =	vimm.s32 $0x32107654;
	s22 =	simm.s32 $0x97E0;
	s5 =	ssub.s32 s7, s15;
	s4 =	sor.u32 s30, s4  }
0x18: {  	v9 =	vimm.s32 $0xFEDCBA98;
	v10 =	vimm.s32 $0x76543210;
	vm0 =	vmmov $0x1;
	[dreg:$0x16] =	wrdreg s26;
	s30 =	sadd.s32 s2, s3;
	s4 =	sshrl.u32 s4, $0x3  }
0x19: {  	v2 =	vunpack.c.l.s4.s8 v0;
	v3 =	vunpack.c.l.s4.s8 v1;
	v0 =	vimm.s32 $0x0;
	s19 =	smax.u32 s5, $0x1;
	[dreg:$0x17] =	wrdreg s30;
	s4 =	sadd.s32 s4, s0  }
0x1a: {  	v1 =	vimm.f32 $0.0e+00;
	v6 =	vunpack.c.l.s4.s8 v6;
	v9 =	vunpack.c.l.s4.s8 v9;
	[dreg:$0x18] =	wrdreg s19;
	s0 =	sadd.s32 s3, s0;
	s4 =	sadd.s32 $0x1E00, s4  }
0x1b: {  	v7 =	vunpack.c.l.s4.s8 v7;
	v4 =	vunpack.c.0.s8.s32 v2;
	v5 =	vunpack.c.0.s8.s32 v3;
	s17 =	simm.s32 $0xC2E0;
	s16 =	sadd.s32 $0xA00, s0;
	[dreg:$0xa] =	wrdreg s4  }
0x1c: {  	v8 =	vunpack.c.l.s4.s8 v8;
	v10 =	vunpack.c.l.s4.s8 v10;
	v2 =	vimm.f32 $1.000000000e+00;
	s18 =	simm.s32 $0xC360;
	s23 =	sadd.s32 $0x6E00, s0;
	[dreg:$0xb] =	wrdreg s16  }
0x1d: {  	v3 =	vlaneseq.u32;
	s15 =	simm.s32 $0xC1E0;
	v4 =	vcombine.low v5, v4;
	v5 =	vimm.s32 $0x54761032;
	s24 =	sadd.s32 $0x6E20, s0;
	[dreg:$0x12] =	wrdreg s23  }
.Ltmp0:
0x1e: {  	v6 =	vunpack.c.0.s8.s32 v6;
	v9 =	vunpack.c.0.s8.s32 v9;
	v5 =	vunpack.c.l.s4.s8 v5;
	s25 =	sadd.s32 $0x6E40, s0;
	[dreg:$0x13] =	wrdreg s24;
	(pc) =	sbr.rel .LBB2_1-.Ltmp0, $4  }
0x1f: {  	v12 =	vunpack.c.0.s8.s32 v7;
	v8 =	vunpack.c.0.s8.s32 v8;
	v10 =	vunpack.c.0.s8.s32 v10;
	s5 =	simm.s32 $0x7680;
	s0 =	sadd.s32 $0x6E60, s0;
	[dreg:$0x14] =	wrdreg s25  }
0x20: {  	v7 =	vimm.f32 $-Inf;
	s2 =	simm.s32 $0x8C80;
	v9 =	vand.u32 $0xF, v9;
	s3 =	simm.s32 $0x8D00;
	v11 =	vunpack.c.0.s8.s32 v5;
	[dreg:$0x15] =	wrdreg s0  }
0x21: {  	v8 =	vcombine.low v8, v12;
	v9 =	vcombine.low v9, v10;
	v10 =	vand.u32 $0xF, v4;
	s25 =	simm.s32 $0x8B00;
	s0 =	simm.s32 $0x8C00;
	s4 =	simm.s32 $0x8D80  }
0x22: {  	v5 =	vimm.s32 $0xF;
	s23 =	simm.s32 $0x9FE0;
	s16 =	simm.s32 $0xC260;
	s24 =	simm.s32 $0x0;
	v6 =	vcombine.low v11, v6;
	v11 =	vimm.s32 $0x1  }
.LBB2_78:
0x23: {  	[bflag:$0x0] =	sbarrier.arrive $0xFFFF  }
.LBB2_79:
0x24: {  	s24 =	sadd.s32 $0x1, s24  }
0x25: {  	p2 =	sne.s32 s24, s19  }
.Ltmp1:
0x26: {  	_ = 	snop;
	(pc) =	sbr.rel @!p2 .LBB2_80-.Ltmp1, $1  }
0x27: {  	_ =	sdelay $0x3  }
.LBB2_1:
.Ltmp2:
0x28: {  	(pc) =	sbr.rel @p0 .LBB2_74-.Ltmp2, $1  }
0x29: {  	_ =	sdelay $0x3  }
0x2a: {  	[dreg:$0x19] =	wrdreg s24;
	s6 =	simm.s32 $0x0  }
0x2b: {  	s7 =	rddreg [dreg:$0xa];
	s8 =	simm.s32 $0x80;
	s19 =	simm.s32 $0x400  }
0x2c: {  	[tilespmem:s6], [sflag:$0x2] =	stream.strided.gather [hbm4b:s7+s8], $0x1400, s19, s8, $0x38;
	[tilespmem:$0xC3E0] =	vst v63  }
0x2d: {  	_ =	swait.ge [sflag:s20], $0x1400  }
0x2e: {  	[sflag:s20] =	ssyncset.done $0x0  }
0x2f: {  	s26 =	simm.s32 $0x100;
	s24 =	rddreg [dreg:$0xb];
	[sflag:s20] =	ssyncadd.s32 $0xFFFFEC00  }
0x30: {  	v12 =	vimm.f32 $-Inf;
	[tilespmem:s29], [sflag:$0x1] =	stream.strided.gather [hbm4b:s24+s8], $0x4E80, s26, s8, $0x38;
	[tilespmem:$0xC3E0] =	vst v63  }
0x31: {  	[tilespmem:$0x8A80] =	vst v12  }
0x32: {  	[tilespmem:$0x8B00] =	vst v0  }
0x33: {  	[tilespmem:$0x8B80] =	vst v1  }
0x34: {  	[tilespmem:$0x8C00] =	vst v1  }
0x35: {  	[tilespmem:$0x8C80] =	vst v1  }
0x36: {  	[tilespmem:$0x8D00] =	vst v1  }
0x37: {  	[tilespmem:$0x8D80] =	vst v2  }
0x38: {  	[tilespmem:$0x8A90] =	vst v12  }
0x39: {  	[tilespmem:$0x8B10] =	vst v0  }
0x3a: {  	[tilespmem:$0x8B90] =	vst v1  }
0x3b: {  	[tilespmem:$0x8C10] =	vst v1  }
0x3c: {  	[tilespmem:$0x8C90] =	vst v1  }
0x3d: {  	[tilespmem:$0x8D10] =	vst v1  }
0x3e: {  	[tilespmem:$0x8D90] =	vst v2  }
0x3f: {  	[tilespmem:$0x8AA0] =	vst v12  }
0x40: {  	[tilespmem:$0x8B20] =	vst v0  }
0x41: {  	[tilespmem:$0x8BA0] =	vst v1  }
0x42: {  	[tilespmem:$0x8C20] =	vst v1  }
0x43: {  	[tilespmem:$0x8CA0] =	vst v1  }
0x44: {  	[tilespmem:$0x8D20] =	vst v1  }
0x45: {  	[tilespmem:$0x8DA0] =	vst v2  }
0x46: {  	[tilespmem:$0x8AB0] =	vst v12  }
0x47: {  	[tilespmem:$0x8B30] =	vst v0  }
0x48: {  	[tilespmem:$0x8BB0] =	vst v1  }
0x49: {  	[tilespmem:$0x8C30] =	vst v1  }
0x4a: {  	[tilespmem:$0x8CB0] =	vst v1  }
0x4b: {  	[tilespmem:$0x8D30] =	vst v1  }
0x4c: {  	[tilespmem:$0x8DB0] =	vst v2  }
0x4d: {  	[tilespmem:$0x8AC0] =	vst v12  }
0x4e: {  	[tilespmem:$0x8B40] =	vst v0  }
0x4f: {  	[tilespmem:$0x8BC0] =	vst v1  }
0x50: {  	[tilespmem:$0x8C40] =	vst v1  }
0x51: {  	[tilespmem:$0x8CC0] =	vst v1  }
0x52: {  	[tilespmem:$0x8D40] =	vst v1  }
0x53: {  	[tilespmem:$0x8DC0] =	vst v2  }
0x54: {  	[tilespmem:$0x8AD0] =	vst v12  }
0x55: {  	[tilespmem:$0x8B50] =	vst v0  }
0x56: {  	[tilespmem:$0x8BD0] =	vst v1  }
0x57: {  	[tilespmem:$0x8C50] =	vst v1  }
0x58: {  	[tilespmem:$0x8CD0] =	vst v1  }
0x59: {  	[tilespmem:$0x8D50] =	vst v1  }
0x5a: {  	[tilespmem:$0x8DD0] =	vst v2  }
0x5b: {  	[tilespmem:$0x8AE0] =	vst v12  }
0x5c: {  	[tilespmem:$0x8B60] =	vst v0  }
0x5d: {  	[tilespmem:$0x8BE0] =	vst v1  }
0x5e: {  	[tilespmem:$0x8C60] =	vst v1  }
0x5f: {  	[tilespmem:$0x8CE0] =	vst v1  }
0x60: {  	[tilespmem:$0x8D60] =	vst v1  }
0x61: {  	[tilespmem:$0x8DE0] =	vst v2  }
0x62: {  	[tilespmem:$0x8AF0] =	vst v12  }
0x63: {  	[tilespmem:$0x8B70] =	vst v0  }
0x64: {  	[tilespmem:$0x8BF0] =	vst v1  }
0x65: {  	[tilespmem:$0x8C70] =	vst v1  }
0x66: {  	[tilespmem:$0x8CF0] =	vst v1  }
0x67: {  	[tilespmem:$0x8D70] =	vst v1  }
0x68: {  	s30 =	simm.s32 $0x0;
	[tilespmem:$0x8DF0] =	vst v2  }
0x69: {  	v13 =	vld [tilespmem:s30+$0x0]  }
0x6a: {  	v15 =	vld [tilespmem:s30+$0x10]  }
0x6b: {  	v14 =	vld [tilespmem:s30+$0x20]  }
0x6c: {  	v16 =	vld [tilespmem:s30+$0x30]  }
0x6d: {  	s6 =	simm.s32 $0x100  }
.LBB2_3:
0x6e: {  	s7 =	sshra.s32 s6, $0x2;
	v17 =	vmov v13;
	p2 =	sne.s32 s6, $0x4E00  }
.Ltmp3:
0x6f: {  	v13 =	vld [tilespmem:s7+$0x0];
	v18 =	vmov v15;
	(pc) =	sbr.rel @p2 .LBB2_3-.Ltmp3, $4  }
0x70: {  	v15 =	vld [tilespmem:s7+$0x10]  }
0x71: {  	s6 =	sadd.s32 $0x100, s6;
	v17 =	vmax.f32 v17, v18;
	v18 =	vmax.f32 v14, v16;
	v14 =	vld [tilespmem:s7+$0x20]  }
0x72: {  	v16 =	vld [tilespmem:s7+$0x30];
	v17 =	vmax.f32 v17, v18  }
0x73: {  	v12 =	vmax.f32 v12, v17  }
0x74: {  	_ =	sdelay $0x2  }
0x75: {  	v13 =	vmax.f32 v13, v15;
	v14 =	vmax.f32 v14, v16  }
0x76: {  	v13 =	vmax.f32 v13, v14  }
0x77: {  	v12 =	vmax.f32 v12, v13  }
0x78: {  	(xrf0) =	vmax.scan.msk.f32 $0xffff, v12;
	_ =	sdelay $0x5  }
0x79: {  	v12, _, _ =	vpop (xrf0)  }
0x7a: {  	(v2sf) =	vpush v12, $0xF;
	_ =	sdelay $0xe  }
0x7b: {  	s7 =	spop (v2sf)  }
0x7c: {  	p2 =	sgt.f32 s7, $5.000000070e-02  }
.Ltmp4:
0x7d: {  	_ = 	snop;
	(pc) =	sbr.rel @p2 .LBB2_5-.Ltmp4, $4  }
0x7e: {  	s6 =	simm.s32 $0x1  }
0x7f: {  	_ =	swait.ge [sflag:s6], $0x4E80  }
0x80: {  	[sflag:s6] =	ssyncset.done $0x0  }
0x81: {  	s30 =	simm.s32 $0x0;
	[sflag:s6] =	ssyncadd.s32 $0xFFFFB180  }
.LBB2_73:
0x82: {  	s6 =	rddreg [dreg:$0xc];
	s20 =	simm.s32 $0x2  }
0x83: {  	[spmem:s6] =	stream.linear.scatter [tilespmem:s1], [sflag:$0x2], $0x80, $0x38;
	[tilespmem:$0xC3E0] =	vst v63  }
0x84: {  	_ =	swait.ge [sflag:s20], $0x80  }
0x85: {  	[sflag:s20] =	ssyncset.done $0x0  }
0x86: {  	s22 =	rddreg [dreg:$0xd];
	[sflag:s20] =	ssyncadd.s32 $0xFFFFFF80  }
0x87: {  	[spmem:s22] =	stream.linear.scatter [tilespmem:s25], [sflag:$0x2], $0x80, $0x38;
	[tilespmem:$0xC3E0] =	vst v63  }
0x88: {  	_ =	swait.ge [sflag:s20], $0x80  }
0x89: {  	[sflag:s20] =	ssyncset.done $0x0  }
0x8a: {  	s23 =	rddreg [dreg:$0xe];
	[sflag:s20] =	ssyncadd.s32 $0xFFFFFF80  }
0x8b: {  	[spmem:s23] =	stream.linear.scatter [tilespmem:s28], [sflag:$0x2], $0x80, $0x38;
	[tilespmem:$0xC3E0] =	vst v63  }
0x8c: {  	_ =	swait.ge [sflag:s20], $0x80  }
0x8d: {  	[sflag:s20] =	ssyncset.done $0x0  }
0x8e: {  	s24 =	rddreg [dreg:$0xf];
	[sflag:s20] =	ssyncadd.s32 $0xFFFFFF80  }
0x8f: {  	[spmem:s24] =	stream.linear.scatter [tilespmem:s0], [sflag:$0x2], $0x80, $0x38;
	[tilespmem:$0xC3E0] =	vst v63  }
0x90: {  	_ =	swait.ge [sflag:s20], $0x80  }
0x91: {  	[sflag:s20] =	ssyncset.done $0x0  }
0x92: {  	s26 =	rddreg [dreg:$0x10];
	[sflag:s20] =	ssyncadd.s32 $0xFFFFFF80  }
0x93: {  	[spmem:s26] =	stream.linear.scatter [tilespmem:s2], [sflag:$0x2], $0x80, $0x38;
	[tilespmem:$0xC3E0] =	vst v63  }
0x94: {  	_ =	swait.ge [sflag:s20], $0x80  }
0x95: {  	[sflag:s20] =	ssyncset.done $0x0  }
0x96: {  	s30 =	rddreg [dreg:$0x11];
	[sflag:s20] =	ssyncadd.s32 $0xFFFFFF80  }
0x97: {  	[spmem:s30] =	stream.linear.scatter [tilespmem:s3], [sflag:$0x2], $0x80, $0x38;
	[tilespmem:$0xC3E0] =	vst v63  }
0x98: {  	s21 =	simm.s32 $0x8FE0;
	_ =	swait.ge [sflag:s20], $0x80  }
0x99: {  	s22 =	simm.s32 $0x97E0;
	[sflag:s20] =	ssyncset.done $0x0;
	s19 =	rddreg [dreg:$0x18]  }
0x9a: {  	s23 =	simm.s32 $0x9FE0;
	s24 =	rddreg [dreg:$0x19];
	[sflag:s20] =	ssyncadd.s32 $0xFFFFFF80  }
.LBB2_74:
.Ltmp5:
0x9b: {  	(pc) =	sbr.rel @p1 .LBB2_78-.Ltmp5, $1  }
0x9c: {  	_ =	sdelay $0x3  }
0x9d: {  	[tilespmem:$0xC0E0] =	vst v1  }
0x9e: {  	[tilespmem:$0xC160] =	vst v1  }
0x9f: {  	[tilespmem:$0xC1E0] =	vst v1  }
0xa0: {  	[tilespmem:$0xC260] =	vst v1  }
0xa1: {  	[tilespmem:$0xC2E0] =	vst v1  }
0xa2: {  	[tilespmem:$0xC0F0] =	vst v1  }
0xa3: {  	[tilespmem:$0xC170] =	vst v1  }
0xa4: {  	[tilespmem:$0xC1F0] =	vst v1  }
0xa5: {  	[tilespmem:$0xC270] =	vst v1  }
0xa6: {  	[tilespmem:$0xC2F0] =	vst v1  }
0xa7: {  	[tilespmem:$0xC100] =	vst v1  }
0xa8: {  	[tilespmem:$0xC180] =	vst v1  }
0xa9: {  	[tilespmem:$0xC200] =	vst v1  }
0xaa: {  	[tilespmem:$0xC280] =	vst v1  }
0xab: {  	[tilespmem:$0xC300] =	vst v1  }
0xac: {  	[tilespmem:$0xC110] =	vst v1  }
0xad: {  	[tilespmem:$0xC190] =	vst v1  }
0xae: {  	[tilespmem:$0xC210] =	vst v1  }
0xaf: {  	[tilespmem:$0xC290] =	vst v1  }
0xb0: {  	[tilespmem:$0xC310] =	vst v1  }
0xb1: {  	[tilespmem:$0xC120] =	vst v1  }
0xb2: {  	[tilespmem:$0xC1A0] =	vst v1  }
0xb3: {  	[tilespmem:$0xC220] =	vst v1  }
0xb4: {  	[tilespmem:$0xC2A0] =	vst v1  }
0xb5: {  	[tilespmem:$0xC320] =	vst v1  }
0xb6: {  	[tilespmem:$0xC130] =	vst v1  }
0xb7: {  	[tilespmem:$0xC1B0] =	vst v1  }
0xb8: {  	[tilespmem:$0xC230] =	vst v1  }
0xb9: {  	[tilespmem:$0xC2B0] =	vst v1  }
0xba: {  	[tilespmem:$0xC330] =	vst v1  }
0xbb: {  	[tilespmem:$0xC140] =	vst v1  }
0xbc: {  	[tilespmem:$0xC1C0] =	vst v1  }
0xbd: {  	[tilespmem:$0xC240] =	vst v1  }
0xbe: {  	[tilespmem:$0xC2C0] =	vst v1  }
0xbf: {  	v16 =	vimm.s32 $0x0;
	[tilespmem:$0xC340] =	vst v1  }
0xc0: {  	[tilespmem:$0xBFE0] =	vst v16  }
0xc1: {  	[tilespmem:$0xBFF0] =	vst v16  }
0xc2: {  	[tilespmem:$0xC000] =	vst v16  }
0xc3: {  	[tilespmem:$0xC010] =	vst v16  }
0xc4: {  	[tilespmem:$0xC020] =	vst v16  }
0xc5: {  	[tilespmem:$0xC030] =	vst v16  }
0xc6: {  	[tilespmem:$0xC040] =	vst v16  }
0xc7: {  	[tilespmem:$0xC050] =	vst v16  }
0xc8: {  	[tilespmem:$0xC060] =	vst v16  }
0xc9: {  	[tilespmem:$0xC070] =	vst v16  }
0xca: {  	[tilespmem:$0xC080] =	vst v16  }
0xcb: {  	[tilespmem:$0xC360] =	vst v16  }
0xcc: {  	[tilespmem:$0xC370] =	vst v16  }
0xcd: {  	[tilespmem:$0xC380] =	vst v16  }
0xce: {  	[tilespmem:$0xC390] =	vst v16  }
0xcf: {  	[tilespmem:$0xC3A0] =	vst v16  }
0xd0: {  	[tilespmem:$0xC3B0] =	vst v16  }
0xd1: {  	[tilespmem:$0xC3C0] =	vst v16  }
0xd2: {  	[bflag:$0x0] =	sbarrier.arrive $0xFFFF  }
0xd3: {  	s6 =	rddreg [dreg:$0x3]  }
0xd4: {  	[tilespmem:s21], [sflag:$0x2] =	stream.linear.gather [spmem:s6], $0x500, $0x38;
	[tilespmem:$0xC3E0] =	vst v63  }
0xd5: {  	_ =	swait.ge [sflag:s20], $0x500  }
0xd6: {  	[sflag:s20] =	ssyncset.done $0x0  }
0xd7: {  	[sflag:s20] =	ssyncadd.s32 $0xFFFFFB00  }
0xd8: {  	s30 =	rddreg [dreg:$0x4]  }
0xd9: {  	[tilespmem:s22], [sflag:$0x2] =	stream.linear.gather [spmem:s30], $0x500, $0x38;
	[tilespmem:$0xC3E0] =	vst v63  }
0xda: {  	_ =	swait.ge [sflag:s20], $0x500  }
0xdb: {  	[sflag:s20] =	ssyncset.done $0x0  }
0xdc: {  	[sflag:s20] =	ssyncadd.s32 $0xFFFFFB00  }
0xdd: {  	s7 =	rddreg [dreg:$0x5]  }
0xde: {  	[tilespmem:s23], [sflag:$0x2] =	stream.linear.gather [spmem:s7], $0x500, $0x38;
	[tilespmem:$0xC3E0] =	vst v63  }
0xdf: {  	_ =	swait.ge [sflag:s20], $0x500  }
0xe0: {  	[sflag:s20] =	ssyncset.done $0x0  }
0xe1: {  	[sflag:s20] =	ssyncadd.s32 $0xFFFFFB00  }
0xe2: {  	s8 =	rddreg [dreg:$0x6]  }
0xe3: {  	[tilespmem:s9], [sflag:$0x2] =	stream.linear.gather [spmem:s8], $0x500, $0x38;
	[tilespmem:$0xC3E0] =	vst v63  }
0xe4: {  	_ =	swait.ge [sflag:s20], $0x500  }
0xe5: {  	[sflag:s20] =	ssyncset.done $0x0  }
0xe6: {  	[sflag:s20] =	ssyncadd.s32 $0xFFFFFB00  }
0xe7: {  	s26 =	rddreg [dreg:$0x7]  }
0xe8: {  	[tilespmem:s10], [sflag:$0x2] =	stream.linear.gather [spmem:s26], $0x500, $0x38;
	[tilespmem:$0xC3E0] =	vst v63  }
0xe9: {  	_ =	swait.ge [sflag:s20], $0x500  }
0xea: {  	v15 =	vmul.u32 $0x80, v3;
	[sflag:s20] =	ssyncset.done $0x0  }
0xeb: {  	[sflag:s20] =	ssyncadd.s32 $0xFFFFFB00  }
0xec: {  	v14 =	vadd.s32 v15, v16;
	s30 =	rddreg [dreg:$0x8]  }
0xed: {  	[tilespmem:s11], [sflag:$0x2] =	stream.linear.gather [spmem:s30], $0x500, $0x38;
	[tilespmem:$0xC3E0] =	vst v63  }
0xee: {  	_ =	swait.ge [sflag:s20], $0x500  }
0xef: {  	[sflag:s20] =	ssyncset.done $0x0  }
0xf0: {  	[sflag:s20] =	ssyncadd.s32 $0xFFFFFB00  }
0xf1: {  	v12 =	vld.idx.msk [tilespmem:v14+s21+$0x0], $0x3ff;
	_ =	sdelay $0x3  }
0xf2: {  	vm1 =	vmmov $0x3ff  }
0xf3: {  	v18 =	vnsel vm1, $0xFF800000, v12  }
0xf4: {  	v12 =	vperm.xlane v18, v10;
	_ =	sdelay $0x1  }
0xf5: {  	v13 =	vand.u32 $0xF, v6;
	v12 =	vmax.f32 v18, v12  }
0xf6: {  	v17 =	vperm.xlane v12, v13;
	_ =	sdelay $0x1  }
0xf7: {  	v17 =	vmax.f32 v12, v17;
	v12 =	vand.u32 $0xF, v8  }
0xf8: {  	v19 =	vperm.xlane v17, v12;
	_ =	sdelay $0x1  }
0xf9: {  	v20 =	vld.idx.msk [tilespmem:v14+s22+$0x0], $0x3ff;
	v14 =	vmax.f32 v17, v19  }
0xfa: {  	v17 =	vperm.xlane v14, v9;
	_ =	sdelay $0x1  }
0xfb: {  	v19 =	vmax.f32 v14, v17;
	v14 =	vmul.u32 $0x1388, v3  }
0xfc: {  	vm2 =	veq.f32 v18, v19  }
0xfd: {  	vm2 =	vmand vm2, vm1;
	v17 =	vadd.s32 v14, v20  }
0xfe: {  	v21 =	vnsel vm2, $0x40000000, v17  }
0xff: {  	v17 =	vperm.xlane v21, v10;
	_ =	sdelay $0x1  }
0x100: {  	vm2 =	vlt.s32 v21, v17  }
0x101: {  	v22 =	vsel vm2, v21, v17  }
0x102: {  	v23 =	vperm.xlane v22, v13;
	_ =	sdelay $0x1  }
0x103: {  	vm2 =	vlt.s32 v22, v23  }
0x104: {  	v17 =	vor.u32 $0x1, v15;
	v22 =	vsel vm2, v22, v23  }
0x105: {  	v23 =	vadd.s32 v17, v16;
	v24 =	vperm.xlane v22, v12;
	_ =	sdelay $0x1  }
0x106: {  	vm2 =	vlt.s32 v22, v24  }
0x107: {  	v22 =	vsel vm2, v22, v24  }
0x108: {  	v24 =	vperm.xlane v22, v9  }
0x109: {  	v25 =	vld.idx.msk [tilespmem:v23+s21+$0x0], $0x3ff  }
0x10a: {  	vm2 =	vlt.s32 v22, v24  }
0x10b: {  	v22 =	vsel vm2, v22, v24  }
0x10c: {  	vm3 =	vgt.f32 v19, $-3.000000010e+38;
	vm2 =	veq.s32 v21, v22  }
0x10d: {  	v21 =	vmctz.xlane vm2;
	vm2 =	vmand vm3, vm2  }
0x10e: {  	v22 =	vnsel vm1, $0xFF800000, v25;
	vm2 =	vmand vm2, vm1  }
0x10f: {  	vm4 =	vlt.s32 v21, $0x9;
	v18 =	vsel vm2, v22, v18  }
0x110: {  	v21 =	vnsel vm4, $0x9, v21;
	v22 =	vperm.xlane v18, v10  }
0x111: {  	v55 =	vperm.xlane v20, v21  }
0x112: {  	v22 =	vmax.f32 v18, v22  }
0x113: {  	v56 =	vperm.xlane v22, v13;
	v26 =	vshra.s32 v55, $0x5;
	_ =	sdelay $0x1  }
0x114: {  	v23 =	vld.idx.msk [tilespmem:v23+s22+$0x0], $0x3ff;
	v22 =	vmax.f32 v22, v56  }
0x115: {  	v27 =	vperm.xlane v16, v21;
	v25 =	vperm.xlane v22, v12;
	_ =	sdelay $0x1  }
0x116: {  	vm11 =	vmand vm3, vm0;
	vm10 =	vlt.s32 v27, $0x7F;
	v22 =	vmax.f32 v22, v25;
	v57 =	vld.idx.msk [tilespmem:v26+s12+$0x0], $0xffff  }
0x117: {  	v29 =	vshll.u32 v21, $0x7;
	v27 =	vnsel vm10, $0x7F, v27;
	v30 =	vperm.xlane v22, v9  }
0x118: {  	v20 =	vsel vm2, v23, v20;
	v24 =	vand.u32 $0x1F, v55;
	v28 =	vand.u32 $0xFFFFFF80, v27  }
0x119: {  	v28 =	vadd.s32 v29, v28;
	v58 =	vmax.f32 v22, v30;
	v22 =	vand.u32 $0x7F, v27  }
0x11a: {  	vm5 =	veq.f32 v18, v58;
	v18 =	vor.u32 v22, v28;
	v22 =	vshll.u32 v11, v24  }
0x11b: {  	v23 =	vadd.s32 v14, v20;
	vm5 =	vmand vm5, vm1;
	v24 =	vand.u32 v22, v57  }
0x11c: {  	v23 =	vnsel vm5, $0x40000000, v23;
	vm12 =	veq.s32 v24, $0x0  }
0x11d: {  	v22 =	vor.u32 v22, v57;
	v59 =	vperm.xlane v23, v10;
	vm3 =	vmand vm3, vm12  }
0x11e: {  	[tilespmem:v26+s12+$0x0] =	vst.idx.msk vm11, v22;
	vm5 =	vmand vm3, vm0  }
0x11f: {  	vm13 =	vlt.s32 v23, v59;
	v22 =	vld.idx.msk [tilespmem:v18+s23+$0x0], $0xffff  }
0x120: {  	v24 =	vsel vm13, v23, v59  }
0x121: {  	v60 =	vperm.xlane v24, v13;
	_ =	sdelay $0x1  }
0x122: {  	vm4 =	vlt.s32 v24, v60  }
0x123: {  	v24 =	vsel vm4, v24, v60;
	[tilespmem:v16+s13+$0x0] =	vst.idx.msk vm5, v22  }
0x124: {  	v22 =	vperm.xlane v24, v12;
	v61 =	vld.idx.msk [tilespmem:v18+s9+$0x0], $0xffff;
	_ =	sdelay $0x1  }
0x125: {  	vm4 =	vlt.s32 v24, v22  }
0x126: {  	v22 =	vsel vm4, v24, v22  }
0x127: {  	v24 =	vperm.xlane v22, v9  }
0x128: {  	[tilespmem:v16+s14+$0x0] =	vst.idx.msk vm5, v61  }
0x129: {  	vm4 =	vlt.s32 v22, v24;
	v25 =	vld.idx.msk [tilespmem:v18+s10+$0x0], $0xffff  }
0x12a: {  	v22 =	vsel vm4, v22, v24  }
0x12b: {  	vm4 =	veq.s32 v23, v22  }
0x12c: {  	v22 =	vmctz.xlane vm4;
	_ =	sdelay $0x1  }
0x12d: {  	vm6 =	vlt.s32 v22, $0x9;
	[tilespmem:v16+s15+$0x0] =	vst.idx.msk vm5, v25  }
0x12e: {  	v22 =	vnsel vm6, $0x9, v22;
	v18 =	vld.idx.msk [tilespmem:v18+s11+$0x0], $0xffff  }
0x12f: {  	v20 =	vperm.xlane v20, v22;
	_ =	sdelay $0x1  }
0x130: {  	v23 =	vshra.s32 v20, $0x5  }
0x131: {  	v62 =	vsel vm2, $0x1, v0  }
0x132: {  	v24 =	vadd.s32 v62, v16;
	[tilespmem:v16+s16+$0x0] =	vst.idx.msk vm5, v18  }
0x133: {  	v18 =	vperm.xlane v24, v22;
	[tilespmem:v16+s17+$0x0] =	vst.idx.msk vm5, v19  }
0x134: {  	[tilespmem:v16+s18+$0x0] =	vst.idx.msk vm5, v21  }
0x135: {  	vm2 =	vlt.s32 v18, $0x7F;
	v19 =	vld.idx.msk [tilespmem:v23+s12+$0x0], $0xffff  }
0x136: {  	vm14 =	vgt.f32 v58, $-3.000000010e+38;
	v18 =	vnsel vm2, $0x7F, v18  }
0x137: {  	v63 =	vshll.u32 v22, $0x7;
	vm2 =	vmand vm14, vm0;
	v21 =	vand.u32 $0xFFFFFF80, v18  }
0x138: {  	v20 =	vand.u32 $0x1F, v20;
	v18 =	vand.u32 $0x7F, v18;
	v21 =	vadd.s32 v63, v21  }
0x139: {  	v20 =	vshll.u32 v11, v20;
	v18 =	vor.u32 v18, v21  }
0x13a: {  	v21 =	vand.u32 v20, v19  }
0x13b: {  	vm15 =	veq.s32 v21, $0x0  }
0x13c: {  	v19 =	vor.u32 v20, v19;
	vm6 =	vmand vm14, vm15  }
0x13d: {  	v20 =	vsel vm3, $0x1, v0;
	[tilespmem:v23+s12+$0x0] =	vst.idx.msk vm2, v19;
	vm2 =	vmand vm6, vm0  }
0x13e: {  	v19 =	vadd.s32 v20, v16;
	v21 =	vld.idx.msk [tilespmem:v18+s23+$0x0], $0xffff;
	_ =	sdelay $0x4  }
0x13f: {  	[tilespmem:v19+s13+$0x0] =	vst.idx.msk vm2, v21  }
0x140: {  	v16 =	vld.idx.msk [tilespmem:v18+s9+$0x0], $0xffff;
	_ =	sdelay $0x4  }
0x141: {  	[tilespmem:v19+s14+$0x0] =	vst.idx.msk vm2, v16  }
0x142: {  	v16 =	vld.idx.msk [tilespmem:v18+s10+$0x0], $0xffff;
	_ =	sdelay $0x4  }
0x143: {  	vm3 =	vmand vm14, vm4;
	[tilespmem:v19+s15+$0x0] =	vst.idx.msk vm2, v16  }
0x144: {  	vm3 =	vmand vm3, vm1;
	v20 =	vld.idx.msk [tilespmem:v18+s11+$0x0], $0xffff  }
0x145: {  	v16 =	vsel vm3, $0x1, v0  }
0x146: {  	v18 =	vadd.s32 v16, v24  }
0x147: {  	v23 =	vadd.s32 v15, v18;
	_ =	sdelay $0x1  }
0x148: {  	v21 =	vsel vm6, $0x1, v0;
	[tilespmem:v19+s16+$0x0] =	vst.idx.msk vm2, v20  }
0x149: {  	s8 =	simm.s32 $0x30;
	v16 =	vadd.s32 v21, v19;
	v20 =	vadd.s32 v17, v18;
	[tilespmem:v19+s17+$0x0] =	vst.idx.msk vm2, v58  }
.LBB2_76:
0x14a: {  	p2 =	sne.s32 s8, $0x1;
	s8 =	sadd.s32 $0xFFFFFFFF, s8;
	[tilespmem:v19+s18+$0x0] =	vst.idx.msk vm2, v22  }
0x14b: {  	v19 =	vld.idx.msk [tilespmem:v23+s21+$0x0], $0x3ff;
	_ =	sdelay $0x5  }
0x14c: {  	v21 =	vnsel vm1, $0xFF800000, v19  }
0x14d: {  	v19 =	vperm.xlane v21, v10;
	_ =	sdelay $0x1  }
0x14e: {  	v19 =	vmax.f32 v21, v19  }
0x14f: {  	v22 =	vperm.xlane v19, v13;
	_ =	sdelay $0x1  }
0x150: {  	v19 =	vmax.f32 v19, v22  }
0x151: {  	v22 =	vperm.xlane v19, v12  }
0x152: {  	v23 =	vld.idx.msk [tilespmem:v23+s22+$0x0], $0x3ff  }
0x153: {  	v19 =	vmax.f32 v19, v22  }
0x154: {  	v22 =	vperm.xlane v19, v9;
	_ =	sdelay $0x1  }
0x155: {  	v19 =	vmax.f32 v19, v22  }
0x156: {  	vm2 =	veq.f32 v21, v19  }
0x157: {  	vm2 =	vmand vm2, vm1;
	v22 =	vadd.s32 v14, v23  }
0x158: {  	v22 =	vnsel vm2, $0x40000000, v22  }
0x159: {  	v24 =	vperm.xlane v22, v10;
	_ =	sdelay $0x1  }
0x15a: {  	vm2 =	vlt.s32 v22, v24  }
0x15b: {  	v24 =	vsel vm2, v22, v24  }
0x15c: {  	v25 =	vperm.xlane v24, v13;
	_ =	sdelay $0x1  }
0x15d: {  	vm2 =	vlt.s32 v24, v25  }
0x15e: {  	v24 =	vsel vm2, v24, v25  }
0x15f: {  	v25 =	vperm.xlane v24, v12;
	_ =	sdelay $0x1  }
0x160: {  	vm2 =	vlt.s32 v24, v25  }
0x161: {  	v24 =	vsel vm2, v24, v25  }
0x162: {  	v26 =	vperm.xlane v24, v9;
	v25 =	vld.idx.msk [tilespmem:v20+s21+$0x0], $0x3ff;
	_ =	sdelay $0x1  }
0x163: {  	vm2 =	vlt.s32 v24, v26  }
0x164: {  	v24 =	vsel vm2, v24, v26  }
0x165: {  	vm2 =	vgt.f32 v19, $-3.000000010e+38;
	vm3 =	veq.s32 v22, v24  }
0x166: {  	v22 =	vmctz.xlane vm3;
	vm3 =	vmand vm2, vm3  }
0x167: {  	v24 =	vnsel vm1, $0xFF800000, v25;
	vm3 =	vmand vm3, vm1  }
0x168: {  	vm4 =	vlt.s32 v22, $0x9;
	v24 =	vsel vm3, v24, v21;
	v25 =	vsel vm3, $0x1, v0  }
0x169: {  	v26 =	vnsel vm4, $0x9, v22;
	v21 =	vperm.xlane v24, v10  }
0x16a: {  	v22 =	vperm.xlane v23, v26;
	v27 =	vperm.xlane v18, v26  }
0x16b: {  	v21 =	vmax.f32 v24, v21  }
0x16c: {  	vm4 =	vlt.s32 v27, $0x7F;
	v28 =	vperm.xlane v21, v13;
	v29 =	vshra.s32 v22, $0x5  }
0x16d: {  	v22 =	vand.u32 $0x1F, v22;
	v27 =	vnsel vm4, $0x7F, v27  }
0x16e: {  	v30 =	vshll.u32 v26, $0x7;
	v21 =	vmax.f32 v21, v28;
	v28 =	vand.u32 $0xFFFFFF80, v27  }
0x16f: {  	v31 =	vperm.xlane v21, v12;
	v28 =	vadd.s32 v30, v28;
	v20 =	vld.idx.msk [tilespmem:v20+s22+$0x0], $0x3ff;
	_ =	sdelay $0x1  }
0x170: {  	v21 =	vmax.f32 v21, v31;
	v30 =	vld.idx.msk [tilespmem:v29+s12+$0x0], $0xffff  }
0x171: {  	v31 =	vperm.xlane v21, v9  }
0x172: {  	vm4 =	vmand vm2, vm0  }
0x173: {  	v27 =	vand.u32 $0x7F, v27;
	v21 =	vmax.f32 v21, v31  }
0x174: {  	v20 =	vsel vm3, v20, v23;
	vm3 =	veq.f32 v24, v21;
	v23 =	vor.u32 v27, v28  }
0x175: {  	v22 =	vshll.u32 v11, v22;
	vm3 =	vmand vm3, vm1;
	v24 =	vadd.s32 v14, v20  }
0x176: {  	v24 =	vnsel vm3, $0x40000000, v24;
	v27 =	vand.u32 v22, v30;
	v22 =	vor.u32 v22, v30  }
0x177: {  	v28 =	vperm.xlane v24, v10;
	vm3 =	veq.s32 v27, $0x0  }
0x178: {  	vm3 =	vmand vm2, vm3;
	[tilespmem:v29+s12+$0x0] =	vst.idx.msk vm4, v22  }
0x179: {  	vm4 =	vlt.s32 v24, v28;
	vm2 =	vmand vm3, vm0;
	v27 =	vsel vm3, $0x1, v0;
	v22 =	vld.idx.msk [tilespmem:v23+s23+$0x0], $0xffff  }
0x17a: {  	v28 =	vsel vm4, v24, v28  }
0x17b: {  	v29 =	vperm.xlane v28, v13;
	_ =	sdelay $0x1  }
0x17c: {  	vm3 =	vlt.s32 v28, v29  }
0x17d: {  	v28 =	vsel vm3, v28, v29  }
0x17e: {  	v29 =	vperm.xlane v28, v12;
	[tilespmem:v16+s13+$0x0] =	vst.idx.msk vm2, v22  }
0x17f: {  	v22 =	vld.idx.msk [tilespmem:v23+s9+$0x0], $0xffff  }
0x180: {  	vm3 =	vlt.s32 v28, v29  }
0x181: {  	v28 =	vsel vm3, v28, v29  }
0x182: {  	v29 =	vperm.xlane v28, v9;
	_ =	sdelay $0x1  }
0x183: {  	vm3 =	vlt.s32 v28, v29  }
0x184: {  	v28 =	vsel vm3, v28, v29;
	[tilespmem:v16+s14+$0x0] =	vst.idx.msk vm2, v22  }
0x185: {  	vm3 =	veq.s32 v24, v28;
	v24 =	vld.idx.msk [tilespmem:v23+s10+$0x0], $0xffff  }
0x186: {  	v22 =	vmctz.xlane vm3;
	_ =	sdelay $0x1  }
0x187: {  	vm4 =	vlt.s32 v22, $0x9  }
0x188: {  	v18 =	vadd.s32 v25, v18;
	v22 =	vnsel vm4, $0x9, v22  }
0x189: {  	v20 =	vperm.xlane v20, v22;
	v25 =	vperm.xlane v18, v22  }
0x18a: {  	[tilespmem:v16+s15+$0x0] =	vst.idx.msk vm2, v24  }
0x18b: {  	vm4 =	vlt.s32 v25, $0x7F;
	v24 =	vand.u32 $0x1F, v20;
	v23 =	vld.idx.msk [tilespmem:v23+s11+$0x0], $0xffff  }
0x18c: {  	v25 =	vnsel vm4, $0x7F, v25  }
0x18d: {  	v29 =	vshll.u32 v22, $0x7;
	v28 =	vand.u32 $0xFFFFFF80, v25  }
0x18e: {  	v28 =	vadd.s32 v29, v28  }
0x18f: {  	v20 =	vshra.s32 v20, $0x5;
	_ =	sdelay $0x1  }
0x190: {  	[tilespmem:v16+s16+$0x0] =	vst.idx.msk vm2, v23  }
0x191: {  	[tilespmem:v16+s17+$0x0] =	vst.idx.msk vm2, v19  }
0x192: {  	[tilespmem:v16+s18+$0x0] =	vst.idx.msk vm2, v26  }
0x193: {  	vm2 =	vgt.f32 v21, $-3.000000010e+38;
	v19 =	vld.idx.msk [tilespmem:v20+s12+$0x0], $0xffff  }
0x194: {  	vm3 =	vmand vm2, vm3;
	vm4 =	vmand vm2, vm0  }
0x195: {  	v23 =	vand.u32 $0x7F, v25;
	vm3 =	vmand vm3, vm1  }
0x196: {  	v23 =	vor.u32 v23, v28;
	v25 =	vsel vm3, $0x1, v0  }
0x197: {  	v18 =	vadd.s32 v25, v18  }
0x198: {  	v24 =	vshll.u32 v11, v24  }
0x199: {  	v25 =	vand.u32 v24, v19;
	v19 =	vor.u32 v24, v19  }
0x19a: {  	vm3 =	veq.s32 v25, $0x0;
	[tilespmem:v20+s12+$0x0] =	vst.idx.msk vm4, v19  }
0x19b: {  	vm3 =	vmand vm2, vm3;
	v20 =	vld.idx.msk [tilespmem:v23+s23+$0x0], $0xffff  }
0x19c: {  	v19 =	vadd.s32 v27, v16;
	vm2 =	vmand vm3, vm0;
	v16 =	vsel vm3, $0x1, v0  }
0x19d: {  	v16 =	vadd.s32 v16, v19;
	_ =	sdelay $0x4  }
0x19e: {  	[tilespmem:v19+s13+$0x0] =	vst.idx.msk vm2, v20  }
0x19f: {  	v20 =	vld.idx.msk [tilespmem:v23+s9+$0x0], $0xffff;
	_ =	sdelay $0x5  }
0x1a0: {  	[tilespmem:v19+s14+$0x0] =	vst.idx.msk vm2, v20  }
0x1a1: {  	v20 =	vld.idx.msk [tilespmem:v23+s10+$0x0], $0xffff;
	_ =	sdelay $0x5  }
0x1a2: {  	[tilespmem:v19+s15+$0x0] =	vst.idx.msk vm2, v20  }
0x1a3: {  	v24 =	vld.idx.msk [tilespmem:v23+s11+$0x0], $0xffff;
	_ =	sdelay $0x2  }
.Ltmp6:
0x1a4: {  	(pc) =	sbr.rel @p2 .LBB2_76-.Ltmp6, $4  }
0x1a5: {  	v23 =	vadd.s32 v15, v18  }
0x1a6: {  	v20 =	vadd.s32 v17, v18  }
0x1a7: {  	[tilespmem:v19+s16+$0x0] =	vst.idx.msk vm2, v24  }
0x1a8: {  	[tilespmem:v19+s17+$0x0] =	vst.idx.msk vm2, v21  }
0x1a9: {  	_ =	sdelay $0x4  }
0x1aa: {  	[tilespmem:v19+s18+$0x0] =	vst.idx.msk vm2, v22  }
0x1ab: {  	v15 =	vld.idx.msk [tilespmem:v23+s21+$0x0], $0x3ff;
	_ =	sdelay $0x4  }
0x1ac: {  	v15 =	vnsel vm1, $0xFF800000, v15  }
0x1ad: {  	v17 =	vperm.xlane v15, v10;
	_ =	sdelay $0x1  }
0x1ae: {  	v17 =	vmax.f32 v15, v17  }
0x1af: {  	v38 =	vperm.xlane v17, v13;
	_ =	sdelay $0x1  }
0x1b0: {  	v17 =	vmax.f32 v17, v38  }
0x1b1: {  	v19 =	vperm.xlane v17, v12;
	_ =	sdelay $0x1  }
0x1b2: {  	v21 =	vld.idx.msk [tilespmem:v23+s22+$0x0], $0x3ff;
	v17 =	vmax.f32 v17, v19  }
0x1b3: {  	v19 =	vperm.xlane v17, v9;
	_ =	sdelay $0x1  }
0x1b4: {  	v17 =	vmax.f32 v17, v19  }
0x1b5: {  	vm2 =	veq.f32 v15, v17  }
0x1b6: {  	v39 =	vadd.s32 v14, v21;
	vm2 =	vmand vm2, vm1  }
0x1b7: {  	v19 =	vnsel vm2, $0x40000000, v39  }
0x1b8: {  	v40 =	vperm.xlane v19, v10;
	_ =	sdelay $0x1  }
0x1b9: {  	vm2 =	vlt.s32 v19, v40  }
0x1ba: {  	v22 =	vsel vm2, v19, v40  }
0x1bb: {  	v41 =	vperm.xlane v22, v13;
	_ =	sdelay $0x1  }
0x1bc: {  	vm2 =	vlt.s32 v22, v41  }
0x1bd: {  	v22 =	vsel vm2, v22, v41  }
0x1be: {  	v23 =	vperm.xlane v22, v12;
	_ =	sdelay $0x1  }
0x1bf: {  	vm2 =	vlt.s32 v22, v23  }
0x1c0: {  	v22 =	vsel vm2, v22, v23  }
0x1c1: {  	v23 =	vperm.xlane v22, v9  }
0x1c2: {  	v24 =	vld.idx.msk [tilespmem:v20+s21+$0x0], $0x3ff  }
0x1c3: {  	vm2 =	vlt.s32 v22, v23  }
0x1c4: {  	v22 =	vsel vm2, v22, v23  }
0x1c5: {  	vm3 =	vgt.f32 v17, $-3.000000010e+38;
	vm2 =	veq.s32 v19, v22  }
0x1c6: {  	v19 =	vmctz.xlane vm2;
	vm2 =	vmand vm3, vm2  }
0x1c7: {  	v42 =	vnsel vm1, $0xFF800000, v24;
	vm2 =	vmand vm2, vm1  }
0x1c8: {  	vm4 =	vlt.s32 v19, $0x9;
	v15 =	vsel vm2, v42, v15  }
0x1c9: {  	v19 =	vnsel vm4, $0x9, v19;
	v22 =	vperm.xlane v15, v10  }
0x1ca: {  	v43 =	vperm.xlane v21, v19  }
0x1cb: {  	v22 =	vmax.f32 v15, v22  }
0x1cc: {  	v44 =	vperm.xlane v22, v13;
	v25 =	vshra.s32 v43, $0x5  }
0x1cd: {  	v45 =	vld.idx.msk [tilespmem:v20+s22+$0x0], $0x3ff  }
0x1ce: {  	v22 =	vmax.f32 v22, v44  }
0x1cf: {  	v26 =	vperm.xlane v18, v19;
	v24 =	vperm.xlane v22, v12;
	_ =	sdelay $0x1  }
0x1d0: {  	vm13 =	vmand vm3, vm0;
	vm12 =	vlt.s32 v26, $0x7F;
	v22 =	vmax.f32 v22, v24;
	v46 =	vld.idx.msk [tilespmem:v25+s12+$0x0], $0xffff  }
0x1d1: {  	v20 =	vsel vm2, v45, v21;
	v26 =	vnsel vm12, $0x7F, v26;
	v29 =	vperm.xlane v22, v9  }
0x1d2: {  	v28 =	vshll.u32 v19, $0x7;
	v23 =	vand.u32 $0x1F, v43;
	v27 =	vand.u32 $0xFFFFFF80, v26  }
0x1d3: {  	v26 =	vand.u32 $0x7F, v26;
	v27 =	vadd.s32 v28, v27;
	v22 =	vmax.f32 v22, v29  }
0x1d4: {  	v48 =	vshll.u32 v11, v23;
	v47 =	vor.u32 v26, v27;
	vm5 =	veq.f32 v15, v22  }
0x1d5: {  	v49 =	vadd.s32 v14, v20;
	vm1 =	vmand vm5, vm1;
	v23 =	vand.u32 v48, v46  }
0x1d6: {  	v14 =	vnsel vm1, $0x40000000, v49;
	vm1 =	veq.s32 v23, $0x0  }
0x1d7: {  	v21 =	vor.u32 v48, v46;
	v50 =	vperm.xlane v14, v10;
	vm1 =	vmand vm3, vm1  }
0x1d8: {  	[tilespmem:v25+s12+$0x0] =	vst.idx.msk vm13, v21;
	vm3 =	vmand vm1, vm0  }
0x1d9: {  	v21 =	vld.idx.msk [tilespmem:v47+s23+$0x0], $0xffff;
	vm14 =	vlt.s32 v14, v50  }
0x1da: {  	v23 =	vsel vm14, v14, v50  }
0x1db: {  	v51 =	vperm.xlane v23, v13;
	_ =	sdelay $0x1  }
0x1dc: {  	vm4 =	vlt.s32 v23, v51  }
0x1dd: {  	v13 =	vsel vm4, v23, v51;
	[tilespmem:v16+s13+$0x0] =	vst.idx.msk vm3, v21  }
0x1de: {  	v52 =	vperm.xlane v13, v12;
	v21 =	vld.idx.msk [tilespmem:v47+s9+$0x0], $0xffff;
	_ =	sdelay $0x1  }
0x1df: {  	vm4 =	vlt.s32 v13, v52  }
0x1e0: {  	v12 =	vsel vm4, v13, v52  }
0x1e1: {  	v13 =	vperm.xlane v12, v9  }
0x1e2: {  	[tilespmem:v16+s14+$0x0] =	vst.idx.msk vm3, v21  }
0x1e3: {  	vm4 =	vlt.s32 v12, v13;
	v21 =	vld.idx.msk [tilespmem:v47+s10+$0x0], $0xffff  }
0x1e4: {  	v12 =	vsel vm4, v12, v13  }
0x1e5: {  	vm4 =	veq.s32 v14, v12  }
0x1e6: {  	v12 =	vmctz.xlane vm4;
	_ =	sdelay $0x1  }
0x1e7: {  	vm4 =	vlt.s32 v12, $0x9;
	[tilespmem:v16+s15+$0x0] =	vst.idx.msk vm3, v21  }
0x1e8: {  	v12 =	vnsel vm4, $0x9, v12;
	v53 =	vld.idx.msk [tilespmem:v47+s11+$0x0], $0xffff  }
0x1e9: {  	v54 =	vperm.xlane v20, v12;
	_ =	sdelay $0x1  }
0x1ea: {  	v55 =	vshra.s32 v54, $0x5  }
0x1eb: {  	v56 =	vsel vm2, $0x1, v0  }
0x1ec: {  	v57 =	vadd.s32 v56, v18;
	[tilespmem:v16+s16+$0x0] =	vst.idx.msk vm3, v53  }
0x1ed: {  	v58 =	vperm.xlane v57, v12;
	[tilespmem:v16+s17+$0x0] =	vst.idx.msk vm3, v17  }
0x1ee: {  	[tilespmem:v16+s18+$0x0] =	vst.idx.msk vm3, v19  }
0x1ef: {  	vm2 =	vlt.s32 v58, $0x7F;
	v17 =	vld.idx.msk [tilespmem:v55+s12+$0x0], $0xffff  }
0x1f0: {  	v13 =	vnsel vm2, $0x7F, v58;
	vm2 =	vgt.f32 v22, $-3.000000010e+38  }
0x1f1: {  	v60 =	vshll.u32 v12, $0x7;
	v59 =	vand.u32 $0xFFFFFF80, v13;
	vm3 =	vmand vm2, vm0  }
0x1f2: {  	v14 =	vand.u32 $0x1F, v54;
	v13 =	vand.u32 $0x7F, v13;
	v18 =	vadd.s32 v60, v59  }
0x1f3: {  	v14 =	vshll.u32 v11, v14;
	v13 =	vor.u32 v13, v18  }
0x1f4: {  	v61 =	vand.u32 v14, v17  }
0x1f5: {  	vm15 =	veq.s32 v61, $0x0  }
0x1f6: {  	v14 =	vor.u32 v14, v17;
	vm2 =	vmand vm2, vm15  }
0x1f7: {  	v62 =	vsel vm1, $0x1, v0;
	[tilespmem:v55+s12+$0x0] =	vst.idx.msk vm3, v14;
	vm1 =	vmand vm2, vm0  }
0x1f8: {  	v63 =	vadd.s32 v62, v16;
	v14 =	vld.idx.msk [tilespmem:v13+s23+$0x0], $0xffff;
	_ =	sdelay $0x4  }
0x1f9: {  	[tilespmem:v63+s13+$0x0] =	vst.idx.msk vm1, v14  }
0x1fa: {  	v14 =	vld.idx.msk [tilespmem:v13+s9+$0x0], $0xffff;
	_ =	sdelay $0x4  }
0x1fb: {  	[tilespmem:v63+s14+$0x0] =	vst.idx.msk vm1, v14  }
0x1fc: {  	v14 =	vld.idx.msk [tilespmem:v13+s10+$0x0], $0xffff;
	_ =	sdelay $0x4  }
0x1fd: {  	[tilespmem:v63+s15+$0x0] =	vst.idx.msk vm1, v14  }
0x1fe: {  	v13 =	vld.idx.msk [tilespmem:v13+s11+$0x0], $0xffff;
	_ =	sdelay $0x4  }
0x1ff: {  	[tilespmem:v63+s16+$0x0] =	vst.idx.msk vm1, v13  }
0x200: {  	[tilespmem:v63+s17+$0x0] =	vst.idx.msk vm1, v22  }
0x201: {  	s6 =	simm.s32 $0x0;
	s7 =	rddreg [dreg:$0x12];
	[tilespmem:v63+s18+$0x0] =	vst.idx.msk vm1, v12  }
0x202: {  	[hbm4b:s7+s6] =	stream.linear.scatter [tilespmem:s13], [sflag:$0x2], $0x80, $0x38;
	[tilespmem:$0xC3E0] =	vst v63  }
0x203: {  	_ =	swait.ge [sflag:s20], $0x80  }
0x204: {  	[sflag:s20] =	ssyncset.done $0x0  }
0x205: {  	s26 =	rddreg [dreg:$0x13];
	[sflag:s20] =	ssyncadd.s32 $0xFFFFFF80  }
0x206: {  	[hbm4b:s26+s6] =	stream.linear.scatter [tilespmem:s14], [sflag:$0x2], $0x80, $0x38;
	[tilespmem:$0xC3E0] =	vst v63  }
0x207: {  	_ =	swait.ge [sflag:s20], $0x80  }
0x208: {  	[sflag:s20] =	ssyncset.done $0x0  }
0x209: {  	s30 =	rddreg [dreg:$0x14];
	[sflag:s20] =	ssyncadd.s32 $0xFFFFFF80  }
0x20a: {  	[hbm4b:s30+s6] =	stream.linear.scatter [tilespmem:s15], [sflag:$0x2], $0x80, $0x38;
	[tilespmem:$0xC3E0] =	vst v63  }
0x20b: {  	_ =	swait.ge [sflag:s20], $0x80  }
0x20c: {  	[sflag:s20] =	ssyncset.done $0x0  }
0x20d: {  	s8 =	rddreg [dreg:$0x15];
	[sflag:s20] =	ssyncadd.s32 $0xFFFFFF80  }
0x20e: {  	[hbm4b:s8+s6] =	stream.linear.scatter [tilespmem:s16], [sflag:$0x2], $0x80, $0x38;
	[tilespmem:$0xC3E0] =	vst v63  }
0x20f: {  	_ =	swait.ge [sflag:s20], $0x80  }
0x210: {  	[sflag:s20] =	ssyncset.done $0x0  }
0x211: {  	s26 =	rddreg [dreg:$0x16];
	[sflag:s20] =	ssyncadd.s32 $0xFFFFFF80  }
0x212: {  	[hbm4b:s26+s6] =	stream.linear.scatter [tilespmem:s17], [sflag:$0x2], $0x80, $0x38;
	[tilespmem:$0xC3E0] =	vst v63  }
0x213: {  	_ =	swait.ge [sflag:s20], $0x80  }
0x214: {  	[sflag:s20] =	ssyncset.done $0x0  }
.Ltmp7:
0x215: {  	s30 =	rddreg [dreg:$0x17];
	[sflag:s20] =	ssyncadd.s32 $0xFFFFFF80;
	(pc) =	sbr.rel .LBB2_79-.Ltmp7, $4  }
0x216: {  	[hbm4b:s30+s6] =	stream.linear.scatter [tilespmem:s18], [sflag:$0x2], $0x80, $0x38;
	[tilespmem:$0xC3E0] =	vst v63  }
0x217: {  	_ =	swait.ge [sflag:s20], $0x80  }
0x218: {  	[sflag:s20] =	ssyncset.done $0x0  }
0x219: {  	[sflag:s20] =	ssyncadd.s32 $0xFFFFFF80  }
.LBB2_71:
0x21a: {  	s30 =	smov.u32 @p2 s30  }
.LBB2_72:
0x21b: {  	s7 =	rddreg [dreg:$0x1a]  }
0x21c: {  	p2 =	sgt.f32 s7, $5.000000070e-02;
	_ =	sdelay $0x1  }
0x21d: {  	p3 =	slt.s32 @p2 s30, $0x64  }
0x21e: {  	p2 =	por !p2, !p3  }
.Ltmp8:
0x21f: {  	_ = 	snop;
	(pc) =	sbr.rel @p2 .LBB2_73-.Ltmp8, $1  }
0x220: {  	_ =	sdelay $0x3  }
.LBB2_5:
0x221: {  	s8 =	simm.s32 $0x20  }
0x222: {  	v14 =	vld [tilespmem:s8+$0xFFFFFFE0];
	_ =	sdelay $0x1  }
0x223: {  	s21 =	sadd.f32 $-3.999999910e-02, s7;
	v16 =	vld [tilespmem:s8+$0xFFFFFFF0];
	_ =	sdelay $0x1  }
0x224: {  	s6 =	smov.u32 s7;
	v17 =	vld [tilespmem:s8+$0x0];
	v12 =	vmov s21  }
0x225: {  	v13 =	vmov s6;
	vm1 =	vgt.f32 v14, $5.000000070e-02;
	vm2 =	vgt.f32 v14, v12  }
0x226: {  	vm1 =	vmand vm1, vm2;
	vm2 =	vle.f32 v14, v13  }
0x227: {  	v18 =	vld [tilespmem:s8+$0x10];
	vm3 =	vgt.f32 v16, $5.000000070e-02;
	vm2 =	vmand vm2, vm1;
	vm1 =	vgt.f32 v16, v12  }
0x228: {  	vm4 =	vle.f32 v16, v13;
	v15 =	vsel vm2, $0x1, v0;
	vm1 =	vmand vm3, vm1  }
0x229: {  	vm5 =	vgt.f32 v17, v12;
	vm3 =	vmand vm4, vm1;
	vm1 =	vgt.f32 v17, $5.000000070e-02;
	(xrf0) =	vadd.scan.msk.s32 $0xffff, v15  }
0x22a: {  	vm13 =	vle.f32 v17, v13;
	v15 =	vsel vm3, $0x1, v0;
	vm1 =	vmand vm1, vm5  }
0x22b: {  	vm4 =	vmand vm13, vm1;
	(xrf0) =	vadd.scan.msk.s32 $0xffff, v15  }
0x22c: {  	vm14 =	vgt.f32 v18, v12;
	vm1 =	vgt.f32 v18, $5.000000070e-02;
	v15 =	vsel vm4, $0x1, v0  }
0x22d: {  	vm15 =	vle.f32 v18, v13;
	vm1 =	vmand vm1, vm14;
	(xrf0) =	vadd.scan.msk.s32 $0xffff, v15  }
0x22e: {  	vm1 =	vmand vm15, vm1  }
0x22f: {  	v15 =	vsel vm1, $0x1, v0;
	v19, _, _ =	vpop (xrf0)  }
0x230: {  	v20 =	vimm.s32 $0x0;
	(xrf0) =	vadd.scan.msk.s32 $0xffff, v15;
	v21 =	vperm.xlane v19, v5  }
0x231: {  	v15 =	vadd.s32 v19, v20;
	v19, _, _ =	vpop (xrf0)  }
0x232: {  	v15 =	vadd.s32 $0xFFFFFFFF, v15;
	v20 =	vadd.s32 v20, v21;
	v61 =	vperm.xlane v19, v5  }
0x233: {  	v19 =	vadd.s32 v20, v19;
	v22, _, _ =	vpop (xrf0)  }
0x234: {  	v19 =	vadd.s32 $0xFFFFFFFF, v19;
	v20 =	vadd.s32 v20, v61;
	v62 =	vperm.xlane v22, v5  }
0x235: {  	v22 =	vadd.s32 v20, v22  }
0x236: {  	s22 =	simm.s32 $0x0;
	v63, _, _ =	vpop (xrf0);
	v22 =	vadd.s32 $0xFFFFFFFF, v22;
	v20 =	vadd.s32 v20, v62  }
0x237: {  	[tilespmem:v15+s31+$0x0] =	vst.idx.msk vm2, v14;
	v14 =	vor.u32 s22, v3;
	v23 =	vadd.s32 v20, v63  }
0x238: {  	s23 =	simm.s32 $0x10;
	[tilespmem:v15+s5+$0x0] =	vst.idx.msk vm2, v14;
	v15 =	vadd.s32 $0xFFFFFFFF, v23  }
0x239: {  	v14 =	vor.u32 s23, v3;
	[tilespmem:v19+s31+$0x0] =	vst.idx.msk vm3, v16  }
0x23a: {  	s24 =	simm.s32 $0x20;
	[tilespmem:v19+s5+$0x0] =	vst.idx.msk vm3, v14  }
0x23b: {  	v16 =	vor.u32 s24, v3;
	v14 =	vperm.xlane v63, v5;
	[tilespmem:v22+s31+$0x0] =	vst.idx.msk vm4, v17  }
0x23c: {  	s26 =	simm.s32 $0x30;
	[tilespmem:v22+s5+$0x0] =	vst.idx.msk vm4, v16  }
0x23d: {  	s19 =	simm.s32 $0x70;
	[dreg:$0x1a] =	wrdreg s21;
	v14 =	vadd.s32 v20, v14;
	v16 =	vor.u32 s26, v3;
	[tilespmem:v15+s31+$0x0] =	vst.idx.msk vm1, v18  }
.LBB2_6:
0x23e: {  	p2 =	sne.s32 s19, $0x13B0  }
0x23f: {  	[tilespmem:v15+s5+$0x0] =	vst.idx.msk vm1, v16;
	s8 =	sadd.s32 $0x40, s8;
	s21 =	smov.u32 s19;
	s19 =	sadd.s32 $0x40, s19  }
0x240: {  	v15 =	vld [tilespmem:s8+$0xFFFFFFE0]  }
0x241: {  	v16 =	vld [tilespmem:s8+$0xFFFFFFF0];
	_ =	sdelay $0x1  }
0x242: {  	v17 =	vld [tilespmem:s8+$0x0];
	_ =	sdelay $0x1  }
0x243: {  	vm1 =	vgt.f32 v15, $5.000000070e-02;
	vm2 =	vgt.f32 v15, v12  }
0x244: {  	vm1 =	vmand vm1, vm2;
	vm2 =	vle.f32 v15, v13;
	vm3 =	vgt.f32 v16, $5.000000070e-02  }
0x245: {  	vm4 =	vle.f32 v16, v13;
	vm2 =	vmand vm2, vm1;
	vm1 =	vgt.f32 v16, v12;
	v18 =	vld [tilespmem:s8+$0x10]  }
0x246: {  	v19 =	vsel vm2, $0x1, v0;
	vm1 =	vmand vm3, vm1;
	vm5 =	vgt.f32 v17, v12  }
0x247: {  	vm3 =	vmand vm4, vm1;
	vm1 =	vgt.f32 v17, $5.000000070e-02;
	(xrf0) =	vadd.scan.msk.s32 $0xffff, v19  }
0x248: {  	vm4 =	vle.f32 v17, v13;
	v19 =	vsel vm3, $0x1, v0;
	vm1 =	vmand vm1, vm5  }
0x249: {  	vm4 =	vmand vm4, vm1;
	(xrf0) =	vadd.scan.msk.s32 $0xffff, v19  }
0x24a: {  	v19 =	vsel vm4, $0x1, v0;
	vm1 =	vgt.f32 v18, $5.000000070e-02;
	vm5 =	vgt.f32 v18, v12  }
0x24b: {  	vm1 =	vmand vm1, vm5;
	vm5 =	vle.f32 v18, v13;
	(xrf0) =	vadd.scan.msk.s32 $0xffff, v19  }
0x24c: {  	vm1 =	vmand vm5, vm1  }
0x24d: {  	v19 =	vsel vm1, $0x1, v0;
	v20, _, _ =	vpop (xrf0)  }
0x24e: {  	v22 =	vadd.s32 v20, v14;
	v20 =	vperm.xlane v20, v5;
	(xrf0) =	vadd.scan.msk.s32 $0xffff, v19  }
0x24f: {  	v19 =	vadd.s32 $0xFFFFFFFF, v22;
	v21, _, _ =	vpop (xrf0)  }
0x250: {  	v14 =	vadd.s32 v14, v20;
	v20 =	vperm.xlane v21, v5  }
0x251: {  	v21 =	vadd.s32 v14, v21;
	v22, _, _ =	vpop (xrf0)  }
0x252: {  	v21 =	vadd.s32 $0xFFFFFFFF, v21;
	v14 =	vadd.s32 v14, v20;
	v23 =	vperm.xlane v22, v5  }
0x253: {  	v22 =	vadd.s32 v14, v22  }
0x254: {  	s6 =	sadd.s32 $0xFFFFFFD0, s21;
	v22 =	vadd.s32 $0xFFFFFFFF, v22;
	v14 =	vadd.s32 v14, v23;
	v20, _, _ =	vpop (xrf0)  }
0x255: {  	[tilespmem:v19+s31+$0x0] =	vst.idx.msk vm2, v15;
	v15 =	vor.u32 s6, v3;
	v23 =	vadd.s32 v14, v20;
	v20 =	vperm.xlane v20, v5  }
0x256: {  	s6 =	sadd.s32 $0xFFFFFFE0, s21;
	[tilespmem:v19+s5+$0x0] =	vst.idx.msk vm2, v15;
	v15 =	vadd.s32 $0xFFFFFFFF, v23  }
.Ltmp9:
0x257: {  	[tilespmem:v21+s31+$0x0] =	vst.idx.msk vm3, v16;
	v16 =	vor.u32 s6, v3;
	v14 =	vadd.s32 v14, v20;
	(pc) =	sbr.rel @p2 .LBB2_6-.Ltmp9, $4  }
0x258: {  	s6 =	sadd.s32 $0xFFFFFFF0, s21;
	[tilespmem:v21+s5+$0x0] =	vst.idx.msk vm3, v16  }
0x259: {  	v16 =	vor.u32 s6, v3;
	[tilespmem:v22+s31+$0x0] =	vst.idx.msk vm4, v17  }
0x25a: {  	[tilespmem:v22+s5+$0x0] =	vst.idx.msk vm4, v16  }
0x25b: {  	v16 =	vor.u32 s21, v3;
	[tilespmem:v15+s31+$0x0] =	vst.idx.msk vm1, v18  }
0x25c: {  	v12 =	vxor.u32 $0x80000000, v14  }
0x25d: {  	(xrf0) =	vmax.scan.msk.u32 $0xffff, v12;
	_ =	sdelay $0x5  }
0x25e: {  	v12, _, _ =	vpop (xrf0)  }
0x25f: {  	(v2sf) =	vpush v12, $0xF;
	_ =	sdelay $0xe  }
0x260: {  	s6 =	spop (v2sf)  }
0x261: {  	s7 =	sadd.s32 $0x8000000F, s6  }
0x262: {  	s24 =	sand.u32 $0xF, s7  }
0x263: {  	s26 =	sshra.s32 s7, $0x1F;
	p3 =	slt.s32 s7, $0x1;
	p2 =	sne.s32 s24, $0x0  }
0x264: {  	s21 =	sxor.u32 $0x80000000, s6;
	s6 =	sshrl.u32 s26, $0x1C;
	p2 =	por !p3, !p2  }
0x265: {  	s6 =	sadd.s32 s6, s7;
	s7 =	simm.s32 $0x1;
	p2 =	por !p2, !p2  }
0x266: {  	s6 =	sshra.s32 s6, $0x4;
	s7 =	simm.s32 @!p2 $0x0  }
0x267: {  	s22 =	ssub.s32 s6, s7  }
0x268: {  	v63 =	vadd.s32 s21, v3;
	p2 =	slt.s32 s22, $0x11  }
.Ltmp10:
0x269: {  	_ = 	snop;
	(pc) =	sbr.rel @!p2 .LBB2_8-.Ltmp10, $3  }
0x26a: {  	_ =	sdelay $0x1  }
0x26b: {  	[tilespmem:v15+s5+$0x0] =	vst.idx.msk vm1, v16  }
0x26c: {  	[tilespmem:v63+s31+$0x0] =	vst.idx.msk $0xffff, v7  }
0x26d: {  	p2 =	slt.s32 s22, $0x1  }
.Ltmp11:
0x26e: {  	_ = 	snop;
	(pc) =	sbr.rel @p2 .LBB2_24-.Ltmp11, $2  }
0x26f: {  	_ =	sdelay $0x2  }
0x270: {  	v16 =	vimm.f32 $-Inf  }
0x271: {  	p4 =	sne.s32 s22, $0x1  }
.Ltmp12:
0x272: {  	_ = 	snop;
	(pc) =	sbr.rel @!p4 .LBB2_16-.Ltmp12, $3  }
0x273: {  	_ =	sdelay $0x1  }
0x274: {  	s7 =	simm.s32 $0x0;
	s8 =	simm.s32 $0x6280  }
0x275: {  	s6 =	simm.s32 $0x1;
	p2 =	por $0x0, $0x0;
	p3 =	por $0x0, $0x0;
	v13 =	vld [tilespmem:s8+$0x0]  }
0x276: {  	_ =	sdelay $0x3  }
0x277: {  	p4 =	sne.s32 s22, $0x2;
	v12 =	vperm.xlane v13, v4  }
.Ltmp13:
0x278: {  	_ = 	snop;
	(pc) =	sbr.rel @!p4 .LBB2_18-.Ltmp13, $4  }
0x279: {  	v12 =	vmax.f32 v13, v12  }
0x27a: {  	v14 =	vperm.xlane v12, v6  }
0x27b: {  	s19 =	simm.s32 $0x6290  }
0x27c: {  	s8 =	simm.s32 $0x2;
	p2 =	por $0x1, $0x1;
	v13 =	vld [tilespmem:s19+$0x0];
	v12 =	vmax.f32 v12, v14  }
0x27d: {  	_ =	sdelay $0x3  }
0x27e: {  	v14 =	vperm.xlane v13, v4  }
0x27f: {  	v15 =	vperm.xlane v12, v8  }
0x280: {  	v13 =	vmax.f32 v13, v14  }
0x281: {  	p4 =	sne.s32 s22, $0x3;
	v14 =	vmax.f32 v12, v15;
	v12 =	vperm.xlane v13, v6  }
.Ltmp14:
0x282: {  	s19 =	simm.s32 $0x62A0;
	(pc) =	sbr.rel @!p4 .LBB2_20-.Ltmp14, $4  }
0x283: {  	v12 =	vmax.f32 v13, v12;
	v13 =	vld [tilespmem:s19+$0x0]  }
0x284: {  	v15 =	vperm.xlane v14, v9  }
0x285: {  	v17 =	vmov s7  }
0x286: {  	s7 =	simm.s32 $0x3;
	p3 =	por $0x1, $0x1;
	vm1 =	veq.s32 v17, v3;
	v15 =	vmax.f32 v14, v15;
	v14 =	vimm.f32 $-Inf  }
.LBB2_21:
0x287: {  	s20 =	smov.u32 s7;
	s7 =	sadd.s32 $0x1, s7  }
0x288: {  	v17 =	vperm.xlane v13, v4;
	s19 =	sadd.s32 $0x10, s19;
	v18 =	vperm.xlane v12, v8;
	v14 =	vsel vm1, v15, v14;
	v15 =	vmovc v13;
	p4 =	sne.s32 s22, s7  }
.Ltmp15:
0x289: {  	v13 =	vld [tilespmem:s19+$0x0];
	(pc) =	sbr.rel @p4 .LBB2_21-.Ltmp15, $4  }
0x28a: {  	v15 =	vmax.f32 v15, v17;
	v17 =	vmax.f32 v12, v18  }
0x28b: {  	v12 =	vperm.xlane v15, v6;
	v18 =	vperm.xlane v17, v9  }
0x28c: {  	v19 =	vmov s6;
	s6 =	smov.u32 s8;
	s8 =	smov.u32 s20  }
0x28d: {  	vm1 =	veq.s32 v19, v3;
	v12 =	vmax.f32 v15, v12;
	v15 =	vmax.f32 v17, v18  }
0x28e: {  	s7 =	smov.u32 s8  }
.LBB2_23:
0x28f: {  	v17 =	vperm.xlane v13, v4;
	_ =	sdelay $0x1  }
0x290: {  	v13 =	vmax.f32 v13, v17  }
0x291: {  	v17 =	vperm.xlane @p2 v12, v8;
	v18 =	vperm.xlane v13, v6;
	_ =	sdelay $0x1  }
0x292: {  	v12 =	vmax.f32 @p2 v12, v17;
	v13 =	vmax.f32 v13, v18  }
0x293: {  	v14 =	vsel @p3 vm1, v15, v14;
	v17 =	vperm.xlane @p2 v12, v9;
	v19 =	vperm.xlane v13, v8  }
0x294: {  	v14 =	vpsel p3, v14, v16;
	v18 =	vmov @p2 s6  }
0x295: {  	vm1 =	veq.s32 @p2 v18, v3;
	v12 =	vmax.f32 @p2 v12, v17;
	v13 =	vmax.f32 v13, v19  }
0x296: {  	vm1 =	vmmov @p2 vm1;
	v12 =	vpsel p2, v12, v0;
	v15 =	vperm.xlane v13, v9  }
0x297: {  	v63 =	vmov s7;
	v12 =	vsel @p2 vm1, v12, v14  }
0x298: {  	vm1 =	veq.s32 v63, v3;
	v12 =	vpsel p2, v12, v16;
	v13 =	vmax.f32 v13, v15  }
0x299: {  	v16 =	vsel vm1, v13, v12  }
.LBB2_24:
0x29a: {  	p2 =	slt.s32 s21, $0x1  }
.Ltmp16:
0x29b: {  	_ = 	snop;
	(pc) =	sbr.rel @p2 .LBB2_72-.Ltmp16, $1  }
0x29c: {  	_ =	sdelay $0x3  }
.Ltmp17:
0x29d: {  	(pc) =	sbr.rel .LBB2_26-.Ltmp17, $2  }
0x29e: {  	_ =	sdelay $0x2  }
0x29f: {  	v14 =	vmov s30;
	s22 =	simm.s32 $0x0  }
.LBB2_8:
0x2a0: {  	p2 =	sgt.s32 s21, $0x0  }
.Ltmp18:
0x2a1: {  	_ = 	snop;
	(pc) =	sbr.rel @p2 .LBB2_9-.Ltmp18, $4  }
.Ltmp19:
0x2a2: {  	_ = 	snop;
	(pc) =	sbr.rel @!p2 .LBB2_72-.Ltmp19, $4  }
0x2a3: {  	_ = 	snop  }
0x2a4: {  	_ = 	snop  }
0x2a5: {  	s23 =	simm.s32 $0x0;
	s8 =	simm.s32 $0x0  }
0x2a6: {  	_ = 	snop  }
.LBB2_55:
0x2a7: {  	v39 =	vimm.f32 $0.0e+00  }
.LBB2_61:
0x2a8: {  	v28 =	vmax.f32 v28, v24;
	v30 =	vmax.f32 v30, v25;
	v41 =	vsub.f32 @p2 v41, v38  }
0x2a9: {  	v43 =	vld [tilespmem:s8+$0xFFFFFFF0];
	v32 =	vmin.f32 v32, v22;
	v35 =	vmax.f32 v35, v24;
	v36 =	vmin.f32 v36, v22  }
0x2aa: {  	v44 =	vld [tilespmem:s8+$0x0];
	v34 =	vmax.f32 v34, v25;
	v37 =	vmin.f32 v37, v19;
	v35 =	vsub.f32 v36, v35  }
0x2ab: {  	v33 =	vmin.f32 v33, v19;
	v34 =	vsub.f32 v37, v34;
	v28 =	vsub.f32 v32, v28  }
0x2ac: {  	v42 =	vsub.f32 @p2 v42, v40;
	v30 =	vsub.f32 v33, v30  }
0x2ad: {  	v57 =	vmax.f32 v35, $0.0e+00;
	v58 =	vmax.f32 v34, $0.0e+00;
	v28 =	vmax.f32 v28, $0.0e+00  }
0x2ae: {  	v30 =	vmax.f32 v30, $0.0e+00;
	v32 =	vmul.f32 v58, v57;
	v59 =	vadd.f32 v43, v20  }
0x2af: {  	(erf) = vrcp.f32 @p2 v41;
	v28 =	vmul.f32 v30, v28;
	v60 =	vadd.f32 v44, v20  }
0x2b0: {  	(erf) = vrcp.f32 @p2 v42;
	v33 =	vsub.f32 v59, v32  }
0x2b1: {  	v30 =	vsub.f32 v60, v28  }
0x2b2: {  	(erf) = vrcp.f32 v33  }
0x2b3: {  	(erf) = vrcp.f32 v30;
	_ =	sdelay $0x1  }
0x2b4: {  	v30 =	vpop @p3 (erf)  }
0x2b5: {  	v33 =	vpop @p3 (erf);
	v30 =	vmul.f32 @p3 v30, v31  }
0x2b6: {  	v31 =	vmov @p2 v38;
	v29 =	vmul.f32 @p3 v33, v29  }
0x2b7: {  	v34 =	vmov @p2 v40;
	v33 =	vpop @p2 (erf);
	v31 =	vpsel p2, v31, v0;
	v30 =	vmax.f32 @p3 v39, v30  }
0x2b8: {  	v35 =	vpop @p2 (erf);
	v31 =	vmul.f32 @p2 v33, v31;
	v29 =	vmax.f32 @p3 v30, v29;
	v30 =	vpsel p2, v34, v0  }
0x2b9: {  	v29 =	vpsel p3, v29, v14;
	v30 =	vmul.f32 @p2 v35, v30  }
0x2ba: {  	v29 =	vmax.f32 @p2 v29, v31;
	v61 =	vpop (erf)  }
0x2bb: {  	v29 =	vmax.f32 @p2 v29, v30;
	v62 =	vmul.f32 v61, v32;
	v63 =	vpop (erf)  }
0x2bc: {  	v14 =	vpsel p2, v29, v14;
	v28 =	vmul.f32 v63, v28  }
0x2bd: {  	v14 =	vmax.f32 v14, v62  }
0x2be: {  	v14 =	vmax.f32 v14, v28  }
.LBB2_62:
0x2bf: {  	v28 =	vperm.xlane v14, v10;
	_ =	sdelay $0x1  }
0x2c0: {  	v14 =	vmax.f32 v14, v28  }
0x2c1: {  	v28 =	vperm.xlane v14, v12;
	_ =	sdelay $0x1  }
0x2c2: {  	v14 =	vmax.f32 v14, v28  }
0x2c3: {  	v28 =	vperm.xlane v14, v13;
	_ =	sdelay $0x1  }
0x2c4: {  	v14 =	vmax.f32 v14, v28  }
0x2c5: {  	v28 =	vperm.xlane v14, v9;
	_ =	sdelay $0x1  }
0x2c6: {  	v14 =	vmax.f32 v14, v28  }
0x2c7: {  	vm1 =	vlt.f32 v18, $-Inf;
	vm3 =	vgt.f32 v18, $-Inf;
	vm4 =	vgt.f32 v14, $5.000000000e-01  }
0x2c8: {  	vm1 =	vmor vm3, vm1;
	vm3 =	vmneg vm4  }
0x2c9: {  	v14 =	vsel vm2, $0x1, v0;
	vm1 =	vmand vm1, vm3  }
0x2ca: {  	v26 =	vadd.s32 v14, v26;
	v14 =	vsel vm1, $0x1, v0  }
0x2cb: {  	v14 =	vadd.s32 v14, v26  }
0x2cc: {  	v62 =	vxor.u32 $0x80000000, v14  }
0x2cd: {  	(xrf0) =	vmax.scan.msk.u32 $0xffff, v62;
	_ =	sdelay $0x5  }
0x2ce: {  	v28, _, _ =	vpop (xrf0)  }
0x2cf: {  	(v2sf) =	vpush v28, $0xF;
	_ =	sdelay $0x8  }
0x2d0: {  	vm2 =	veq.s32 v27, v3  }
0x2d1: {  	v23 =	vsel vm2, $0xFF800000, v23;
	vm1 =	vmand vm1, vm0  }
0x2d2: {  	v63 =	vperm.xlane v23, v10;
	_ =	sdelay $0x1  }
0x2d3: {  	v23 =	vmax.f32 v23, v63  }
0x2d4: {  	v12 =	vperm.xlane v23, v12  }
0x2d5: {  	s22 =	sadd.s32 $0x4, s22;
	s6 =	spop (v2sf)  }
0x2d6: {  	p2 =	sge.s32 s22, s21;
	v12 =	vmax.f32 v23, v12;
	[tilespmem:v26+s1+$0x0] =	vst.idx.msk vm1, v18;
	s30 =	sxor.u32 $0x80000000, s6  }
0x2d7: {  	v13 =	vperm.xlane v12, v13;
	[tilespmem:v26+s25+$0x0] =	vst.idx.msk vm1, v21;
	p3 =	slt.s32 @!p2 s30, $0x64  }
0x2d8: {  	[tilespmem:v26+s28+$0x0] =	vst.idx.msk vm1, v24;
	p3 =	por p2, !p3  }
.Ltmp20:
0x2d9: {  	v12 =	vmax.f32 v12, v13;
	[tilespmem:v26+s0+$0x0] =	vst.idx.msk vm1, v25;
	(pc) =	sbr.rel @p3 .LBB2_63-.Ltmp20, $4  }
0x2da: {  	v13 =	vperm.xlane v12, v9;
	[tilespmem:v26+s2+$0x0] =	vst.idx.msk vm1, v22  }
0x2db: {  	[tilespmem:v26+s3+$0x0] =	vst.idx.msk vm1, v19  }
0x2dc: {  	v12 =	vmax.f32 v12, v13;
	[tilespmem:v26+s4+$0x0] =	vst.idx.msk vm1, v20;
	vm1 =	veq.s32 v16, v3  }
0x2dd: {  	[tilespmem:v17+s31+$0x0] =	vst.idx.msk $0x1, v7;
	v16 =	vsel vm1, v12, v15  }
.LBB2_26:
0x2de: {  	v12 =	vperm.xlane v16, v4;
	_ =	sdelay $0x1  }
0x2df: {  	v12 =	vmax.f32 v16, v12  }
0x2e0: {  	v13 =	vperm.xlane v12, v6;
	_ =	sdelay $0x1  }
0x2e1: {  	v12 =	vmax.f32 v12, v13  }
0x2e2: {  	v13 =	vperm.xlane v12, v8;
	_ =	sdelay $0x1  }
0x2e3: {  	v12 =	vmax.f32 v12, v13  }
0x2e4: {  	v13 =	vperm.xlane v12, v9;
	_ =	sdelay $0x1  }
0x2e5: {  	v18 =	vmax.f32 v12, v13  }
0x2e6: {  	vm1 =	veq.f32 v16, v18  }
0x2e7: {  	v21 =	vmctz.xlane vm1;
	_ =	sdelay $0x1  }
0x2e8: {  	v15 =	vshll.u32 v21, $0x4  }
0x2e9: {  	v12 =	vor.u32 v3, v15;
	_ =	sdelay $0x4  }
0x2ea: {  	v12 =	vld.idx.msk [tilespmem:v12+s31+$0x0], $0xffff;
	_ =	sdelay $0x4  }
0x2eb: {  	vm1 =	veq.f32 v12, v18  }
0x2ec: {  	v13 =	vmctz.xlane vm1;
	_ =	sdelay $0x1  }
0x2ed: {  	v17 =	vadd.s32 v15, v13;
	_ =	sdelay $0x4  }
0x2ee: {  	v19 =	vld.idx.msk [tilespmem:v17+s5+$0x0], $0xffff  }
0x2ef: {  	s6 =	sadd.s32 $0x13, s30  }
0x2f0: {  	s7 =	sand.u32 $0xF, s6  }
0x2f1: {  	p2 =	slt.s32 s30, $0xFFFFFFEE;
	s8 =	sshra.s32 s6, $0x1F;
	p3 =	sne.s32 s7, $0x0  }
0x2f2: {  	s23 =	sshrl.u32 s8, $0x1C;
	p2 =	por !p2, !p3  }
0x2f3: {  	s7 =	simm.s32 $0x1;
	s6 =	sadd.s32 s23, s6;
	p2 =	por !p2, !p2;
	v15 =	vshll.u32 v19, $0x2  }
0x2f4: {  	s6 =	sshra.s32 s6, $0x4;
	s7 =	simm.s32 @!p2 $0x0;
	v20 =	vor.u32 $0x1, v15  }
0x2f5: {  	s6 =	ssub.s32 s6, s7;
	v24 =	vor.u32 $0x2, v15  }
0x2f6: {  	s7 =	sadd.s32 $0x1, s6;
	v25 =	vor.u32 $0x3, v15  }
0x2f7: {  	s24 =	sand.u32 $0x1, s7  }
0x2f8: {  	p5 =	slt.s32 s6, $0x0;
	p6 =	seq.s32 s24, $0x1;
	v22 =	vld.idx.msk [tilespmem:v15+s29+$0x0], $0xffff  }
0x2f9: {  	s26 =	sshrl.u32 s7, $0x1F;
	p2 =	por !p5, !p6;
	v23 =	vld.idx.msk [tilespmem:v20+s29+$0x0], $0xffff  }
0x2fa: {  	s6 =	sadd.s32 s26, s7;
	s7 =	simm.s32 $0x1;
	p2 =	por !p2, !p2;
	v20 =	vld.idx.msk [tilespmem:v24+s29+$0x0], $0xffff  }
0x2fb: {  	s6 =	sshra.s32 s6, $0x1;
	s7 =	simm.s32 @!p2 $0x0;
	v24 =	vld.idx.msk [tilespmem:v25+s29+$0x0], $0xffff  }
0x2fc: {  	s30 =	ssub.s32 s6, s7  }
0x2fd: {  	p2 =	slt.s32 s30, $0x1  }
.Ltmp21:
0x2fe: {  	_ = 	snop;
	(pc) =	sbr.rel @p2 .LBB2_35-.Ltmp21, $3  }
0x2ff: {  	_ = 	snop  }
0x300: {  	v15 =	vsub.f32 v20, v22;
	v25 =	vsub.f32 v24, v23;
	_ =	sdelay $0x1  }
0x301: {  	v26 =	vimm.f32 $0.0e+00;
	v25 =	vmul.f32 v25, v15;
	v15 =	vimm.f32 $0.0e+00  }
0x302: {  	s6 =	simm.s32 $0x8B90  }
0x303: {  	s7 =	simm.s32 $0x8C10;
	v26 =	vld [tilespmem:s6+$0x0]  }
0x304: {  	s19 =	simm.s32 $0x8C90;
	v28 =	vld [tilespmem:s7+$0x0]  }
0x305: {  	s20 =	simm.s32 $0x8D10;
	p5 =	sne.s32 s30, $0x1;
	v30 =	vld [tilespmem:s19+$0x0]  }
.Ltmp22:
0x306: {  	v31 =	vld [tilespmem:s20+$0x0];
	(pc) =	sbr.rel @!p5 .LBB2_28-.Ltmp22, $4  }
0x307: {  	v33 =	vld [tilespmem:s6+$0xFFFFFFF0]  }
0x308: {  	v32 =	vld [tilespmem:s7+$0xFFFFFFF0]  }
0x309: {  	s8 =	simm.s32 $0x8D90;
	v34 =	vld [tilespmem:s19+$0xFFFFFFF0]  }
0x30a: {  	p3 =	por $0x0, $0x0;
	p4 =	por $0x0, $0x0;
	v35 =	vld [tilespmem:s20+$0xFFFFFFF0];
	s6 =	sadd.s32 $0xFFFFFFFF, s30  }
0x30b: {  	v36 =	vld [tilespmem:s8+$0x0]  }
0x30c: {  	v29 =	vld [tilespmem:s8+$0xFFFFFFF0];
	s7 =	simm.s32 $0x8BB0  }
0x30d: {  	v27 =	vmax.f32 v26, v22;
	s26 =	simm.s32 $0x8C30;
	v26 =	vld [tilespmem:s7+$0x0]  }
0x30e: {  	v37 =	vmax.f32 v28, v23;
	v38 =	vmin.f32 v30, v20;
	v39 =	vmin.f32 v31, v24;
	s19 =	simm.s32 $0x8CB0;
	v28 =	vld [tilespmem:s26+$0x0]  }
0x30f: {  	s20 =	simm.s32 $0x8D30;
	p5 =	sne.s32 s6, $0x1;
	v33 =	vmax.f32 v33, v22;
	v30 =	vld [tilespmem:s19+$0x0];
	v27 =	vsub.f32 v38, v27;
	v37 =	vsub.f32 v39, v37  }
.Ltmp23:
0x310: {  	v31 =	vld [tilespmem:s20+$0x0];
	v32 =	vmax.f32 v32, v23;
	v34 =	vmin.f32 v34, v20;
	v35 =	vmin.f32 v35, v24;
	(pc) =	sbr.rel @!p5 .LBB2_30-.Ltmp23, $4  }
0x311: {  	v34 =	vsub.f32 v34, v33;
	v33 =	vld [tilespmem:s7+$0xFFFFFFF0];
	v35 =	vsub.f32 v35, v32  }
0x312: {  	v27 =	vmax.f32 v27, $0.0e+00;
	v37 =	vmax.f32 v37, $0.0e+00;
	v32 =	vld [tilespmem:s26+$0xFFFFFFF0]  }
0x313: {  	v27 =	vmul.f32 v37, v27;
	v63 =	vmax.f32 v34, $0.0e+00;
	v34 =	vld [tilespmem:s19+$0xFFFFFFF0];
	v35 =	vmax.f32 v35, $0.0e+00  }
0x314: {  	s8 =	simm.s32 $0x8DB0;
	p3 =	por $0x1, $0x1;
	s7 =	sadd.s32 $0xFFFFFFFF, s6;
	v39 =	vadd.f32 v29, v25;
	v40 =	vadd.f32 v36, v25;
	v29 =	vmul.f32 v35, v63;
	v35 =	vld [tilespmem:s20+$0xFFFFFFF0]  }
0x315: {  	_ = 	snop  }
0x316: {  	v37 =	vld [tilespmem:s8+$0x0];
	v39 =	vsub.f32 v39, v29  }
0x317: {  	v36 =	vmax.f32 v26, v22;
	v38 =	vld [tilespmem:s8+$0xFFFFFFF0];
	s19 =	simm.s32 $0x8BD0;
	v41 =	vmax.f32 v28, v23;
	v40 =	vsub.f32 v40, v27  }
0x318: {  	v42 =	vmin.f32 v30, v20;
	s23 =	simm.s32 $0x8C50;
	v43 =	vmin.f32 v31, v24;
	v26 =	vld [tilespmem:s19+$0x0];
	(erf) = vrcp.f32 v39  }
0x319: {  	s20 =	simm.s32 $0x8CD0;
	v31 =	vmax.f32 v33, v22;
	v28 =	vld [tilespmem:s23+$0x0];
	v60 =	vsub.f32 v42, v36;
	(erf) = vrcp.f32 v40  }
0x31a: {  	p5 =	sne.s32 s7, $0x1;
	v30 =	vld [tilespmem:s20+$0x0];
	v32 =	vmax.f32 v32, v23;
	v57 =	vmin.f32 v34, v20;
	v58 =	vmin.f32 v35, v24  }
.Ltmp24:
0x31b: {  	s6 =	simm.s32 $0x8D50;
	v33 =	vld [tilespmem:s19+$0xFFFFFFF0];
	v59 =	vsub.f32 v57, v31;
	v34 =	vsub.f32 v58, v32;
	(pc) =	sbr.rel @!p5 .LBB2_32-.Ltmp24, $4  }
0x31c: {  	v41 =	vsub.f32 v43, v41;
	v31 =	vld [tilespmem:s6+$0x0]  }
0x31d: {  	v62 =	vmax.f32 v60, $0.0e+00;
	v32 =	vld [tilespmem:s23+$0xFFFFFFF0];
	v35 =	vmax.f32 v59, $0.0e+00;
	v61 =	vmax.f32 v34, $0.0e+00  }
0x31e: {  	v63 =	vmax.f32 v41, $0.0e+00;
	v39 =	vadd.f32 v38, v25;
	v34 =	vld [tilespmem:s20+$0xFFFFFFF0];
	v36 =	vmul.f32 v61, v35  }
0x31f: {  	s7 =	sadd.s32 $0xFFFFFFFF, s7;
	s8 =	simm.s32 $0x8DD0;
	p4 =	por $0x1, $0x1;
	v38 =	vmul.f32 v63, v62;
	v40 =	vadd.f32 v37, v25;
	v37 =	vimm.f32 $0.0e+00;
	v35 =	vld [tilespmem:s6+$0xFFFFFFF0]  }
.LBB2_33:
0x320: {  	p5 =	sne.s32 s7, $0x1;
	v41 =	vmax.f32 v26, v22;
	v42 =	vmax.f32 v28, v23;
	v43 =	vld [tilespmem:s8+$0x0];
	v28 =	vsub.f32 v39, v36  }
0x321: {  	v44 =	vmin.f32 v30, v20;
	v45 =	vmin.f32 v31, v24;
	s19 =	sadd.s32 $0x20, s19;
	v39 =	vld [tilespmem:s8+$0xFFFFFFF0];
	v30 =	vsub.f32 v40, v38;
	v31 =	vpop (erf)  }
0x322: {  	s23 =	sadd.s32 $0x20, s23;
	v33 =	vmax.f32 v33, v22;
	v26 =	vld [tilespmem:s19+$0x0];
	(erf) = vrcp.f32 v28;
	v31 =	vmul.f32 v31, v29;
	v29 =	vpop (erf)  }
0x323: {  	s20 =	sadd.s32 $0x20, s20;
	v32 =	vmax.f32 v32, v23;
	v28 =	vld [tilespmem:s23+$0x0];
	(erf) = vrcp.f32 v30;
	v40 =	vmul.f32 v29, v27;
	v29 =	vmovc v36;
	v27 =	vmovc v38  }
0x324: {  	s6 =	sadd.s32 $0x20, s6;
	v34 =	vmin.f32 v34, v20;
	v30 =	vld [tilespmem:s20+$0x0];
	v35 =	vmin.f32 v35, v24;
	v36 =	vmax.f32 v37, v31  }
.Ltmp25:
0x325: {  	v34 =	vsub.f32 v34, v33;
	v31 =	vld [tilespmem:s6+$0x0];
	v35 =	vsub.f32 v35, v32;
	v37 =	vmax.f32 v36, v40;
	(pc) =	sbr.rel @p5 .LBB2_33-.Ltmp25, $4  }
0x326: {  	v38 =	vsub.f32 v44, v41;
	v40 =	vsub.f32 v45, v42;
	v33 =	vld [tilespmem:s19+$0xFFFFFFF0]  }
0x327: {  	v36 =	vmax.f32 v34, $0.0e+00;
	v39 =	vadd.f32 v39, v25;
	v32 =	vld [tilespmem:s23+$0xFFFFFFF0];
	v35 =	vmax.f32 v35, $0.0e+00  }
0x328: {  	v38 =	vmax.f32 v38, $0.0e+00;
	v40 =	vmax.f32 v40, $0.0e+00;
	v34 =	vld [tilespmem:s20+$0xFFFFFFF0];
	v36 =	vmul.f32 v35, v36  }
0x329: {  	s7 =	sadd.s32 $0xFFFFFFFF, s7;
	s8 =	sadd.s32 $0x20, s8;
	v38 =	vmul.f32 v40, v38;
	v40 =	vadd.f32 v43, v25;
	v35 =	vld [tilespmem:s6+$0xFFFFFFF0]  }
.LBB2_34:
0x32a: {  	_ =	sdelay $0x1  }
0x32b: {  	v26 =	vmax.f32 v26, v22;
	v28 =	vmax.f32 v28, v23;
	v30 =	vmin.f32 v30, v20  }
0x32c: {  	v39 =	vsub.f32 @p3 v39, v36;
	v41 =	vld [tilespmem:s8+$0xFFFFFFF0];
	v33 =	vmax.f32 v33, v22;
	v26 =	vsub.f32 v30, v26  }
0x32d: {  	v42 =	vld [tilespmem:s8+$0x0];
	v32 =	vmax.f32 v32, v23;
	v34 =	vmin.f32 v34, v20;
	v35 =	vmin.f32 v35, v24  }
0x32e: {  	v31 =	vmin.f32 v31, v24;
	v33 =	vsub.f32 v34, v33;
	v32 =	vsub.f32 v35, v32  }
0x32f: {  	v40 =	vsub.f32 @p3 v40, v38;
	v28 =	vsub.f32 v31, v28  }
0x330: {  	v26 =	vmax.f32 v26, $0.0e+00;
	v57 =	vmax.f32 v33, $0.0e+00;
	v58 =	vmax.f32 v32, $0.0e+00  }
0x331: {  	v28 =	vmax.f32 v28, $0.0e+00;
	v59 =	vadd.f32 v41, v25;
	v30 =	vmul.f32 v58, v57  }
0x332: {  	(erf) = vrcp.f32 @p3 v39;
	v26 =	vmul.f32 v28, v26;
	v60 =	vadd.f32 v42, v25  }
0x333: {  	(erf) = vrcp.f32 @p3 v40;
	v31 =	vsub.f32 v59, v30  }
0x334: {  	v28 =	vsub.f32 v60, v26  }
0x335: {  	(erf) = vrcp.f32 v31  }
0x336: {  	(erf) = vrcp.f32 v28;
	_ =	sdelay $0x1  }
0x337: {  	v28 =	vpop @p4 (erf)  }
0x338: {  	v31 =	vpop @p4 (erf);
	v28 =	vmul.f32 @p4 v28, v29  }
0x339: {  	v29 =	vmov @p3 v36;
	v27 =	vmul.f32 @p4 v31, v27  }
0x33a: {  	v32 =	vmov @p3 v38;
	v31 =	vpop @p3 (erf);
	v29 =	vpsel p3, v29, v0;
	v28 =	vmax.f32 @p4 v37, v28  }
0x33b: {  	v33 =	vpop @p3 (erf);
	v29 =	vmul.f32 @p3 v31, v29;
	v27 =	vmax.f32 @p4 v28, v27;
	v28 =	vpsel p3, v32, v0  }
0x33c: {  	v27 =	vpsel p4, v27, v15;
	v28 =	vmul.f32 @p3 v33, v28  }
0x33d: {  	v27 =	vmax.f32 @p3 v27, v29;
	v61 =	vpop (erf)  }
0x33e: {  	v27 =	vmax.f32 @p3 v27, v28;
	v62 =	vmul.f32 v61, v30;
	v63 =	vpop (erf)  }
0x33f: {  	v27 =	vpsel p3, v27, v15;
	v26 =	vmul.f32 v63, v26  }
0x340: {  	v27 =	vmax.f32 v27, v62  }
0x341: {  	v26 =	vmax.f32 v27, v26  }
.LBB2_35:
0x342: {  	vm1 =	veq.s32 v13, v3  }
0x343: {  	v13 =	vsel vm1, $0xFF800000, v12  }
0x344: {  	v27 =	vperm.xlane v13, v10;
	_ =	sdelay $0x1  }
0x345: {  	v12 =	vand.u32 $0xF, v6;
	v27 =	vmax.f32 v13, v27  }
0x346: {  	v28 =	vperm.xlane v27, v12;
	_ =	sdelay $0x1  }
0x347: {  	v29 =	vperm.xlane v26, v10;
	v13 =	vand.u32 $0xF, v8;
	v27 =	vmax.f32 v27, v28  }
0x348: {  	v28 =	vperm.xlane v27, v13  }
0x349: {  	v26 =	vmax.f32 v26, v29  }
0x34a: {  	v29 =	vperm.xlane v26, v12;
	v27 =	vmax.f32 v27, v28  }
0x34b: {  	v28 =	vperm.xlane v27, v9  }
0x34c: {  	v26 =	vmax.f32 v26, v29  }
0x34d: {  	vm1 =	veq.s32 v21, v3;
	v29 =	vperm.xlane v26, v13;
	v21 =	vmax.f32 v27, v28  }
0x34e: {  	v21 =	vsel vm1, v21, v16  }
0x34f: {  	v16 =	vmax.f32 v26, v29;
	v26 =	vperm.xlane v21, v10  }
0x350: {  	v27 =	vperm.xlane v16, v9  }
0x351: {  	v26 =	vmax.f32 v21, v26  }
0x352: {  	v16 =	vmax.f32 v16, v27;
	v27 =	vperm.xlane v26, v12  }
0x353: {  	vm2 =	vgt.f32 v18, $-Inf;
	vm1 =	vlt.f32 v18, $-Inf;
	vm3 =	vgt.f32 v16, $5.000000000e-01  }
0x354: {  	vm1 =	vmor vm2, vm1;
	vm2 =	vmneg vm3;
	v16 =	vmax.f32 v26, v27  }
0x355: {  	vm2 =	vmand vm1, vm2;
	v26 =	vperm.xlane v16, v13  }
0x356: {  	vm1 =	vmand vm2, vm0  }
0x357: {  	v16 =	vmax.f32 v16, v26  }
0x358: {  	v26 =	vperm.xlane v16, v9;
	_ =	sdelay $0x1  }
0x359: {  	v16 =	vmax.f32 v16, v26  }
0x35a: {  	vm3 =	veq.f32 v21, v16  }
0x35b: {  	[tilespmem:v14+s1+$0x0] =	vst.idx.msk vm1, v18;
	v27 =	vmctz.xlane vm3  }
0x35c: {  	[tilespmem:v14+s25+$0x0] =	vst.idx.msk vm1, v19  }
0x35d: {  	[tilespmem:v14+s28+$0x0] =	vst.idx.msk vm1, v22;
	v19 =	vshll.u32 v27, $0x4  }
0x35e: {  	[tilespmem:v14+s0+$0x0] =	vst.idx.msk vm1, v23;
	v18 =	vor.u32 v3, v19  }
0x35f: {  	[tilespmem:v14+s2+$0x0] =	vst.idx.msk vm1, v20  }
0x360: {  	[tilespmem:v14+s3+$0x0] =	vst.idx.msk vm1, v24  }
0x361: {  	[tilespmem:v14+s4+$0x0] =	vst.idx.msk vm1, v25  }
0x362: {  	[tilespmem:v17+s31+$0x0] =	vst.idx.msk $0x1, v7  }
0x363: {  	v17 =	vld.idx.msk [tilespmem:v18+s31+$0x0], $0xffff;
	_ =	sdelay $0x4  }
0x364: {  	vm1 =	veq.f32 v17, v16  }
0x365: {  	v18 =	vmctz.xlane vm1;
	_ =	sdelay $0x1  }
0x366: {  	v19 =	vadd.s32 v19, v18;
	_ =	sdelay $0x4  }
0x367: {  	v20 =	vld.idx.msk [tilespmem:v19+s5+$0x0], $0xffff;
	_ =	sdelay $0x4  }
0x368: {  	v22 =	vshll.u32 v20, $0x2  }
0x369: {  	v23 =	vor.u32 $0x1, v22  }
0x36a: {  	v26 =	vor.u32 $0x2, v22  }
0x36b: {  	v28 =	vor.u32 $0x3, v22;
	_ =	sdelay $0x1  }
0x36c: {  	v25 =	vld.idx.msk [tilespmem:v22+s29+$0x0], $0xffff  }
0x36d: {  	v24 =	vld.idx.msk [tilespmem:v23+s29+$0x0], $0xffff  }
0x36e: {  	v22 =	vld.idx.msk [tilespmem:v26+s29+$0x0], $0xffff  }
0x36f: {  	v23 =	vld.idx.msk [tilespmem:v28+s29+$0x0], $0xffff;
	_ =	sdelay $0x2  }
.Ltmp26:
0x370: {  	_ = 	snop;
	(pc) =	sbr.rel @p2 .LBB2_44-.Ltmp26, $3  }
0x371: {  	_ = 	snop  }
0x372: {  	v26 =	vsub.f32 v22, v25;
	v28 =	vsub.f32 v23, v24;
	_ =	sdelay $0x1  }
0x373: {  	v26 =	vmul.f32 v28, v26  }
0x374: {  	s6 =	simm.s32 $0x8B90  }
0x375: {  	s7 =	simm.s32 $0x8C10;
	v28 =	vld [tilespmem:s6+$0x0]  }
0x376: {  	s19 =	simm.s32 $0x8C90;
	v30 =	vld [tilespmem:s7+$0x0]  }
0x377: {  	s20 =	simm.s32 $0x8D10;
	p5 =	sne.s32 s30, $0x1;
	v32 =	vld [tilespmem:s19+$0x0]  }
.Ltmp27:
0x378: {  	v33 =	vld [tilespmem:s20+$0x0];
	(pc) =	sbr.rel @!p5 .LBB2_37-.Ltmp27, $4  }
0x379: {  	v35 =	vld [tilespmem:s6+$0xFFFFFFF0]  }
0x37a: {  	v34 =	vld [tilespmem:s7+$0xFFFFFFF0]  }
0x37b: {  	s8 =	simm.s32 $0x8D90;
	v36 =	vld [tilespmem:s19+$0xFFFFFFF0]  }
0x37c: {  	p3 =	por $0x0, $0x0;
	p4 =	por $0x0, $0x0;
	v37 =	vld [tilespmem:s20+$0xFFFFFFF0];
	s6 =	sadd.s32 $0xFFFFFFFF, s30  }
0x37d: {  	v38 =	vld [tilespmem:s8+$0x0]  }
0x37e: {  	v31 =	vld [tilespmem:s8+$0xFFFFFFF0];
	s7 =	simm.s32 $0x8BB0  }
0x37f: {  	v29 =	vmax.f32 v28, v25;
	s26 =	simm.s32 $0x8C30;
	v28 =	vld [tilespmem:s7+$0x0]  }
0x380: {  	v39 =	vmax.f32 v30, v24;
	v40 =	vmin.f32 v32, v22;
	v41 =	vmin.f32 v33, v23;
	s19 =	simm.s32 $0x8CB0;
	v30 =	vld [tilespmem:s26+$0x0]  }
0x381: {  	s20 =	simm.s32 $0x8D30;
	p5 =	sne.s32 s6, $0x1;
	v35 =	vmax.f32 v35, v25;
	v32 =	vld [tilespmem:s19+$0x0];
	v29 =	vsub.f32 v40, v29;
	v39 =	vsub.f32 v41, v39  }
.Ltmp28:
0x382: {  	v33 =	vld [tilespmem:s20+$0x0];
	v34 =	vmax.f32 v34, v24;
	v36 =	vmin.f32 v36, v22;
	v37 =	vmin.f32 v37, v23;
	(pc) =	sbr.rel @!p5 .LBB2_39-.Ltmp28, $4  }
0x383: {  	v36 =	vsub.f32 v36, v35;
	v35 =	vld [tilespmem:s7+$0xFFFFFFF0];
	v37 =	vsub.f32 v37, v34  }
0x384: {  	v29 =	vmax.f32 v29, $0.0e+00;
	v39 =	vmax.f32 v39, $0.0e+00;
	v34 =	vld [tilespmem:s26+$0xFFFFFFF0]  }
0x385: {  	v29 =	vmul.f32 v39, v29;
	v63 =	vmax.f32 v36, $0.0e+00;
	v36 =	vld [tilespmem:s19+$0xFFFFFFF0];
	v37 =	vmax.f32 v37, $0.0e+00  }
0x386: {  	s8 =	simm.s32 $0x8DB0;
	p3 =	por $0x1, $0x1;
	s7 =	sadd.s32 $0xFFFFFFFF, s6;
	v41 =	vadd.f32 v31, v26;
	v42 =	vadd.f32 v38, v26;
	v31 =	vmul.f32 v37, v63;
	v37 =	vld [tilespmem:s20+$0xFFFFFFF0]  }
0x387: {  	_ = 	snop  }
0x388: {  	v39 =	vld [tilespmem:s8+$0x0];
	v41 =	vsub.f32 v41, v31  }
0x389: {  	v38 =	vmax.f32 v28, v25;
	v40 =	vld [tilespmem:s8+$0xFFFFFFF0];
	s19 =	simm.s32 $0x8BD0;
	v42 =	vsub.f32 v42, v29  }
0x38a: {  	v43 =	vmax.f32 v30, v24;
	v44 =	vmin.f32 v32, v22;
	s23 =	simm.s32 $0x8C50;
	v28 =	vld [tilespmem:s19+$0x0];
	(erf) = vrcp.f32 v41  }
0x38b: {  	s20 =	simm.s32 $0x8CD0;
	v56 =	vmax.f32 v35, v25;
	v30 =	vld [tilespmem:s23+$0x0];
	v60 =	vsub.f32 v44, v38;
	(erf) = vrcp.f32 v42  }
0x38c: {  	s6 =	simm.s32 $0x8D50;
	p5 =	sne.s32 s7, $0x1;
	v32 =	vld [tilespmem:s20+$0x0];
	v34 =	vmax.f32 v34, v24;
	v57 =	vmin.f32 v36, v22;
	v58 =	vmin.f32 v37, v23  }
.Ltmp29:
0x38d: {  	v45 =	vmin.f32 v33, v23;
	v33 =	vld [tilespmem:s6+$0x0];
	v59 =	vsub.f32 v57, v56;
	v36 =	vsub.f32 v58, v34;
	(pc) =	sbr.rel @!p5 .LBB2_41-.Ltmp29, $4  }
0x38e: {  	v35 =	vld [tilespmem:s19+$0xFFFFFFF0];
	v43 =	vsub.f32 v45, v43  }
0x38f: {  	v62 =	vmax.f32 v60, $0.0e+00;
	v34 =	vld [tilespmem:s23+$0xFFFFFFF0];
	v37 =	vmax.f32 v59, $0.0e+00;
	v61 =	vmax.f32 v36, $0.0e+00  }
0x390: {  	v63 =	vmax.f32 v43, $0.0e+00;
	v41 =	vadd.f32 v40, v26;
	v36 =	vld [tilespmem:s20+$0xFFFFFFF0];
	v38 =	vmul.f32 v61, v37  }
0x391: {  	s7 =	sadd.s32 $0xFFFFFFFF, s7;
	s8 =	simm.s32 $0x8DD0;
	p4 =	por $0x1, $0x1;
	v40 =	vmul.f32 v63, v62;
	v42 =	vadd.f32 v39, v26;
	v39 =	vimm.f32 $0.0e+00;
	v37 =	vld [tilespmem:s6+$0xFFFFFFF0]  }
.LBB2_42:
0x392: {  	p5 =	sne.s32 s7, $0x1;
	v43 =	vmax.f32 v28, v25;
	v44 =	vmax.f32 v30, v24;
	v45 =	vld [tilespmem:s8+$0x0];
	v30 =	vsub.f32 v41, v38  }
0x393: {  	v46 =	vmin.f32 v32, v22;
	v47 =	vmin.f32 v33, v23;
	s19 =	sadd.s32 $0x20, s19;
	v41 =	vld [tilespmem:s8+$0xFFFFFFF0];
	v32 =	vsub.f32 v42, v40;
	v33 =	vpop (erf)  }
0x394: {  	s23 =	sadd.s32 $0x20, s23;
	v35 =	vmax.f32 v35, v25;
	v28 =	vld [tilespmem:s19+$0x0];
	(erf) = vrcp.f32 v30;
	v33 =	vmul.f32 v33, v31;
	v31 =	vpop (erf)  }
0x395: {  	s20 =	sadd.s32 $0x20, s20;
	v34 =	vmax.f32 v34, v24;
	v30 =	vld [tilespmem:s23+$0x0];
	(erf) = vrcp.f32 v32;
	v42 =	vmul.f32 v31, v29;
	v31 =	vmovc v38;
	v29 =	vmovc v40  }
0x396: {  	s6 =	sadd.s32 $0x20, s6;
	v36 =	vmin.f32 v36, v22;
	v32 =	vld [tilespmem:s20+$0x0];
	v37 =	vmin.f32 v37, v23;
	v38 =	vmax.f32 v39, v33  }
.Ltmp30:
0x397: {  	v36 =	vsub.f32 v36, v35;
	v33 =	vld [tilespmem:s6+$0x0];
	v37 =	vsub.f32 v37, v34;
	v39 =	vmax.f32 v38, v42;
	(pc) =	sbr.rel @p5 .LBB2_42-.Ltmp30, $4  }
0x398: {  	v40 =	vsub.f32 v46, v43;
	v42 =	vsub.f32 v47, v44;
	v35 =	vld [tilespmem:s19+$0xFFFFFFF0]  }
0x399: {  	v38 =	vmax.f32 v36, $0.0e+00;
	v41 =	vadd.f32 v41, v26;
	v34 =	vld [tilespmem:s23+$0xFFFFFFF0];
	v37 =	vmax.f32 v37, $0.0e+00  }
0x39a: {  	v40 =	vmax.f32 v40, $0.0e+00;
	v42 =	vmax.f32 v42, $0.0e+00;
	v36 =	vld [tilespmem:s20+$0xFFFFFFF0];
	v38 =	vmul.f32 v37, v38  }
0x39b: {  	s7 =	sadd.s32 $0xFFFFFFFF, s7;
	s8 =	sadd.s32 $0x20, s8;
	v40 =	vmul.f32 v42, v40;
	v42 =	vadd.f32 v45, v26;
	v37 =	vld [tilespmem:s6+$0xFFFFFFF0]  }
.LBB2_43:
0x39c: {  	_ =	sdelay $0x1  }
0x39d: {  	v28 =	vmax.f32 v28, v25;
	v30 =	vmax.f32 v30, v24;
	v32 =	vmin.f32 v32, v22  }
0x39e: {  	v41 =	vsub.f32 @p3 v41, v38;
	v43 =	vld [tilespmem:s8+$0xFFFFFFF0];
	v35 =	vmax.f32 v35, v25;
	v28 =	vsub.f32 v32, v28  }
0x39f: {  	v44 =	vld [tilespmem:s8+$0x0];
	v34 =	vmax.f32 v34, v24;
	v36 =	vmin.f32 v36, v22;
	v37 =	vmin.f32 v37, v23  }
0x3a0: {  	v33 =	vmin.f32 v33, v23;
	v35 =	vsub.f32 v36, v35;
	v34 =	vsub.f32 v37, v34  }
0x3a1: {  	v42 =	vsub.f32 @p3 v42, v40;
	v30 =	vsub.f32 v33, v30  }
0x3a2: {  	v28 =	vmax.f32 v28, $0.0e+00;
	v57 =	vmax.f32 v35, $0.0e+00;
	v58 =	vmax.f32 v34, $0.0e+00  }
0x3a3: {  	v30 =	vmax.f32 v30, $0.0e+00;
	v59 =	vadd.f32 v43, v26;
	v32 =	vmul.f32 v58, v57  }
0x3a4: {  	(erf) = vrcp.f32 @p3 v41;
	v28 =	vmul.f32 v30, v28;
	v60 =	vadd.f32 v44, v26  }
0x3a5: {  	(erf) = vrcp.f32 @p3 v42;
	v33 =	vsub.f32 v59, v32  }
0x3a6: {  	v30 =	vsub.f32 v60, v28  }
0x3a7: {  	(erf) = vrcp.f32 v33  }
0x3a8: {  	(erf) = vrcp.f32 v30;
	_ =	sdelay $0x1  }
0x3a9: {  	v30 =	vpop @p4 (erf)  }
0x3aa: {  	v33 =	vpop @p4 (erf);
	v30 =	vmul.f32 @p4 v30, v31  }
0x3ab: {  	v31 =	vmov @p3 v38;
	v29 =	vmul.f32 @p4 v33, v29  }
0x3ac: {  	v34 =	vmov @p3 v40;
	v33 =	vpop @p3 (erf);
	v31 =	vpsel p3, v31, v0;
	v30 =	vmax.f32 @p4 v39, v30  }
0x3ad: {  	v35 =	vpop @p3 (erf);
	v31 =	vmul.f32 @p3 v33, v31;
	v29 =	vmax.f32 @p4 v30, v29;
	v30 =	vpsel p3, v34, v0  }
0x3ae: {  	v29 =	vpsel p4, v29, v15;
	v30 =	vmul.f32 @p3 v35, v30  }
0x3af: {  	v29 =	vmax.f32 @p3 v29, v31;
	v61 =	vpop (erf)  }
0x3b0: {  	v29 =	vmax.f32 @p3 v29, v30;
	v62 =	vmul.f32 v61, v32;
	v63 =	vpop (erf)  }
0x3b1: {  	v15 =	vpsel p3, v29, v15;
	v28 =	vmul.f32 v63, v28  }
0x3b2: {  	v15 =	vmax.f32 v15, v62  }
0x3b3: {  	v15 =	vmax.f32 v15, v28  }
.LBB2_44:
0x3b4: {  	vm1 =	veq.s32 v18, v3  }
0x3b5: {  	v17 =	vsel vm1, $0xFF800000, v17  }
0x3b6: {  	v18 =	vperm.xlane v17, v10;
	_ =	sdelay $0x1  }
0x3b7: {  	v17 =	vmax.f32 v17, v18  }
0x3b8: {  	v18 =	vperm.xlane v17, v12;
	_ =	sdelay $0x1  }
0x3b9: {  	v28 =	vperm.xlane v15, v10;
	v17 =	vmax.f32 v17, v18  }
0x3ba: {  	v18 =	vperm.xlane v17, v13  }
0x3bb: {  	v15 =	vmax.f32 v15, v28  }
0x3bc: {  	v28 =	vperm.xlane v15, v12;
	v17 =	vmax.f32 v17, v18  }
0x3bd: {  	v18 =	vperm.xlane v17, v9  }
0x3be: {  	v28 =	vmax.f32 v15, v28  }
0x3bf: {  	vm1 =	veq.s32 v27, v3;
	v29 =	vperm.xlane v28, v13;
	v15 =	vmax.f32 v17, v18  }
0x3c0: {  	v15 =	vsel vm1, v15, v21  }
0x3c1: {  	v17 =	vmax.f32 v28, v29;
	v18 =	vperm.xlane v15, v10  }
0x3c2: {  	v21 =	vperm.xlane v17, v9  }
0x3c3: {  	v18 =	vmax.f32 v15, v18  }
0x3c4: {  	v17 =	vmax.f32 v17, v21;
	v21 =	vperm.xlane v18, v12  }
0x3c5: {  	vm3 =	vgt.f32 v16, $-Inf;
	vm1 =	vlt.f32 v16, $-Inf;
	vm4 =	vgt.f32 v17, $5.000000000e-01  }
0x3c6: {  	vm1 =	vmor vm3, vm1;
	vm3 =	vmneg vm4;
	v17 =	vmax.f32 v18, v21  }
0x3c7: {  	vm1 =	vmand vm1, vm3;
	v21 =	vperm.xlane v17, v13  }
0x3c8: {  	v18 =	vsel vm2, $0x1, v0;
	vm2 =	vmand vm1, vm0  }
0x3c9: {  	v18 =	vadd.s32 v18, v14;
	v14 =	vmax.f32 v17, v21  }
0x3ca: {  	v17 =	vperm.xlane v14, v9;
	_ =	sdelay $0x1  }
0x3cb: {  	v17 =	vmax.f32 v14, v17  }
0x3cc: {  	vm3 =	veq.f32 v15, v17  }
0x3cd: {  	[tilespmem:v18+s1+$0x0] =	vst.idx.msk vm2, v16;
	v27 =	vmctz.xlane vm3  }
0x3ce: {  	[tilespmem:v18+s25+$0x0] =	vst.idx.msk vm2, v20  }
0x3cf: {  	[tilespmem:v18+s28+$0x0] =	vst.idx.msk vm2, v25;
	v14 =	vshll.u32 v27, $0x4  }
0x3d0: {  	[tilespmem:v18+s0+$0x0] =	vst.idx.msk vm2, v24;
	v16 =	vor.u32 v3, v14  }
0x3d1: {  	[tilespmem:v18+s2+$0x0] =	vst.idx.msk vm2, v22  }
0x3d2: {  	[tilespmem:v18+s3+$0x0] =	vst.idx.msk vm2, v23  }
0x3d3: {  	[tilespmem:v18+s4+$0x0] =	vst.idx.msk vm2, v26  }
0x3d4: {  	[tilespmem:v19+s31+$0x0] =	vst.idx.msk $0x1, v7  }
0x3d5: {  	v16 =	vld.idx.msk [tilespmem:v16+s31+$0x0], $0xffff;
	_ =	sdelay $0x4  }
0x3d6: {  	vm2 =	veq.f32 v16, v17  }
0x3d7: {  	v26 =	vmctz.xlane vm2;
	_ =	sdelay $0x1  }
0x3d8: {  	v19 =	vadd.s32 v14, v26;
	_ =	sdelay $0x4  }
0x3d9: {  	v20 =	vld.idx.msk [tilespmem:v19+s5+$0x0], $0xffff;
	_ =	sdelay $0x4  }
0x3da: {  	v14 =	vshll.u32 v20, $0x2  }
0x3db: {  	v21 =	vor.u32 $0x1, v14  }
0x3dc: {  	v22 =	vor.u32 $0x2, v14  }
0x3dd: {  	v25 =	vor.u32 $0x3, v14;
	_ =	sdelay $0x1  }
0x3de: {  	v24 =	vld.idx.msk [tilespmem:v14+s29+$0x0], $0xffff  }
0x3df: {  	v23 =	vld.idx.msk [tilespmem:v21+s29+$0x0], $0xffff  }
0x3e0: {  	v21 =	vld.idx.msk [tilespmem:v22+s29+$0x0], $0xffff  }
0x3e1: {  	v22 =	vld.idx.msk [tilespmem:v25+s29+$0x0], $0xffff;
	_ =	sdelay $0x2  }
.Ltmp31:
0x3e2: {  	_ = 	snop;
	(pc) =	sbr.rel @p2 .LBB2_53-.Ltmp31, $3  }
0x3e3: {  	_ = 	snop  }
0x3e4: {  	v14 =	vsub.f32 v21, v24;
	v25 =	vsub.f32 v22, v23;
	_ =	sdelay $0x1  }
0x3e5: {  	v28 =	vimm.f32 $0.0e+00;
	v25 =	vmul.f32 v25, v14;
	v14 =	vimm.f32 $0.0e+00  }
0x3e6: {  	s6 =	simm.s32 $0x8B90  }
0x3e7: {  	s7 =	simm.s32 $0x8C10;
	v28 =	vld [tilespmem:s6+$0x0]  }
0x3e8: {  	s19 =	simm.s32 $0x8C90;
	v30 =	vld [tilespmem:s7+$0x0]  }
0x3e9: {  	s20 =	simm.s32 $0x8D10;
	p5 =	sne.s32 s30, $0x1;
	v32 =	vld [tilespmem:s19+$0x0]  }
.Ltmp32:
0x3ea: {  	v33 =	vld [tilespmem:s20+$0x0];
	(pc) =	sbr.rel @!p5 .LBB2_46-.Ltmp32, $4  }
0x3eb: {  	v35 =	vld [tilespmem:s6+$0xFFFFFFF0]  }
0x3ec: {  	v34 =	vld [tilespmem:s7+$0xFFFFFFF0]  }
0x3ed: {  	s8 =	simm.s32 $0x8D90;
	v36 =	vld [tilespmem:s19+$0xFFFFFFF0]  }
0x3ee: {  	p3 =	por $0x0, $0x0;
	p4 =	por $0x0, $0x0;
	v37 =	vld [tilespmem:s20+$0xFFFFFFF0];
	s6 =	sadd.s32 $0xFFFFFFFF, s30  }
0x3ef: {  	v38 =	vld [tilespmem:s8+$0x0]  }
0x3f0: {  	v31 =	vld [tilespmem:s8+$0xFFFFFFF0];
	s7 =	simm.s32 $0x8BB0  }
0x3f1: {  	v29 =	vmax.f32 v28, v24;
	s26 =	simm.s32 $0x8C30;
	v28 =	vld [tilespmem:s7+$0x0]  }
0x3f2: {  	v39 =	vmax.f32 v30, v23;
	v40 =	vmin.f32 v32, v21;
	v41 =	vmin.f32 v33, v22;
	s19 =	simm.s32 $0x8CB0;
	v30 =	vld [tilespmem:s26+$0x0]  }
0x3f3: {  	s20 =	simm.s32 $0x8D30;
	p5 =	sne.s32 s6, $0x1;
	v35 =	vmax.f32 v35, v24;
	v32 =	vld [tilespmem:s19+$0x0];
	v29 =	vsub.f32 v40, v29;
	v39 =	vsub.f32 v41, v39  }
.Ltmp33:
0x3f4: {  	v33 =	vld [tilespmem:s20+$0x0];
	v34 =	vmax.f32 v34, v23;
	v36 =	vmin.f32 v36, v21;
	v37 =	vmin.f32 v37, v22;
	(pc) =	sbr.rel @!p5 .LBB2_48-.Ltmp33, $4  }
0x3f5: {  	v36 =	vsub.f32 v36, v35;
	v35 =	vld [tilespmem:s7+$0xFFFFFFF0];
	v37 =	vsub.f32 v37, v34  }
0x3f6: {  	v29 =	vmax.f32 v29, $0.0e+00;
	v39 =	vmax.f32 v39, $0.0e+00;
	v34 =	vld [tilespmem:s26+$0xFFFFFFF0]  }
0x3f7: {  	v29 =	vmul.f32 v39, v29;
	v63 =	vmax.f32 v36, $0.0e+00;
	v36 =	vld [tilespmem:s19+$0xFFFFFFF0];
	v37 =	vmax.f32 v37, $0.0e+00  }
0x3f8: {  	s8 =	simm.s32 $0x8DB0;
	p3 =	por $0x1, $0x1;
	s7 =	sadd.s32 $0xFFFFFFFF, s6;
	v41 =	vadd.f32 v31, v25;
	v42 =	vadd.f32 v38, v25;
	v31 =	vmul.f32 v37, v63;
	v37 =	vld [tilespmem:s20+$0xFFFFFFF0]  }
0x3f9: {  	_ = 	snop  }
0x3fa: {  	v39 =	vld [tilespmem:s8+$0x0];
	v41 =	vsub.f32 v41, v31  }
0x3fb: {  	v38 =	vmax.f32 v28, v24;
	v40 =	vld [tilespmem:s8+$0xFFFFFFF0];
	s19 =	simm.s32 $0x8BD0;
	v42 =	vsub.f32 v42, v29  }
0x3fc: {  	v43 =	vmax.f32 v30, v23;
	v44 =	vmin.f32 v32, v21;
	s23 =	simm.s32 $0x8C50;
	v28 =	vld [tilespmem:s19+$0x0];
	(erf) = vrcp.f32 v41  }
0x3fd: {  	s20 =	simm.s32 $0x8CD0;
	v56 =	vmax.f32 v35, v24;
	v30 =	vld [tilespmem:s23+$0x0];
	v60 =	vsub.f32 v44, v38;
	(erf) = vrcp.f32 v42  }
0x3fe: {  	s6 =	simm.s32 $0x8D50;
	p5 =	sne.s32 s7, $0x1;
	v32 =	vld [tilespmem:s20+$0x0];
	v34 =	vmax.f32 v34, v23;
	v57 =	vmin.f32 v36, v21;
	v58 =	vmin.f32 v37, v22  }
.Ltmp34:
0x3ff: {  	v45 =	vmin.f32 v33, v22;
	v33 =	vld [tilespmem:s6+$0x0];
	v59 =	vsub.f32 v57, v56;
	v36 =	vsub.f32 v58, v34;
	(pc) =	sbr.rel @!p5 .LBB2_50-.Ltmp34, $4  }
0x400: {  	v35 =	vld [tilespmem:s19+$0xFFFFFFF0];
	v43 =	vsub.f32 v45, v43  }
0x401: {  	v62 =	vmax.f32 v60, $0.0e+00;
	v34 =	vld [tilespmem:s23+$0xFFFFFFF0];
	v37 =	vmax.f32 v59, $0.0e+00;
	v61 =	vmax.f32 v36, $0.0e+00  }
0x402: {  	v63 =	vmax.f32 v43, $0.0e+00;
	v41 =	vadd.f32 v40, v25;
	v36 =	vld [tilespmem:s20+$0xFFFFFFF0];
	v38 =	vmul.f32 v61, v37  }
0x403: {  	s7 =	sadd.s32 $0xFFFFFFFF, s7;
	s8 =	simm.s32 $0x8DD0;
	p4 =	por $0x1, $0x1;
	v40 =	vmul.f32 v63, v62;
	v42 =	vadd.f32 v39, v25;
	v39 =	vimm.f32 $0.0e+00;
	v37 =	vld [tilespmem:s6+$0xFFFFFFF0]  }
.LBB2_51:
0x404: {  	p5 =	sne.s32 s7, $0x1;
	v43 =	vmax.f32 v28, v24;
	v44 =	vmax.f32 v30, v23;
	v45 =	vld [tilespmem:s8+$0x0];
	v30 =	vsub.f32 v41, v38  }
0x405: {  	v46 =	vmin.f32 v32, v21;
	v47 =	vmin.f32 v33, v22;
	s19 =	sadd.s32 $0x20, s19;
	v41 =	vld [tilespmem:s8+$0xFFFFFFF0];
	v32 =	vsub.f32 v42, v40;
	v33 =	vpop (erf)  }
0x406: {  	s23 =	sadd.s32 $0x20, s23;
	v35 =	vmax.f32 v35, v24;
	v28 =	vld [tilespmem:s19+$0x0];
	(erf) = vrcp.f32 v30;
	v33 =	vmul.f32 v33, v31;
	v31 =	vpop (erf)  }
0x407: {  	s20 =	sadd.s32 $0x20, s20;
	v34 =	vmax.f32 v34, v23;
	v30 =	vld [tilespmem:s23+$0x0];
	(erf) = vrcp.f32 v32;
	v42 =	vmul.f32 v31, v29;
	v31 =	vmovc v38;
	v29 =	vmovc v40  }
0x408: {  	s6 =	sadd.s32 $0x20, s6;
	v36 =	vmin.f32 v36, v21;
	v32 =	vld [tilespmem:s20+$0x0];
	v37 =	vmin.f32 v37, v22;
	v38 =	vmax.f32 v39, v33  }
.Ltmp35:
0x409: {  	v36 =	vsub.f32 v36, v35;
	v33 =	vld [tilespmem:s6+$0x0];
	v37 =	vsub.f32 v37, v34;
	v39 =	vmax.f32 v38, v42;
	(pc) =	sbr.rel @p5 .LBB2_51-.Ltmp35, $4  }
0x40a: {  	v40 =	vsub.f32 v46, v43;
	v42 =	vsub.f32 v47, v44;
	v35 =	vld [tilespmem:s19+$0xFFFFFFF0]  }
0x40b: {  	v38 =	vmax.f32 v36, $0.0e+00;
	v41 =	vadd.f32 v41, v25;
	v34 =	vld [tilespmem:s23+$0xFFFFFFF0];
	v37 =	vmax.f32 v37, $0.0e+00  }
0x40c: {  	v40 =	vmax.f32 v40, $0.0e+00;
	v42 =	vmax.f32 v42, $0.0e+00;
	v36 =	vld [tilespmem:s20+$0xFFFFFFF0];
	v38 =	vmul.f32 v37, v38  }
0x40d: {  	s7 =	sadd.s32 $0xFFFFFFFF, s7;
	s8 =	sadd.s32 $0x20, s8;
	v40 =	vmul.f32 v42, v40;
	v42 =	vadd.f32 v45, v25;
	v37 =	vld [tilespmem:s6+$0xFFFFFFF0]  }
.LBB2_52:
0x40e: {  	_ = 	snop  }
0x40f: {  	v28 =	vmax.f32 v28, v24;
	v30 =	vmax.f32 v30, v23;
	v41 =	vsub.f32 @p3 v41, v38  }
0x410: {  	v43 =	vld [tilespmem:s8+$0xFFFFFFF0];
	v32 =	vmin.f32 v32, v21;
	v33 =	vmin.f32 v33, v22;
	v42 =	vsub.f32 @p3 v42, v40  }
0x411: {  	v44 =	vld [tilespmem:s8+$0x0];
	v35 =	vmax.f32 v35, v24;
	v28 =	vsub.f32 v32, v28;
	v30 =	vsub.f32 v33, v30  }
0x412: {  	v34 =	vmax.f32 v34, v23;
	v36 =	vmin.f32 v36, v21;
	v37 =	vmin.f32 v37, v22  }
0x413: {  	v35 =	vsub.f32 v36, v35;
	v34 =	vsub.f32 v37, v34  }
0x414: {  	(erf) = vrcp.f32 @p3 v41;
	v28 =	vmax.f32 v28, $0.0e+00;
	v30 =	vmax.f32 v30, $0.0e+00  }
0x415: {  	v28 =	vmul.f32 v30, v28;
	v61 =	vmax.f32 v35, $0.0e+00;
	v62 =	vmax.f32 v34, $0.0e+00  }
0x416: {  	v63 =	vadd.f32 v43, v25;
	v30 =	vadd.f32 v44, v25;
	v32 =	vmul.f32 v62, v61;
	_ =	sdelay $0x1  }
0x417: {  	(erf) = vrcp.f32 @p3 v42;
	v30 =	vsub.f32 v30, v28;
	v33 =	vsub.f32 v63, v32;
	_ =	sdelay $0x1  }
0x418: {  	(erf) = vrcp.f32 v33  }
0x419: {  	(erf) = vrcp.f32 v30  }
0x41a: {  	v30 =	vpop @p4 (erf)  }
0x41b: {  	v33 =	vpop @p4 (erf);
	v30 =	vmul.f32 @p4 v30, v31;
	v31 =	vmov @p3 v38  }
0x41c: {  	v29 =	vmul.f32 @p4 v33, v29;
	v33 =	vpop @p3 (erf);
	v31 =	vpsel p3, v31, v0  }
0x41d: {  	v31 =	vmul.f32 @p3 v33, v31  }
0x41e: {  	v34 =	vmov @p3 v40;
	v30 =	vmax.f32 @p4 v39, v30  }
0x41f: {  	v35 =	vpop @p3 (erf);
	v29 =	vmax.f32 @p4 v30, v29;
	v30 =	vpsel p3, v34, v0  }
0x420: {  	v29 =	vpsel p4, v29, v14;
	v30 =	vmul.f32 @p3 v35, v30  }
0x421: {  	v29 =	vmax.f32 @p3 v29, v31;
	v31 =	vpop (erf)  }
0x422: {  	v29 =	vmax.f32 @p3 v29, v30;
	v30 =	vmul.f32 v31, v32;
	v31 =	vpop (erf)  }
0x423: {  	v29 =	vpsel p3, v29, v14;
	v28 =	vmul.f32 v31, v28  }
0x424: {  	v29 =	vmax.f32 v29, v30  }
0x425: {  	v28 =	vmax.f32 v29, v28  }
.LBB2_53:
0x426: {  	vm2 =	veq.s32 v26, v3  }
0x427: {  	v16 =	vsel vm2, $0xFF800000, v16  }
0x428: {  	v26 =	vperm.xlane v16, v10;
	_ =	sdelay $0x1  }
0x429: {  	v16 =	vmax.f32 v16, v26  }
0x42a: {  	v26 =	vperm.xlane v16, v12;
	_ =	sdelay $0x1  }
0x42b: {  	v29 =	vperm.xlane v28, v10;
	v16 =	vmax.f32 v16, v26  }
0x42c: {  	v26 =	vperm.xlane v16, v13  }
0x42d: {  	v28 =	vmax.f32 v28, v29  }
0x42e: {  	v29 =	vperm.xlane v28, v12;
	v16 =	vmax.f32 v16, v26  }
0x42f: {  	v26 =	vperm.xlane v16, v9  }
0x430: {  	v28 =	vmax.f32 v28, v29  }
0x431: {  	vm2 =	veq.s32 v27, v3;
	v29 =	vperm.xlane v28, v13;
	v16 =	vmax.f32 v16, v26  }
0x432: {  	v15 =	vsel vm2, v16, v15  }
0x433: {  	v16 =	vmax.f32 v28, v29;
	v26 =	vperm.xlane v15, v10  }
0x434: {  	v27 =	vperm.xlane v16, v9  }
0x435: {  	v26 =	vmax.f32 v15, v26  }
0x436: {  	v16 =	vmax.f32 v16, v27;
	v27 =	vperm.xlane v26, v12  }
0x437: {  	vm3 =	vgt.f32 v17, $-Inf;
	vm2 =	vlt.f32 v17, $-Inf;
	vm4 =	vgt.f32 v16, $5.000000000e-01  }
0x438: {  	vm2 =	vmor vm3, vm2;
	vm3 =	vmneg vm4;
	v16 =	vmax.f32 v26, v27  }
0x439: {  	vm2 =	vmand vm2, vm3;
	v27 =	vperm.xlane v16, v13  }
0x43a: {  	v26 =	vsel vm1, $0x1, v0;
	vm1 =	vmand vm2, vm0  }
0x43b: {  	v26 =	vadd.s32 v26, v18;
	v16 =	vmax.f32 v16, v27  }
0x43c: {  	v18 =	vperm.xlane v16, v9;
	_ =	sdelay $0x1  }
0x43d: {  	v18 =	vmax.f32 v16, v18  }
0x43e: {  	vm3 =	veq.f32 v15, v18  }
0x43f: {  	[tilespmem:v26+s1+$0x0] =	vst.idx.msk vm1, v17;
	v16 =	vmctz.xlane vm3  }
0x440: {  	[tilespmem:v26+s25+$0x0] =	vst.idx.msk vm1, v20  }
0x441: {  	[tilespmem:v26+s28+$0x0] =	vst.idx.msk vm1, v24;
	v17 =	vshll.u32 v16, $0x4  }
0x442: {  	[tilespmem:v26+s0+$0x0] =	vst.idx.msk vm1, v23;
	v20 =	vor.u32 v3, v17  }
0x443: {  	[tilespmem:v26+s2+$0x0] =	vst.idx.msk vm1, v21  }
0x444: {  	[tilespmem:v26+s3+$0x0] =	vst.idx.msk vm1, v22  }
0x445: {  	[tilespmem:v26+s4+$0x0] =	vst.idx.msk vm1, v25  }
0x446: {  	[tilespmem:v19+s31+$0x0] =	vst.idx.msk $0x1, v7  }
0x447: {  	v23 =	vld.idx.msk [tilespmem:v20+s31+$0x0], $0xffff;
	_ =	sdelay $0x4  }
0x448: {  	vm1 =	veq.f32 v23, v18  }
0x449: {  	v27 =	vmctz.xlane vm1;
	_ =	sdelay $0x1  }
0x44a: {  	v17 =	vadd.s32 v17, v27;
	_ =	sdelay $0x4  }
0x44b: {  	v21 =	vld.idx.msk [tilespmem:v17+s5+$0x0], $0xffff;
	_ =	sdelay $0x4  }
0x44c: {  	v19 =	vshll.u32 v21, $0x2  }
0x44d: {  	v20 =	vor.u32 $0x1, v19  }
0x44e: {  	v22 =	vor.u32 $0x2, v19  }
0x44f: {  	v28 =	vor.u32 $0x3, v19;
	_ =	sdelay $0x1  }
0x450: {  	v24 =	vld.idx.msk [tilespmem:v19+s29+$0x0], $0xffff  }
0x451: {  	v25 =	vld.idx.msk [tilespmem:v20+s29+$0x0], $0xffff  }
0x452: {  	v22 =	vld.idx.msk [tilespmem:v22+s29+$0x0], $0xffff  }
0x453: {  	v19 =	vld.idx.msk [tilespmem:v28+s29+$0x0], $0xffff;
	_ =	sdelay $0x2  }
.Ltmp36:
0x454: {  	_ = 	snop;
	(pc) =	sbr.rel @p2 .LBB2_62-.Ltmp36, $3  }
0x455: {  	_ = 	snop  }
0x456: {  	v20 =	vsub.f32 v22, v24;
	v28 =	vsub.f32 v19, v25;
	_ =	sdelay $0x1  }
0x457: {  	v20 =	vmul.f32 v28, v20  }
0x458: {  	s6 =	simm.s32 $0x8B90  }
0x459: {  	s7 =	simm.s32 $0x8C10;
	v28 =	vld [tilespmem:s6+$0x0]  }
0x45a: {  	s19 =	simm.s32 $0x8C90;
	v30 =	vld [tilespmem:s7+$0x0]  }
0x45b: {  	v32 =	vld [tilespmem:s19+$0x0]  }
0x45c: {  	p4 =	sne.s32 s30, $0x1;
	v35 =	vld [tilespmem:s6+$0xFFFFFFF0]  }
.Ltmp37:
0x45d: {  	v34 =	vld [tilespmem:s7+$0xFFFFFFF0];
	(pc) =	sbr.rel @!p4 .LBB2_55-.Ltmp37, $4  }
0x45e: {  	s20 =	simm.s32 $0x8D10;
	v36 =	vld [tilespmem:s19+$0xFFFFFFF0]  }
0x45f: {  	v37 =	vld [tilespmem:s20+$0xFFFFFFF0]  }
0x460: {  	s8 =	simm.s32 $0x8D90;
	v33 =	vld [tilespmem:s20+$0x0]  }
0x461: {  	p2 =	por $0x0, $0x0;
	p3 =	por $0x0, $0x0;
	s6 =	sadd.s32 $0xFFFFFFFF, s30  }
0x462: {  	v38 =	vld [tilespmem:s8+$0x0]  }
0x463: {  	v31 =	vld [tilespmem:s8+$0xFFFFFFF0];
	s7 =	simm.s32 $0x8BB0  }
0x464: {  	v29 =	vmax.f32 v28, v24;
	s30 =	simm.s32 $0x8C30;
	v28 =	vld [tilespmem:s7+$0x0]  }
0x465: {  	v39 =	vmax.f32 v30, v25;
	v40 =	vmin.f32 v32, v22;
	v35 =	vmax.f32 v35, v24;
	s19 =	simm.s32 $0x8CB0;
	v30 =	vld [tilespmem:s30+$0x0]  }
0x466: {  	v34 =	vmax.f32 v34, v25;
	v32 =	vld [tilespmem:s19+$0x0];
	v36 =	vmin.f32 v36, v22;
	v37 =	vmin.f32 v37, v19  }
0x467: {  	p4 =	sne.s32 s6, $0x1;
	v36 =	vsub.f32 v36, v35;
	v35 =	vld [tilespmem:s7+$0xFFFFFFF0];
	v37 =	vsub.f32 v37, v34  }
.Ltmp38:
0x468: {  	v29 =	vsub.f32 v40, v29;
	v41 =	vmin.f32 v33, v19;
	v34 =	vld [tilespmem:s30+$0xFFFFFFF0];
	(pc) =	sbr.rel @!p4 .LBB2_57-.Ltmp38, $4  }
0x469: {  	s20 =	simm.s32 $0x8D30;
	v39 =	vsub.f32 v41, v39;
	v63 =	vmax.f32 v36, $0.0e+00;
	v36 =	vld [tilespmem:s19+$0xFFFFFFF0];
	v37 =	vmax.f32 v37, $0.0e+00  }
0x46a: {  	v41 =	vadd.f32 v31, v20;
	v31 =	vmul.f32 v37, v63;
	v37 =	vld [tilespmem:s20+$0xFFFFFFF0]  }
0x46b: {  	v33 =	vld [tilespmem:s20+$0x0];
	v29 =	vmax.f32 v29, $0.0e+00;
	v39 =	vmax.f32 v39, $0.0e+00  }
0x46c: {  	s8 =	simm.s32 $0x8DB0;
	p2 =	por $0x1, $0x1;
	s7 =	sadd.s32 $0xFFFFFFFF, s6;
	v42 =	vadd.f32 v38, v20;
	v29 =	vmul.f32 v39, v29  }
0x46d: {  	v39 =	vld [tilespmem:s8+$0x0]  }
0x46e: {  	v40 =	vld [tilespmem:s8+$0xFFFFFFF0];
	s19 =	simm.s32 $0x8BD0  }
0x46f: {  	v38 =	vmax.f32 v28, v24;
	v41 =	vsub.f32 v41, v31;
	s23 =	simm.s32 $0x8C50;
	v28 =	vld [tilespmem:s19+$0x0]  }
0x470: {  	v43 =	vmax.f32 v30, v25;
	v44 =	vmin.f32 v32, v22;
	s20 =	simm.s32 $0x8CD0;
	v42 =	vsub.f32 v42, v29;
	v30 =	vld [tilespmem:s23+$0x0]  }
0x471: {  	v56 =	vmax.f32 v35, v24;
	v34 =	vmax.f32 v34, v25;
	v32 =	vld [tilespmem:s20+$0x0];
	(erf) = vrcp.f32 v41  }
0x472: {  	s6 =	simm.s32 $0x8D50;
	v57 =	vmin.f32 v36, v22;
	v35 =	vld [tilespmem:s19+$0xFFFFFFF0];
	v58 =	vmin.f32 v37, v19;
	(erf) = vrcp.f32 v42  }
0x473: {  	p4 =	sne.s32 s7, $0x1;
	v59 =	vsub.f32 v57, v56;
	v45 =	vmin.f32 v33, v19;
	v33 =	vld [tilespmem:s6+$0x0];
	v36 =	vsub.f32 v58, v34  }
.Ltmp39:
0x474: {  	v60 =	vsub.f32 v44, v38;
	v34 =	vld [tilespmem:s23+$0xFFFFFFF0];
	(pc) =	sbr.rel @!p4 .LBB2_59-.Ltmp39, $4  }
0x475: {  	v43 =	vsub.f32 v45, v43;
	v37 =	vmax.f32 v59, $0.0e+00;
	v61 =	vmax.f32 v36, $0.0e+00;
	v36 =	vld [tilespmem:s20+$0xFFFFFFF0]  }
0x476: {  	v38 =	vmul.f32 v61, v37;
	v37 =	vld [tilespmem:s6+$0xFFFFFFF0]  }
0x477: {  	v62 =	vmax.f32 v60, $0.0e+00;
	v41 =	vadd.f32 v40, v20;
	v63 =	vmax.f32 v43, $0.0e+00  }
0x478: {  	s7 =	sadd.s32 $0xFFFFFFFF, s7;
	s8 =	simm.s32 $0x8DD0;
	p3 =	por $0x1, $0x1;
	v42 =	vadd.f32 v39, v20;
	v39 =	vimm.f32 $0.0e+00;
	v40 =	vmul.f32 v63, v62  }
.LBB2_60:
0x479: {  	p4 =	sne.s32 s7, $0x1;
	v43 =	vmax.f32 v28, v24;
	v44 =	vmax.f32 v30, v25;
	v45 =	vld [tilespmem:s8+$0x0];
	v30 =	vsub.f32 v41, v38  }
0x47a: {  	v46 =	vmin.f32 v32, v22;
	v47 =	vmin.f32 v33, v19;
	s19 =	sadd.s32 $0x20, s19;
	v32 =	vsub.f32 v42, v40;
	v41 =	vld [tilespmem:s8+$0xFFFFFFF0];
	v33 =	vpop (erf)  }
0x47b: {  	v35 =	vmax.f32 v35, v24;
	s23 =	sadd.s32 $0x20, s23;
	v28 =	vld [tilespmem:s19+$0x0];
	(erf) = vrcp.f32 v30;
	v33 =	vmul.f32 v33, v31;
	v31 =	vpop (erf)  }
0x47c: {  	v34 =	vmax.f32 v34, v25;
	s20 =	sadd.s32 $0x20, s20;
	v30 =	vld [tilespmem:s23+$0x0];
	(erf) = vrcp.f32 v32;
	v42 =	vmul.f32 v31, v29;
	v31 =	vmovc v38;
	v29 =	vmovc v40  }
0x47d: {  	v36 =	vmin.f32 v36, v22;
	v37 =	vmin.f32 v37, v19;
	s6 =	sadd.s32 $0x20, s6;
	v32 =	vld [tilespmem:s20+$0x0];
	v38 =	vmax.f32 v39, v33  }
.Ltmp40:
0x47e: {  	v36 =	vsub.f32 v36, v35;
	v37 =	vsub.f32 v37, v34;
	v33 =	vld [tilespmem:s6+$0x0];
	v39 =	vmax.f32 v38, v42;
	(pc) =	sbr.rel @p4 .LBB2_60-.Ltmp40, $4  }
0x47f: {  	v40 =	vsub.f32 v46, v43;
	v42 =	vsub.f32 v47, v44;
	v35 =	vld [tilespmem:s19+$0xFFFFFFF0]  }
0x480: {  	v37 =	vmax.f32 v37, $0.0e+00;
	v38 =	vmax.f32 v36, $0.0e+00;
	v41 =	vadd.f32 v41, v20;
	v34 =	vld [tilespmem:s23+$0xFFFFFFF0]  }
0x481: {  	v40 =	vmax.f32 v40, $0.0e+00;
	v38 =	vmul.f32 v37, v38;
	v42 =	vmax.f32 v42, $0.0e+00;
	v36 =	vld [tilespmem:s20+$0xFFFFFFF0]  }
0x482: {  	s7 =	sadd.s32 $0xFFFFFFFF, s7;
	s8 =	sadd.s32 $0x20, s8;
	v40 =	vmul.f32 v42, v40;
	v42 =	vadd.f32 v45, v20;
	v37 =	vld [tilespmem:s6+$0xFFFFFFF0]  }
.Ltmp41:
0x483: {  	_ = 	snop;
	(pc) =	sbr.rel .LBB2_61-.Ltmp41, $1  }
0x484: {  	_ =	sdelay $0x3  }
.LBB2_28:
.Ltmp42:
0x485: {  	(pc) =	sbr.rel .LBB2_34-.Ltmp42, $2  }
0x486: {  	_ =	sdelay $0x2  }
0x487: {  	v37 =	vimm.f32 $0.0e+00  }
.LBB2_37:
.Ltmp43:
0x488: {  	(pc) =	sbr.rel .LBB2_43-.Ltmp43, $2  }
0x489: {  	_ =	sdelay $0x2  }
0x48a: {  	v39 =	vimm.f32 $0.0e+00  }
.LBB2_46:
.Ltmp44:
0x48b: {  	(pc) =	sbr.rel .LBB2_52-.Ltmp44, $2  }
0x48c: {  	_ =	sdelay $0x2  }
0x48d: {  	v39 =	vimm.f32 $0.0e+00  }
.LBB2_30:
.Ltmp45:
0x48e: {  	(pc) =	sbr.rel .LBB2_34-.Ltmp45, $2  }
0x48f: {  	_ =	sdelay $0x2  }
0x490: {  	v38 =	vmov v27;
	v37 =	vimm.f32 $0.0e+00;
	v36 =	vmov v29  }
.LBB2_39:
.Ltmp46:
0x491: {  	(pc) =	sbr.rel .LBB2_43-.Ltmp46, $2  }
0x492: {  	_ =	sdelay $0x2  }
0x493: {  	v40 =	vmov v29;
	v39 =	vimm.f32 $0.0e+00;
	v38 =	vmov v31  }
.LBB2_48:
.Ltmp47:
0x494: {  	(pc) =	sbr.rel .LBB2_52-.Ltmp47, $2  }
0x495: {  	_ =	sdelay $0x2  }
0x496: {  	v40 =	vmov v29;
	v39 =	vimm.f32 $0.0e+00;
	v38 =	vmov v31  }
.LBB2_57:
.Ltmp48:
0x497: {  	(pc) =	sbr.rel .LBB2_61-.Ltmp48, $2  }
0x498: {  	_ =	sdelay $0x2  }
0x499: {  	v38 =	vmov v31;
	v39 =	vimm.f32 $0.0e+00;
	v40 =	vmov v29  }
.LBB2_32:
.Ltmp49:
0x49a: {  	(pc) =	sbr.rel .LBB2_34-.Ltmp49, $2  }
0x49b: {  	_ =	sdelay $0x2  }
0x49c: {  	v37 =	vimm.f32 $0.0e+00  }
.LBB2_41:
.Ltmp50:
0x49d: {  	(pc) =	sbr.rel .LBB2_43-.Ltmp50, $2  }
0x49e: {  	_ =	sdelay $0x2  }
0x49f: {  	v39 =	vimm.f32 $0.0e+00  }
.LBB2_50:
.Ltmp51:
0x4a0: {  	(pc) =	sbr.rel .LBB2_52-.Ltmp51, $2  }
0x4a1: {  	_ =	sdelay $0x2  }
0x4a2: {  	v39 =	vimm.f32 $0.0e+00  }
.LBB2_59:
.Ltmp52:
0x4a3: {  	(pc) =	sbr.rel .LBB2_61-.Ltmp52, $2  }
0x4a4: {  	_ =	sdelay $0x2  }
0x4a5: {  	v39 =	vimm.f32 $0.0e+00  }
.LBB2_63:
.Ltmp53:
0x4a6: {  	(pc) =	sbr.rel .LBB2_72-.Ltmp53, $2  }
0x4a7: {  	_ =	sdelay $0x2  }
0x4a8: {  	s30 =	smov.u32 @p2 s30  }
.LBB2_13:
0x4a9: {  	v32 =	vimm.f32 $0.0e+00  }
.LBB2_69:
0x4aa: {  	v21 =	vmax.f32 v21, v17;
	v23 =	vmax.f32 v23, v18;
	v34 =	vsub.f32 @p2 v34, v31  }
0x4ab: {  	v36 =	vld [tilespmem:s19+$0xFFFFFFF0];
	v25 =	vmin.f32 v25, v16;
	v28 =	vmax.f32 v28, v17;
	v29 =	vmin.f32 v29, v16  }
0x4ac: {  	v37 =	vld [tilespmem:s19+$0x0];
	v27 =	vmax.f32 v27, v18;
	v30 =	vmin.f32 v30, v15;
	v28 =	vsub.f32 v29, v28  }
0x4ad: {  	v26 =	vmin.f32 v26, v15;
	v27 =	vsub.f32 v30, v27;
	v21 =	vsub.f32 v25, v21  }
0x4ae: {  	v35 =	vsub.f32 @p2 v35, v33;
	v23 =	vsub.f32 v26, v23  }
0x4af: {  	v59 =	vmax.f32 v28, $0.0e+00;
	v60 =	vmax.f32 v27, $0.0e+00;
	v21 =	vmax.f32 v21, $0.0e+00  }
0x4b0: {  	v23 =	vmax.f32 v23, $0.0e+00;
	v25 =	vmul.f32 v60, v59;
	v61 =	vadd.f32 v36, v19  }
0x4b1: {  	(erf) = vrcp.f32 @p2 v34;
	v21 =	vmul.f32 v23, v21;
	v23 =	vadd.f32 v37, v19  }
0x4b2: {  	(erf) = vrcp.f32 @p2 v35;
	v26 =	vsub.f32 v61, v25  }
0x4b3: {  	v23 =	vsub.f32 v23, v21  }
0x4b4: {  	(erf) = vrcp.f32 v26  }
0x4b5: {  	(erf) = vrcp.f32 v23;
	_ =	sdelay $0x1  }
0x4b6: {  	v23 =	vpop @p3 (erf)  }
0x4b7: {  	v26 =	vpop @p3 (erf);
	v23 =	vmul.f32 @p3 v23, v24  }
0x4b8: {  	v24 =	vmov @p2 v31;
	v22 =	vmul.f32 @p3 v26, v22  }
0x4b9: {  	v27 =	vmov @p2 v33;
	v26 =	vpop @p2 (erf);
	v24 =	vpsel p2, v24, v0;
	v23 =	vmax.f32 @p3 v32, v23  }
0x4ba: {  	v28 =	vpop @p2 (erf);
	v24 =	vmul.f32 @p2 v26, v24;
	v22 =	vmax.f32 @p3 v23, v22;
	v23 =	vpsel p2, v27, v0  }
0x4bb: {  	v22 =	vpsel p3, v22, v20;
	v23 =	vmul.f32 @p2 v28, v23  }
0x4bc: {  	v22 =	vmax.f32 @p2 v22, v24;
	v62 =	vpop (erf)  }
0x4bd: {  	v22 =	vmax.f32 @p2 v22, v23;
	v23 =	vmul.f32 v62, v25;
	v63 =	vpop (erf)  }
0x4be: {  	v20 =	vpsel p2, v22, v20;
	v21 =	vmul.f32 v63, v21  }
0x4bf: {  	v20 =	vmax.f32 v20, v23  }
0x4c0: {  	v20 =	vmax.f32 v20, v21  }
.LBB2_70:
0x4c1: {  	v21 =	vperm.xlane v20, v4;
	_ =	sdelay $0x1  }
0x4c2: {  	v20 =	vmax.f32 v20, v21  }
0x4c3: {  	v21 =	vperm.xlane v20, v6;
	_ =	sdelay $0x1  }
0x4c4: {  	v20 =	vmax.f32 v20, v21  }
0x4c5: {  	v21 =	vperm.xlane v20, v8;
	_ =	sdelay $0x1  }
0x4c6: {  	v20 =	vmax.f32 v20, v21  }
0x4c7: {  	v21 =	vperm.xlane v20, v9;
	_ =	sdelay $0x1  }
0x4c8: {  	v20 =	vmax.f32 v20, v21  }
0x4c9: {  	vm1 =	vlt.f32 v12, $-Inf;
	vm2 =	vgt.f32 v12, $-Inf;
	vm3 =	vgt.f32 v20, $5.000000000e-01  }
0x4ca: {  	vm1 =	vmor vm2, vm1;
	vm2 =	vmneg vm3  }
0x4cb: {  	vm1 =	vmand vm1, vm2  }
0x4cc: {  	v62 =	vsel vm1, $0x1, v0  }
0x4cd: {  	v20 =	vor.u32 $0x80000000, v62  }
0x4ce: {  	(xrf0) =	vmax.scan.msk.u32 $0xffff, v20;
	_ =	sdelay $0x5  }
0x4cf: {  	v20, _, _ =	vpop (xrf0)  }
0x4d0: {  	(v2sf) =	vpush v20, $0xF;
	_ =	sdelay $0xa  }
0x4d1: {  	vm1 =	vmand vm1, vm0  }
0x4d2: {  	v63 =	vmov s30;
	_ =	sdelay $0x2  }
0x4d3: {  	s6 =	spop (v2sf)  }
0x4d4: {  	s8 =	sadd.s32 $0x1, s8;
	s6 =	sadd.s32 s6, s30  }
0x4d5: {  	p2 =	sge.s32 s8, s21;
	[tilespmem:v63+s1+$0x0] =	vst.idx.msk vm1, v12;
	s30 =	sadd.s32 $0x80000000, s6  }
0x4d6: {  	[tilespmem:v63+s25+$0x0] =	vst.idx.msk vm1, v14;
	p3 =	slt.s32 @!p2 s30, $0x64  }
0x4d7: {  	[tilespmem:v63+s28+$0x0] =	vst.idx.msk vm1, v17;
	p3 =	por p2, !p3  }
.Ltmp54:
0x4d8: {  	[tilespmem:v63+s0+$0x0] =	vst.idx.msk vm1, v18;
	(pc) =	sbr.rel @p3 .LBB2_71-.Ltmp54, $4  }
0x4d9: {  	[tilespmem:v63+s2+$0x0] =	vst.idx.msk vm1, v16  }
0x4da: {  	[tilespmem:v63+s3+$0x0] =	vst.idx.msk vm1, v15  }
0x4db: {  	[tilespmem:v63+s4+$0x0] =	vst.idx.msk vm1, v19  }
0x4dc: {  	[tilespmem:v13+s31+$0x0] =	vst.idx.msk $0x1, v7  }
.LBB2_9:
0x4dd: {  	s6 =	simm.s32 $0x6280  }
0x4de: {  	p2 =	sne.s32 s22, $0x1;
	v15 =	vld [tilespmem:s6+$0x0]  }
.Ltmp55:
0x4df: {  	_ = 	snop;
	(pc) =	sbr.rel @!p2 .LBB2_11-.Ltmp55, $3  }
0x4e0: {  	_ =	sdelay $0x1  }
0x4e1: {  	v12 =	vimm.f32 $-Inf  }
0x4e2: {  	v13 =	vimm.s32 $0x40000000;
	v14 =	vor.u32 s23, v3;
	s7 =	simm.s32 $0x6290;
	s19 =	simm.s32 $0x0;
	s6 =	sadd.s32 $0xFFFFFFFF, s22;
	vm1 =	vgt.f32 v15, v12  }
.LBB2_10:
0x4e3: {  	v16 =	vld [tilespmem:s7+$0x0];
	p2 =	sne.s32 s6, $0x1;
	s6 =	sadd.s32 $0xFFFFFFFF, s6;
	v13 =	vsel vm1, v14, v13  }
.Ltmp56:
0x4e4: {  	(pc) =	sbr.rel @p2 .LBB2_10-.Ltmp56, $3  }
0x4e5: {  	_ =	sdelay $0x1  }
0x4e6: {  	v12 =	vmax.f32 v12, v15;
	s19 =	sadd.s32 $0x10, s19  }
0x4e7: {  	s7 =	sadd.s32 $0x10, s7;
	v14 =	vor.u32 s19, v3;
	vm1 =	vgt.f32 v16, v12;
	v15 =	vmov v16  }
.LBB2_11:
0x4e8: {  	v15 =	vmax.f32 v12, v15  }
0x4e9: {  	v12 =	vperm.xlane v15, v10;
	_ =	sdelay $0x1  }
0x4ea: {  	v16 =	vand.u32 $0xF, v6;
	v12 =	vmax.f32 v15, v12  }
0x4eb: {  	v17 =	vperm.xlane v12, v16;
	_ =	sdelay $0x1  }
0x4ec: {  	v12 =	vmax.f32 v12, v17;
	v17 =	vand.u32 $0xF, v8  }
0x4ed: {  	v18 =	vperm.xlane v12, v17;
	_ =	sdelay $0x1  }
0x4ee: {  	v12 =	vmax.f32 v12, v18  }
0x4ef: {  	v18 =	vperm.xlane v12, v9;
	_ =	sdelay $0x1  }
0x4f0: {  	v12 =	vmax.f32 v12, v18  }
0x4f1: {  	v13 =	vsel vm1, v14, v13;
	vm1 =	veq.f32 v15, v12  }
0x4f2: {  	v13 =	vnsel vm1, $0x40000000, v13  }
0x4f3: {  	v14 =	vperm.xlane v13, v10;
	_ =	sdelay $0x1  }
0x4f4: {  	vm1 =	vlt.s32 v13, v14  }
0x4f5: {  	v13 =	vsel vm1, v13, v14  }
0x4f6: {  	v14 =	vperm.xlane v13, v16;
	_ =	sdelay $0x1  }
0x4f7: {  	vm1 =	vlt.s32 v13, v14  }
0x4f8: {  	v13 =	vsel vm1, v13, v14  }
0x4f9: {  	v14 =	vperm.xlane v13, v17;
	_ =	sdelay $0x1  }
0x4fa: {  	vm1 =	vlt.s32 v13, v14  }
0x4fb: {  	v13 =	vsel vm1, v13, v14  }
0x4fc: {  	v14 =	vperm.xlane v13, v9;
	_ =	sdelay $0x1  }
0x4fd: {  	vm1 =	vlt.s32 v13, v14  }
0x4fe: {  	v13 =	vsel vm1, v13, v14;
	_ =	sdelay $0x4  }
0x4ff: {  	v14 =	vld.idx.msk [tilespmem:v13+s5+$0x0], $0xffff  }
0x500: {  	s6 =	sadd.s32 $0xF, s30  }
0x501: {  	s7 =	sand.u32 $0xF, s6  }
0x502: {  	p2 =	slt.s32 s30, $0xFFFFFFF2;
	s19 =	sshra.s32 s6, $0x1F;
	p3 =	sne.s32 s7, $0x0  }
0x503: {  	s20 =	sshrl.u32 s19, $0x1C;
	p2 =	por !p2, !p3  }
0x504: {  	s7 =	simm.s32 $0x1;
	s6 =	sadd.s32 s20, s6;
	p2 =	por !p2, !p2;
	v15 =	vshll.u32 v14, $0x2  }
0x505: {  	s6 =	sshra.s32 s6, $0x4;
	s7 =	simm.s32 @!p2 $0x0;
	v16 =	vor.u32 $0x1, v15  }
0x506: {  	s6 =	ssub.s32 s6, s7;
	v19 =	vor.u32 $0x2, v15  }
0x507: {  	s7 =	sadd.s32 $0x1, s6;
	v20 =	vor.u32 $0x3, v15  }
0x508: {  	s24 =	sand.u32 $0x1, s7  }
0x509: {  	p5 =	slt.s32 s6, $0x0;
	p6 =	seq.s32 s24, $0x1;
	v17 =	vld.idx.msk [tilespmem:v15+s29+$0x0], $0xffff  }
0x50a: {  	s26 =	sshrl.u32 s7, $0x1F;
	p2 =	por !p5, !p6;
	v18 =	vld.idx.msk [tilespmem:v16+s29+$0x0], $0xffff  }
0x50b: {  	s6 =	sadd.s32 s26, s7;
	s7 =	simm.s32 $0x1;
	p2 =	por !p2, !p2;
	v16 =	vld.idx.msk [tilespmem:v19+s29+$0x0], $0xffff  }
0x50c: {  	s6 =	sshra.s32 s6, $0x1;
	s7 =	simm.s32 @!p2 $0x0;
	v15 =	vld.idx.msk [tilespmem:v20+s29+$0x0], $0xffff  }
0x50d: {  	s6 =	ssub.s32 s6, s7  }
0x50e: {  	p2 =	slt.s32 s6, $0x1  }
.Ltmp57:
0x50f: {  	_ = 	snop;
	(pc) =	sbr.rel @p2 .LBB2_70-.Ltmp57, $3  }
0x510: {  	_ = 	snop  }
0x511: {  	v19 =	vsub.f32 v16, v17;
	v20 =	vsub.f32 v15, v18;
	_ =	sdelay $0x1  }
0x512: {  	v19 =	vmul.f32 v20, v19;
	v20 =	vimm.f32 $0.0e+00  }
0x513: {  	s7 =	simm.s32 $0x8B90  }
0x514: {  	s19 =	simm.s32 $0x8C10;
	v21 =	vld [tilespmem:s7+$0x0]  }
0x515: {  	s20 =	simm.s32 $0x8C90;
	v23 =	vld [tilespmem:s19+$0x0]  }
0x516: {  	v25 =	vld [tilespmem:s20+$0x0]  }
0x517: {  	p4 =	sne.s32 s6, $0x1;
	v28 =	vld [tilespmem:s7+$0xFFFFFFF0]  }
.Ltmp58:
0x518: {  	v27 =	vld [tilespmem:s19+$0xFFFFFFF0];
	(pc) =	sbr.rel @!p4 .LBB2_13-.Ltmp58, $4  }
0x519: {  	s24 =	simm.s32 $0x8D10;
	v29 =	vld [tilespmem:s20+$0xFFFFFFF0]  }
0x51a: {  	v30 =	vld [tilespmem:s24+$0xFFFFFFF0]  }
0x51b: {  	s6 =	sadd.s32 $0xFFFFFFFF, s6;
	v26 =	vld [tilespmem:s24+$0x0]  }
0x51c: {  	p2 =	por $0x0, $0x0;
	p3 =	por $0x0, $0x0;
	s19 =	simm.s32 $0x8D90  }
0x51d: {  	v31 =	vld [tilespmem:s19+$0x0]  }
0x51e: {  	v24 =	vld [tilespmem:s19+$0xFFFFFFF0];
	s7 =	simm.s32 $0x8BB0  }
0x51f: {  	v22 =	vmax.f32 v21, v17;
	s26 =	simm.s32 $0x8C30;
	v21 =	vld [tilespmem:s7+$0x0]  }
0x520: {  	v32 =	vmax.f32 v23, v18;
	v33 =	vmin.f32 v25, v16;
	v28 =	vmax.f32 v28, v17;
	s20 =	simm.s32 $0x8CB0;
	v23 =	vld [tilespmem:s26+$0x0]  }
0x521: {  	v27 =	vmax.f32 v27, v18;
	v25 =	vld [tilespmem:s20+$0x0];
	v29 =	vmin.f32 v29, v16;
	v30 =	vmin.f32 v30, v15  }
0x522: {  	p4 =	sne.s32 s6, $0x1;
	v29 =	vsub.f32 v29, v28;
	v28 =	vld [tilespmem:s7+$0xFFFFFFF0];
	v30 =	vsub.f32 v30, v27  }
.Ltmp59:
0x523: {  	v22 =	vsub.f32 v33, v22;
	v34 =	vmin.f32 v26, v15;
	v27 =	vld [tilespmem:s26+$0xFFFFFFF0];
	(pc) =	sbr.rel @!p4 .LBB2_65-.Ltmp59, $4  }
0x524: {  	s24 =	simm.s32 $0x8D30;
	v32 =	vsub.f32 v34, v32;
	v63 =	vmax.f32 v29, $0.0e+00;
	v29 =	vld [tilespmem:s20+$0xFFFFFFF0];
	v30 =	vmax.f32 v30, $0.0e+00  }
0x525: {  	v34 =	vadd.f32 v24, v19;
	v24 =	vmul.f32 v30, v63;
	v30 =	vld [tilespmem:s24+$0xFFFFFFF0]  }
0x526: {  	v26 =	vld [tilespmem:s24+$0x0];
	v22 =	vmax.f32 v22, $0.0e+00;
	v32 =	vmax.f32 v32, $0.0e+00  }
0x527: {  	s19 =	simm.s32 $0x8DB0;
	p2 =	por $0x1, $0x1;
	v35 =	vadd.f32 v31, v19;
	s24 =	sadd.s32 $0xFFFFFFFF, s6;
	v22 =	vmul.f32 v32, v22  }
0x528: {  	v32 =	vld [tilespmem:s19+$0x0]  }
0x529: {  	v33 =	vld [tilespmem:s19+$0xFFFFFFF0];
	s26 =	simm.s32 $0x8BD0;
	v34 =	vsub.f32 v34, v24  }
0x52a: {  	v31 =	vmax.f32 v21, v17;
	v36 =	vmax.f32 v23, v18;
	v37 =	vmin.f32 v25, v16;
	s20 =	simm.s32 $0x8C50;
	v21 =	vld [tilespmem:s26+$0x0]  }
0x52b: {  	s6 =	simm.s32 $0x8CD0;
	v27 =	vmax.f32 v27, v18;
	v35 =	vsub.f32 v35, v22;
	v23 =	vld [tilespmem:s20+$0x0];
	(erf) = vrcp.f32 v34  }
0x52c: {  	s7 =	simm.s32 $0x8D50;
	v25 =	vld [tilespmem:s6+$0x0];
	v38 =	vmin.f32 v26, v15;
	v26 =	vmax.f32 v28, v17;
	v28 =	vmin.f32 v29, v16  }
0x52d: {  	v29 =	vmin.f32 v30, v15;
	(erf) = vrcp.f32 v35;
	v30 =	vsub.f32 v28, v26;
	v26 =	vld [tilespmem:s7+$0x0]  }
0x52e: {  	p4 =	sne.s32 s24, $0x1;
	v29 =	vsub.f32 v29, v27;
	v28 =	vld [tilespmem:s26+$0xFFFFFFF0]  }
.Ltmp60:
0x52f: {  	v61 =	vsub.f32 v37, v31;
	v27 =	vld [tilespmem:s20+$0xFFFFFFF0];
	(pc) =	sbr.rel @!p4 .LBB2_67-.Ltmp60, $4  }
0x530: {  	v36 =	vsub.f32 v38, v36;
	v30 =	vmax.f32 v30, $0.0e+00;
	v31 =	vmax.f32 v29, $0.0e+00;
	v29 =	vld [tilespmem:s6+$0xFFFFFFF0]  }
0x531: {  	v31 =	vmul.f32 v31, v30;
	v30 =	vld [tilespmem:s7+$0xFFFFFFF0]  }
0x532: {  	v62 =	vmax.f32 v61, $0.0e+00;
	v34 =	vadd.f32 v33, v19;
	v63 =	vmax.f32 v36, $0.0e+00  }
0x533: {  	s24 =	sadd.s32 $0xFFFFFFFF, s24;
	s19 =	simm.s32 $0x8DD0;
	p3 =	por $0x1, $0x1;
	v35 =	vadd.f32 v32, v19;
	v32 =	vimm.f32 $0.0e+00;
	v33 =	vmul.f32 v63, v62  }
.LBB2_68:
0x534: {  	p4 =	sne.s32 s24, $0x1;
	v36 =	vmax.f32 v21, v17;
	v37 =	vmax.f32 v23, v18;
	v38 =	vld [tilespmem:s19+$0x0];
	v23 =	vsub.f32 v34, v31  }
0x535: {  	v39 =	vmin.f32 v25, v16;
	v40 =	vmin.f32 v26, v15;
	s26 =	sadd.s32 $0x20, s26;
	v25 =	vsub.f32 v35, v33;
	v34 =	vld [tilespmem:s19+$0xFFFFFFF0];
	v26 =	vpop (erf)  }
0x536: {  	v28 =	vmax.f32 v28, v17;
	s20 =	sadd.s32 $0x20, s20;
	v21 =	vld [tilespmem:s26+$0x0];
	(erf) = vrcp.f32 v23;
	v26 =	vmul.f32 v26, v24;
	v24 =	vpop (erf)  }
0x537: {  	v27 =	vmax.f32 v27, v18;
	s6 =	sadd.s32 $0x20, s6;
	v23 =	vld [tilespmem:s20+$0x0];
	(erf) = vrcp.f32 v25;
	v35 =	vmul.f32 v24, v22;
	v24 =	vmovc v31;
	v22 =	vmovc v33  }
0x538: {  	v29 =	vmin.f32 v29, v16;
	v30 =	vmin.f32 v30, v15;
	s7 =	sadd.s32 $0x20, s7;
	v25 =	vld [tilespmem:s6+$0x0];
	v31 =	vmax.f32 v32, v26  }
.Ltmp61:
0x539: {  	v29 =	vsub.f32 v29, v28;
	v30 =	vsub.f32 v30, v27;
	v26 =	vld [tilespmem:s7+$0x0];
	v32 =	vmax.f32 v31, v35;
	(pc) =	sbr.rel @p4 .LBB2_68-.Ltmp61, $4  }
0x53a: {  	v33 =	vsub.f32 v39, v36;
	v35 =	vsub.f32 v40, v37;
	v28 =	vld [tilespmem:s26+$0xFFFFFFF0]  }
0x53b: {  	v30 =	vmax.f32 v30, $0.0e+00;
	v31 =	vmax.f32 v29, $0.0e+00;
	v34 =	vadd.f32 v34, v19;
	v27 =	vld [tilespmem:s20+$0xFFFFFFF0]  }
0x53c: {  	v33 =	vmax.f32 v33, $0.0e+00;
	v31 =	vmul.f32 v30, v31;
	v35 =	vmax.f32 v35, $0.0e+00;
	v29 =	vld [tilespmem:s6+$0xFFFFFFF0]  }
0x53d: {  	s24 =	sadd.s32 $0xFFFFFFFF, s24;
	s19 =	sadd.s32 $0x20, s19;
	v33 =	vmul.f32 v35, v33;
	v35 =	vadd.f32 v38, v19;
	v30 =	vld [tilespmem:s7+$0xFFFFFFF0]  }
.Ltmp62:
0x53e: {  	_ = 	snop;
	(pc) =	sbr.rel .LBB2_69-.Ltmp62, $1  }
0x53f: {  	_ =	sdelay $0x3  }
.LBB2_65:
.Ltmp63:
0x540: {  	(pc) =	sbr.rel .LBB2_69-.Ltmp63, $2  }
0x541: {  	_ =	sdelay $0x2  }
0x542: {  	v31 =	vmov v24;
	v32 =	vimm.f32 $0.0e+00;
	v33 =	vmov v22  }
.LBB2_67:
.Ltmp64:
0x543: {  	(pc) =	sbr.rel .LBB2_69-.Ltmp64, $2  }
0x544: {  	_ =	sdelay $0x2  }
0x545: {  	v32 =	vimm.f32 $0.0e+00  }
.LBB2_16:
.Ltmp65:
0x546: {  	(pc) =	sbr.rel .LBB2_23-.Ltmp65, $2  }
0x547: {  	_ =	sdelay $0x2  }
0x548: {  	v14 =	vimm.f32 $-Inf  }
.LBB2_18:
.Ltmp66:
0x549: {  	(pc) =	sbr.rel .LBB2_23-.Ltmp66, $2  }
0x54a: {  	_ =	sdelay $0x2  }
0x54b: {  	v14 =	vimm.f32 $-Inf;
	s6 =	simm.s32 $0x0;
	s7 =	simm.s32 $0x1  }
.LBB2_20:
.Ltmp67:
0x54c: {  	(pc) =	sbr.rel .LBB2_23-.Ltmp67, $2  }
0x54d: {  	_ =	sdelay $0x2  }
0x54e: {  	v14 =	vimm.f32 $-Inf;
	s7 =	simm.s32 $0x2  }
.LBB2_80:
0x54f: {  	_ =	sfence.sel $0x180000  }
0x550: {  	[bflag:$0x0] =	sbarrier.arrive $0xFFFF  }
0x551: {  	_ =	strace $0x90000047  }
0x552: {  	s0 =	stileid.u32;
	[bflag:$0x2] =	sbarrier.arrive $0xFFFF  }
0x553: {  	p0 =	sne.s32 s0, $0x0;
	s0 =	rddreg [dreg:$0x9]  }
0x554: {  	s0 =	sadd.s32 @!p0 $0x100000, s0  }
0x555: {  	[sflag:s0] =	ssyncadd.tile.s32 @!p0 $0x1;
	_ =	shalt  }
.Lfunc_end2:
_tile_overlayer_lowered:
.L_overlay_start_2:
0x556: {  	(tag) =	ssettag $0x2  }
0x557: {  	s0 =	rddreg [dreg:$0x0];
	s2 =	stileid.u32  }
0x558: {  	s1 =	rddreg [dreg:$0x1];
	p0 =	sne.s32 s2, $0x0  }
0x559: {  	s3 =	rddreg [dreg:$0x2];
	[bflag:$0x3] =	sbarrier.arrive $0xFFFF;
	s2 =	simm.s32 @!p0 $0x1C02  }
0x55a: {  	[timem:s3], [sflag:s2] =	dma.local @!p0 [hbm:s0], s1  }
0x55b: {  	s0 =	simm.s32 @!p0 $0x2  }
0x55c: {  	_ =	swait.ge @!p0 [sflag:s0], s1  }
0x55d: {  	s1 =	ssub.s32 @!p0 $0x0, s1;
	[sflag:s0] =	ssyncset.done @!p0 $0x0  }
0x55e: {  	[sflag:s0] =	ssyncadd.s32 @!p0 s1  }
0x55f: {  	[bflag:$0x3] =	sbarrier.arrive $0xFFFF  }
0x560: {  	_ =	shalt  }

</sc_bundles>
